<compile_context>
chip_gen: v7x
topology: tpu7x:2x2x1
jax: 0.10.2.dev20260603
libtpu: 0.0.44.dev20260713+nightly
codegen_flags: <defaults>
</compile_context>

<pallas_src>
import functools

import jax
import jax.numpy as jnp
from jax import lax
from jax.experimental import pallas as pl
from jax.experimental.pallas import tpu as pltpu
from jax.experimental.pallas import tpu_sc as plsc
from jax.experimental import layout as jex_layout

N_NODES = 10000
N_EDGES = 320000
F_IN = 128
F_OUT = 64

NC = 2
NS = 16
LANES = 16
NW = NC * NS

CH = 128
NROWS = N_EDGES // CH
ROWS_BASE = NROWS // NW
ROWS_EXTRA = NROWS % NW
N_PAD = 10240
DEG_PER_SUB = N_PAD // NS
ACC_PER_SUB = N_NODES // NS

_mesh = plsc.VectorSubcoreMesh(core_axis_name="c", subcore_axis_name="s")
_sc_params = pltpu.CompilerParams(use_tc_tiling_on_sc=False)


def _tile_rows(wid):
    base = ROWS_BASE * wid + jnp.minimum(wid, ROWS_EXTRA)
    n = ROWS_BASE + jnp.where(wid < ROWS_EXTRA, 1, 0)
    return base, n


def _load_tile_rows(src3d, base, wid, idx_v):
    pltpu.sync_copy(src3d.at[pl.ds(base, ROWS_BASE)],
                    idx_v.at[pl.ds(0, ROWS_BASE)])

    @pl.when(wid < ROWS_EXTRA)
    def _():
        pltpu.sync_copy(src3d.at[pl.ds(base + ROWS_BASE, 1)],
                        idx_v.at[pl.ds(ROWS_BASE, 1)])


@functools.partial(
    pl.kernel,
    out_type=jax.ShapeDtypeStruct((NC, N_PAD), jnp.float32),
    mesh=_mesh,
    compiler_params=_sc_params,
    scratch_types=[
        pltpu.VMEM((ROWS_BASE + 1, CH), jnp.int32),
        pltpu.VMEM((CH,), jnp.float32),
        pltpu.VMEM_SHARED((N_PAD,), jnp.float32),
        pltpu.SemaphoreType.DMA,
    ],
)
def _out_degree_kernel(e3d_hbm, z1_hbm, deg_hbm, idx_v, ones_v, deg_sp, sem):
    c = lax.axis_index("c")
    s = lax.axis_index("s")
    wid = s * NC + c
    base, nrows = _tile_rows(wid)
    sl = pl.ds(s * DEG_PER_SUB, DEG_PER_SUB)
    pltpu.sync_copy(z1_hbm, deg_sp.at[sl])
    for i in range(CH // LANES):
        ones_v[pl.ds(i * LANES, LANES)] = jnp.ones((LANES,), jnp.float32)
    _load_tile_rows(e3d_hbm.at[0], base, wid, idx_v)
    plsc.subcore_barrier()

    def body(g, carry):
        pltpu.async_copy(ones_v, deg_sp.at[idx_v.at[g]], sem, add=True)
        return carry

    lax.fori_loop(0, nrows, body, 0)

    def drain(g, carry):
        pltpu.make_async_copy(ones_v, deg_sp.at[idx_v.at[0]], sem).wait()
        return carry

    lax.fori_loop(0, nrows, drain, 0)
    plsc.subcore_barrier()
    pltpu.sync_copy(deg_sp.at[sl], deg_hbm.at[c].at[sl])


@functools.partial(
    pl.kernel,
    out_type=(
        jax.ShapeDtypeStruct((NC, N_NODES, F_OUT), jnp.float32),
        jax.ShapeDtypeStruct((NC, N_PAD), jnp.float32),
    ),
    mesh=_mesh,
    compiler_params=_sc_params,
    scratch_types=[
        pltpu.VMEM((ROWS_BASE + 1, CH), jnp.int32),
        pltpu.VMEM((ROWS_BASE + 1, CH), jnp.int32),
        [pltpu.VMEM((CH, F_OUT), jnp.float32)] * 8,
        pltpu.VMEM((CH,), jnp.float32),
        pltpu.VMEM_SHARED((N_NODES, F_OUT), jnp.float32),
        pltpu.VMEM_SHARED((N_PAD,), jnp.float32),
        [pltpu.SemaphoreType.DMA] * 8,
        [pltpu.SemaphoreType.DMA] * 8,
        pltpu.SemaphoreType.DMA,
    ],
)
def _aggregate_kernel(y_hbm, e3d_hbm, zrow_hbm, z1_hbm,
                      part_hbm, indeg_hbm,
                      idxs_v, idxd_v, rows, ones_v,
                      acc_sp, deg_sp, sg, ss, semd):
    c = lax.axis_index("c")
    s = lax.axis_index("s")
    wid = s * NC + c
    base, nrows = _tile_rows(wid)
    sl_acc = pl.ds(s * ACC_PER_SUB, ACC_PER_SUB)
    sl_deg = pl.ds(s * DEG_PER_SUB, DEG_PER_SUB)
    pltpu.sync_copy(zrow_hbm, acc_sp.at[sl_acc])
    pltpu.sync_copy(z1_hbm, deg_sp.at[sl_deg])
    for i in range(CH // LANES):
        ones_v[pl.ds(i * LANES, LANES)] = jnp.ones((LANES,), jnp.float32)
    _load_tile_rows(e3d_hbm.at[0], base, wid, idxs_v)
    _load_tile_rows(e3d_hbm.at[1], base, wid, idxd_v)
    plsc.subcore_barrier()

    NBUF = 8
    for b in range(NBUF):
        pltpu.async_copy(y_hbm.at[idxs_v.at[b]], rows[b], sg[b])

    def block(g, b):
        @pl.when(g < nrows)
        def _():
            pltpu.make_async_copy(y_hbm.at[idxs_v.at[g]], rows[b], sg[b]).wait()
            pltpu.async_copy(rows[b], acc_sp.at[idxd_v.at[g]], ss[b], add=True)
            pltpu.async_copy(ones_v, deg_sp.at[idxd_v.at[g]], semd, add=True)
            j = g - 4
            jb = (b - 4) % NBUF

            @pl.when(jnp.logical_and(j >= 0, j + NBUF < nrows))
            def _():
                pltpu.make_async_copy(rows[jb], acc_sp.at[idxd_v.at[0]],
                                      ss[jb]).wait()
                pltpu.async_copy(y_hbm.at[idxs_v.at[j + NBUF]], rows[jb],
                                 sg[jb])

    def body(i, carry):
        for b in range(NBUF):
            block(i * NBUF + b, b)
        return carry

    lax.fori_loop(0, (ROWS_BASE + 1 + NBUF - 1) // NBUF, body, 0)

    for b in range(NBUF):
        pltpu.make_async_copy(rows[b], acc_sp.at[idxd_v.at[0]], ss[b]).wait()

    def drain(g, carry):
        pltpu.make_async_copy(ones_v, deg_sp.at[idxd_v.at[0]], semd).wait()
        return carry

    lax.fori_loop(0, nrows, drain, 0)
    plsc.subcore_barrier()
    pltpu.sync_copy(acc_sp.at[sl_acc], part_hbm.at[c].at[sl_acc])
    pltpu.sync_copy(deg_sp.at[sl_deg], indeg_hbm.at[c].at[sl_deg])


BLK = 2048


def _matmul_body(deg_ref, x_ref, w_ref, y_ref):
    deg = deg_ref[0, :] + deg_ref[1, :]
    norm = lax.rsqrt(jnp.maximum(deg, 1.0))
    y_ref[...] = jnp.dot(x_ref[...] * norm[:, None], w_ref[...],
                         preferred_element_type=jnp.float32)


_matmul = pl.pallas_call(
    _matmul_body,
    grid=(pl.cdiv(N_NODES, BLK),),
    in_specs=[
        pl.BlockSpec((2, BLK), lambda i: (0, i)),
        pl.BlockSpec((BLK, F_IN), lambda i: (i, 0)),
        pl.BlockSpec((F_IN, F_OUT), lambda i: (0, 0)),
    ],
    out_specs=pl.BlockSpec((BLK, F_OUT), lambda i: (i, 0)),
    out_shape=jax.ShapeDtypeStruct((N_NODES, F_OUT), jnp.float32),
)


FIN_BASE = N_NODES // NW
FIN_EXTRA = N_NODES % NW
FIN_SZ = 336


def _newton_rsqrt(d):
    i = lax.bitcast_convert_type(d, jnp.int32)
    r = lax.bitcast_convert_type(jnp.int32(0x5F3759DF) - (i >> 1), jnp.float32)
    for _ in range(3):
        r = r * (1.5 - 0.5 * d * r * r)
    return r


@functools.partial(
    pl.kernel,
    out_type=jax.ShapeDtypeStruct((N_NODES, F_OUT), jnp.float32),
    mesh=_mesh,
    compiler_params=_sc_params,
    scratch_types=[
        pltpu.VMEM((FIN_BASE + 1, F_OUT), jnp.float32),
        pltpu.VMEM((FIN_BASE + 1, F_OUT), jnp.float32),
        pltpu.VMEM((FIN_SZ,), jnp.float32),
        pltpu.VMEM((FIN_SZ,), jnp.float32),
        pltpu.VMEM((FIN_SZ,), jnp.float32),
    ],
)
def _finalize_kernel(part_hbm, indeg_hbm, out_hbm, a0, a1, d0, d1, nrm):
    c = lax.axis_index("c")
    s = lax.axis_index("s")
    wid = s * NC + c
    rbase = FIN_BASE * wid + jnp.minimum(wid, FIN_EXTRA)
    count = FIN_BASE + jnp.where(wid < FIN_EXTRA, 1, 0)
    al = (rbase // 8) * 8
    delta = rbase - al
    pltpu.sync_copy(part_hbm.at[0].at[pl.ds(rbase, FIN_BASE)],
                    a0.at[pl.ds(0, FIN_BASE)])
    pltpu.sync_copy(part_hbm.at[1].at[pl.ds(rbase, FIN_BASE)],
                    a1.at[pl.ds(0, FIN_BASE)])

    @pl.when(wid < FIN_EXTRA)
    def _():
        pltpu.sync_copy(part_hbm.at[0].at[pl.ds(rbase + FIN_BASE, 1)],
                        a0.at[pl.ds(FIN_BASE, 1)])
        pltpu.sync_copy(part_hbm.at[1].at[pl.ds(rbase + FIN_BASE, 1)],
                        a1.at[pl.ds(FIN_BASE, 1)])

    pltpu.sync_copy(indeg_hbm.at[0].at[pl.ds(al, FIN_SZ)], d0)
    pltpu.sync_copy(indeg_hbm.at[1].at[pl.ds(al, FIN_SZ)], d1)
    for k in range(FIN_SZ // LANES):
        kk = pl.ds(k * LANES, LANES)
        deg = jnp.maximum(d0[kk] + d1[kk], 1.0)
        nrm[kk] = _newton_rsqrt(deg)

    def scale_row(r, carry):
        v = nrm[pl.ds(delta + r, LANES)]
        nv = jnp.broadcast_to(v[0], (LANES,))
        for f in range(F_OUT // LANES):
            ff = pl.ds(f * LANES, LANES)
            a0[r, ff] = (a0[r, ff] + a1[r, ff]) * nv
        return carry

    lax.fori_loop(0, count, scale_row, 0)
    pltpu.sync_copy(a0.at[pl.ds(0, FIN_BASE)],
                    out_hbm.at[pl.ds(rbase, FIN_BASE)])

    @pl.when(wid < FIN_EXTRA)
    def _():
        pltpu.sync_copy(a0.at[pl.ds(FIN_BASE, 1)],
                        out_hbm.at[pl.ds(rbase + FIN_BASE, 1)])


@jax.jit
def kernel(x, edge_index, W):
    e3d = jnp.reshape(edge_index.astype(jnp.int32), (2, NROWS, CH))
    z1 = jnp.zeros((DEG_PER_SUB,), jnp.float32)
    zrow = jnp.zeros((ACC_PER_SUB, F_OUT), jnp.float32)

    out_deg = _out_degree_kernel(e3d, z1)
    y = _matmul(out_deg, x, W)
    part, in_deg = _aggregate_kernel(y, e3d, zrow, z1)
    out = _finalize_kernel(part, in_deg)
    return jex_layout.with_layout_constraint(
        out, jex_layout.Layout((0, 1), ((8,),)))

# --- scband reference (transcript-rebuilt; emitter-appended) ---
"""Pipeline reference for scband-gcn-68556267979153 (READ-ONLY COPY).

The authoritative reference and input builder live on the scoring server;
editing this copy changes nothing except your own understanding.
"""

import jax, jax.numpy as jnp
import numpy as np

N_NODES = 10000
N_EDGES = 320000
IN_FEATS = 128
OUT_FEATS = 64


def setup_inputs(seed: int = 0) -> dict:
    key = jax.random.key(seed)
    k1, k2, k3 = jax.random.split(key, 3)
    x = jax.random.normal(k1, (N_NODES, IN_FEATS), dtype=jnp.float32)
    edge_index = jax.random.randint(k2, (2, N_EDGES), 0, N_NODES, dtype=jnp.int64)
    # xavier-uniform init for the single progressive weight block
    limit = float(np.sqrt(6.0 / (IN_FEATS + OUT_FEATS)))
    W = jax.random.uniform(k3, (IN_FEATS, OUT_FEATS), dtype=jnp.float32, minval=-limit, maxval=limit)
    return {"x": x, "edge_index": edge_index, "W": W}


def reference(x, edge_index, W):
    # ProgressiveGraphConv forward, norm='both', single expanded weight block,
    # in_feats > out_feats branch: transform features first, then aggregate.
    src = edge_index[0]
    dst = edge_index[1]
    n = x.shape[0]
    ones = jnp.ones((src.shape[0],), dtype=jnp.float32)
    # left normalization: out-degrees of source nodes, clamp(min=1), pow(-0.5)
    out_deg = jax.ops.segment_sum(ones, src, num_segments=n)
    out_deg = jnp.clip(out_deg, 1.0, None)
    norm_l = jnp.power(out_deg, -0.5)
    feat_src = x * norm_l[:, None]
    # transform (matmul with progressive weight), then message passing copy_u + sum
    feat_src = jnp.matmul(feat_src, W)
    msgs = jnp.take(feat_src, src, axis=0)
    rst = jax.ops.segment_sum(msgs, dst, num_segments=n)
    # right normalization: in-degrees of destination nodes
    in_deg = jax.ops.segment_sum(ones, dst, num_segments=n)
    in_deg = jnp.clip(in_deg, 1.0, None)
    norm_r = jnp.power(in_deg, -0.5)
    rst = rst * norm_r[:, None]
    return rst

if __name__ == "__main__":
    import jax
    _d = setup_inputs()
    print(jax.jit(kernel)(*tuple(_d.values())))

</pallas_src>

<mosaic_0001>
#map = affine_map<(d0, d1) -> (0, 0, 0)>
#map1 = affine_map<(d0, d1) -> (0)>
#map2 = affine_map<(d0, d1) -> (0, 0)>
module attributes {stable_mosaic.version = 14 : i64} {
  func.func @_out_degree_kernel(%arg0: i32, %arg1: i32, %arg2: memref<2x2500x128xi32, #tpu.memory_space<hbm>>, %arg3: memref<640xf32, #tpu.memory_space<hbm>>, %arg4: memref<2x10240xf32, #tpu.memory_space<hbm>>, %arg5: memref<79x128xi32, #tpu.memory_space<vmem>>, %arg6: memref<128xf32, #tpu.memory_space<vmem>>, %arg7: memref<10240xf32, #tpu.memory_space<vmem_shared>>, %arg8: memref<!tpu.dma_semaphore, #tpu.memory_space<semaphore_mem>>) attributes {dimension_semantics = [#tpu.dimension_semantics<core_parallel>, #tpu.dimension_semantics<subcore_parallel>], iteration_bounds = array<i64: 2, 16>, scalar_prefetch = 0 : i64, scratch_operands = 4 : i64, tpu.core_type = #tpu.core_type<sc_vector_subcore>, window_params = [{transform_indices = #map}, {transform_indices = #map1}, {transform_indices = #map2}]} {
    %mul3A = arith.constant 2 : i32
    %mul3A_0 = arith.muli %arg1, %mul3A : i32
    %add3A = arith.addi %mul3A_0, %arg0 : i32
    %mul3A_1 = arith.constant 78 : i32
    %mul3A_2 = arith.muli %mul3A_1, %add3A : i32
    %min3A = arith.constant 4 : i32
    %min3A_3 = arith.minsi %add3A, %min3A : i32
    %add3A_4 = arith.addi %mul3A_2, %min3A_3 : i32
    %lt3A = arith.constant 4 : i32
    %lt3A_5 = arith.cmpi slt, %add3A, %lt3A : i32
    %jit3A = arith.constant 1 : i32
    %jit3A_6 = arith.constant 0 : i32
    %select_n3A = arith.select %lt3A_5, %jit3A, %jit3A_6 : i32
    %add3A_7 = arith.constant 78 : i32
    %add3A_8 = arith.addi %add3A_7, %select_n3A : i32
    %mul3A_9 = arith.constant 640 : i32
    %mul3A_10 = arith.muli %arg1, %mul3A_9 : i32
    "tpu.region"() ({
      %run_scoped3A_81 = tpu.sem_alloc : memref<!tpu.dma_semaphore, #tpu.memory_space<semaphore_mem>>
      %dma_start3A = tpu.memref_slice %arg7[%mul3A_10] : memref<10240xf32, #tpu.memory_space<vmem_shared>> -> memref<640xf32, #tpu.memory_space<vmem_shared>>
      tpu.enqueue_dma source(%arg3 : memref<640xf32, #tpu.memory_space<hbm>>) target(%dma_start3A : memref<640xf32, #tpu.memory_space<vmem_shared>>) target_semaphore(%run_scoped3A_81 : memref<!tpu.dma_semaphore, #tpu.memory_space<semaphore_mem>>)
      %dma_wait3A = tpu.memref_slice %arg7[%mul3A_10] : memref<10240xf32, #tpu.memory_space<vmem_shared>> -> memref<640xf32, #tpu.memory_space<vmem_shared>>
      tpu.wait_dma2 semaphore(%run_scoped3A_81 : memref<!tpu.dma_semaphore, #tpu.memory_space<semaphore_mem>>) src(%arg3 : memref<640xf32, #tpu.memory_space<hbm>>) dst(%dma_wait3A : memref<640xf32, #tpu.memory_space<vmem_shared>>)
      tpu.yield
    }) : () -> ()
    %broadcast_in_dim3A = arith.constant 1.000000e+00 : f32
    %broadcast_in_dim3A_11 = vector.broadcast %broadcast_in_dim3A : f32 to vector<16xf32>
    %swap3A = arith.constant 0 : index
    %swap3A_12 = tpu.vector_load %arg6[%swap3A] {strides = array<i32>} : memref<128xf32, #tpu.memory_space<vmem>>, vector<16xf32>,
    %swap3A_13 = vector.shape_cast %swap3A_12 : vector<16xf32> to vector<16xf32>
    %swap3A_14 = vector.shape_cast %broadcast_in_dim3A_11 : vector<16xf32> to vector<16xf32>
    tpu.vector_store %arg6[%swap3A], %swap3A_14 {strides = array<i32>} : memref<128xf32, #tpu.memory_space<vmem>>, vector<16xf32>,
    %broadcast_in_dim3A_15 = arith.constant 1.000000e+00 : f32
    %broadcast_in_dim3A_16 = vector.broadcast %broadcast_in_dim3A_15 : f32 to vector<16xf32>
    %swap3A_17 = arith.constant 16 : index
    %swap3A_18 = tpu.vector_load %arg6[%swap3A_17] {strides = array<i32>} : memref<128xf32, #tpu.memory_space<vmem>>, vector<16xf32>,
    %swap3A_19 = vector.shape_cast %swap3A_18 : vector<16xf32> to vector<16xf32>
    %swap3A_20 = vector.shape_cast %broadcast_in_dim3A_16 : vector<16xf32> to vector<16xf32>
    tpu.vector_store %arg6[%swap3A_17], %swap3A_20 {strides = array<i32>} : memref<128xf32, #tpu.memory_space<vmem>>, vector<16xf32>,
    %broadcast_in_dim3A_21 = arith.constant 1.000000e+00 : f32
    %broadcast_in_dim3A_22 = vector.broadcast %broadcast_in_dim3A_21 : f32 to vector<16xf32>
    %swap3A_23 = arith.constant 32 : index
    %swap3A_24 = tpu.vector_load %arg6[%swap3A_23] {strides = array<i32>} : memref<128xf32, #tpu.memory_space<vmem>>, vector<16xf32>,
    %swap3A_25 = vector.shape_cast %swap3A_24 : vector<16xf32> to vector<16xf32>
    %swap3A_26 = vector.shape_cast %broadcast_in_dim3A_22 : vector<16xf32> to vector<16xf32>
    tpu.vector_store %arg6[%swap3A_23], %swap3A_26 {strides = array<i32>} : memref<128xf32, #tpu.memory_space<vmem>>, vector<16xf32>,
    %broadcast_in_dim3A_27 = arith.constant 1.000000e+00 : f32
    %broadcast_in_dim3A_28 = vector.broadcast %broadcast_in_dim3A_27 : f32 to vector<16xf32>
    %swap3A_29 = arith.constant 48 : index
    %swap3A_30 = tpu.vector_load %arg6[%swap3A_29] {strides = array<i32>} : memref<128xf32, #tpu.memory_space<vmem>>, vector<16xf32>,
    %swap3A_31 = vector.shape_cast %swap3A_30 : vector<16xf32> to vector<16xf32>
    %swap3A_32 = vector.shape_cast %broadcast_in_dim3A_28 : vector<16xf32> to vector<16xf32>
    tpu.vector_store %arg6[%swap3A_29], %swap3A_32 {strides = array<i32>} : memref<128xf32, #tpu.memory_space<vmem>>, vector<16xf32>,
    %broadcast_in_dim3A_33 = arith.constant 1.000000e+00 : f32
    %broadcast_in_dim3A_34 = vector.broadcast %broadcast_in_dim3A_33 : f32 to vector<16xf32>
    %swap3A_35 = arith.constant 64 : index
    %swap3A_36 = tpu.vector_load %arg6[%swap3A_35] {strides = array<i32>} : memref<128xf32, #tpu.memory_space<vmem>>, vector<16xf32>,
    %swap3A_37 = vector.shape_cast %swap3A_36 : vector<16xf32> to vector<16xf32>
    %swap3A_38 = vector.shape_cast %broadcast_in_dim3A_34 : vector<16xf32> to vector<16xf32>
    tpu.vector_store %arg6[%swap3A_35], %swap3A_38 {strides = array<i32>} : memref<128xf32, #tpu.memory_space<vmem>>, vector<16xf32>,
    %broadcast_in_dim3A_39 = arith.constant 1.000000e+00 : f32
    %broadcast_in_dim3A_40 = vector.broadcast %broadcast_in_dim3A_39 : f32 to vector<16xf32>
    %swap3A_41 = arith.constant 80 : index
    %swap3A_42 = tpu.vector_load %arg6[%swap3A_41] {strides = array<i32>} : memref<128xf32, #tpu.memory_space<vmem>>, vector<16xf32>,
    %swap3A_43 = vector.shape_cast %swap3A_42 : vector<16xf32> to vector<16xf32>
    %swap3A_44 = vector.shape_cast %broadcast_in_dim3A_40 : vector<16xf32> to vector<16xf32>
    tpu.vector_store %arg6[%swap3A_41], %swap3A_44 {strides = array<i32>} : memref<128xf32, #tpu.memory_space<vmem>>, vector<16xf32>,
    %broadcast_in_dim3A_45 = arith.constant 1.000000e+00 : f32
    %broadcast_in_dim3A_46 = vector.broadcast %broadcast_in_dim3A_45 : f32 to vector<16xf32>
    %swap3A_47 = arith.constant 96 : index
    %swap3A_48 = tpu.vector_load %arg6[%swap3A_47] {strides = array<i32>} : memref<128xf32, #tpu.memory_space<vmem>>, vector<16xf32>,
    %swap3A_49 = vector.shape_cast %swap3A_48 : vector<16xf32> to vector<16xf32>
    %swap3A_50 = vector.shape_cast %broadcast_in_dim3A_46 : vector<16xf32> to vector<16xf32>
    tpu.vector_store %arg6[%swap3A_47], %swap3A_50 {strides = array<i32>} : memref<128xf32, #tpu.memory_space<vmem>>, vector<16xf32>,
    %broadcast_in_dim3A_51 = arith.constant 1.000000e+00 : f32
    %broadcast_in_dim3A_52 = vector.broadcast %broadcast_in_dim3A_51 : f32 to vector<16xf32>
    %swap3A_53 = arith.constant 112 : index
    %swap3A_54 = tpu.vector_load %arg6[%swap3A_53] {strides = array<i32>} : memref<128xf32, #tpu.memory_space<vmem>>, vector<16xf32>,
    %swap3A_55 = vector.shape_cast %swap3A_54 : vector<16xf32> to vector<16xf32>
    %swap3A_56 = vector.shape_cast %broadcast_in_dim3A_52 : vector<16xf32> to vector<16xf32>
    tpu.vector_store %arg6[%swap3A_53], %swap3A_56 {strides = array<i32>} : memref<128xf32, #tpu.memory_space<vmem>>, vector<16xf32>,
    %run_scoped3A = arith.constant 0 : i32
    "tpu.region"() ({
      %run_scoped3A_81 = tpu.sem_alloc : memref<!tpu.dma_semaphore, #tpu.memory_space<semaphore_mem>>
      %dma_start3A = arith.constant 0 : i32
      %dma_start3A_82 = arith.constant 0 : i32
      %dma_start3A_83 = tpu.memref_slice %arg5[%dma_start3A, %dma_start3A_82] : memref<79x128xi32, #tpu.memory_space<vmem>> -> memref<78x128xi32, #tpu.memory_space<vmem>>
      %dma_start3A_84 = arith.constant 0 : i32
      %dma_start3A_85 = arith.constant 0 : i32
      %dma_start3A_86 = tpu.memref_slice %arg2[%run_scoped3A, %dma_start3A_84, %dma_start3A_85] : memref<2x2500x128xi32, #tpu.memory_space<hbm>> -> memref<1x2500x128xi32, #tpu.memory_space<hbm>>
      %dma_start3A_87 = tpu.memref_squeeze %dma_start3A_86 : memref<1x2500x128xi32, #tpu.memory_space<hbm>> -> memref<2500x128xi32, #tpu.memory_space<hbm>>
      %dma_start3A_88 = arith.constant 0 : i32
      %dma_start3A_89 = tpu.memref_slice %dma_start3A_87[%add3A_4, %dma_start3A_88] : memref<2500x128xi32, #tpu.memory_space<hbm>> -> memref<78x128xi32, #tpu.memory_space<hbm>>
      %dma_start3A_90 = arith.constant 0 : i32
      %dma_start3A_91 = arith.constant 0 : i32
      %dma_start3A_92 = tpu.memref_slice %arg5[%dma_start3A_90, %dma_start3A_91] : memref<79x128xi32, #tpu.memory_space<vmem>> -> memref<78x128xi32, #tpu.memory_space<vmem>>
      %dma_start3A_93 = arith.constant 0 : i32
      %dma_start3A_94 = arith.constant 0 : i32
      %dma_start3A_95 = tpu.memref_slice %arg2[%run_scoped3A, %dma_start3A_93, %dma_start3A_94] : memref<2x2500x128xi32, #tpu.memory_space<hbm>> -> memref<1x2500x128xi32, #tpu.memory_space<hbm>>
      %dma_start3A_96 = tpu.memref_squeeze %dma_start3A_95 : memref<1x2500x128xi32, #tpu.memory_space<hbm>> -> memref<2500x128xi32, #tpu.memory_space<hbm>>
      %dma_start3A_97 = arith.constant 0 : i32
      %dma_start3A_98 = tpu.memref_slice %dma_start3A_96[%add3A_4, %dma_start3A_97] : memref<2500x128xi32, #tpu.memory_space<hbm>> -> memref<78x128xi32, #tpu.memory_space<hbm>>
      tpu.enqueue_dma source(%dma_start3A_98 : memref<78x128xi32, #tpu.memory_space<hbm>>) target(%dma_start3A_92 : memref<78x128xi32, #tpu.memory_space<vmem>>) target_semaphore(%run_scoped3A_81 : memref<!tpu.dma_semaphore, #tpu.memory_space<semaphore_mem>>)
      %dma_wait3A = arith.constant 0 : i32
      %dma_wait3A_99 = arith.constant 0 : i32
      %dma_wait3A_100 = tpu.memref_slice %arg5[%dma_wait3A, %dma_wait3A_99] : memref<79x128xi32, #tpu.memory_space<vmem>> -> memref<78x128xi32, #tpu.memory_space<vmem>>
      %dma_wait3A_101 = arith.constant 0 : i32
      %dma_wait3A_102 = arith.constant 0 : i32
      %dma_wait3A_103 = tpu.memref_slice %arg2[%run_scoped3A, %dma_wait3A_101, %dma_wait3A_102] : memref<2x2500x128xi32, #tpu.memory_space<hbm>> -> memref<1x2500x128xi32, #tpu.memory_space<hbm>>
      %dma_wait3A_104 = tpu.memref_squeeze %dma_wait3A_103 : memref<1x2500x128xi32, #tpu.memory_space<hbm>> -> memref<2500x128xi32, #tpu.memory_space<hbm>>
      %dma_wait3A_105 = arith.constant 0 : i32
      %dma_wait3A_106 = tpu.memref_slice %dma_wait3A_104[%add3A_4, %dma_wait3A_105] : memref<2500x128xi32, #tpu.memory_space<hbm>> -> memref<78x128xi32, #tpu.memory_space<hbm>>
      %dma_wait3A_107 = arith.constant 0 : i32
      %dma_wait3A_108 = arith.constant 0 : i32
      %dma_wait3A_109 = tpu.memref_slice %arg5[%dma_wait3A_107, %dma_wait3A_108] : memref<79x128xi32, #tpu.memory_space<vmem>> -> memref<78x128xi32, #tpu.memory_space<vmem>>
      %dma_wait3A_110 = arith.constant 0 : i32
      %dma_wait3A_111 = arith.constant 0 : i32
      %dma_wait3A_112 = tpu.memref_slice %arg2[%run_scoped3A, %dma_wait3A_110, %dma_wait3A_111] : memref<2x2500x128xi32, #tpu.memory_space<hbm>> -> memref<1x2500x128xi32, #tpu.memory_space<hbm>>
      %dma_wait3A_113 = tpu.memref_squeeze %dma_wait3A_112 : memref<1x2500x128xi32, #tpu.memory_space<hbm>> -> memref<2500x128xi32, #tpu.memory_space<hbm>>
      %dma_wait3A_114 = arith.constant 0 : i32
      %dma_wait3A_115 = tpu.memref_slice %dma_wait3A_113[%add3A_4, %dma_wait3A_114] : memref<2500x128xi32, #tpu.memory_space<hbm>> -> memref<78x128xi32, #tpu.memory_space<hbm>>
      tpu.wait_dma2 semaphore(%run_scoped3A_81 : memref<!tpu.dma_semaphore, #tpu.memory_space<semaphore_mem>>) src(%dma_wait3A_115 : memref<78x128xi32, #tpu.memory_space<hbm>>) dst(%dma_wait3A_109 : memref<78x128xi32, #tpu.memory_space<vmem>>)
      tpu.yield
    }) : () -> ()
    %lt3A_57 = arith.constant 4 : i32
    %lt3A_58 = arith.cmpi slt, %add3A, %lt3A_57 : i32
    %convert_element_type3A = arith.extui %lt3A_58 : i1 to i32
    %cond3A = arith.constant 0 : i32
    %cond3A_59 = arith.constant 0 : i32
    %cond3A_60 = arith.cmpi ne, %convert_element_type3A, %cond3A_59 : i32
    scf.if %cond3A_60 {
      %add3A_81 = arith.constant 78 : i32
      %add3A_82 = arith.addi %add3A_4, %add3A_81 : i32
      "tpu.region"() ({
        %run_scoped3A_83 = tpu.sem_alloc : memref<!tpu.dma_semaphore, #tpu.memory_space<semaphore_mem>>
        %dma_start3A = arith.constant 78 : i32
        %dma_start3A_84 = arith.constant 0 : i32
        %dma_start3A_85 = tpu.memref_slice %arg5[%dma_start3A, %dma_start3A_84] : memref<79x128xi32, #tpu.memory_space<vmem>> -> memref<1x128xi32, #tpu.memory_space<vmem>>
        %dma_start3A_86 = arith.constant 0 : i32
        %dma_start3A_87 = arith.constant 0 : i32
        %dma_start3A_88 = tpu.memref_slice %arg2[%cond3A, %dma_start3A_86, %dma_start3A_87] : memref<2x2500x128xi32, #tpu.memory_space<hbm>> -> memref<1x2500x128xi32, #tpu.memory_space<hbm>>
        %dma_start3A_89 = tpu.memref_squeeze %dma_start3A_88 : memref<1x2500x128xi32, #tpu.memory_space<hbm>> -> memref<2500x128xi32, #tpu.memory_space<hbm>>
        %dma_start3A_90 = arith.constant 0 : i32
        %dma_start3A_91 = tpu.memref_slice %dma_start3A_89[%add3A_82, %dma_start3A_90] : memref<2500x128xi32, #tpu.memory_space<hbm>> -> memref<1x128xi32, #tpu.memory_space<hbm>>
        %dma_start3A_92 = arith.constant 78 : i32
        %dma_start3A_93 = arith.constant 0 : i32
        %dma_start3A_94 = tpu.memref_slice %arg5[%dma_start3A_92, %dma_start3A_93] : memref<79x128xi32, #tpu.memory_space<vmem>> -> memref<1x128xi32, #tpu.memory_space<vmem>>
        %dma_start3A_95 = arith.constant 0 : i32
        %dma_start3A_96 = arith.constant 0 : i32
        %dma_start3A_97 = tpu.memref_slice %arg2[%cond3A, %dma_start3A_95, %dma_start3A_96] : memref<2x2500x128xi32, #tpu.memory_space<hbm>> -> memref<1x2500x128xi32, #tpu.memory_space<hbm>>
        %dma_start3A_98 = tpu.memref_squeeze %dma_start3A_97 : memref<1x2500x128xi32, #tpu.memory_space<hbm>> -> memref<2500x128xi32, #tpu.memory_space<hbm>>
        %dma_start3A_99 = arith.constant 0 : i32
        %dma_start3A_100 = tpu.memref_slice %dma_start3A_98[%add3A_82, %dma_start3A_99] : memref<2500x128xi32, #tpu.memory_space<hbm>> -> memref<1x128xi32, #tpu.memory_space<hbm>>
        tpu.enqueue_dma source(%dma_start3A_100 : memref<1x128xi32, #tpu.memory_space<hbm>>) target(%dma_start3A_94 : memref<1x128xi32, #tpu.memory_space<vmem>>) target_semaphore(%run_scoped3A_83 : memref<!tpu.dma_semaphore, #tpu.memory_space<semaphore_mem>>)
        %dma_wait3A = arith.constant 78 : i32
        %dma_wait3A_101 = arith.constant 0 : i32
        %dma_wait3A_102 = tpu.memref_slice %arg5[%dma_wait3A, %dma_wait3A_101] : memref<79x128xi32, #tpu.memory_space<vmem>> -> memref<1x128xi32, #tpu.memory_space<vmem>>
        %dma_wait3A_103 = arith.constant 0 : i32
        %dma_wait3A_104 = arith.constant 0 : i32
        %dma_wait3A_105 = tpu.memref_slice %arg2[%cond3A, %dma_wait3A_103, %dma_wait3A_104] : memref<2x2500x128xi32, #tpu.memory_space<hbm>> -> memref<1x2500x128xi32, #tpu.memory_space<hbm>>
        %dma_wait3A_106 = tpu.memref_squeeze %dma_wait3A_105 : memref<1x2500x128xi32, #tpu.memory_space<hbm>> -> memref<2500x128xi32, #tpu.memory_space<hbm>>
        %dma_wait3A_107 = arith.constant 0 : i32
        %dma_wait3A_108 = tpu.memref_slice %dma_wait3A_106[%add3A_82, %dma_wait3A_107] : memref<2500x128xi32, #tpu.memory_space<hbm>> -> memref<1x128xi32, #tpu.memory_space<hbm>>
        %dma_wait3A_109 = arith.constant 78 : i32
        %dma_wait3A_110 = arith.constant 0 : i32
        %dma_wait3A_111 = tpu.memref_slice %arg5[%dma_wait3A_109, %dma_wait3A_110] : memref<79x128xi32, #tpu.memory_space<vmem>> -> memref<1x128xi32, #tpu.memory_space<vmem>>
        %dma_wait3A_112 = arith.constant 0 : i32
        %dma_wait3A_113 = arith.constant 0 : i32
        %dma_wait3A_114 = tpu.memref_slice %arg2[%cond3A, %dma_wait3A_112, %dma_wait3A_113] : memref<2x2500x128xi32, #tpu.memory_space<hbm>> -> memref<1x2500x128xi32, #tpu.memory_space<hbm>>
        %dma_wait3A_115 = tpu.memref_squeeze %dma_wait3A_114 : memref<1x2500x128xi32, #tpu.memory_space<hbm>> -> memref<2500x128xi32, #tpu.memory_space<hbm>>
        %dma_wait3A_116 = arith.constant 0 : i32
        %dma_wait3A_117 = tpu.memref_slice %dma_wait3A_115[%add3A_82, %dma_wait3A_116] : memref<2500x128xi32, #tpu.memory_space<hbm>> -> memref<1x128xi32, #tpu.memory_space<hbm>>
        tpu.wait_dma2 semaphore(%run_scoped3A_83 : memref<!tpu.dma_semaphore, #tpu.memory_space<semaphore_mem>>) src(%dma_wait3A_117 : memref<1x128xi32, #tpu.memory_space<hbm>>) dst(%dma_wait3A_111 : memref<1x128xi32, #tpu.memory_space<vmem>>)
        tpu.yield
      }) : () -> ()
    } else {
    }
    %barrier3A = arith.constant 0 : index
    tpu.barrier barrier_id(%barrier3A)
    %while3A = arith.constant 0 : i32
    %while3A_61 = arith.constant 0 : i32
    %while3A_62 = arith.subi %add3A_8, %while3A_61 : i32
    %while3A_63 = arith.addi %while3A_61, %while3A_62 : i32
    %while3A_64 = arith.constant 1 : i32
    %while3A_65 = arith.divsi %while3A_62, %while3A_64 : i32
    %while3A_66 = arith.muli %while3A_65, %while3A_64 : i32
    %while3A_67 = arith.addi %while3A_61, %while3A_66 : i32
    %while3A_68 = arith.constant 1 : i32
    scf.for %while3A_81 = %while3A_61 to %while3A_67 step %while3A_68  : i32 {
      %dma_start3A = arith.constant 0 : i32
      %dma_start3A_82 = tpu.memref_slice %arg5[%while3A_81, %dma_start3A] : memref<79x128xi32, #tpu.memory_space<vmem>> -> memref<1x128xi32, #tpu.memory_space<vmem>>
      %dma_start3A_83 = tpu.memref_squeeze %dma_start3A_82 : memref<1x128xi32, #tpu.memory_space<vmem>> -> memref<128xi32, #tpu.memory_space<vmem>>
      %dma_start3A_84 = arith.constant 0 : i32
      %dma_start3A_85 = tpu.memref_slice %arg7[%dma_start3A_84] : memref<10240xf32, #tpu.memory_space<vmem_shared>> -> memref<10240xf32, #tpu.memory_space<vmem_shared>>
      tpu.enqueue_indirect_dma source(%arg6 : memref<128xf32, #tpu.memory_space<vmem>>) target(%dma_start3A_85 : memref<10240xf32, #tpu.memory_space<vmem_shared>>) offsets(%dma_start3A_83 : memref<128xi32, #tpu.memory_space<vmem>>) semaphore(%arg8 : memref<!tpu.dma_semaphore, #tpu.memory_space<semaphore_mem>>) {add = true}
    }
    %while3A_69 = arith.constant 1 : i32
    scf.for %while3A_81 = %while3A_67 to %while3A_63 step %while3A_69  : i32 {
      %dma_start3A = arith.constant 0 : i32
      %dma_start3A_82 = tpu.memref_slice %arg5[%while3A_81, %dma_start3A] : memref<79x128xi32, #tpu.memory_space<vmem>> -> memref<1x128xi32, #tpu.memory_space<vmem>>
      %dma_start3A_83 = tpu.memref_squeeze %dma_start3A_82 : memref<1x128xi32, #tpu.memory_space<vmem>> -> memref<128xi32, #tpu.memory_space<vmem>>
      %dma_start3A_84 = arith.constant 0 : i32
      %dma_start3A_85 = tpu.memref_slice %arg7[%dma_start3A_84] : memref<10240xf32, #tpu.memory_space<vmem_shared>> -> memref<10240xf32, #tpu.memory_space<vmem_shared>>
      tpu.enqueue_indirect_dma source(%arg6 : memref<128xf32, #tpu.memory_space<vmem>>) target(%dma_start3A_85 : memref<10240xf32, #tpu.memory_space<vmem_shared>>) offsets(%dma_start3A_83 : memref<128xi32, #tpu.memory_space<vmem>>) semaphore(%arg8 : memref<!tpu.dma_semaphore, #tpu.memory_space<semaphore_mem>>) {add = true}
    }
    %while3A_70 = arith.constant 0 : i32
    %while3A_71 = arith.constant 0 : i32
    %while3A_72 = arith.subi %add3A_8, %while3A_71 : i32
    %while3A_73 = arith.addi %while3A_71, %while3A_72 : i32
    %while3A_74 = arith.constant 1 : i32
    %while3A_75 = arith.divsi %while3A_72, %while3A_74 : i32
    %while3A_76 = arith.muli %while3A_75, %while3A_74 : i32
    %while3A_77 = arith.addi %while3A_71, %while3A_76 : i32
    %while3A_78 = arith.constant 1 : i32
    scf.for %while3A_81 = %while3A_71 to %while3A_77 step %while3A_78  : i32 {
      %dma_wait3A = arith.constant 0 : i32
      %dma_wait3A_82 = arith.constant 0 : i32
      %dma_wait3A_83 = tpu.memref_slice %arg5[%dma_wait3A, %dma_wait3A_82] : memref<79x128xi32, #tpu.memory_space<vmem>> -> memref<1x128xi32, #tpu.memory_space<vmem>>
      %dma_wait3A_84 = tpu.memref_squeeze %dma_wait3A_83 : memref<1x128xi32, #tpu.memory_space<vmem>> -> memref<128xi32, #tpu.memory_space<vmem>>
      %dma_wait3A_85 = arith.constant 0 : i32
      %dma_wait3A_86 = tpu.memref_slice %arg7[%dma_wait3A_85] : memref<10240xf32, #tpu.memory_space<vmem_shared>> -> memref<10240xf32, #tpu.memory_space<vmem_shared>>
      tpu.wait_indirect_dma semaphore(%arg8 : memref<!tpu.dma_semaphore, #tpu.memory_space<semaphore_mem>>) src(%arg6 : memref<128xf32, #tpu.memory_space<vmem>>) dst(%dma_wait3A_86 : memref<10240xf32, #tpu.memory_space<vmem_shared>>)
    }
    %while3A_79 = arith.constant 1 : i32
    scf.for %while3A_81 = %while3A_77 to %while3A_73 step %while3A_79  : i32 {
      %dma_wait3A = arith.constant 0 : i32
      %dma_wait3A_82 = arith.constant 0 : i32
      %dma_wait3A_83 = tpu.memref_slice %arg5[%dma_wait3A, %dma_wait3A_82] : memref<79x128xi32, #tpu.memory_space<vmem>> -> memref<1x128xi32, #tpu.memory_space<vmem>>
      %dma_wait3A_84 = tpu.memref_squeeze %dma_wait3A_83 : memref<1x128xi32, #tpu.memory_space<vmem>> -> memref<128xi32, #tpu.memory_space<vmem>>
      %dma_wait3A_85 = arith.constant 0 : i32
      %dma_wait3A_86 = tpu.memref_slice %arg7[%dma_wait3A_85] : memref<10240xf32, #tpu.memory_space<vmem_shared>> -> memref<10240xf32, #tpu.memory_space<vmem_shared>>
      tpu.wait_indirect_dma semaphore(%arg8 : memref<!tpu.dma_semaphore, #tpu.memory_space<semaphore_mem>>) src(%arg6 : memref<128xf32, #tpu.memory_space<vmem>>) dst(%dma_wait3A_86 : memref<10240xf32, #tpu.memory_space<vmem_shared>>)
    }
    %barrier3A_80 = arith.constant 0 : index
    tpu.barrier barrier_id(%barrier3A_80)
    "tpu.region"() ({
      %run_scoped3A_81 = tpu.sem_alloc : memref<!tpu.dma_semaphore, #tpu.memory_space<semaphore_mem>>
      %dma_start3A = arith.constant 0 : i32
      %dma_start3A_82 = tpu.memref_slice %arg4[%arg0, %dma_start3A] : memref<2x10240xf32, #tpu.memory_space<hbm>> -> memref<1x10240xf32, #tpu.memory_space<hbm>>
      %dma_start3A_83 = tpu.memref_squeeze %dma_start3A_82 : memref<1x10240xf32, #tpu.memory_space<hbm>> -> memref<10240xf32, #tpu.memory_space<hbm>>
      %dma_start3A_84 = tpu.memref_slice %dma_start3A_83[%mul3A_10] : memref<10240xf32, #tpu.memory_space<hbm>> -> memref<640xf32, #tpu.memory_space<hbm>>
      %dma_start3A_85 = tpu.memref_slice %arg7[%mul3A_10] : memref<10240xf32, #tpu.memory_space<vmem_shared>> -> memref<640xf32, #tpu.memory_space<vmem_shared>>
      tpu.enqueue_dma source(%dma_start3A_85 : memref<640xf32, #tpu.memory_space<vmem_shared>>) target(%dma_start3A_84 : memref<640xf32, #tpu.memory_space<hbm>>) target_semaphore(%run_scoped3A_81 : memref<!tpu.dma_semaphore, #tpu.memory_space<semaphore_mem>>)
      %dma_wait3A = arith.constant 0 : i32
      %dma_wait3A_86 = tpu.memref_slice %arg4[%arg0, %dma_wait3A] : memref<2x10240xf32, #tpu.memory_space<hbm>> -> memref<1x10240xf32, #tpu.memory_space<hbm>>
      %dma_wait3A_87 = tpu.memref_squeeze %dma_wait3A_86 : memref<1x10240xf32, #tpu.memory_space<hbm>> -> memref<10240xf32, #tpu.memory_space<hbm>>
      %dma_wait3A_88 = tpu.memref_slice %dma_wait3A_87[%mul3A_10] : memref<10240xf32, #tpu.memory_space<hbm>> -> memref<640xf32, #tpu.memory_space<hbm>>
      %dma_wait3A_89 = tpu.memref_slice %arg7[%mul3A_10] : memref<10240xf32, #tpu.memory_space<vmem_shared>> -> memref<640xf32, #tpu.memory_space<vmem_shared>>
      tpu.wait_dma2 semaphore(%run_scoped3A_81 : memref<!tpu.dma_semaphore, #tpu.memory_space<semaphore_mem>>) src(%dma_wait3A_89 : memref<640xf32, #tpu.memory_space<vmem_shared>>) dst(%dma_wait3A_88 : memref<640xf32, #tpu.memory_space<hbm>>)
      tpu.yield
    }) : () -> ()
    return
  }
}

#map = affine_map<(d0, d1) -> (0, 0)>
#map1 = affine_map<(d0, d1) -> (0, 0, 0)>
#map2 = affine_map<(d0, d1) -> (0)>
module attributes {stable_mosaic.version = 14 : i64} {
  func.func @_aggregate_kernel(%arg0: i32, %arg1: i32, %arg2: memref<10000x64xf32, #tpu.memory_space<hbm>>, %arg3: memref<2x2500x128xi32, #tpu.memory_space<hbm>>, %arg4: memref<625x64xf32, #tpu.memory_space<hbm>>, %arg5: memref<640xf32, #tpu.memory_space<hbm>>, %arg6: memref<2x10000x64xf32, #tpu.memory_space<hbm>>, %arg7: memref<2x10240xf32, #tpu.memory_space<hbm>>, %arg8: memref<79x128xi32, #tpu.memory_space<vmem>>, %arg9: memref<79x128xi32, #tpu.memory_space<vmem>>, %arg10: memref<128x64xf32, #tpu.memory_space<vmem>>, %arg11: memref<128x64xf32, #tpu.memory_space<vmem>>, %arg12: memref<128x64xf32, #tpu.memory_space<vmem>>, %arg13: memref<128x64xf32, #tpu.memory_space<vmem>>, %arg14: memref<128x64xf32, #tpu.memory_space<vmem>>, %arg15: memref<128x64xf32, #tpu.memory_space<vmem>>, %arg16: memref<128x64xf32, #tpu.memory_space<vmem>>, %arg17: memref<128x64xf32, #tpu.memory_space<vmem>>, %arg18: memref<128xf32, #tpu.memory_space<vmem>>, %arg19: memref<10000x64xf32, #tpu.memory_space<vmem_shared>>, %arg20: memref<10240xf32, #tpu.memory_space<vmem_shared>>, %arg21: memref<!tpu.dma_semaphore, #tpu.memory_space<semaphore_mem>>, %arg22: memref<!tpu.dma_semaphore, #tpu.memory_space<semaphore_mem>>, %arg23: memref<!tpu.dma_semaphore, #tpu.memory_space<semaphore_mem>>, %arg24: memref<!tpu.dma_semaphore, #tpu.memory_space<semaphore_mem>>, %arg25: memref<!tpu.dma_semaphore, #tpu.memory_space<semaphore_mem>>, %arg26: memref<!tpu.dma_semaphore, #tpu.memory_space<semaphore_mem>>, %arg27: memref<!tpu.dma_semaphore, #tpu.memory_space<semaphore_mem>>, %arg28: memref<!tpu.dma_semaphore, #tpu.memory_space<semaphore_mem>>, %arg29: memref<!tpu.dma_semaphore, #tpu.memory_space<semaphore_mem>>, %arg30: memref<!tpu.dma_semaphore, #tpu.memory_space<semaphore_mem>>, %arg31: memref<!tpu.dma_semaphore, #tpu.memory_space<semaphore_mem>>, %arg32: memref<!tpu.dma_semaphore, #tpu.memory_space<semaphore_mem>>, %arg33: memref<!tpu.dma_semaphore, #tpu.memory_space<semaphore_mem>>, %arg34: memref<!tpu.dma_semaphore, #tpu.memory_space<semaphore_mem>>, %arg35: memref<!tpu.dma_semaphore, #tpu.memory_space<semaphore_mem>>, %arg36: memref<!tpu.dma_semaphore, #tpu.memory_space<semaphore_mem>>, %arg37: memref<!tpu.dma_semaphore, #tpu.memory_space<semaphore_mem>>) attributes {dimension_semantics = [#tpu.dimension_semantics<core_parallel>, #tpu.dimension_semantics<subcore_parallel>], iteration_bounds = array<i64: 2, 16>, scalar_prefetch = 0 : i64, scratch_operands = 30 : i64, tpu.core_type = #tpu.core_type<sc_vector_subcore>, window_params = [{transform_indices = #map}, {transform_indices = #map1}, {transform_indices = #map}, {transform_indices = #map2}, {transform_indices = #map1}, {transform_indices = #map}]} {
    %mul3A = arith.constant 2 : i32
    %mul3A_0 = arith.muli %arg1, %mul3A : i32
    %add3A = arith.addi %mul3A_0, %arg0 : i32
    %mul3A_1 = arith.constant 78 : i32
    %mul3A_2 = arith.muli %mul3A_1, %add3A : i32
    %min3A = arith.constant 4 : i32
    %min3A_3 = arith.minsi %add3A, %min3A : i32
    %add3A_4 = arith.addi %mul3A_2, %min3A_3 : i32
    %lt3A = arith.constant 4 : i32
    %lt3A_5 = arith.cmpi slt, %add3A, %lt3A : i32
    %jit3A = arith.constant 1 : i32
    %jit3A_6 = arith.constant 0 : i32
    %select_n3A = arith.select %lt3A_5, %jit3A, %jit3A_6 : i32
    %add3A_7 = arith.constant 78 : i32
    %add3A_8 = arith.addi %add3A_7, %select_n3A : i32
    %mul3A_9 = arith.constant 625 : i32
    %mul3A_10 = arith.muli %arg1, %mul3A_9 : i32
    %mul3A_11 = arith.constant 640 : i32
    %mul3A_12 = arith.muli %arg1, %mul3A_11 : i32
    "tpu.region"() ({
      %run_scoped3A_195 = tpu.sem_alloc : memref<!tpu.dma_semaphore, #tpu.memory_space<semaphore_mem>>
      %dma_start3A_196 = arith.constant 0 : i32
      %dma_start3A_197 = tpu.memref_slice %arg19[%mul3A_10, %dma_start3A_196] : memref<10000x64xf32, #tpu.memory_space<vmem_shared>> -> memref<625x64xf32, #tpu.memory_space<vmem_shared>>
      tpu.enqueue_dma source(%arg4 : memref<625x64xf32, #tpu.memory_space<hbm>>) target(%dma_start3A_197 : memref<625x64xf32, #tpu.memory_space<vmem_shared>>) target_semaphore(%run_scoped3A_195 : memref<!tpu.dma_semaphore, #tpu.memory_space<semaphore_mem>>)
      %dma_wait3A_198 = arith.constant 0 : i32
      %dma_wait3A_199 = tpu.memref_slice %arg19[%mul3A_10, %dma_wait3A_198] : memref<10000x64xf32, #tpu.memory_space<vmem_shared>> -> memref<625x64xf32, #tpu.memory_space<vmem_shared>>
      tpu.wait_dma2 semaphore(%run_scoped3A_195 : memref<!tpu.dma_semaphore, #tpu.memory_space<semaphore_mem>>) src(%arg4 : memref<625x64xf32, #tpu.memory_space<hbm>>) dst(%dma_wait3A_199 : memref<625x64xf32, #tpu.memory_space<vmem_shared>>)
      tpu.yield
    }) : () -> ()
    "tpu.region"() ({
      %run_scoped3A_195 = tpu.sem_alloc : memref<!tpu.dma_semaphore, #tpu.memory_space<semaphore_mem>>
      %dma_start3A_196 = tpu.memref_slice %arg20[%mul3A_12] : memref<10240xf32, #tpu.memory_space<vmem_shared>> -> memref<640xf32, #tpu.memory_space<vmem_shared>>
      tpu.enqueue_dma source(%arg5 : memref<640xf32, #tpu.memory_space<hbm>>) target(%dma_start3A_196 : memref<640xf32, #tpu.memory_space<vmem_shared>>) target_semaphore(%run_scoped3A_195 : memref<!tpu.dma_semaphore, #tpu.memory_space<semaphore_mem>>)
      %dma_wait3A_197 = tpu.memref_slice %arg20[%mul3A_12] : memref<10240xf32, #tpu.memory_space<vmem_shared>> -> memref<640xf32, #tpu.memory_space<vmem_shared>>
      tpu.wait_dma2 semaphore(%run_scoped3A_195 : memref<!tpu.dma_semaphore, #tpu.memory_space<semaphore_mem>>) src(%arg5 : memref<640xf32, #tpu.memory_space<hbm>>) dst(%dma_wait3A_197 : memref<640xf32, #tpu.memory_space<vmem_shared>>)
      tpu.yield
    }) : () -> ()
    %broadcast_in_dim3A = arith.constant 1.000000e+00 : f32
    %broadcast_in_dim3A_13 = vector.broadcast %broadcast_in_dim3A : f32 to vector<16xf32>
    %swap3A = arith.constant 0 : index
    %swap3A_14 = tpu.vector_load %arg18[%swap3A] {strides = array<i32>} : memref<128xf32, #tpu.memory_space<vmem>>, vector<16xf32>,
    %swap3A_15 = vector.shape_cast %swap3A_14 : vector<16xf32> to vector<16xf32>
    %swap3A_16 = vector.shape_cast %broadcast_in_dim3A_13 : vector<16xf32> to vector<16xf32>
    tpu.vector_store %arg18[%swap3A], %swap3A_16 {strides = array<i32>} : memref<128xf32, #tpu.memory_space<vmem>>, vector<16xf32>,
    %broadcast_in_dim3A_17 = arith.constant 1.000000e+00 : f32
    %broadcast_in_dim3A_18 = vector.broadcast %broadcast_in_dim3A_17 : f32 to vector<16xf32>
    %swap3A_19 = arith.constant 16 : index
    %swap3A_20 = tpu.vector_load %arg18[%swap3A_19] {strides = array<i32>} : memref<128xf32, #tpu.memory_space<vmem>>, vector<16xf32>,
    %swap3A_21 = vector.shape_cast %swap3A_20 : vector<16xf32> to vector<16xf32>
    %swap3A_22 = vector.shape_cast %broadcast_in_dim3A_18 : vector<16xf32> to vector<16xf32>
    tpu.vector_store %arg18[%swap3A_19], %swap3A_22 {strides = array<i32>} : memref<128xf32, #tpu.memory_space<vmem>>, vector<16xf32>,
    %broadcast_in_dim3A_23 = arith.constant 1.000000e+00 : f32
    %broadcast_in_dim3A_24 = vector.broadcast %broadcast_in_dim3A_23 : f32 to vector<16xf32>
    %swap3A_25 = arith.constant 32 : index
    %swap3A_26 = tpu.vector_load %arg18[%swap3A_25] {strides = array<i32>} : memref<128xf32, #tpu.memory_space<vmem>>, vector<16xf32>,
    %swap3A_27 = vector.shape_cast %swap3A_26 : vector<16xf32> to vector<16xf32>
    %swap3A_28 = vector.shape_cast %broadcast_in_dim3A_24 : vector<16xf32> to vector<16xf32>
    tpu.vector_store %arg18[%swap3A_25], %swap3A_28 {strides = array<i32>} : memref<128xf32, #tpu.memory_space<vmem>>, vector<16xf32>,
    %broadcast_in_dim3A_29 = arith.constant 1.000000e+00 : f32
    %broadcast_in_dim3A_30 = vector.broadcast %broadcast_in_dim3A_29 : f32 to vector<16xf32>
    %swap3A_31 = arith.constant 48 : index
    %swap3A_32 = tpu.vector_load %arg18[%swap3A_31] {strides = array<i32>} : memref<128xf32, #tpu.memory_space<vmem>>, vector<16xf32>,
    %swap3A_33 = vector.shape_cast %swap3A_32 : vector<16xf32> to vector<16xf32>
    %swap3A_34 = vector.shape_cast %broadcast_in_dim3A_30 : vector<16xf32> to vector<16xf32>
    tpu.vector_store %arg18[%swap3A_31], %swap3A_34 {strides = array<i32>} : memref<128xf32, #tpu.memory_space<vmem>>, vector<16xf32>,
    %broadcast_in_dim3A_35 = arith.constant 1.000000e+00 : f32
    %broadcast_in_dim3A_36 = vector.broadcast %broadcast_in_dim3A_35 : f32 to vector<16xf32>
    %swap3A_37 = arith.constant 64 : index
    %swap3A_38 = tpu.vector_load %arg18[%swap3A_37] {strides = array<i32>} : memref<128xf32, #tpu.memory_space<vmem>>, vector<16xf32>,
    %swap3A_39 = vector.shape_cast %swap3A_38 : vector<16xf32> to vector<16xf32>
    %swap3A_40 = vector.shape_cast %broadcast_in_dim3A_36 : vector<16xf32> to vector<16xf32>
    tpu.vector_store %arg18[%swap3A_37], %swap3A_40 {strides = array<i32>} : memref<128xf32, #tpu.memory_space<vmem>>, vector<16xf32>,
    %broadcast_in_dim3A_41 = arith.constant 1.000000e+00 : f32
    %broadcast_in_dim3A_42 = vector.broadcast %broadcast_in_dim3A_41 : f32 to vector<16xf32>
    %swap3A_43 = arith.constant 80 : index
    %swap3A_44 = tpu.vector_load %arg18[%swap3A_43] {strides = array<i32>} : memref<128xf32, #tpu.memory_space<vmem>>, vector<16xf32>,
    %swap3A_45 = vector.shape_cast %swap3A_44 : vector<16xf32> to vector<16xf32>
    %swap3A_46 = vector.shape_cast %broadcast_in_dim3A_42 : vector<16xf32> to vector<16xf32>
    tpu.vector_store %arg18[%swap3A_43], %swap3A_46 {strides = array<i32>} : memref<128xf32, #tpu.memory_space<vmem>>, vector<16xf32>,
    %broadcast_in_dim3A_47 = arith.constant 1.000000e+00 : f32
    %broadcast_in_dim3A_48 = vector.broadcast %broadcast_in_dim3A_47 : f32 to vector<16xf32>
    %swap3A_49 = arith.constant 96 : index
    %swap3A_50 = tpu.vector_load %arg18[%swap3A_49] {strides = array<i32>} : memref<128xf32, #tpu.memory_space<vmem>>, vector<16xf32>,
    %swap3A_51 = vector.shape_cast %swap3A_50 : vector<16xf32> to vector<16xf32>
    %swap3A_52 = vector.shape_cast %broadcast_in_dim3A_48 : vector<16xf32> to vector<16xf32>
    tpu.vector_store %arg18[%swap3A_49], %swap3A_52 {strides = array<i32>} : memref<128xf32, #tpu.memory_space<vmem>>, vector<16xf32>,
    %broadcast_in_dim3A_53 = arith.constant 1.000000e+00 : f32
    %broadcast_in_dim3A_54 = vector.broadcast %broadcast_in_dim3A_53 : f32 to vector<16xf32>
    %swap3A_55 = arith.constant 112 : index
    %swap3A_56 = tpu.vector_load %arg18[%swap3A_55] {strides = array<i32>} : memref<128xf32, #tpu.memory_space<vmem>>, vector<16xf32>,
    %swap3A_57 = vector.shape_cast %swap3A_56 : vector<16xf32> to vector<16xf32>
    %swap3A_58 = vector.shape_cast %broadcast_in_dim3A_54 : vector<16xf32> to vector<16xf32>
    tpu.vector_store %arg18[%swap3A_55], %swap3A_58 {strides = array<i32>} : memref<128xf32, #tpu.memory_space<vmem>>, vector<16xf32>,
    %run_scoped3A = arith.constant 0 : i32
    "tpu.region"() ({
      %run_scoped3A_195 = tpu.sem_alloc : memref<!tpu.dma_semaphore, #tpu.memory_space<semaphore_mem>>
      %dma_start3A_196 = arith.constant 0 : i32
      %dma_start3A_197 = arith.constant 0 : i32
      %dma_start3A_198 = tpu.memref_slice %arg8[%dma_start3A_196, %dma_start3A_197] : memref<79x128xi32, #tpu.memory_space<vmem>> -> memref<78x128xi32, #tpu.memory_space<vmem>>
      %dma_start3A_199 = arith.constant 0 : i32
      %dma_start3A_200 = arith.constant 0 : i32
      %dma_start3A_201 = tpu.memref_slice %arg3[%run_scoped3A, %dma_start3A_199, %dma_start3A_200] : memref<2x2500x128xi32, #tpu.memory_space<hbm>> -> memref<1x2500x128xi32, #tpu.memory_space<hbm>>
      %dma_start3A_202 = tpu.memref_squeeze %dma_start3A_201 : memref<1x2500x128xi32, #tpu.memory_space<hbm>> -> memref<2500x128xi32, #tpu.memory_space<hbm>>
      %dma_start3A_203 = arith.constant 0 : i32
      %dma_start3A_204 = tpu.memref_slice %dma_start3A_202[%add3A_4, %dma_start3A_203] : memref<2500x128xi32, #tpu.memory_space<hbm>> -> memref<78x128xi32, #tpu.memory_space<hbm>>
      %dma_start3A_205 = arith.constant 0 : i32
      %dma_start3A_206 = arith.constant 0 : i32
      %dma_start3A_207 = tpu.memref_slice %arg8[%dma_start3A_205, %dma_start3A_206] : memref<79x128xi32, #tpu.memory_space<vmem>> -> memref<78x128xi32, #tpu.memory_space<vmem>>
      %dma_start3A_208 = arith.constant 0 : i32
      %dma_start3A_209 = arith.constant 0 : i32
      %dma_start3A_210 = tpu.memref_slice %arg3[%run_scoped3A, %dma_start3A_208, %dma_start3A_209] : memref<2x2500x128xi32, #tpu.memory_space<hbm>> -> memref<1x2500x128xi32, #tpu.memory_space<hbm>>
      %dma_start3A_211 = tpu.memref_squeeze %dma_start3A_210 : memref<1x2500x128xi32, #tpu.memory_space<hbm>> -> memref<2500x128xi32, #tpu.memory_space<hbm>>
      %dma_start3A_212 = arith.constant 0 : i32
      %dma_start3A_213 = tpu.memref_slice %dma_start3A_211[%add3A_4, %dma_start3A_212] : memref<2500x128xi32, #tpu.memory_space<hbm>> -> memref<78x128xi32, #tpu.memory_space<hbm>>
      tpu.enqueue_dma source(%dma_start3A_213 : memref<78x128xi32, #tpu.memory_space<hbm>>) target(%dma_start3A_207 : memref<78x128xi32, #tpu.memory_space<vmem>>) target_semaphore(%run_scoped3A_195 : memref<!tpu.dma_semaphore, #tpu.memory_space<semaphore_mem>>)
      %dma_wait3A_214 = arith.constant 0 : i32
      %dma_wait3A_215 = arith.constant 0 : i32
      %dma_wait3A_216 = tpu.memref_slice %arg8[%dma_wait3A_214, %dma_wait3A_215] : memref<79x128xi32, #tpu.memory_space<vmem>> -> memref<78x128xi32, #tpu.memory_space<vmem>>
      %dma_wait3A_217 = arith.constant 0 : i32
      %dma_wait3A_218 = arith.constant 0 : i32
      %dma_wait3A_219 = tpu.memref_slice %arg3[%run_scoped3A, %dma_wait3A_217, %dma_wait3A_218] : memref<2x2500x128xi32, #tpu.memory_space<hbm>> -> memref<1x2500x128xi32, #tpu.memory_space<hbm>>
      %dma_wait3A_220 = tpu.memref_squeeze %dma_wait3A_219 : memref<1x2500x128xi32, #tpu.memory_space<hbm>> -> memref<2500x128xi32, #tpu.memory_space<hbm>>
      %dma_wait3A_221 = arith.constant 0 : i32
      %dma_wait3A_222 = tpu.memref_slice %dma_wait3A_220[%add3A_4, %dma_wait3A_221] : memref<2500x128xi32, #tpu.memory_space<hbm>> -> memref<78x128xi32, #tpu.memory_space<hbm>>
      %dma_wait3A_223 = arith.constant 0 : i32
      %dma_wait3A_224 = arith.constant 0 : i32
      %dma_wait3A_225 = tpu.memref_slice %arg8[%dma_wait3A_223, %dma_wait3A_224] : memref<79x128xi32, #tpu.memory_space<vmem>> -> memref<78x128xi32, #tpu.memory_space<vmem>>
      %dma_wait3A_226 = arith.constant 0 : i32
      %dma_wait3A_227 = arith.constant 0 : i32
      %dma_wait3A_228 = tpu.memref_slice %arg3[%run_scoped3A, %dma_wait3A_226, %dma_wait3A_227] : memref<2x2500x128xi32, #tpu.memory_space<hbm>> -> memref<1x2500x128xi32, #tpu.memory_space<hbm>>
      %dma_wait3A_229 = tpu.memref_squeeze %dma_wait3A_228 : memref<1x2500x128xi32, #tpu.memory_space<hbm>> -> memref<2500x128xi32, #tpu.memory_space<hbm>>
      %dma_wait3A_230 = arith.constant 0 : i32
      %dma_wait3A_231 = tpu.memref_slice %dma_wait3A_229[%add3A_4, %dma_wait3A_230] : memref<2500x128xi32, #tpu.memory_space<hbm>> -> memref<78x128xi32, #tpu.memory_space<hbm>>
      tpu.wait_dma2 semaphore(%run_scoped3A_195 : memref<!tpu.dma_semaphore, #tpu.memory_space<semaphore_mem>>) src(%dma_wait3A_231 : memref<78x128xi32, #tpu.memory_space<hbm>>) dst(%dma_wait3A_225 : memref<78x128xi32, #tpu.memory_space<vmem>>)
      tpu.yield
    }) : () -> ()
    %lt3A_59 = arith.constant 4 : i32
    %lt3A_60 = arith.cmpi slt, %add3A, %lt3A_59 : i32
    %convert_element_type3A = arith.extui %lt3A_60 : i1 to i32
    %cond3A = arith.constant 0 : i32
    %cond3A_61 = arith.constant 0 : i32
    %cond3A_62 = arith.cmpi ne, %convert_element_type3A, %cond3A_61 : i32
    scf.if %cond3A_62 {
      %add3A_195 = arith.constant 78 : i32
      %add3A_196 = arith.addi %add3A_4, %add3A_195 : i32
      "tpu.region"() ({
        %run_scoped3A_197 = tpu.sem_alloc : memref<!tpu.dma_semaphore, #tpu.memory_space<semaphore_mem>>
        %dma_start3A_198 = arith.constant 78 : i32
        %dma_start3A_199 = arith.constant 0 : i32
        %dma_start3A_200 = tpu.memref_slice %arg8[%dma_start3A_198, %dma_start3A_199] : memref<79x128xi32, #tpu.memory_space<vmem>> -> memref<1x128xi32, #tpu.memory_space<vmem>>
        %dma_start3A_201 = arith.constant 0 : i32
        %dma_start3A_202 = arith.constant 0 : i32
        %dma_start3A_203 = tpu.memref_slice %arg3[%cond3A, %dma_start3A_201, %dma_start3A_202] : memref<2x2500x128xi32, #tpu.memory_space<hbm>> -> memref<1x2500x128xi32, #tpu.memory_space<hbm>>
        %dma_start3A_204 = tpu.memref_squeeze %dma_start3A_203 : memref<1x2500x128xi32, #tpu.memory_space<hbm>> -> memref<2500x128xi32, #tpu.memory_space<hbm>>
        %dma_start3A_205 = arith.constant 0 : i32
        %dma_start3A_206 = tpu.memref_slice %dma_start3A_204[%add3A_196, %dma_start3A_205] : memref<2500x128xi32, #tpu.memory_space<hbm>> -> memref<1x128xi32, #tpu.memory_space<hbm>>
        %dma_start3A_207 = arith.constant 78 : i32
        %dma_start3A_208 = arith.constant 0 : i32
        %dma_start3A_209 = tpu.memref_slice %arg8[%dma_start3A_207, %dma_start3A_208] : memref<79x128xi32, #tpu.memory_space<vmem>> -> memref<1x128xi32, #tpu.memory_space<vmem>>
        %dma_start3A_210 = arith.constant 0 : i32
        %dma_start3A_211 = arith.constant 0 : i32
        %dma_start3A_212 = tpu.memref_slice %arg3[%cond3A, %dma_start3A_210, %dma_start3A_211] : memref<2x2500x128xi32, #tpu.memory_space<hbm>> -> memref<1x2500x128xi32, #tpu.memory_space<hbm>>
        %dma_start3A_213 = tpu.memref_squeeze %dma_start3A_212 : memref<1x2500x128xi32, #tpu.memory_space<hbm>> -> memref<2500x128xi32, #tpu.memory_space<hbm>>
        %dma_start3A_214 = arith.constant 0 : i32
        %dma_start3A_215 = tpu.memref_slice %dma_start3A_213[%add3A_196, %dma_start3A_214] : memref<2500x128xi32, #tpu.memory_space<hbm>> -> memref<1x128xi32, #tpu.memory_space<hbm>>
        tpu.enqueue_dma source(%dma_start3A_215 : memref<1x128xi32, #tpu.memory_space<hbm>>) target(%dma_start3A_209 : memref<1x128xi32, #tpu.memory_space<vmem>>) target_semaphore(%run_scoped3A_197 : memref<!tpu.dma_semaphore, #tpu.memory_space<semaphore_mem>>)
        %dma_wait3A_216 = arith.constant 78 : i32
        %dma_wait3A_217 = arith.constant 0 : i32
        %dma_wait3A_218 = tpu.memref_slice %arg8[%dma_wait3A_216, %dma_wait3A_217] : memref<79x128xi32, #tpu.memory_space<vmem>> -> memref<1x128xi32, #tpu.memory_space<vmem>>
        %dma_wait3A_219 = arith.constant 0 : i32
        %dma_wait3A_220 = arith.constant 0 : i32
        %dma_wait3A_221 = tpu.memref_slice %arg3[%cond3A, %dma_wait3A_219, %dma_wait3A_220] : memref<2x2500x128xi32, #tpu.memory_space<hbm>> -> memref<1x2500x128xi32, #tpu.memory_space<hbm>>
        %dma_wait3A_222 = tpu.memref_squeeze %dma_wait3A_221 : memref<1x2500x128xi32, #tpu.memory_space<hbm>> -> memref<2500x128xi32, #tpu.memory_space<hbm>>
        %dma_wait3A_223 = arith.constant 0 : i32
        %dma_wait3A_224 = tpu.memref_slice %dma_wait3A_222[%add3A_196, %dma_wait3A_223] : memref<2500x128xi32, #tpu.memory_space<hbm>> -> memref<1x128xi32, #tpu.memory_space<hbm>>
        %dma_wait3A_225 = arith.constant 78 : i32
        %dma_wait3A_226 = arith.constant 0 : i32
        %dma_wait3A_227 = tpu.memref_slice %arg8[%dma_wait3A_225, %dma_wait3A_226] : memref<79x128xi32, #tpu.memory_space<vmem>> -> memref<1x128xi32, #tpu.memory_space<vmem>>
        %dma_wait3A_228 = arith.constant 0 : i32
        %dma_wait3A_229 = arith.constant 0 : i32
        %dma_wait3A_230 = tpu.memref_slice %arg3[%cond3A, %dma_wait3A_228, %dma_wait3A_229] : memref<2x2500x128xi32, #tpu.memory_space<hbm>> -> memref<1x2500x128xi32, #tpu.memory_space<hbm>>
        %dma_wait3A_231 = tpu.memref_squeeze %dma_wait3A_230 : memref<1x2500x128xi32, #tpu.memory_space<hbm>> -> memref<2500x128xi32, #tpu.memory_space<hbm>>
        %dma_wait3A_232 = arith.constant 0 : i32
        %dma_wait3A_233 = tpu.memref_slice %dma_wait3A_231[%add3A_196, %dma_wait3A_232] : memref<2500x128xi32, #tpu.memory_space<hbm>> -> memref<1x128xi32, #tpu.memory_space<hbm>>
        tpu.wait_dma2 semaphore(%run_scoped3A_197 : memref<!tpu.dma_semaphore, #tpu.memory_space<semaphore_mem>>) src(%dma_wait3A_233 : memref<1x128xi32, #tpu.memory_space<hbm>>) dst(%dma_wait3A_227 : memref<1x128xi32, #tpu.memory_space<vmem>>)
        tpu.yield
      }) : () -> ()
    } else {
    }
    %run_scoped3A_63 = arith.constant 1 : i32
    "tpu.region"() ({
      %run_scoped3A_195 = tpu.sem_alloc : memref<!tpu.dma_semaphore, #tpu.memory_space<semaphore_mem>>
      %dma_start3A_196 = arith.constant 0 : i32
      %dma_start3A_197 = arith.constant 0 : i32
      %dma_start3A_198 = tpu.memref_slice %arg9[%dma_start3A_196, %dma_start3A_197] : memref<79x128xi32, #tpu.memory_space<vmem>> -> memref<78x128xi32, #tpu.memory_space<vmem>>
      %dma_start3A_199 = arith.constant 0 : i32
      %dma_start3A_200 = arith.constant 0 : i32
      %dma_start3A_201 = tpu.memref_slice %arg3[%run_scoped3A_63, %dma_start3A_199, %dma_start3A_200] : memref<2x2500x128xi32, #tpu.memory_space<hbm>> -> memref<1x2500x128xi32, #tpu.memory_space<hbm>>
      %dma_start3A_202 = tpu.memref_squeeze %dma_start3A_201 : memref<1x2500x128xi32, #tpu.memory_space<hbm>> -> memref<2500x128xi32, #tpu.memory_space<hbm>>
      %dma_start3A_203 = arith.constant 0 : i32
      %dma_start3A_204 = tpu.memref_slice %dma_start3A_202[%add3A_4, %dma_start3A_203] : memref<2500x128xi32, #tpu.memory_space<hbm>> -> memref<78x128xi32, #tpu.memory_space<hbm>>
      %dma_start3A_205 = arith.constant 0 : i32
      %dma_start3A_206 = arith.constant 0 : i32
      %dma_start3A_207 = tpu.memref_slice %arg9[%dma_start3A_205, %dma_start3A_206] : memref<79x128xi32, #tpu.memory_space<vmem>> -> memref<78x128xi32, #tpu.memory_space<vmem>>
      %dma_start3A_208 = arith.constant 0 : i32
      %dma_start3A_209 = arith.constant 0 : i32
      %dma_start3A_210 = tpu.memref_slice %arg3[%run_scoped3A_63, %dma_start3A_208, %dma_start3A_209] : memref<2x2500x128xi32, #tpu.memory_space<hbm>> -> memref<1x2500x128xi32, #tpu.memory_space<hbm>>
      %dma_start3A_211 = tpu.memref_squeeze %dma_start3A_210 : memref<1x2500x128xi32, #tpu.memory_space<hbm>> -> memref<2500x128xi32, #tpu.memory_space<hbm>>
      %dma_start3A_212 = arith.constant 0 : i32
      %dma_start3A_213 = tpu.memref_slice %dma_start3A_211[%add3A_4, %dma_start3A_212] : memref<2500x128xi32, #tpu.memory_space<hbm>> -> memref<78x128xi32, #tpu.memory_space<hbm>>
      tpu.enqueue_dma source(%dma_start3A_213 : memref<78x128xi32, #tpu.memory_space<hbm>>) target(%dma_start3A_207 : memref<78x128xi32, #tpu.memory_space<vmem>>) target_semaphore(%run_scoped3A_195 : memref<!tpu.dma_semaphore, #tpu.memory_space<semaphore_mem>>)
      %dma_wait3A_214 = arith.constant 0 : i32
      %dma_wait3A_215 = arith.constant 0 : i32
      %dma_wait3A_216 = tpu.memref_slice %arg9[%dma_wait3A_214, %dma_wait3A_215] : memref<79x128xi32, #tpu.memory_space<vmem>> -> memref<78x128xi32, #tpu.memory_space<vmem>>
      %dma_wait3A_217 = arith.constant 0 : i32
      %dma_wait3A_218 = arith.constant 0 : i32
      %dma_wait3A_219 = tpu.memref_slice %arg3[%run_scoped3A_63, %dma_wait3A_217, %dma_wait3A_218] : memref<2x2500x128xi32, #tpu.memory_space<hbm>> -> memref<1x2500x128xi32, #tpu.memory_space<hbm>>
      %dma_wait3A_220 = tpu.memref_squeeze %dma_wait3A_219 : memref<1x2500x128xi32, #tpu.memory_space<hbm>> -> memref<2500x128xi32, #tpu.memory_space<hbm>>
      %dma_wait3A_221 = arith.constant 0 : i32
      %dma_wait3A_222 = tpu.memref_slice %dma_wait3A_220[%add3A_4, %dma_wait3A_221] : memref<2500x128xi32, #tpu.memory_space<hbm>> -> memref<78x128xi32, #tpu.memory_space<hbm>>
      %dma_wait3A_223 = arith.constant 0 : i32
      %dma_wait3A_224 = arith.constant 0 : i32
      %dma_wait3A_225 = tpu.memref_slice %arg9[%dma_wait3A_223, %dma_wait3A_224] : memref<79x128xi32, #tpu.memory_space<vmem>> -> memref<78x128xi32, #tpu.memory_space<vmem>>
      %dma_wait3A_226 = arith.constant 0 : i32
      %dma_wait3A_227 = arith.constant 0 : i32
      %dma_wait3A_228 = tpu.memref_slice %arg3[%run_scoped3A_63, %dma_wait3A_226, %dma_wait3A_227] : memref<2x2500x128xi32, #tpu.memory_space<hbm>> -> memref<1x2500x128xi32, #tpu.memory_space<hbm>>
      %dma_wait3A_229 = tpu.memref_squeeze %dma_wait3A_228 : memref<1x2500x128xi32, #tpu.memory_space<hbm>> -> memref<2500x128xi32, #tpu.memory_space<hbm>>
      %dma_wait3A_230 = arith.constant 0 : i32
      %dma_wait3A_231 = tpu.memref_slice %dma_wait3A_229[%add3A_4, %dma_wait3A_230] : memref<2500x128xi32, #tpu.memory_space<hbm>> -> memref<78x128xi32, #tpu.memory_space<hbm>>
      tpu.wait_dma2 semaphore(%run_scoped3A_195 : memref<!tpu.dma_semaphore, #tpu.memory_space<semaphore_mem>>) src(%dma_wait3A_231 : memref<78x128xi32, #tpu.memory_space<hbm>>) dst(%dma_wait3A_225 : memref<78x128xi32, #tpu.memory_space<vmem>>)
      tpu.yield
    }) : () -> ()
    %lt3A_64 = arith.constant 4 : i32
    %lt3A_65 = arith.cmpi slt, %add3A, %lt3A_64 : i32
    %convert_element_type3A_66 = arith.extui %lt3A_65 : i1 to i32
    %cond3A_67 = arith.constant 1 : i32
    %cond3A_68 = arith.constant 0 : i32
    %cond3A_69 = arith.cmpi ne, %convert_element_type3A_66, %cond3A_68 : i32
    scf.if %cond3A_69 {
      %add3A_195 = arith.constant 78 : i32
      %add3A_196 = arith.addi %add3A_4, %add3A_195 : i32
      "tpu.region"() ({
        %run_scoped3A_197 = tpu.sem_alloc : memref<!tpu.dma_semaphore, #tpu.memory_space<semaphore_mem>>
        %dma_start3A_198 = arith.constant 78 : i32
        %dma_start3A_199 = arith.constant 0 : i32
        %dma_start3A_200 = tpu.memref_slice %arg9[%dma_start3A_198, %dma_start3A_199] : memref<79x128xi32, #tpu.memory_space<vmem>> -> memref<1x128xi32, #tpu.memory_space<vmem>>
        %dma_start3A_201 = arith.constant 0 : i32
        %dma_start3A_202 = arith.constant 0 : i32
        %dma_start3A_203 = tpu.memref_slice %arg3[%cond3A_67, %dma_start3A_201, %dma_start3A_202] : memref<2x2500x128xi32, #tpu.memory_space<hbm>> -> memref<1x2500x128xi32, #tpu.memory_space<hbm>>
        %dma_start3A_204 = tpu.memref_squeeze %dma_start3A_203 : memref<1x2500x128xi32, #tpu.memory_space<hbm>> -> memref<2500x128xi32, #tpu.memory_space<hbm>>
        %dma_start3A_205 = arith.constant 0 : i32
        %dma_start3A_206 = tpu.memref_slice %dma_start3A_204[%add3A_196, %dma_start3A_205] : memref<2500x128xi32, #tpu.memory_space<hbm>> -> memref<1x128xi32, #tpu.memory_space<hbm>>
        %dma_start3A_207 = arith.constant 78 : i32
        %dma_start3A_208 = arith.constant 0 : i32
        %dma_start3A_209 = tpu.memref_slice %arg9[%dma_start3A_207, %dma_start3A_208] : memref<79x128xi32, #tpu.memory_space<vmem>> -> memref<1x128xi32, #tpu.memory_space<vmem>>
        %dma_start3A_210 = arith.constant 0 : i32
        %dma_start3A_211 = arith.constant 0 : i32
        %dma_start3A_212 = tpu.memref_slice %arg3[%cond3A_67, %dma_start3A_210, %dma_start3A_211] : memref<2x2500x128xi32, #tpu.memory_space<hbm>> -> memref<1x2500x128xi32, #tpu.memory_space<hbm>>
        %dma_start3A_213 = tpu.memref_squeeze %dma_start3A_212 : memref<1x2500x128xi32, #tpu.memory_space<hbm>> -> memref<2500x128xi32, #tpu.memory_space<hbm>>
        %dma_start3A_214 = arith.constant 0 : i32
        %dma_start3A_215 = tpu.memref_slice %dma_start3A_213[%add3A_196, %dma_start3A_214] : memref<2500x128xi32, #tpu.memory_space<hbm>> -> memref<1x128xi32, #tpu.memory_space<hbm>>
        tpu.enqueue_dma source(%dma_start3A_215 : memref<1x128xi32, #tpu.memory_space<hbm>>) target(%dma_start3A_209 : memref<1x128xi32, #tpu.memory_space<vmem>>) target_semaphore(%run_scoped3A_197 : memref<!tpu.dma_semaphore, #tpu.memory_space<semaphore_mem>>)
        %dma_wait3A_216 = arith.constant 78 : i32
        %dma_wait3A_217 = arith.constant 0 : i32
        %dma_wait3A_218 = tpu.memref_slice %arg9[%dma_wait3A_216, %dma_wait3A_217] : memref<79x128xi32, #tpu.memory_space<vmem>> -> memref<1x128xi32, #tpu.memory_space<vmem>>
        %dma_wait3A_219 = arith.constant 0 : i32
        %dma_wait3A_220 = arith.constant 0 : i32
        %dma_wait3A_221 = tpu.memref_slice %arg3[%cond3A_67, %dma_wait3A_219, %dma_wait3A_220] : memref<2x2500x128xi32, #tpu.memory_space<hbm>> -> memref<1x2500x128xi32, #tpu.memory_space<hbm>>
        %dma_wait3A_222 = tpu.memref_squeeze %dma_wait3A_221 : memref<1x2500x128xi32, #tpu.memory_space<hbm>> -> memref<2500x128xi32, #tpu.memory_space<hbm>>
        %dma_wait3A_223 = arith.constant 0 : i32
        %dma_wait3A_224 = tpu.memref_slice %dma_wait3A_222[%add3A_196, %dma_wait3A_223] : memref<2500x128xi32, #tpu.memory_space<hbm>> -> memref<1x128xi32, #tpu.memory_space<hbm>>
        %dma_wait3A_225 = arith.constant 78 : i32
        %dma_wait3A_226 = arith.constant 0 : i32
        %dma_wait3A_227 = tpu.memref_slice %arg9[%dma_wait3A_225, %dma_wait3A_226] : memref<79x128xi32, #tpu.memory_space<vmem>> -> memref<1x128xi32, #tpu.memory_space<vmem>>
        %dma_wait3A_228 = arith.constant 0 : i32
        %dma_wait3A_229 = arith.constant 0 : i32
        %dma_wait3A_230 = tpu.memref_slice %arg3[%cond3A_67, %dma_wait3A_228, %dma_wait3A_229] : memref<2x2500x128xi32, #tpu.memory_space<hbm>> -> memref<1x2500x128xi32, #tpu.memory_space<hbm>>
        %dma_wait3A_231 = tpu.memref_squeeze %dma_wait3A_230 : memref<1x2500x128xi32, #tpu.memory_space<hbm>> -> memref<2500x128xi32, #tpu.memory_space<hbm>>
        %dma_wait3A_232 = arith.constant 0 : i32
        %dma_wait3A_233 = tpu.memref_slice %dma_wait3A_231[%add3A_196, %dma_wait3A_232] : memref<2500x128xi32, #tpu.memory_space<hbm>> -> memref<1x128xi32, #tpu.memory_space<hbm>>
        tpu.wait_dma2 semaphore(%run_scoped3A_197 : memref<!tpu.dma_semaphore, #tpu.memory_space<semaphore_mem>>) src(%dma_wait3A_233 : memref<1x128xi32, #tpu.memory_space<hbm>>) dst(%dma_wait3A_227 : memref<1x128xi32, #tpu.memory_space<vmem>>)
        tpu.yield
      }) : () -> ()
    } else {
    }
    %barrier3A = arith.constant 0 : index
    tpu.barrier barrier_id(%barrier3A)
    %dma_start3A = arith.constant 0 : i32
    %dma_start3A_70 = arith.constant 0 : i32
    %dma_start3A_71 = tpu.memref_slice %arg8[%dma_start3A, %dma_start3A_70] : memref<79x128xi32, #tpu.memory_space<vmem>> -> memref<1x128xi32, #tpu.memory_space<vmem>>
    %dma_start3A_72 = tpu.memref_squeeze %dma_start3A_71 : memref<1x128xi32, #tpu.memory_space<vmem>> -> memref<128xi32, #tpu.memory_space<vmem>>
    %dma_start3A_73 = arith.constant 0 : i32
    %dma_start3A_74 = arith.constant 0 : i32
    %dma_start3A_75 = tpu.memref_slice %arg2[%dma_start3A_73, %dma_start3A_74] : memref<10000x64xf32, #tpu.memory_space<hbm>> -> memref<10000x64xf32, #tpu.memory_space<hbm>>
    tpu.enqueue_indirect_dma source(%dma_start3A_75 : memref<10000x64xf32, #tpu.memory_space<hbm>>) target(%arg10 : memref<128x64xf32, #tpu.memory_space<vmem>>) offsets(%dma_start3A_72 : memref<128xi32, #tpu.memory_space<vmem>>) semaphore(%arg21 : memref<!tpu.dma_semaphore, #tpu.memory_space<semaphore_mem>>)
    %dma_start3A_76 = arith.constant 1 : i32
    %dma_start3A_77 = arith.constant 0 : i32
    %dma_start3A_78 = tpu.memref_slice %arg8[%dma_start3A_76, %dma_start3A_77] : memref<79x128xi32, #tpu.memory_space<vmem>> -> memref<1x128xi32, #tpu.memory_space<vmem>>
    %dma_start3A_79 = tpu.memref_squeeze %dma_start3A_78 : memref<1x128xi32, #tpu.memory_space<vmem>> -> memref<128xi32, #tpu.memory_space<vmem>>
    %dma_start3A_80 = arith.constant 0 : i32
    %dma_start3A_81 = arith.constant 0 : i32
    %dma_start3A_82 = tpu.memref_slice %arg2[%dma_start3A_80, %dma_start3A_81] : memref<10000x64xf32, #tpu.memory_space<hbm>> -> memref<10000x64xf32, #tpu.memory_space<hbm>>
    tpu.enqueue_indirect_dma source(%dma_start3A_82 : memref<10000x64xf32, #tpu.memory_space<hbm>>) target(%arg11 : memref<128x64xf32, #tpu.memory_space<vmem>>) offsets(%dma_start3A_79 : memref<128xi32, #tpu.memory_space<vmem>>) semaphore(%arg22 : memref<!tpu.dma_semaphore, #tpu.memory_space<semaphore_mem>>)
    %dma_start3A_83 = arith.constant 2 : i32
    %dma_start3A_84 = arith.constant 0 : i32
    %dma_start3A_85 = tpu.memref_slice %arg8[%dma_start3A_83, %dma_start3A_84] : memref<79x128xi32, #tpu.memory_space<vmem>> -> memref<1x128xi32, #tpu.memory_space<vmem>>
    %dma_start3A_86 = tpu.memref_squeeze %dma_start3A_85 : memref<1x128xi32, #tpu.memory_space<vmem>> -> memref<128xi32, #tpu.memory_space<vmem>>
    %dma_start3A_87 = arith.constant 0 : i32
    %dma_start3A_88 = arith.constant 0 : i32
    %dma_start3A_89 = tpu.memref_slice %arg2[%dma_start3A_87, %dma_start3A_88] : memref<10000x64xf32, #tpu.memory_space<hbm>> -> memref<10000x64xf32, #tpu.memory_space<hbm>>
    tpu.enqueue_indirect_dma source(%dma_start3A_89 : memref<10000x64xf32, #tpu.memory_space<hbm>>) target(%arg12 : memref<128x64xf32, #tpu.memory_space<vmem>>) offsets(%dma_start3A_86 : memref<128xi32, #tpu.memory_space<vmem>>) semaphore(%arg23 : memref<!tpu.dma_semaphore, #tpu.memory_space<semaphore_mem>>)
    %dma_start3A_90 = arith.constant 3 : i32
    %dma_start3A_91 = arith.constant 0 : i32
    %dma_start3A_92 = tpu.memref_slice %arg8[%dma_start3A_90, %dma_start3A_91] : memref<79x128xi32, #tpu.memory_space<vmem>> -> memref<1x128xi32, #tpu.memory_space<vmem>>
    %dma_start3A_93 = tpu.memref_squeeze %dma_start3A_92 : memref<1x128xi32, #tpu.memory_space<vmem>> -> memref<128xi32, #tpu.memory_space<vmem>>
    %dma_start3A_94 = arith.constant 0 : i32
    %dma_start3A_95 = arith.constant 0 : i32
    %dma_start3A_96 = tpu.memref_slice %arg2[%dma_start3A_94, %dma_start3A_95] : memref<10000x64xf32, #tpu.memory_space<hbm>> -> memref<10000x64xf32, #tpu.memory_space<hbm>>
    tpu.enqueue_indirect_dma source(%dma_start3A_96 : memref<10000x64xf32, #tpu.memory_space<hbm>>) target(%arg13 : memref<128x64xf32, #tpu.memory_space<vmem>>) offsets(%dma_start3A_93 : memref<128xi32, #tpu.memory_space<vmem>>) semaphore(%arg24 : memref<!tpu.dma_semaphore, #tpu.memory_space<semaphore_mem>>)
    %dma_start3A_97 = arith.constant 4 : i32
    %dma_start3A_98 = arith.constant 0 : i32
    %dma_start3A_99 = tpu.memref_slice %arg8[%dma_start3A_97, %dma_start3A_98] : memref<79x128xi32, #tpu.memory_space<vmem>> -> memref<1x128xi32, #tpu.memory_space<vmem>>
    %dma_start3A_100 = tpu.memref_squeeze %dma_start3A_99 : memref<1x128xi32, #tpu.memory_space<vmem>> -> memref<128xi32, #tpu.memory_space<vmem>>
    %dma_start3A_101 = arith.constant 0 : i32
    %dma_start3A_102 = arith.constant 0 : i32
    %dma_start3A_103 = tpu.memref_slice %arg2[%dma_start3A_101, %dma_start3A_102] : memref<10000x64xf32, #tpu.memory_space<hbm>> -> memref<10000x64xf32, #tpu.memory_space<hbm>>
    tpu.enqueue_indirect_dma source(%dma_start3A_103 : memref<10000x64xf32, #tpu.memory_space<hbm>>) target(%arg14 : memref<128x64xf32, #tpu.memory_space<vmem>>) offsets(%dma_start3A_100 : memref<128xi32, #tpu.memory_space<vmem>>) semaphore(%arg25 : memref<!tpu.dma_semaphore, #tpu.memory_space<semaphore_mem>>)
    %dma_start3A_104 = arith.constant 5 : i32
    %dma_start3A_105 = arith.constant 0 : i32
    %dma_start3A_106 = tpu.memref_slice %arg8[%dma_start3A_104, %dma_start3A_105] : memref<79x128xi32, #tpu.memory_space<vmem>> -> memref<1x128xi32, #tpu.memory_space<vmem>>
    %dma_start3A_107 = tpu.memref_squeeze %dma_start3A_106 : memref<1x128xi32, #tpu.memory_space<vmem>> -> memref<128xi32, #tpu.memory_space<vmem>>
    %dma_start3A_108 = arith.constant 0 : i32
    %dma_start3A_109 = arith.constant 0 : i32
    %dma_start3A_110 = tpu.memref_slice %arg2[%dma_start3A_108, %dma_start3A_109] : memref<10000x64xf32, #tpu.memory_space<hbm>> -> memref<10000x64xf32, #tpu.memory_space<hbm>>
    tpu.enqueue_indirect_dma source(%dma_start3A_110 : memref<10000x64xf32, #tpu.memory_space<hbm>>) target(%arg15 : memref<128x64xf32, #tpu.memory_space<vmem>>) offsets(%dma_start3A_107 : memref<128xi32, #tpu.memory_space<vmem>>) semaphore(%arg26 : memref<!tpu.dma_semaphore, #tpu.memory_space<semaphore_mem>>)
    %dma_start3A_111 = arith.constant 6 : i32
    %dma_start3A_112 = arith.constant 0 : i32
    %dma_start3A_113 = tpu.memref_slice %arg8[%dma_start3A_111, %dma_start3A_112] : memref<79x128xi32, #tpu.memory_space<vmem>> -> memref<1x128xi32, #tpu.memory_space<vmem>>
    %dma_start3A_114 = tpu.memref_squeeze %dma_start3A_113 : memref<1x128xi32, #tpu.memory_space<vmem>> -> memref<128xi32, #tpu.memory_space<vmem>>
    %dma_start3A_115 = arith.constant 0 : i32
    %dma_start3A_116 = arith.constant 0 : i32
    %dma_start3A_117 = tpu.memref_slice %arg2[%dma_start3A_115, %dma_start3A_116] : memref<10000x64xf32, #tpu.memory_space<hbm>> -> memref<10000x64xf32, #tpu.memory_space<hbm>>
    tpu.enqueue_indirect_dma source(%dma_start3A_117 : memref<10000x64xf32, #tpu.memory_space<hbm>>) target(%arg16 : memref<128x64xf32, #tpu.memory_space<vmem>>) offsets(%dma_start3A_114 : memref<128xi32, #tpu.memory_space<vmem>>) semaphore(%arg27 : memref<!tpu.dma_semaphore, #tpu.memory_space<semaphore_mem>>)
    %dma_start3A_118 = arith.constant 7 : i32
    %dma_start3A_119 = arith.constant 0 : i32
    %dma_start3A_120 = tpu.memref_slice %arg8[%dma_start3A_118, %dma_start3A_119] : memref<79x128xi32, #tpu.memory_space<vmem>> -> memref<1x128xi32, #tpu.memory_space<vmem>>
    %dma_start3A_121 = tpu.memref_squeeze %dma_start3A_120 : memref<1x128xi32, #tpu.memory_space<vmem>> -> memref<128xi32, #tpu.memory_space<vmem>>
    %dma_start3A_122 = arith.constant 0 : i32
    %dma_start3A_123 = arith.constant 0 : i32
    %dma_start3A_124 = tpu.memref_slice %arg2[%dma_start3A_122, %dma_start3A_123] : memref<10000x64xf32, #tpu.memory_space<hbm>> -> memref<10000x64xf32, #tpu.memory_space<hbm>>
    tpu.enqueue_indirect_dma source(%dma_start3A_124 : memref<10000x64xf32, #tpu.memory_space<hbm>>) target(%arg17 : memref<128x64xf32, #tpu.memory_space<vmem>>) offsets(%dma_start3A_121 : memref<128xi32, #tpu.memory_space<vmem>>) semaphore(%arg28 : memref<!tpu.dma_semaphore, #tpu.memory_space<semaphore_mem>>)
    %scan3A = arith.constant 0 : i32
    %scan3A_125 = arith.constant 0 : i32
    %scan3A_126 = arith.constant 10 : i32
    %scan3A_127 = arith.addi %scan3A_125, %scan3A_126 : i32
    %scan3A_128 = arith.constant 1 : i32
    scf.for %scan3A_195 = %scan3A_125 to %scan3A_127 step %scan3A_128  : i32 {
      %mul3A_196 = arith.constant 8 : i32
      %mul3A_197 = arith.muli %scan3A_195, %mul3A_196 : i32
      %add3A_198 = arith.constant 0 : i32
      %add3A_199 = arith.addi %mul3A_197, %add3A_198 : i32
      %lt3A_200 = arith.cmpi slt, %add3A_199, %add3A_8 : i32
      %convert_element_type3A_201 = arith.extui %lt3A_200 : i1 to i32
      %cond3A_202 = arith.constant 0 : i32
      %cond3A_203 = arith.cmpi ne, %convert_element_type3A_201, %cond3A_202 : i32
      scf.if %cond3A_203 {
        %dma_wait3A_260 = arith.constant 0 : i32
        %dma_wait3A_261 = tpu.memref_slice %arg8[%add3A_199, %dma_wait3A_260] : memref<79x128xi32, #tpu.memory_space<vmem>> -> memref<1x128xi32, #tpu.memory_space<vmem>>
        %dma_wait3A_262 = tpu.memref_squeeze %dma_wait3A_261 : memref<1x128xi32, #tpu.memory_space<vmem>> -> memref<128xi32, #tpu.memory_space<vmem>>
        %dma_wait3A_263 = arith.constant 0 : i32
        %dma_wait3A_264 = arith.constant 0 : i32
        %dma_wait3A_265 = tpu.memref_slice %arg2[%dma_wait3A_263, %dma_wait3A_264] : memref<10000x64xf32, #tpu.memory_space<hbm>> -> memref<10000x64xf32, #tpu.memory_space<hbm>>
        tpu.wait_indirect_dma semaphore(%arg21 : memref<!tpu.dma_semaphore, #tpu.memory_space<semaphore_mem>>) src(%dma_wait3A_265 : memref<10000x64xf32, #tpu.memory_space<hbm>>) dst(%arg10 : memref<128x64xf32, #tpu.memory_space<vmem>>)
        %dma_start3A_266 = arith.constant 0 : i32
        %dma_start3A_267 = tpu.memref_slice %arg9[%add3A_199, %dma_start3A_266] : memref<79x128xi32, #tpu.memory_space<vmem>> -> memref<1x128xi32, #tpu.memory_space<vmem>>
        %dma_start3A_268 = tpu.memref_squeeze %dma_start3A_267 : memref<1x128xi32, #tpu.memory_space<vmem>> -> memref<128xi32, #tpu.memory_space<vmem>>
        %dma_start3A_269 = arith.constant 0 : i32
        %dma_start3A_270 = arith.constant 0 : i32
        %dma_start3A_271 = tpu.memref_slice %arg19[%dma_start3A_269, %dma_start3A_270] : memref<10000x64xf32, #tpu.memory_space<vmem_shared>> -> memref<10000x64xf32, #tpu.memory_space<vmem_shared>>
        tpu.enqueue_indirect_dma source(%arg10 : memref<128x64xf32, #tpu.memory_space<vmem>>) target(%dma_start3A_271 : memref<10000x64xf32, #tpu.memory_space<vmem_shared>>) offsets(%dma_start3A_268 : memref<128xi32, #tpu.memory_space<vmem>>) semaphore(%arg29 : memref<!tpu.dma_semaphore, #tpu.memory_space<semaphore_mem>>) {add = true}
        %dma_start3A_272 = arith.constant 0 : i32
        %dma_start3A_273 = tpu.memref_slice %arg9[%add3A_199, %dma_start3A_272] : memref<79x128xi32, #tpu.memory_space<vmem>> -> memref<1x128xi32, #tpu.memory_space<vmem>>
        %dma_start3A_274 = tpu.memref_squeeze %dma_start3A_273 : memref<1x128xi32, #tpu.memory_space<vmem>> -> memref<128xi32, #tpu.memory_space<vmem>>
        %dma_start3A_275 = arith.constant 0 : i32
        %dma_start3A_276 = tpu.memref_slice %arg20[%dma_start3A_275] : memref<10240xf32, #tpu.memory_space<vmem_shared>> -> memref<10240xf32, #tpu.memory_space<vmem_shared>>
        tpu.enqueue_indirect_dma source(%arg18 : memref<128xf32, #tpu.memory_space<vmem>>) target(%dma_start3A_276 : memref<10240xf32, #tpu.memory_space<vmem_shared>>) offsets(%dma_start3A_274 : memref<128xi32, #tpu.memory_space<vmem>>) semaphore(%arg37 : memref<!tpu.dma_semaphore, #tpu.memory_space<semaphore_mem>>) {add = true}
        %sub3A = arith.constant 4 : i32
        %sub3A_277 = arith.subi %add3A_199, %sub3A : i32
        %ge3A = arith.constant 0 : i32
        %ge3A_278 = arith.cmpi sge, %sub3A_277, %ge3A : i32
        %add3A_279 = arith.constant 8 : i32
        %add3A_280 = arith.addi %sub3A_277, %add3A_279 : i32
        %lt3A_281 = arith.cmpi slt, %add3A_280, %add3A_8 : i32
        %and3A = arith.andi %ge3A_278, %lt3A_281 : i1
        %convert_element_type3A_282 = arith.extui %and3A : i1 to i32
        %cond3A_283 = arith.constant 0 : i32
        %cond3A_284 = arith.cmpi ne, %convert_element_type3A_282, %cond3A_283 : i32
        scf.if %cond3A_284 {
          %dma_wait3A_285 = arith.constant 0 : i32
          %dma_wait3A_286 = arith.constant 0 : i32
          %dma_wait3A_287 = tpu.memref_slice %arg9[%dma_wait3A_285, %dma_wait3A_286] : memref<79x128xi32, #tpu.memory_space<vmem>> -> memref<1x128xi32, #tpu.memory_space<vmem>>
          %dma_wait3A_288 = tpu.memref_squeeze %dma_wait3A_287 : memref<1x128xi32, #tpu.memory_space<vmem>> -> memref<128xi32, #tpu.memory_space<vmem>>
          %dma_wait3A_289 = arith.constant 0 : i32
          %dma_wait3A_290 = arith.constant 0 : i32
          %dma_wait3A_291 = tpu.memref_slice %arg19[%dma_wait3A_289, %dma_wait3A_290] : memref<10000x64xf32, #tpu.memory_space<vmem_shared>> -> memref<10000x64xf32, #tpu.memory_space<vmem_shared>>
          tpu.wait_indirect_dma semaphore(%arg33 : memref<!tpu.dma_semaphore, #tpu.memory_space<semaphore_mem>>) src(%arg14 : memref<128x64xf32, #tpu.memory_space<vmem>>) dst(%dma_wait3A_291 : memref<10000x64xf32, #tpu.memory_space<vmem_shared>>)
          %add3A_292 = arith.constant 8 : i32
          %add3A_293 = arith.addi %sub3A_277, %add3A_292 : i32
          %dma_start3A_294 = arith.constant 0 : i32
          %dma_start3A_295 = tpu.memref_slice %arg8[%add3A_293, %dma_start3A_294] : memref<79x128xi32, #tpu.memory_space<vmem>> -> memref<1x128xi32, #tpu.memory_space<vmem>>
          %dma_start3A_296 = tpu.memref_squeeze %dma_start3A_295 : memref<1x128xi32, #tpu.memory_space<vmem>> -> memref<128xi32, #tpu.memory_space<vmem>>
          %dma_start3A_297 = arith.constant 0 : i32
          %dma_start3A_298 = arith.constant 0 : i32
          %dma_start3A_299 = tpu.memref_slice %arg2[%dma_start3A_297, %dma_start3A_298] : memref<10000x64xf32, #tpu.memory_space<hbm>> -> memref<10000x64xf32, #tpu.memory_space<hbm>>
          tpu.enqueue_indirect_dma source(%dma_start3A_299 : memref<10000x64xf32, #tpu.memory_space<hbm>>) target(%arg14 : memref<128x64xf32, #tpu.memory_space<vmem>>) offsets(%dma_start3A_296 : memref<128xi32, #tpu.memory_space<vmem>>) semaphore(%arg25 : memref<!tpu.dma_semaphore, #tpu.memory_space<semaphore_mem>>)
        } else {
        }
      } else {
      }
      %mul3A_204 = arith.constant 8 : i32
      %mul3A_205 = arith.muli %scan3A_195, %mul3A_204 : i32
      %add3A_206 = arith.constant 1 : i32
      %add3A_207 = arith.addi %mul3A_205, %add3A_206 : i32
      %lt3A_208 = arith.cmpi slt, %add3A_207, %add3A_8 : i32
      %convert_element_type3A_209 = arith.extui %lt3A_208 : i1 to i32
      %cond3A_210 = arith.constant 0 : i32
      %cond3A_211 = arith.cmpi ne, %convert_element_type3A_209, %cond3A_210 : i32
      scf.if %cond3A_211 {
        %dma_wait3A_260 = arith.constant 0 : i32
        %dma_wait3A_261 = tpu.memref_slice %arg8[%add3A_207, %dma_wait3A_260] : memref<79x128xi32, #tpu.memory_space<vmem>> -> memref<1x128xi32, #tpu.memory_space<vmem>>
        %dma_wait3A_262 = tpu.memref_squeeze %dma_wait3A_261 : memref<1x128xi32, #tpu.memory_space<vmem>> -> memref<128xi32, #tpu.memory_space<vmem>>
        %dma_wait3A_263 = arith.constant 0 : i32
        %dma_wait3A_264 = arith.constant 0 : i32
        %dma_wait3A_265 = tpu.memref_slice %arg2[%dma_wait3A_263, %dma_wait3A_264] : memref<10000x64xf32, #tpu.memory_space<hbm>> -> memref<10000x64xf32, #tpu.memory_space<hbm>>
        tpu.wait_indirect_dma semaphore(%arg22 : memref<!tpu.dma_semaphore, #tpu.memory_space<semaphore_mem>>) src(%dma_wait3A_265 : memref<10000x64xf32, #tpu.memory_space<hbm>>) dst(%arg11 : memref<128x64xf32, #tpu.memory_space<vmem>>)
        %dma_start3A_266 = arith.constant 0 : i32
        %dma_start3A_267 = tpu.memref_slice %arg9[%add3A_207, %dma_start3A_266] : memref<79x128xi32, #tpu.memory_space<vmem>> -> memref<1x128xi32, #tpu.memory_space<vmem>>
        %dma_start3A_268 = tpu.memref_squeeze %dma_start3A_267 : memref<1x128xi32, #tpu.memory_space<vmem>> -> memref<128xi32, #tpu.memory_space<vmem>>
        %dma_start3A_269 = arith.constant 0 : i32
        %dma_start3A_270 = arith.constant 0 : i32
        %dma_start3A_271 = tpu.memref_slice %arg19[%dma_start3A_269, %dma_start3A_270] : memref<10000x64xf32, #tpu.memory_space<vmem_shared>> -> memref<10000x64xf32, #tpu.memory_space<vmem_shared>>
        tpu.enqueue_indirect_dma source(%arg11 : memref<128x64xf32, #tpu.memory_space<vmem>>) target(%dma_start3A_271 : memref<10000x64xf32, #tpu.memory_space<vmem_shared>>) offsets(%dma_start3A_268 : memref<128xi32, #tpu.memory_space<vmem>>) semaphore(%arg30 : memref<!tpu.dma_semaphore, #tpu.memory_space<semaphore_mem>>) {add = true}
        %dma_start3A_272 = arith.constant 0 : i32
        %dma_start3A_273 = tpu.memref_slice %arg9[%add3A_207, %dma_start3A_272] : memref<79x128xi32, #tpu.memory_space<vmem>> -> memref<1x128xi32, #tpu.memory_space<vmem>>
        %dma_start3A_274 = tpu.memref_squeeze %dma_start3A_273 : memref<1x128xi32, #tpu.memory_space<vmem>> -> memref<128xi32, #tpu.memory_space<vmem>>
        %dma_start3A_275 = arith.constant 0 : i32
        %dma_start3A_276 = tpu.memref_slice %arg20[%dma_start3A_275] : memref<10240xf32, #tpu.memory_space<vmem_shared>> -> memref<10240xf32, #tpu.memory_space<vmem_shared>>
        tpu.enqueue_indirect_dma source(%arg18 : memref<128xf32, #tpu.memory_space<vmem>>) target(%dma_start3A_276 : memref<10240xf32, #tpu.memory_space<vmem_shared>>) offsets(%dma_start3A_274 : memref<128xi32, #tpu.memory_space<vmem>>) semaphore(%arg37 : memref<!tpu.dma_semaphore, #tpu.memory_space<semaphore_mem>>) {add = true}
        %sub3A = arith.constant 4 : i32
        %sub3A_277 = arith.subi %add3A_207, %sub3A : i32
        %ge3A = arith.constant 0 : i32
        %ge3A_278 = arith.cmpi sge, %sub3A_277, %ge3A : i32
        %add3A_279 = arith.constant 8 : i32
        %add3A_280 = arith.addi %sub3A_277, %add3A_279 : i32
        %lt3A_281 = arith.cmpi slt, %add3A_280, %add3A_8 : i32
        %and3A = arith.andi %ge3A_278, %lt3A_281 : i1
        %convert_element_type3A_282 = arith.extui %and3A : i1 to i32
        %cond3A_283 = arith.constant 0 : i32
        %cond3A_284 = arith.cmpi ne, %convert_element_type3A_282, %cond3A_283 : i32
        scf.if %cond3A_284 {
          %dma_wait3A_285 = arith.constant 0 : i32
          %dma_wait3A_286 = arith.constant 0 : i32
          %dma_wait3A_287 = tpu.memref_slice %arg9[%dma_wait3A_285, %dma_wait3A_286] : memref<79x128xi32, #tpu.memory_space<vmem>> -> memref<1x128xi32, #tpu.memory_space<vmem>>
          %dma_wait3A_288 = tpu.memref_squeeze %dma_wait3A_287 : memref<1x128xi32, #tpu.memory_space<vmem>> -> memref<128xi32, #tpu.memory_space<vmem>>
          %dma_wait3A_289 = arith.constant 0 : i32
          %dma_wait3A_290 = arith.constant 0 : i32
          %dma_wait3A_291 = tpu.memref_slice %arg19[%dma_wait3A_289, %dma_wait3A_290] : memref<10000x64xf32, #tpu.memory_space<vmem_shared>> -> memref<10000x64xf32, #tpu.memory_space<vmem_shared>>
          tpu.wait_indirect_dma semaphore(%arg34 : memref<!tpu.dma_semaphore, #tpu.memory_space<semaphore_mem>>) src(%arg15 : memref<128x64xf32, #tpu.memory_space<vmem>>) dst(%dma_wait3A_291 : memref<10000x64xf32, #tpu.memory_space<vmem_shared>>)
          %add3A_292 = arith.constant 8 : i32
          %add3A_293 = arith.addi %sub3A_277, %add3A_292 : i32
          %dma_start3A_294 = arith.constant 0 : i32
          %dma_start3A_295 = tpu.memref_slice %arg8[%add3A_293, %dma_start3A_294] : memref<79x128xi32, #tpu.memory_space<vmem>> -> memref<1x128xi32, #tpu.memory_space<vmem>>
          %dma_start3A_296 = tpu.memref_squeeze %dma_start3A_295 : memref<1x128xi32, #tpu.memory_space<vmem>> -> memref<128xi32, #tpu.memory_space<vmem>>
          %dma_start3A_297 = arith.constant 0 : i32
          %dma_start3A_298 = arith.constant 0 : i32
          %dma_start3A_299 = tpu.memref_slice %arg2[%dma_start3A_297, %dma_start3A_298] : memref<10000x64xf32, #tpu.memory_space<hbm>> -> memref<10000x64xf32, #tpu.memory_space<hbm>>
          tpu.enqueue_indirect_dma source(%dma_start3A_299 : memref<10000x64xf32, #tpu.memory_space<hbm>>) target(%arg15 : memref<128x64xf32, #tpu.memory_space<vmem>>) offsets(%dma_start3A_296 : memref<128xi32, #tpu.memory_space<vmem>>) semaphore(%arg26 : memref<!tpu.dma_semaphore, #tpu.memory_space<semaphore_mem>>)
        } else {
        }
      } else {
      }
      %mul3A_212 = arith.constant 8 : i32
      %mul3A_213 = arith.muli %scan3A_195, %mul3A_212 : i32
      %add3A_214 = arith.constant 2 : i32
      %add3A_215 = arith.addi %mul3A_213, %add3A_214 : i32
      %lt3A_216 = arith.cmpi slt, %add3A_215, %add3A_8 : i32
      %convert_element_type3A_217 = arith.extui %lt3A_216 : i1 to i32
      %cond3A_218 = arith.constant 0 : i32
      %cond3A_219 = arith.cmpi ne, %convert_element_type3A_217, %cond3A_218 : i32
      scf.if %cond3A_219 {
        %dma_wait3A_260 = arith.constant 0 : i32
        %dma_wait3A_261 = tpu.memref_slice %arg8[%add3A_215, %dma_wait3A_260] : memref<79x128xi32, #tpu.memory_space<vmem>> -> memref<1x128xi32, #tpu.memory_space<vmem>>
        %dma_wait3A_262 = tpu.memref_squeeze %dma_wait3A_261 : memref<1x128xi32, #tpu.memory_space<vmem>> -> memref<128xi32, #tpu.memory_space<vmem>>
        %dma_wait3A_263 = arith.constant 0 : i32
        %dma_wait3A_264 = arith.constant 0 : i32
        %dma_wait3A_265 = tpu.memref_slice %arg2[%dma_wait3A_263, %dma_wait3A_264] : memref<10000x64xf32, #tpu.memory_space<hbm>> -> memref<10000x64xf32, #tpu.memory_space<hbm>>
        tpu.wait_indirect_dma semaphore(%arg23 : memref<!tpu.dma_semaphore, #tpu.memory_space<semaphore_mem>>) src(%dma_wait3A_265 : memref<10000x64xf32, #tpu.memory_space<hbm>>) dst(%arg12 : memref<128x64xf32, #tpu.memory_space<vmem>>)
        %dma_start3A_266 = arith.constant 0 : i32
        %dma_start3A_267 = tpu.memref_slice %arg9[%add3A_215, %dma_start3A_266] : memref<79x128xi32, #tpu.memory_space<vmem>> -> memref<1x128xi32, #tpu.memory_space<vmem>>
        %dma_start3A_268 = tpu.memref_squeeze %dma_start3A_267 : memref<1x128xi32, #tpu.memory_space<vmem>> -> memref<128xi32, #tpu.memory_space<vmem>>
        %dma_start3A_269 = arith.constant 0 : i32
        %dma_start3A_270 = arith.constant 0 : i32
        %dma_start3A_271 = tpu.memref_slice %arg19[%dma_start3A_269, %dma_start3A_270] : memref<10000x64xf32, #tpu.memory_space<vmem_shared>> -> memref<10000x64xf32, #tpu.memory_space<vmem_shared>>
        tpu.enqueue_indirect_dma source(%arg12 : memref<128x64xf32, #tpu.memory_space<vmem>>) target(%dma_start3A_271 : memref<10000x64xf32, #tpu.memory_space<vmem_shared>>) offsets(%dma_start3A_268 : memref<128xi32, #tpu.memory_space<vmem>>) semaphore(%arg31 : memref<!tpu.dma_semaphore, #tpu.memory_space<semaphore_mem>>) {add = true}
        %dma_start3A_272 = arith.constant 0 : i32
        %dma_start3A_273 = tpu.memref_slice %arg9[%add3A_215, %dma_start3A_272] : memref<79x128xi32, #tpu.memory_space<vmem>> -> memref<1x128xi32, #tpu.memory_space<vmem>>
        %dma_start3A_274 = tpu.memref_squeeze %dma_start3A_273 : memref<1x128xi32, #tpu.memory_space<vmem>> -> memref<128xi32, #tpu.memory_space<vmem>>
        %dma_start3A_275 = arith.constant 0 : i32
        %dma_start3A_276 = tpu.memref_slice %arg20[%dma_start3A_275] : memref<10240xf32, #tpu.memory_space<vmem_shared>> -> memref<10240xf32, #tpu.memory_space<vmem_shared>>
        tpu.enqueue_indirect_dma source(%arg18 : memref<128xf32, #tpu.memory_space<vmem>>) target(%dma_start3A_276 : memref<10240xf32, #tpu.memory_space<vmem_shared>>) offsets(%dma_start3A_274 : memref<128xi32, #tpu.memory_space<vmem>>) semaphore(%arg37 : memref<!tpu.dma_semaphore, #tpu.memory_space<semaphore_mem>>) {add = true}
        %sub3A = arith.constant 4 : i32
        %sub3A_277 = arith.subi %add3A_215, %sub3A : i32
        %ge3A = arith.constant 0 : i32
        %ge3A_278 = arith.cmpi sge, %sub3A_277, %ge3A : i32
        %add3A_279 = arith.constant 8 : i32
        %add3A_280 = arith.addi %sub3A_277, %add3A_279 : i32
        %lt3A_281 = arith.cmpi slt, %add3A_280, %add3A_8 : i32
        %and3A = arith.andi %ge3A_278, %lt3A_281 : i1
        %convert_element_type3A_282 = arith.extui %and3A : i1 to i32
        %cond3A_283 = arith.constant 0 : i32
        %cond3A_284 = arith.cmpi ne, %convert_element_type3A_282, %cond3A_283 : i32
        scf.if %cond3A_284 {
          %dma_wait3A_285 = arith.constant 0 : i32
          %dma_wait3A_286 = arith.constant 0 : i32
          %dma_wait3A_287 = tpu.memref_slice %arg9[%dma_wait3A_285, %dma_wait3A_286] : memref<79x128xi32, #tpu.memory_space<vmem>> -> memref<1x128xi32, #tpu.memory_space<vmem>>
          %dma_wait3A_288 = tpu.memref_squeeze %dma_wait3A_287 : memref<1x128xi32, #tpu.memory_space<vmem>> -> memref<128xi32, #tpu.memory_space<vmem>>
          %dma_wait3A_289 = arith.constant 0 : i32
          %dma_wait3A_290 = arith.constant 0 : i32
          %dma_wait3A_291 = tpu.memref_slice %arg19[%dma_wait3A_289, %dma_wait3A_290] : memref<10000x64xf32, #tpu.memory_space<vmem_shared>> -> memref<10000x64xf32, #tpu.memory_space<vmem_shared>>
          tpu.wait_indirect_dma semaphore(%arg35 : memref<!tpu.dma_semaphore, #tpu.memory_space<semaphore_mem>>) src(%arg16 : memref<128x64xf32, #tpu.memory_space<vmem>>) dst(%dma_wait3A_291 : memref<10000x64xf32, #tpu.memory_space<vmem_shared>>)
          %add3A_292 = arith.constant 8 : i32
          %add3A_293 = arith.addi %sub3A_277, %add3A_292 : i32
          %dma_start3A_294 = arith.constant 0 : i32
          %dma_start3A_295 = tpu.memref_slice %arg8[%add3A_293, %dma_start3A_294] : memref<79x128xi32, #tpu.memory_space<vmem>> -> memref<1x128xi32, #tpu.memory_space<vmem>>
          %dma_start3A_296 = tpu.memref_squeeze %dma_start3A_295 : memref<1x128xi32, #tpu.memory_space<vmem>> -> memref<128xi32, #tpu.memory_space<vmem>>
          %dma_start3A_297 = arith.constant 0 : i32
          %dma_start3A_298 = arith.constant 0 : i32
          %dma_start3A_299 = tpu.memref_slice %arg2[%dma_start3A_297, %dma_start3A_298] : memref<10000x64xf32, #tpu.memory_space<hbm>> -> memref<10000x64xf32, #tpu.memory_space<hbm>>
          tpu.enqueue_indirect_dma source(%dma_start3A_299 : memref<10000x64xf32, #tpu.memory_space<hbm>>) target(%arg16 : memref<128x64xf32, #tpu.memory_space<vmem>>) offsets(%dma_start3A_296 : memref<128xi32, #tpu.memory_space<vmem>>) semaphore(%arg27 : memref<!tpu.dma_semaphore, #tpu.memory_space<semaphore_mem>>)
        } else {
        }
      } else {
      }
      %mul3A_220 = arith.constant 8 : i32
      %mul3A_221 = arith.muli %scan3A_195, %mul3A_220 : i32
      %add3A_222 = arith.constant 3 : i32
      %add3A_223 = arith.addi %mul3A_221, %add3A_222 : i32
      %lt3A_224 = arith.cmpi slt, %add3A_223, %add3A_8 : i32
      %convert_element_type3A_225 = arith.extui %lt3A_224 : i1 to i32
      %cond3A_226 = arith.constant 0 : i32
      %cond3A_227 = arith.cmpi ne, %convert_element_type3A_225, %cond3A_226 : i32
      scf.if %cond3A_227 {
        %dma_wait3A_260 = arith.constant 0 : i32
        %dma_wait3A_261 = tpu.memref_slice %arg8[%add3A_223, %dma_wait3A_260] : memref<79x128xi32, #tpu.memory_space<vmem>> -> memref<1x128xi32, #tpu.memory_space<vmem>>
        %dma_wait3A_262 = tpu.memref_squeeze %dma_wait3A_261 : memref<1x128xi32, #tpu.memory_space<vmem>> -> memref<128xi32, #tpu.memory_space<vmem>>
        %dma_wait3A_263 = arith.constant 0 : i32
        %dma_wait3A_264 = arith.constant 0 : i32
        %dma_wait3A_265 = tpu.memref_slice %arg2[%dma_wait3A_263, %dma_wait3A_264] : memref<10000x64xf32, #tpu.memory_space<hbm>> -> memref<10000x64xf32, #tpu.memory_space<hbm>>
        tpu.wait_indirect_dma semaphore(%arg24 : memref<!tpu.dma_semaphore, #tpu.memory_space<semaphore_mem>>) src(%dma_wait3A_265 : memref<10000x64xf32, #tpu.memory_space<hbm>>) dst(%arg13 : memref<128x64xf32, #tpu.memory_space<vmem>>)
        %dma_start3A_266 = arith.constant 0 : i32
        %dma_start3A_267 = tpu.memref_slice %arg9[%add3A_223, %dma_start3A_266] : memref<79x128xi32, #tpu.memory_space<vmem>> -> memref<1x128xi32, #tpu.memory_space<vmem>>
        %dma_start3A_268 = tpu.memref_squeeze %dma_start3A_267 : memref<1x128xi32, #tpu.memory_space<vmem>> -> memref<128xi32, #tpu.memory_space<vmem>>
        %dma_start3A_269 = arith.constant 0 : i32
        %dma_start3A_270 = arith.constant 0 : i32
        %dma_start3A_271 = tpu.memref_slice %arg19[%dma_start3A_269, %dma_start3A_270] : memref<10000x64xf32, #tpu.memory_space<vmem_shared>> -> memref<10000x64xf32, #tpu.memory_space<vmem_shared>>
        tpu.enqueue_indirect_dma source(%arg13 : memref<128x64xf32, #tpu.memory_space<vmem>>) target(%dma_start3A_271 : memref<10000x64xf32, #tpu.memory_space<vmem_shared>>) offsets(%dma_start3A_268 : memref<128xi32, #tpu.memory_space<vmem>>) semaphore(%arg32 : memref<!tpu.dma_semaphore, #tpu.memory_space<semaphore_mem>>) {add = true}
        %dma_start3A_272 = arith.constant 0 : i32
        %dma_start3A_273 = tpu.memref_slice %arg9[%add3A_223, %dma_start3A_272] : memref<79x128xi32, #tpu.memory_space<vmem>> -> memref<1x128xi32, #tpu.memory_space<vmem>>
        %dma_start3A_274 = tpu.memref_squeeze %dma_start3A_273 : memref<1x128xi32, #tpu.memory_space<vmem>> -> memref<128xi32, #tpu.memory_space<vmem>>
        %dma_start3A_275 = arith.constant 0 : i32
        %dma_start3A_276 = tpu.memref_slice %arg20[%dma_start3A_275] : memref<10240xf32, #tpu.memory_space<vmem_shared>> -> memref<10240xf32, #tpu.memory_space<vmem_shared>>
        tpu.enqueue_indirect_dma source(%arg18 : memref<128xf32, #tpu.memory_space<vmem>>) target(%dma_start3A_276 : memref<10240xf32, #tpu.memory_space<vmem_shared>>) offsets(%dma_start3A_274 : memref<128xi32, #tpu.memory_space<vmem>>) semaphore(%arg37 : memref<!tpu.dma_semaphore, #tpu.memory_space<semaphore_mem>>) {add = true}
        %sub3A = arith.constant 4 : i32
        %sub3A_277 = arith.subi %add3A_223, %sub3A : i32
        %ge3A = arith.constant 0 : i32
        %ge3A_278 = arith.cmpi sge, %sub3A_277, %ge3A : i32
        %add3A_279 = arith.constant 8 : i32
        %add3A_280 = arith.addi %sub3A_277, %add3A_279 : i32
        %lt3A_281 = arith.cmpi slt, %add3A_280, %add3A_8 : i32
        %and3A = arith.andi %ge3A_278, %lt3A_281 : i1
        %convert_element_type3A_282 = arith.extui %and3A : i1 to i32
        %cond3A_283 = arith.constant 0 : i32
        %cond3A_284 = arith.cmpi ne, %convert_element_type3A_282, %cond3A_283 : i32
        scf.if %cond3A_284 {
          %dma_wait3A_285 = arith.constant 0 : i32
          %dma_wait3A_286 = arith.constant 0 : i32
          %dma_wait3A_287 = tpu.memref_slice %arg9[%dma_wait3A_285, %dma_wait3A_286] : memref<79x128xi32, #tpu.memory_space<vmem>> -> memref<1x128xi32, #tpu.memory_space<vmem>>
          %dma_wait3A_288 = tpu.memref_squeeze %dma_wait3A_287 : memref<1x128xi32, #tpu.memory_space<vmem>> -> memref<128xi32, #tpu.memory_space<vmem>>
          %dma_wait3A_289 = arith.constant 0 : i32
          %dma_wait3A_290 = arith.constant 0 : i32
          %dma_wait3A_291 = tpu.memref_slice %arg19[%dma_wait3A_289, %dma_wait3A_290] : memref<10000x64xf32, #tpu.memory_space<vmem_shared>> -> memref<10000x64xf32, #tpu.memory_space<vmem_shared>>
          tpu.wait_indirect_dma semaphore(%arg36 : memref<!tpu.dma_semaphore, #tpu.memory_space<semaphore_mem>>) src(%arg17 : memref<128x64xf32, #tpu.memory_space<vmem>>) dst(%dma_wait3A_291 : memref<10000x64xf32, #tpu.memory_space<vmem_shared>>)
          %add3A_292 = arith.constant 8 : i32
          %add3A_293 = arith.addi %sub3A_277, %add3A_292 : i32
          %dma_start3A_294 = arith.constant 0 : i32
          %dma_start3A_295 = tpu.memref_slice %arg8[%add3A_293, %dma_start3A_294] : memref<79x128xi32, #tpu.memory_space<vmem>> -> memref<1x128xi32, #tpu.memory_space<vmem>>
          %dma_start3A_296 = tpu.memref_squeeze %dma_start3A_295 : memref<1x128xi32, #tpu.memory_space<vmem>> -> memref<128xi32, #tpu.memory_space<vmem>>
          %dma_start3A_297 = arith.constant 0 : i32
          %dma_start3A_298 = arith.constant 0 : i32
          %dma_start3A_299 = tpu.memref_slice %arg2[%dma_start3A_297, %dma_start3A_298] : memref<10000x64xf32, #tpu.memory_space<hbm>> -> memref<10000x64xf32, #tpu.memory_space<hbm>>
          tpu.enqueue_indirect_dma source(%dma_start3A_299 : memref<10000x64xf32, #tpu.memory_space<hbm>>) target(%arg17 : memref<128x64xf32, #tpu.memory_space<vmem>>) offsets(%dma_start3A_296 : memref<128xi32, #tpu.memory_space<vmem>>) semaphore(%arg28 : memref<!tpu.dma_semaphore, #tpu.memory_space<semaphore_mem>>)
        } else {
        }
      } else {
      }
      %mul3A_228 = arith.constant 8 : i32
      %mul3A_229 = arith.muli %scan3A_195, %mul3A_228 : i32
      %add3A_230 = arith.constant 4 : i32
      %add3A_231 = arith.addi %mul3A_229, %add3A_230 : i32
      %lt3A_232 = arith.cmpi slt, %add3A_231, %add3A_8 : i32
      %convert_element_type3A_233 = arith.extui %lt3A_232 : i1 to i32
      %cond3A_234 = arith.constant 0 : i32
      %cond3A_235 = arith.cmpi ne, %convert_element_type3A_233, %cond3A_234 : i32
      scf.if %cond3A_235 {
        %dma_wait3A_260 = arith.constant 0 : i32
        %dma_wait3A_261 = tpu.memref_slice %arg8[%add3A_231, %dma_wait3A_260] : memref<79x128xi32, #tpu.memory_space<vmem>> -> memref<1x128xi32, #tpu.memory_space<vmem>>
        %dma_wait3A_262 = tpu.memref_squeeze %dma_wait3A_261 : memref<1x128xi32, #tpu.memory_space<vmem>> -> memref<128xi32, #tpu.memory_space<vmem>>
        %dma_wait3A_263 = arith.constant 0 : i32
        %dma_wait3A_264 = arith.constant 0 : i32
        %dma_wait3A_265 = tpu.memref_slice %arg2[%dma_wait3A_263, %dma_wait3A_264] : memref<10000x64xf32, #tpu.memory_space<hbm>> -> memref<10000x64xf32, #tpu.memory_space<hbm>>
        tpu.wait_indirect_dma semaphore(%arg25 : memref<!tpu.dma_semaphore, #tpu.memory_space<semaphore_mem>>) src(%dma_wait3A_265 : memref<10000x64xf32, #tpu.memory_space<hbm>>) dst(%arg14 : memref<128x64xf32, #tpu.memory_space<vmem>>)
        %dma_start3A_266 = arith.constant 0 : i32
        %dma_start3A_267 = tpu.memref_slice %arg9[%add3A_231, %dma_start3A_266] : memref<79x128xi32, #tpu.memory_space<vmem>> -> memref<1x128xi32, #tpu.memory_space<vmem>>
        %dma_start3A_268 = tpu.memref_squeeze %dma_start3A_267 : memref<1x128xi32, #tpu.memory_space<vmem>> -> memref<128xi32, #tpu.memory_space<vmem>>
        %dma_start3A_269 = arith.constant 0 : i32
        %dma_start3A_270 = arith.constant 0 : i32
        %dma_start3A_271 = tpu.memref_slice %arg19[%dma_start3A_269, %dma_start3A_270] : memref<10000x64xf32, #tpu.memory_space<vmem_shared>> -> memref<10000x64xf32, #tpu.memory_space<vmem_shared>>
        tpu.enqueue_indirect_dma source(%arg14 : memref<128x64xf32, #tpu.memory_space<vmem>>) target(%dma_start3A_271 : memref<10000x64xf32, #tpu.memory_space<vmem_shared>>) offsets(%dma_start3A_268 : memref<128xi32, #tpu.memory_space<vmem>>) semaphore(%arg33 : memref<!tpu.dma_semaphore, #tpu.memory_space<semaphore_mem>>) {add = true}
        %dma_start3A_272 = arith.constant 0 : i32
        %dma_start3A_273 = tpu.memref_slice %arg9[%add3A_231, %dma_start3A_272] : memref<79x128xi32, #tpu.memory_space<vmem>> -> memref<1x128xi32, #tpu.memory_space<vmem>>
        %dma_start3A_274 = tpu.memref_squeeze %dma_start3A_273 : memref<1x128xi32, #tpu.memory_space<vmem>> -> memref<128xi32, #tpu.memory_space<vmem>>
        %dma_start3A_275 = arith.constant 0 : i32
        %dma_start3A_276 = tpu.memref_slice %arg20[%dma_start3A_275] : memref<10240xf32, #tpu.memory_space<vmem_shared>> -> memref<10240xf32, #tpu.memory_space<vmem_shared>>
        tpu.enqueue_indirect_dma source(%arg18 : memref<128xf32, #tpu.memory_space<vmem>>) target(%dma_start3A_276 : memref<10240xf32, #tpu.memory_space<vmem_shared>>) offsets(%dma_start3A_274 : memref<128xi32, #tpu.memory_space<vmem>>) semaphore(%arg37 : memref<!tpu.dma_semaphore, #tpu.memory_space<semaphore_mem>>) {add = true}
        %sub3A = arith.constant 4 : i32
        %sub3A_277 = arith.subi %add3A_231, %sub3A : i32
        %ge3A = arith.constant 0 : i32
        %ge3A_278 = arith.cmpi sge, %sub3A_277, %ge3A : i32
        %add3A_279 = arith.constant 8 : i32
        %add3A_280 = arith.addi %sub3A_277, %add3A_279 : i32
        %lt3A_281 = arith.cmpi slt, %add3A_280, %add3A_8 : i32
        %and3A = arith.andi %ge3A_278, %lt3A_281 : i1
        %convert_element_type3A_282 = arith.extui %and3A : i1 to i32
        %cond3A_283 = arith.constant 0 : i32
        %cond3A_284 = arith.cmpi ne, %convert_element_type3A_282, %cond3A_283 : i32
        scf.if %cond3A_284 {
          %dma_wait3A_285 = arith.constant 0 : i32
          %dma_wait3A_286 = arith.constant 0 : i32
          %dma_wait3A_287 = tpu.memref_slice %arg9[%dma_wait3A_285, %dma_wait3A_286] : memref<79x128xi32, #tpu.memory_space<vmem>> -> memref<1x128xi32, #tpu.memory_space<vmem>>
          %dma_wait3A_288 = tpu.memref_squeeze %dma_wait3A_287 : memref<1x128xi32, #tpu.memory_space<vmem>> -> memref<128xi32, #tpu.memory_space<vmem>>
          %dma_wait3A_289 = arith.constant 0 : i32
          %dma_wait3A_290 = arith.constant 0 : i32
          %dma_wait3A_291 = tpu.memref_slice %arg19[%dma_wait3A_289, %dma_wait3A_290] : memref<10000x64xf32, #tpu.memory_space<vmem_shared>> -> memref<10000x64xf32, #tpu.memory_space<vmem_shared>>
          tpu.wait_indirect_dma semaphore(%arg29 : memref<!tpu.dma_semaphore, #tpu.memory_space<semaphore_mem>>) src(%arg10 : memref<128x64xf32, #tpu.memory_space<vmem>>) dst(%dma_wait3A_291 : memref<10000x64xf32, #tpu.memory_space<vmem_shared>>)
          %add3A_292 = arith.constant 8 : i32
          %add3A_293 = arith.addi %sub3A_277, %add3A_292 : i32
          %dma_start3A_294 = arith.constant 0 : i32
          %dma_start3A_295 = tpu.memref_slice %arg8[%add3A_293, %dma_start3A_294] : memref<79x128xi32, #tpu.memory_space<vmem>> -> memref<1x128xi32, #tpu.memory_space<vmem>>
          %dma_start3A_296 = tpu.memref_squeeze %dma_start3A_295 : memref<1x128xi32, #tpu.memory_space<vmem>> -> memref<128xi32, #tpu.memory_space<vmem>>
          %dma_start3A_297 = arith.constant 0 : i32
          %dma_start3A_298 = arith.constant 0 : i32
          %dma_start3A_299 = tpu.memref_slice %arg2[%dma_start3A_297, %dma_start3A_298] : memref<10000x64xf32, #tpu.memory_space<hbm>> -> memref<10000x64xf32, #tpu.memory_space<hbm>>
          tpu.enqueue_indirect_dma source(%dma_start3A_299 : memref<10000x64xf32, #tpu.memory_space<hbm>>) target(%arg10 : memref<128x64xf32, #tpu.memory_space<vmem>>) offsets(%dma_start3A_296 : memref<128xi32, #tpu.memory_space<vmem>>) semaphore(%arg21 : memref<!tpu.dma_semaphore, #tpu.memory_space<semaphore_mem>>)
        } else {
        }
      } else {
      }
      %mul3A_236 = arith.constant 8 : i32
      %mul3A_237 = arith.muli %scan3A_195, %mul3A_236 : i32
      %add3A_238 = arith.constant 5 : i32
      %add3A_239 = arith.addi %mul3A_237, %add3A_238 : i32
      %lt3A_240 = arith.cmpi slt, %add3A_239, %add3A_8 : i32
      %convert_element_type3A_241 = arith.extui %lt3A_240 : i1 to i32
      %cond3A_242 = arith.constant 0 : i32
      %cond3A_243 = arith.cmpi ne, %convert_element_type3A_241, %cond3A_242 : i32
      scf.if %cond3A_243 {
        %dma_wait3A_260 = arith.constant 0 : i32
        %dma_wait3A_261 = tpu.memref_slice %arg8[%add3A_239, %dma_wait3A_260] : memref<79x128xi32, #tpu.memory_space<vmem>> -> memref<1x128xi32, #tpu.memory_space<vmem>>
        %dma_wait3A_262 = tpu.memref_squeeze %dma_wait3A_261 : memref<1x128xi32, #tpu.memory_space<vmem>> -> memref<128xi32, #tpu.memory_space<vmem>>
        %dma_wait3A_263 = arith.constant 0 : i32
        %dma_wait3A_264 = arith.constant 0 : i32
        %dma_wait3A_265 = tpu.memref_slice %arg2[%dma_wait3A_263, %dma_wait3A_264] : memref<10000x64xf32, #tpu.memory_space<hbm>> -> memref<10000x64xf32, #tpu.memory_space<hbm>>
        tpu.wait_indirect_dma semaphore(%arg26 : memref<!tpu.dma_semaphore, #tpu.memory_space<semaphore_mem>>) src(%dma_wait3A_265 : memref<10000x64xf32, #tpu.memory_space<hbm>>) dst(%arg15 : memref<128x64xf32, #tpu.memory_space<vmem>>)
        %dma_start3A_266 = arith.constant 0 : i32
        %dma_start3A_267 = tpu.memref_slice %arg9[%add3A_239, %dma_start3A_266] : memref<79x128xi32, #tpu.memory_space<vmem>> -> memref<1x128xi32, #tpu.memory_space<vmem>>
        %dma_start3A_268 = tpu.memref_squeeze %dma_start3A_267 : memref<1x128xi32, #tpu.memory_space<vmem>> -> memref<128xi32, #tpu.memory_space<vmem>>
        %dma_start3A_269 = arith.constant 0 : i32
        %dma_start3A_270 = arith.constant 0 : i32
        %dma_start3A_271 = tpu.memref_slice %arg19[%dma_start3A_269, %dma_start3A_270] : memref<10000x64xf32, #tpu.memory_space<vmem_shared>> -> memref<10000x64xf32, #tpu.memory_space<vmem_shared>>
        tpu.enqueue_indirect_dma source(%arg15 : memref<128x64xf32, #tpu.memory_space<vmem>>) target(%dma_start3A_271 : memref<10000x64xf32, #tpu.memory_space<vmem_shared>>) offsets(%dma_start3A_268 : memref<128xi32, #tpu.memory_space<vmem>>) semaphore(%arg34 : memref<!tpu.dma_semaphore, #tpu.memory_space<semaphore_mem>>) {add = true}
        %dma_start3A_272 = arith.constant 0 : i32
        %dma_start3A_273 = tpu.memref_slice %arg9[%add3A_239, %dma_start3A_272] : memref<79x128xi32, #tpu.memory_space<vmem>> -> memref<1x128xi32, #tpu.memory_space<vmem>>
        %dma_start3A_274 = tpu.memref_squeeze %dma_start3A_273 : memref<1x128xi32, #tpu.memory_space<vmem>> -> memref<128xi32, #tpu.memory_space<vmem>>
        %dma_start3A_275 = arith.constant 0 : i32
        %dma_start3A_276 = tpu.memref_slice %arg20[%dma_start3A_275] : memref<10240xf32, #tpu.memory_space<vmem_shared>> -> memref<10240xf32, #tpu.memory_space<vmem_shared>>
        tpu.enqueue_indirect_dma source(%arg18 : memref<128xf32, #tpu.memory_space<vmem>>) target(%dma_start3A_276 : memref<10240xf32, #tpu.memory_space<vmem_shared>>) offsets(%dma_start3A_274 : memref<128xi32, #tpu.memory_space<vmem>>) semaphore(%arg37 : memref<!tpu.dma_semaphore, #tpu.memory_space<semaphore_mem>>) {add = true}
        %sub3A = arith.constant 4 : i32
        %sub3A_277 = arith.subi %add3A_239, %sub3A : i32
        %ge3A = arith.constant 0 : i32
        %ge3A_278 = arith.cmpi sge, %sub3A_277, %ge3A : i32
        %add3A_279 = arith.constant 8 : i32
        %add3A_280 = arith.addi %sub3A_277, %add3A_279 : i32
        %lt3A_281 = arith.cmpi slt, %add3A_280, %add3A_8 : i32
        %and3A = arith.andi %ge3A_278, %lt3A_281 : i1
        %convert_element_type3A_282 = arith.extui %and3A : i1 to i32
        %cond3A_283 = arith.constant 0 : i32
        %cond3A_284 = arith.cmpi ne, %convert_element_type3A_282, %cond3A_283 : i32
        scf.if %cond3A_284 {
          %dma_wait3A_285 = arith.constant 0 : i32
          %dma_wait3A_286 = arith.constant 0 : i32
          %dma_wait3A_287 = tpu.memref_slice %arg9[%dma_wait3A_285, %dma_wait3A_286] : memref<79x128xi32, #tpu.memory_space<vmem>> -> memref<1x128xi32, #tpu.memory_space<vmem>>
          %dma_wait3A_288 = tpu.memref_squeeze %dma_wait3A_287 : memref<1x128xi32, #tpu.memory_space<vmem>> -> memref<128xi32, #tpu.memory_space<vmem>>
          %dma_wait3A_289 = arith.constant 0 : i32
          %dma_wait3A_290 = arith.constant 0 : i32
          %dma_wait3A_291 = tpu.memref_slice %arg19[%dma_wait3A_289, %dma_wait3A_290] : memref<10000x64xf32, #tpu.memory_space<vmem_shared>> -> memref<10000x64xf32, #tpu.memory_space<vmem_shared>>
          tpu.wait_indirect_dma semaphore(%arg30 : memref<!tpu.dma_semaphore, #tpu.memory_space<semaphore_mem>>) src(%arg11 : memref<128x64xf32, #tpu.memory_space<vmem>>) dst(%dma_wait3A_291 : memref<10000x64xf32, #tpu.memory_space<vmem_shared>>)
          %add3A_292 = arith.constant 8 : i32
          %add3A_293 = arith.addi %sub3A_277, %add3A_292 : i32
          %dma_start3A_294 = arith.constant 0 : i32
          %dma_start3A_295 = tpu.memref_slice %arg8[%add3A_293, %dma_start3A_294] : memref<79x128xi32, #tpu.memory_space<vmem>> -> memref<1x128xi32, #tpu.memory_space<vmem>>
          %dma_start3A_296 = tpu.memref_squeeze %dma_start3A_295 : memref<1x128xi32, #tpu.memory_space<vmem>> -> memref<128xi32, #tpu.memory_space<vmem>>
          %dma_start3A_297 = arith.constant 0 : i32
          %dma_start3A_298 = arith.constant 0 : i32
          %dma_start3A_299 = tpu.memref_slice %arg2[%dma_start3A_297, %dma_start3A_298] : memref<10000x64xf32, #tpu.memory_space<hbm>> -> memref<10000x64xf32, #tpu.memory_space<hbm>>
          tpu.enqueue_indirect_dma source(%dma_start3A_299 : memref<10000x64xf32, #tpu.memory_space<hbm>>) target(%arg11 : memref<128x64xf32, #tpu.memory_space<vmem>>) offsets(%dma_start3A_296 : memref<128xi32, #tpu.memory_space<vmem>>) semaphore(%arg22 : memref<!tpu.dma_semaphore, #tpu.memory_space<semaphore_mem>>)
        } else {
        }
      } else {
      }
      %mul3A_244 = arith.constant 8 : i32
      %mul3A_245 = arith.muli %scan3A_195, %mul3A_244 : i32
      %add3A_246 = arith.constant 6 : i32
      %add3A_247 = arith.addi %mul3A_245, %add3A_246 : i32
      %lt3A_248 = arith.cmpi slt, %add3A_247, %add3A_8 : i32
      %convert_element_type3A_249 = arith.extui %lt3A_248 : i1 to i32
      %cond3A_250 = arith.constant 0 : i32
      %cond3A_251 = arith.cmpi ne, %convert_element_type3A_249, %cond3A_250 : i32
      scf.if %cond3A_251 {
        %dma_wait3A_260 = arith.constant 0 : i32
        %dma_wait3A_261 = tpu.memref_slice %arg8[%add3A_247, %dma_wait3A_260] : memref<79x128xi32, #tpu.memory_space<vmem>> -> memref<1x128xi32, #tpu.memory_space<vmem>>
        %dma_wait3A_262 = tpu.memref_squeeze %dma_wait3A_261 : memref<1x128xi32, #tpu.memory_space<vmem>> -> memref<128xi32, #tpu.memory_space<vmem>>
        %dma_wait3A_263 = arith.constant 0 : i32
        %dma_wait3A_264 = arith.constant 0 : i32
        %dma_wait3A_265 = tpu.memref_slice %arg2[%dma_wait3A_263, %dma_wait3A_264] : memref<10000x64xf32, #tpu.memory_space<hbm>> -> memref<10000x64xf32, #tpu.memory_space<hbm>>
        tpu.wait_indirect_dma semaphore(%arg27 : memref<!tpu.dma_semaphore, #tpu.memory_space<semaphore_mem>>) src(%dma_wait3A_265 : memref<10000x64xf32, #tpu.memory_space<hbm>>) dst(%arg16 : memref<128x64xf32, #tpu.memory_space<vmem>>)
        %dma_start3A_266 = arith.constant 0 : i32
        %dma_start3A_267 = tpu.memref_slice %arg9[%add3A_247, %dma_start3A_266] : memref<79x128xi32, #tpu.memory_space<vmem>> -> memref<1x128xi32, #tpu.memory_space<vmem>>
        %dma_start3A_268 = tpu.memref_squeeze %dma_start3A_267 : memref<1x128xi32, #tpu.memory_space<vmem>> -> memref<128xi32, #tpu.memory_space<vmem>>
        %dma_start3A_269 = arith.constant 0 : i32
        %dma_start3A_270 = arith.constant 0 : i32
        %dma_start3A_271 = tpu.memref_slice %arg19[%dma_start3A_269, %dma_start3A_270] : memref<10000x64xf32, #tpu.memory_space<vmem_shared>> -> memref<10000x64xf32, #tpu.memory_space<vmem_shared>>
        tpu.enqueue_indirect_dma source(%arg16 : memref<128x64xf32, #tpu.memory_space<vmem>>) target(%dma_start3A_271 : memref<10000x64xf32, #tpu.memory_space<vmem_shared>>) offsets(%dma_start3A_268 : memref<128xi32, #tpu.memory_space<vmem>>) semaphore(%arg35 : memref<!tpu.dma_semaphore, #tpu.memory_space<semaphore_mem>>) {add = true}
        %dma_start3A_272 = arith.constant 0 : i32
        %dma_start3A_273 = tpu.memref_slice %arg9[%add3A_247, %dma_start3A_272] : memref<79x128xi32, #tpu.memory_space<vmem>> -> memref<1x128xi32, #tpu.memory_space<vmem>>
        %dma_start3A_274 = tpu.memref_squeeze %dma_start3A_273 : memref<1x128xi32, #tpu.memory_space<vmem>> -> memref<128xi32, #tpu.memory_space<vmem>>
        %dma_start3A_275 = arith.constant 0 : i32
        %dma_start3A_276 = tpu.memref_slice %arg20[%dma_start3A_275] : memref<10240xf32, #tpu.memory_space<vmem_shared>> -> memref<10240xf32, #tpu.memory_space<vmem_shared>>
        tpu.enqueue_indirect_dma source(%arg18 : memref<128xf32, #tpu.memory_space<vmem>>) target(%dma_start3A_276 : memref<10240xf32, #tpu.memory_space<vmem_shared>>) offsets(%dma_start3A_274 : memref<128xi32, #tpu.memory_space<vmem>>) semaphore(%arg37 : memref<!tpu.dma_semaphore, #tpu.memory_space<semaphore_mem>>) {add = true}
        %sub3A = arith.constant 4 : i32
        %sub3A_277 = arith.subi %add3A_247, %sub3A : i32
        %ge3A = arith.constant 0 : i32
        %ge3A_278 = arith.cmpi sge, %sub3A_277, %ge3A : i32
        %add3A_279 = arith.constant 8 : i32
        %add3A_280 = arith.addi %sub3A_277, %add3A_279 : i32
        %lt3A_281 = arith.cmpi slt, %add3A_280, %add3A_8 : i32
        %and3A = arith.andi %ge3A_278, %lt3A_281 : i1
        %convert_element_type3A_282 = arith.extui %and3A : i1 to i32
        %cond3A_283 = arith.constant 0 : i32
        %cond3A_284 = arith.cmpi ne, %convert_element_type3A_282, %cond3A_283 : i32
        scf.if %cond3A_284 {
          %dma_wait3A_285 = arith.constant 0 : i32
          %dma_wait3A_286 = arith.constant 0 : i32
          %dma_wait3A_287 = tpu.memref_slice %arg9[%dma_wait3A_285, %dma_wait3A_286] : memref<79x128xi32, #tpu.memory_space<vmem>> -> memref<1x128xi32, #tpu.memory_space<vmem>>
          %dma_wait3A_288 = tpu.memref_squeeze %dma_wait3A_287 : memref<1x128xi32, #tpu.memory_space<vmem>> -> memref<128xi32, #tpu.memory_space<vmem>>
          %dma_wait3A_289 = arith.constant 0 : i32
          %dma_wait3A_290 = arith.constant 0 : i32
          %dma_wait3A_291 = tpu.memref_slice %arg19[%dma_wait3A_289, %dma_wait3A_290] : memref<10000x64xf32, #tpu.memory_space<vmem_shared>> -> memref<10000x64xf32, #tpu.memory_space<vmem_shared>>
          tpu.wait_indirect_dma semaphore(%arg31 : memref<!tpu.dma_semaphore, #tpu.memory_space<semaphore_mem>>) src(%arg12 : memref<128x64xf32, #tpu.memory_space<vmem>>) dst(%dma_wait3A_291 : memref<10000x64xf32, #tpu.memory_space<vmem_shared>>)
          %add3A_292 = arith.constant 8 : i32
          %add3A_293 = arith.addi %sub3A_277, %add3A_292 : i32
          %dma_start3A_294 = arith.constant 0 : i32
          %dma_start3A_295 = tpu.memref_slice %arg8[%add3A_293, %dma_start3A_294] : memref<79x128xi32, #tpu.memory_space<vmem>> -> memref<1x128xi32, #tpu.memory_space<vmem>>
          %dma_start3A_296 = tpu.memref_squeeze %dma_start3A_295 : memref<1x128xi32, #tpu.memory_space<vmem>> -> memref<128xi32, #tpu.memory_space<vmem>>
          %dma_start3A_297 = arith.constant 0 : i32
          %dma_start3A_298 = arith.constant 0 : i32
          %dma_start3A_299 = tpu.memref_slice %arg2[%dma_start3A_297, %dma_start3A_298] : memref<10000x64xf32, #tpu.memory_space<hbm>> -> memref<10000x64xf32, #tpu.memory_space<hbm>>
          tpu.enqueue_indirect_dma source(%dma_start3A_299 : memref<10000x64xf32, #tpu.memory_space<hbm>>) target(%arg12 : memref<128x64xf32, #tpu.memory_space<vmem>>) offsets(%dma_start3A_296 : memref<128xi32, #tpu.memory_space<vmem>>) semaphore(%arg23 : memref<!tpu.dma_semaphore, #tpu.memory_space<semaphore_mem>>)
        } else {
        }
      } else {
      }
      %mul3A_252 = arith.constant 8 : i32
      %mul3A_253 = arith.muli %scan3A_195, %mul3A_252 : i32
      %add3A_254 = arith.constant 7 : i32
      %add3A_255 = arith.addi %mul3A_253, %add3A_254 : i32
      %lt3A_256 = arith.cmpi slt, %add3A_255, %add3A_8 : i32
      %convert_element_type3A_257 = arith.extui %lt3A_256 : i1 to i32
      %cond3A_258 = arith.constant 0 : i32
      %cond3A_259 = arith.cmpi ne, %convert_element_type3A_257, %cond3A_258 : i32
      scf.if %cond3A_259 {
        %dma_wait3A_260 = arith.constant 0 : i32
        %dma_wait3A_261 = tpu.memref_slice %arg8[%add3A_255, %dma_wait3A_260] : memref<79x128xi32, #tpu.memory_space<vmem>> -> memref<1x128xi32, #tpu.memory_space<vmem>>
        %dma_wait3A_262 = tpu.memref_squeeze %dma_wait3A_261 : memref<1x128xi32, #tpu.memory_space<vmem>> -> memref<128xi32, #tpu.memory_space<vmem>>
        %dma_wait3A_263 = arith.constant 0 : i32
        %dma_wait3A_264 = arith.constant 0 : i32
        %dma_wait3A_265 = tpu.memref_slice %arg2[%dma_wait3A_263, %dma_wait3A_264] : memref<10000x64xf32, #tpu.memory_space<hbm>> -> memref<10000x64xf32, #tpu.memory_space<hbm>>
        tpu.wait_indirect_dma semaphore(%arg28 : memref<!tpu.dma_semaphore, #tpu.memory_space<semaphore_mem>>) src(%dma_wait3A_265 : memref<10000x64xf32, #tpu.memory_space<hbm>>) dst(%arg17 : memref<128x64xf32, #tpu.memory_space<vmem>>)
        %dma_start3A_266 = arith.constant 0 : i32
        %dma_start3A_267 = tpu.memref_slice %arg9[%add3A_255, %dma_start3A_266] : memref<79x128xi32, #tpu.memory_space<vmem>> -> memref<1x128xi32, #tpu.memory_space<vmem>>
        %dma_start3A_268 = tpu.memref_squeeze %dma_start3A_267 : memref<1x128xi32, #tpu.memory_space<vmem>> -> memref<128xi32, #tpu.memory_space<vmem>>
        %dma_start3A_269 = arith.constant 0 : i32
        %dma_start3A_270 = arith.constant 0 : i32
        %dma_start3A_271 = tpu.memref_slice %arg19[%dma_start3A_269, %dma_start3A_270] : memref<10000x64xf32, #tpu.memory_space<vmem_shared>> -> memref<10000x64xf32, #tpu.memory_space<vmem_shared>>
        tpu.enqueue_indirect_dma source(%arg17 : memref<128x64xf32, #tpu.memory_space<vmem>>) target(%dma_start3A_271 : memref<10000x64xf32, #tpu.memory_space<vmem_shared>>) offsets(%dma_start3A_268 : memref<128xi32, #tpu.memory_space<vmem>>) semaphore(%arg36 : memref<!tpu.dma_semaphore, #tpu.memory_space<semaphore_mem>>) {add = true}
        %dma_start3A_272 = arith.constant 0 : i32
        %dma_start3A_273 = tpu.memref_slice %arg9[%add3A_255, %dma_start3A_272] : memref<79x128xi32, #tpu.memory_space<vmem>> -> memref<1x128xi32, #tpu.memory_space<vmem>>
        %dma_start3A_274 = tpu.memref_squeeze %dma_start3A_273 : memref<1x128xi32, #tpu.memory_space<vmem>> -> memref<128xi32, #tpu.memory_space<vmem>>
        %dma_start3A_275 = arith.constant 0 : i32
        %dma_start3A_276 = tpu.memref_slice %arg20[%dma_start3A_275] : memref<10240xf32, #tpu.memory_space<vmem_shared>> -> memref<10240xf32, #tpu.memory_space<vmem_shared>>
        tpu.enqueue_indirect_dma source(%arg18 : memref<128xf32, #tpu.memory_space<vmem>>) target(%dma_start3A_276 : memref<10240xf32, #tpu.memory_space<vmem_shared>>) offsets(%dma_start3A_274 : memref<128xi32, #tpu.memory_space<vmem>>) semaphore(%arg37 : memref<!tpu.dma_semaphore, #tpu.memory_space<semaphore_mem>>) {add = true}
        %sub3A = arith.constant 4 : i32
        %sub3A_277 = arith.subi %add3A_255, %sub3A : i32
        %ge3A = arith.constant 0 : i32
        %ge3A_278 = arith.cmpi sge, %sub3A_277, %ge3A : i32
        %add3A_279 = arith.constant 8 : i32
        %add3A_280 = arith.addi %sub3A_277, %add3A_279 : i32
        %lt3A_281 = arith.cmpi slt, %add3A_280, %add3A_8 : i32
        %and3A = arith.andi %ge3A_278, %lt3A_281 : i1
        %convert_element_type3A_282 = arith.extui %and3A : i1 to i32
        %cond3A_283 = arith.constant 0 : i32
        %cond3A_284 = arith.cmpi ne, %convert_element_type3A_282, %cond3A_283 : i32
        scf.if %cond3A_284 {
          %dma_wait3A_285 = arith.constant 0 : i32
          %dma_wait3A_286 = arith.constant 0 : i32
          %dma_wait3A_287 = tpu.memref_slice %arg9[%dma_wait3A_285, %dma_wait3A_286] : memref<79x128xi32, #tpu.memory_space<vmem>> -> memref<1x128xi32, #tpu.memory_space<vmem>>
          %dma_wait3A_288 = tpu.memref_squeeze %dma_wait3A_287 : memref<1x128xi32, #tpu.memory_space<vmem>> -> memref<128xi32, #tpu.memory_space<vmem>>
          %dma_wait3A_289 = arith.constant 0 : i32
          %dma_wait3A_290 = arith.constant 0 : i32
          %dma_wait3A_291 = tpu.memref_slice %arg19[%dma_wait3A_289, %dma_wait3A_290] : memref<10000x64xf32, #tpu.memory_space<vmem_shared>> -> memref<10000x64xf32, #tpu.memory_space<vmem_shared>>
          tpu.wait_indirect_dma semaphore(%arg32 : memref<!tpu.dma_semaphore, #tpu.memory_space<semaphore_mem>>) src(%arg13 : memref<128x64xf32, #tpu.memory_space<vmem>>) dst(%dma_wait3A_291 : memref<10000x64xf32, #tpu.memory_space<vmem_shared>>)
          %add3A_292 = arith.constant 8 : i32
          %add3A_293 = arith.addi %sub3A_277, %add3A_292 : i32
          %dma_start3A_294 = arith.constant 0 : i32
          %dma_start3A_295 = tpu.memref_slice %arg8[%add3A_293, %dma_start3A_294] : memref<79x128xi32, #tpu.memory_space<vmem>> -> memref<1x128xi32, #tpu.memory_space<vmem>>
          %dma_start3A_296 = tpu.memref_squeeze %dma_start3A_295 : memref<1x128xi32, #tpu.memory_space<vmem>> -> memref<128xi32, #tpu.memory_space<vmem>>
          %dma_start3A_297 = arith.constant 0 : i32
          %dma_start3A_298 = arith.constant 0 : i32
          %dma_start3A_299 = tpu.memref_slice %arg2[%dma_start3A_297, %dma_start3A_298] : memref<10000x64xf32, #tpu.memory_space<hbm>> -> memref<10000x64xf32, #tpu.memory_space<hbm>>
          tpu.enqueue_indirect_dma source(%dma_start3A_299 : memref<10000x64xf32, #tpu.memory_space<hbm>>) target(%arg13 : memref<128x64xf32, #tpu.memory_space<vmem>>) offsets(%dma_start3A_296 : memref<128xi32, #tpu.memory_space<vmem>>) semaphore(%arg24 : memref<!tpu.dma_semaphore, #tpu.memory_space<semaphore_mem>>)
        } else {
        }
      } else {
      }
    }
    %scan3A_129 = arith.constant 10 : i32
    %dma_wait3A = arith.constant 0 : i32
    %dma_wait3A_130 = arith.constant 0 : i32
    %dma_wait3A_131 = tpu.memref_slice %arg9[%dma_wait3A, %dma_wait3A_130] : memref<79x128xi32, #tpu.memory_space<vmem>> -> memref<1x128xi32, #tpu.memory_space<vmem>>
    %dma_wait3A_132 = tpu.memref_squeeze %dma_wait3A_131 : memref<1x128xi32, #tpu.memory_space<vmem>> -> memref<128xi32, #tpu.memory_space<vmem>>
    %dma_wait3A_133 = arith.constant 0 : i32
    %dma_wait3A_134 = arith.constant 0 : i32
    %dma_wait3A_135 = tpu.memref_slice %arg19[%dma_wait3A_133, %dma_wait3A_134] : memref<10000x64xf32, #tpu.memory_space<vmem_shared>> -> memref<10000x64xf32, #tpu.memory_space<vmem_shared>>
    tpu.wait_indirect_dma semaphore(%arg29 : memref<!tpu.dma_semaphore, #tpu.memory_space<semaphore_mem>>) src(%arg10 : memref<128x64xf32, #tpu.memory_space<vmem>>) dst(%dma_wait3A_135 : memref<10000x64xf32, #tpu.memory_space<vmem_shared>>)
    %dma_wait3A_136 = arith.constant 0 : i32
    %dma_wait3A_137 = arith.constant 0 : i32
    %dma_wait3A_138 = tpu.memref_slice %arg9[%dma_wait3A_136, %dma_wait3A_137] : memref<79x128xi32, #tpu.memory_space<vmem>> -> memref<1x128xi32, #tpu.memory_space<vmem>>
    %dma_wait3A_139 = tpu.memref_squeeze %dma_wait3A_138 : memref<1x128xi32, #tpu.memory_space<vmem>> -> memref<128xi32, #tpu.memory_space<vmem>>
    %dma_wait3A_140 = arith.constant 0 : i32
    %dma_wait3A_141 = arith.constant 0 : i32
    %dma_wait3A_142 = tpu.memref_slice %arg19[%dma_wait3A_140, %dma_wait3A_141] : memref<10000x64xf32, #tpu.memory_space<vmem_shared>> -> memref<10000x64xf32, #tpu.memory_space<vmem_shared>>
    tpu.wait_indirect_dma semaphore(%arg30 : memref<!tpu.dma_semaphore, #tpu.memory_space<semaphore_mem>>) src(%arg11 : memref<128x64xf32, #tpu.memory_space<vmem>>) dst(%dma_wait3A_142 : memref<10000x64xf32, #tpu.memory_space<vmem_shared>>)
    %dma_wait3A_143 = arith.constant 0 : i32
    %dma_wait3A_144 = arith.constant 0 : i32
    %dma_wait3A_145 = tpu.memref_slice %arg9[%dma_wait3A_143, %dma_wait3A_144] : memref<79x128xi32, #tpu.memory_space<vmem>> -> memref<1x128xi32, #tpu.memory_space<vmem>>
    %dma_wait3A_146 = tpu.memref_squeeze %dma_wait3A_145 : memref<1x128xi32, #tpu.memory_space<vmem>> -> memref<128xi32, #tpu.memory_space<vmem>>
    %dma_wait3A_147 = arith.constant 0 : i32
    %dma_wait3A_148 = arith.constant 0 : i32
    %dma_wait3A_149 = tpu.memref_slice %arg19[%dma_wait3A_147, %dma_wait3A_148] : memref<10000x64xf32, #tpu.memory_space<vmem_shared>> -> memref<10000x64xf32, #tpu.memory_space<vmem_shared>>
    tpu.wait_indirect_dma semaphore(%arg31 : memref<!tpu.dma_semaphore, #tpu.memory_space<semaphore_mem>>) src(%arg12 : memref<128x64xf32, #tpu.memory_space<vmem>>) dst(%dma_wait3A_149 : memref<10000x64xf32, #tpu.memory_space<vmem_shared>>)
    %dma_wait3A_150 = arith.constant 0 : i32
    %dma_wait3A_151 = arith.constant 0 : i32
    %dma_wait3A_152 = tpu.memref_slice %arg9[%dma_wait3A_150, %dma_wait3A_151] : memref<79x128xi32, #tpu.memory_space<vmem>> -> memref<1x128xi32, #tpu.memory_space<vmem>>
    %dma_wait3A_153 = tpu.memref_squeeze %dma_wait3A_152 : memref<1x128xi32, #tpu.memory_space<vmem>> -> memref<128xi32, #tpu.memory_space<vmem>>
    %dma_wait3A_154 = arith.constant 0 : i32
    %dma_wait3A_155 = arith.constant 0 : i32
    %dma_wait3A_156 = tpu.memref_slice %arg19[%dma_wait3A_154, %dma_wait3A_155] : memref<10000x64xf32, #tpu.memory_space<vmem_shared>> -> memref<10000x64xf32, #tpu.memory_space<vmem_shared>>
    tpu.wait_indirect_dma semaphore(%arg32 : memref<!tpu.dma_semaphore, #tpu.memory_space<semaphore_mem>>) src(%arg13 : memref<128x64xf32, #tpu.memory_space<vmem>>) dst(%dma_wait3A_156 : memref<10000x64xf32, #tpu.memory_space<vmem_shared>>)
    %dma_wait3A_157 = arith.constant 0 : i32
    %dma_wait3A_158 = arith.constant 0 : i32
    %dma_wait3A_159 = tpu.memref_slice %arg9[%dma_wait3A_157, %dma_wait3A_158] : memref<79x128xi32, #tpu.memory_space<vmem>> -> memref<1x128xi32, #tpu.memory_space<vmem>>
    %dma_wait3A_160 = tpu.memref_squeeze %dma_wait3A_159 : memref<1x128xi32, #tpu.memory_space<vmem>> -> memref<128xi32, #tpu.memory_space<vmem>>
    %dma_wait3A_161 = arith.constant 0 : i32
    %dma_wait3A_162 = arith.constant 0 : i32
    %dma_wait3A_163 = tpu.memref_slice %arg19[%dma_wait3A_161, %dma_wait3A_162] : memref<10000x64xf32, #tpu.memory_space<vmem_shared>> -> memref<10000x64xf32, #tpu.memory_space<vmem_shared>>
    tpu.wait_indirect_dma semaphore(%arg33 : memref<!tpu.dma_semaphore, #tpu.memory_space<semaphore_mem>>) src(%arg14 : memref<128x64xf32, #tpu.memory_space<vmem>>) dst(%dma_wait3A_163 : memref<10000x64xf32, #tpu.memory_space<vmem_shared>>)
    %dma_wait3A_164 = arith.constant 0 : i32
    %dma_wait3A_165 = arith.constant 0 : i32
    %dma_wait3A_166 = tpu.memref_slice %arg9[%dma_wait3A_164, %dma_wait3A_165] : memref<79x128xi32, #tpu.memory_space<vmem>> -> memref<1x128xi32, #tpu.memory_space<vmem>>
    %dma_wait3A_167 = tpu.memref_squeeze %dma_wait3A_166 : memref<1x128xi32, #tpu.memory_space<vmem>> -> memref<128xi32, #tpu.memory_space<vmem>>
    %dma_wait3A_168 = arith.constant 0 : i32
    %dma_wait3A_169 = arith.constant 0 : i32
    %dma_wait3A_170 = tpu.memref_slice %arg19[%dma_wait3A_168, %dma_wait3A_169] : memref<10000x64xf32, #tpu.memory_space<vmem_shared>> -> memref<10000x64xf32, #tpu.memory_space<vmem_shared>>
    tpu.wait_indirect_dma semaphore(%arg34 : memref<!tpu.dma_semaphore, #tpu.memory_space<semaphore_mem>>) src(%arg15 : memref<128x64xf32, #tpu.memory_space<vmem>>) dst(%dma_wait3A_170 : memref<10000x64xf32, #tpu.memory_space<vmem_shared>>)
    %dma_wait3A_171 = arith.constant 0 : i32
    %dma_wait3A_172 = arith.constant 0 : i32
    %dma_wait3A_173 = tpu.memref_slice %arg9[%dma_wait3A_171, %dma_wait3A_172] : memref<79x128xi32, #tpu.memory_space<vmem>> -> memref<1x128xi32, #tpu.memory_space<vmem>>
    %dma_wait3A_174 = tpu.memref_squeeze %dma_wait3A_173 : memref<1x128xi32, #tpu.memory_space<vmem>> -> memref<128xi32, #tpu.memory_space<vmem>>
    %dma_wait3A_175 = arith.constant 0 : i32
    %dma_wait3A_176 = arith.constant 0 : i32
    %dma_wait3A_177 = tpu.memref_slice %arg19[%dma_wait3A_175, %dma_wait3A_176] : memref<10000x64xf32, #tpu.memory_space<vmem_shared>> -> memref<10000x64xf32, #tpu.memory_space<vmem_shared>>
    tpu.wait_indirect_dma semaphore(%arg35 : memref<!tpu.dma_semaphore, #tpu.memory_space<semaphore_mem>>) src(%arg16 : memref<128x64xf32, #tpu.memory_space<vmem>>) dst(%dma_wait3A_177 : memref<10000x64xf32, #tpu.memory_space<vmem_shared>>)
    %dma_wait3A_178 = arith.constant 0 : i32
    %dma_wait3A_179 = arith.constant 0 : i32
    %dma_wait3A_180 = tpu.memref_slice %arg9[%dma_wait3A_178, %dma_wait3A_179] : memref<79x128xi32, #tpu.memory_space<vmem>> -> memref<1x128xi32, #tpu.memory_space<vmem>>
    %dma_wait3A_181 = tpu.memref_squeeze %dma_wait3A_180 : memref<1x128xi32, #tpu.memory_space<vmem>> -> memref<128xi32, #tpu.memory_space<vmem>>
    %dma_wait3A_182 = arith.constant 0 : i32
    %dma_wait3A_183 = arith.constant 0 : i32
    %dma_wait3A_184 = tpu.memref_slice %arg19[%dma_wait3A_182, %dma_wait3A_183] : memref<10000x64xf32, #tpu.memory_space<vmem_shared>> -> memref<10000x64xf32, #tpu.memory_space<vmem_shared>>
    tpu.wait_indirect_dma semaphore(%arg36 : memref<!tpu.dma_semaphore, #tpu.memory_space<semaphore_mem>>) src(%arg17 : memref<128x64xf32, #tpu.memory_space<vmem>>) dst(%dma_wait3A_184 : memref<10000x64xf32, #tpu.memory_space<vmem_shared>>)
    %while3A = arith.constant 0 : i32
    %while3A_185 = arith.constant 0 : i32
    %while3A_186 = arith.subi %add3A_8, %while3A_185 : i32
    %while3A_187 = arith.addi %while3A_185, %while3A_186 : i32
    %while3A_188 = arith.constant 1 : i32
    %while3A_189 = arith.divsi %while3A_186, %while3A_188 : i32
    %while3A_190 = arith.muli %while3A_189, %while3A_188 : i32
    %while3A_191 = arith.addi %while3A_185, %while3A_190 : i32
    %while3A_192 = arith.constant 1 : i32
    scf.for %while3A_195 = %while3A_185 to %while3A_191 step %while3A_192  : i32 {
      %dma_wait3A_196 = arith.constant 0 : i32
      %dma_wait3A_197 = arith.constant 0 : i32
      %dma_wait3A_198 = tpu.memref_slice %arg9[%dma_wait3A_196, %dma_wait3A_197] : memref<79x128xi32, #tpu.memory_space<vmem>> -> memref<1x128xi32, #tpu.memory_space<vmem>>
      %dma_wait3A_199 = tpu.memref_squeeze %dma_wait3A_198 : memref<1x128xi32, #tpu.memory_space<vmem>> -> memref<128xi32, #tpu.memory_space<vmem>>
      %dma_wait3A_200 = arith.constant 0 : i32
      %dma_wait3A_201 = tpu.memref_slice %arg20[%dma_wait3A_200] : memref<10240xf32, #tpu.memory_space<vmem_shared>> -> memref<10240xf32, #tpu.memory_space<vmem_shared>>
      tpu.wait_indirect_dma semaphore(%arg37 : memref<!tpu.dma_semaphore, #tpu.memory_space<semaphore_mem>>) src(%arg18 : memref<128xf32, #tpu.memory_space<vmem>>) dst(%dma_wait3A_201 : memref<10240xf32, #tpu.memory_space<vmem_shared>>)
    }
    %while3A_193 = arith.constant 1 : i32
    scf.for %while3A_195 = %while3A_191 to %while3A_187 step %while3A_193  : i32 {
      %dma_wait3A_196 = arith.constant 0 : i32
      %dma_wait3A_197 = arith.constant 0 : i32
      %dma_wait3A_198 = tpu.memref_slice %arg9[%dma_wait3A_196, %dma_wait3A_197] : memref<79x128xi32, #tpu.memory_space<vmem>> -> memref<1x128xi32, #tpu.memory_space<vmem>>
      %dma_wait3A_199 = tpu.memref_squeeze %dma_wait3A_198 : memref<1x128xi32, #tpu.memory_space<vmem>> -> memref<128xi32, #tpu.memory_space<vmem>>
      %dma_wait3A_200 = arith.constant 0 : i32
      %dma_wait3A_201 = tpu.memref_slice %arg20[%dma_wait3A_200] : memref<10240xf32, #tpu.memory_space<vmem_shared>> -> memref<10240xf32, #tpu.memory_space<vmem_shared>>
      tpu.wait_indirect_dma semaphore(%arg37 : memref<!tpu.dma_semaphore, #tpu.memory_space<semaphore_mem>>) src(%arg18 : memref<128xf32, #tpu.memory_space<vmem>>) dst(%dma_wait3A_201 : memref<10240xf32, #tpu.memory_space<vmem_shared>>)
    }
    %barrier3A_194 = arith.constant 0 : index
    tpu.barrier barrier_id(%barrier3A_194)
    "tpu.region"() ({
      %run_scoped3A_195 = tpu.sem_alloc : memref<!tpu.dma_semaphore, #tpu.memory_space<semaphore_mem>>
      %dma_start3A_196 = arith.constant 0 : i32
      %dma_start3A_197 = arith.constant 0 : i32
      %dma_start3A_198 = tpu.memref_slice %arg6[%arg0, %dma_start3A_196, %dma_start3A_197] : memref<2x10000x64xf32, #tpu.memory_space<hbm>> -> memref<1x10000x64xf32, #tpu.memory_space<hbm>>
      %dma_start3A_199 = tpu.memref_squeeze %dma_start3A_198 : memref<1x10000x64xf32, #tpu.memory_space<hbm>> -> memref<10000x64xf32, #tpu.memory_space<hbm>>
      %dma_start3A_200 = arith.constant 0 : i32
      %dma_start3A_201 = tpu.memref_slice %dma_start3A_199[%mul3A_10, %dma_start3A_200] : memref<10000x64xf32, #tpu.memory_space<hbm>> -> memref<625x64xf32, #tpu.memory_space<hbm>>
      %dma_start3A_202 = arith.constant 0 : i32
      %dma_start3A_203 = tpu.memref_slice %arg19[%mul3A_10, %dma_start3A_202] : memref<10000x64xf32, #tpu.memory_space<vmem_shared>> -> memref<625x64xf32, #tpu.memory_space<vmem_shared>>
      tpu.enqueue_dma source(%dma_start3A_203 : memref<625x64xf32, #tpu.memory_space<vmem_shared>>) target(%dma_start3A_201 : memref<625x64xf32, #tpu.memory_space<hbm>>) target_semaphore(%run_scoped3A_195 : memref<!tpu.dma_semaphore, #tpu.memory_space<semaphore_mem>>)
      %dma_wait3A_204 = arith.constant 0 : i32
      %dma_wait3A_205 = arith.constant 0 : i32
      %dma_wait3A_206 = tpu.memref_slice %arg6[%arg0, %dma_wait3A_204, %dma_wait3A_205] : memref<2x10000x64xf32, #tpu.memory_space<hbm>> -> memref<1x10000x64xf32, #tpu.memory_space<hbm>>
      %dma_wait3A_207 = tpu.memref_squeeze %dma_wait3A_206 : memref<1x10000x64xf32, #tpu.memory_space<hbm>> -> memref<10000x64xf32, #tpu.memory_space<hbm>>
      %dma_wait3A_208 = arith.constant 0 : i32
      %dma_wait3A_209 = tpu.memref_slice %dma_wait3A_207[%mul3A_10, %dma_wait3A_208] : memref<10000x64xf32, #tpu.memory_space<hbm>> -> memref<625x64xf32, #tpu.memory_space<hbm>>
      %dma_wait3A_210 = arith.constant 0 : i32
      %dma_wait3A_211 = tpu.memref_slice %arg19[%mul3A_10, %dma_wait3A_210] : memref<10000x64xf32, #tpu.memory_space<vmem_shared>> -> memref<625x64xf32, #tpu.memory_space<vmem_shared>>
      tpu.wait_dma2 semaphore(%run_scoped3A_195 : memref<!tpu.dma_semaphore, #tpu.memory_space<semaphore_mem>>) src(%dma_wait3A_211 : memref<625x64xf32, #tpu.memory_space<vmem_shared>>) dst(%dma_wait3A_209 : memref<625x64xf32, #tpu.memory_space<hbm>>)
      tpu.yield
    }) : () -> ()
    "tpu.region"() ({
      %run_scoped3A_195 = tpu.sem_alloc : memref<!tpu.dma_semaphore, #tpu.memory_space<semaphore_mem>>
      %dma_start3A_196 = arith.constant 0 : i32
      %dma_start3A_197 = tpu.memref_slice %arg7[%arg0, %dma_start3A_196] : memref<2x10240xf32, #tpu.memory_space<hbm>> -> memref<1x10240xf32, #tpu.memory_space<hbm>>
      %dma_start3A_198 = tpu.memref_squeeze %dma_start3A_197 : memref<1x10240xf32, #tpu.memory_space<hbm>> -> memref<10240xf32, #tpu.memory_space<hbm>>
      %dma_start3A_199 = tpu.memref_slice %dma_start3A_198[%mul3A_12] : memref<10240xf32, #tpu.memory_space<hbm>> -> memref<640xf32, #tpu.memory_space<hbm>>
      %dma_start3A_200 = tpu.memref_slice %arg20[%mul3A_12] : memref<10240xf32, #tpu.memory_space<vmem_shared>> -> memref<640xf32, #tpu.memory_space<vmem_shared>>
      tpu.enqueue_dma source(%dma_start3A_200 : memref<640xf32, #tpu.memory_space<vmem_shared>>) target(%dma_start3A_199 : memref<640xf32, #tpu.memory_space<hbm>>) target_semaphore(%run_scoped3A_195 : memref<!tpu.dma_semaphore, #tpu.memory_space<semaphore_mem>>)
      %dma_wait3A_201 = arith.constant 0 : i32
      %dma_wait3A_202 = tpu.memref_slice %arg7[%arg0, %dma_wait3A_201] : memref<2x10240xf32, #tpu.memory_space<hbm>> -> memref<1x10240xf32, #tpu.memory_space<hbm>>
      %dma_wait3A_203 = tpu.memref_squeeze %dma_wait3A_202 : memref<1x10240xf32, #tpu.memory_space<hbm>> -> memref<10240xf32, #tpu.memory_space<hbm>>
      %dma_wait3A_204 = tpu.memref_slice %dma_wait3A_203[%mul3A_12] : memref<10240xf32, #tpu.memory_space<hbm>> -> memref<640xf32, #tpu.memory_space<hbm>>
      %dma_wait3A_205 = tpu.memref_slice %arg20[%mul3A_12] : memref<10240xf32, #tpu.memory_space<vmem_shared>> -> memref<640xf32, #tpu.memory_space<vmem_shared>>
      tpu.wait_dma2 semaphore(%run_scoped3A_195 : memref<!tpu.dma_semaphore, #tpu.memory_space<semaphore_mem>>) src(%dma_wait3A_205 : memref<640xf32, #tpu.memory_space<vmem_shared>>) dst(%dma_wait3A_204 : memref<640xf32, #tpu.memory_space<hbm>>)
      tpu.yield
    }) : () -> ()
    return
  }
}

#map = affine_map<(d0, d1) -> (0, 0, 0)>
#map1 = affine_map<(d0, d1) -> (0, 0)>
module attributes {stable_mosaic.version = 14 : i64} {
  func.func @_finalize_kernel(%arg0: i32, %arg1: i32, %arg2: memref<2x10000x64xf32, #tpu.memory_space<hbm>>, %arg3: memref<2x10240xf32, #tpu.memory_space<hbm>>, %arg4: memref<10000x64xf32, #tpu.memory_space<hbm>>, %arg5: memref<313x64xf32, #tpu.memory_space<vmem>>, %arg6: memref<313x64xf32, #tpu.memory_space<vmem>>, %arg7: memref<336xf32, #tpu.memory_space<vmem>>, %arg8: memref<336xf32, #tpu.memory_space<vmem>>, %arg9: memref<336xf32, #tpu.memory_space<vmem>>) attributes {dimension_semantics = [#tpu.dimension_semantics<core_parallel>, #tpu.dimension_semantics<subcore_parallel>], iteration_bounds = array<i64: 2, 16>, scalar_prefetch = 0 : i64, scratch_operands = 5 : i64, tpu.core_type = #tpu.core_type<sc_vector_subcore>, window_params = [{transform_indices = #map}, {transform_indices = #map1}, {transform_indices = #map1}]} {
    %mul3A = arith.constant 2 : i32
    %mul3A_0 = arith.muli %arg1, %mul3A : i32
    %add3A = arith.addi %mul3A_0, %arg0 : i32
    %mul3A_1 = arith.constant 312 : i32
    %mul3A_2 = arith.muli %mul3A_1, %add3A : i32
    %min3A = arith.constant 16 : i32
    %min3A_3 = arith.minsi %add3A, %min3A : i32
    %add3A_4 = arith.addi %mul3A_2, %min3A_3 : i32
    %lt3A = arith.constant 16 : i32
    %lt3A_5 = arith.cmpi slt, %add3A, %lt3A : i32
    %jit3A = arith.constant 1 : i32
    %jit3A_6 = arith.constant 0 : i32
    %select_n3A = arith.select %lt3A_5, %jit3A, %jit3A_6 : i32
    %add3A_7 = arith.constant 312 : i32
    %add3A_8 = arith.addi %add3A_7, %select_n3A : i32
    %jit3A_9 = arith.constant 8 : i32
    %div3A = arith.divsi %add3A_4, %jit3A_9 : i32
    %sign3A = arith.constant 0 : i32
    %sign3A_10 = arith.cmpi sgt, %add3A_4, %sign3A : i32
    %sign3A_11 = arith.extui %sign3A_10 : i1 to i32
    %sign3A_12 = arith.constant 0 : i32
    %sign3A_13 = arith.cmpi slt, %add3A_4, %sign3A_12 : i32
    %sign3A_14 = arith.extui %sign3A_13 : i1 to i32
    %sign3A_15 = arith.subi %sign3A_11, %sign3A_14 : i32
    %sign3A_16 = arith.constant 0 : i32
    %sign3A_17 = arith.cmpi sgt, %jit3A_9, %sign3A_16 : i32
    %sign3A_18 = arith.extui %sign3A_17 : i1 to i32
    %sign3A_19 = arith.constant 0 : i32
    %sign3A_20 = arith.cmpi slt, %jit3A_9, %sign3A_19 : i32
    %sign3A_21 = arith.extui %sign3A_20 : i1 to i32
    %sign3A_22 = arith.subi %sign3A_18, %sign3A_21 : i32
    %ne3A = arith.cmpi ne, %sign3A_15, %sign3A_22 : i32
    %rem3A = arith.remsi %add3A_4, %jit3A_9 : i32
    %ne3A_23 = arith.constant 0 : i32
    %ne3A_24 = arith.cmpi ne, %rem3A, %ne3A_23 : i32
    %and3A = arith.andi %ne3A, %ne3A_24 : i1
    %sub3A = arith.constant 1 : i32
    %sub3A_25 = arith.subi %div3A, %sub3A : i32
    %select_n3A_26 = arith.select %and3A, %sub3A_25, %div3A : i32
    %mul3A_27 = arith.constant 8 : i32
    %mul3A_28 = arith.muli %select_n3A_26, %mul3A_27 : i32
    %sub3A_29 = arith.subi %add3A_4, %mul3A_28 : i32
    %run_scoped3A = arith.constant 0 : i32
    "tpu.region"() ({
      %run_scoped3A_1074 = tpu.sem_alloc : memref<!tpu.dma_semaphore, #tpu.memory_space<semaphore_mem>>
      %dma_start3A = arith.constant 0 : i32
      %dma_start3A_1075 = arith.constant 0 : i32
      %dma_start3A_1076 = tpu.memref_slice %arg5[%dma_start3A, %dma_start3A_1075] : memref<313x64xf32, #tpu.memory_space<vmem>> -> memref<312x64xf32, #tpu.memory_space<vmem>>
      %dma_start3A_1077 = arith.constant 0 : i32
      %dma_start3A_1078 = arith.constant 0 : i32
      %dma_start3A_1079 = tpu.memref_slice %arg2[%run_scoped3A, %dma_start3A_1077, %dma_start3A_1078] : memref<2x10000x64xf32, #tpu.memory_space<hbm>> -> memref<1x10000x64xf32, #tpu.memory_space<hbm>>
      %dma_start3A_1080 = tpu.memref_squeeze %dma_start3A_1079 : memref<1x10000x64xf32, #tpu.memory_space<hbm>> -> memref<10000x64xf32, #tpu.memory_space<hbm>>
      %dma_start3A_1081 = arith.constant 0 : i32
      %dma_start3A_1082 = tpu.memref_slice %dma_start3A_1080[%add3A_4, %dma_start3A_1081] : memref<10000x64xf32, #tpu.memory_space<hbm>> -> memref<312x64xf32, #tpu.memory_space<hbm>>
      %dma_start3A_1083 = arith.constant 0 : i32
      %dma_start3A_1084 = arith.constant 0 : i32
      %dma_start3A_1085 = tpu.memref_slice %arg5[%dma_start3A_1083, %dma_start3A_1084] : memref<313x64xf32, #tpu.memory_space<vmem>> -> memref<312x64xf32, #tpu.memory_space<vmem>>
      %dma_start3A_1086 = arith.constant 0 : i32
      %dma_start3A_1087 = arith.constant 0 : i32
      %dma_start3A_1088 = tpu.memref_slice %arg2[%run_scoped3A, %dma_start3A_1086, %dma_start3A_1087] : memref<2x10000x64xf32, #tpu.memory_space<hbm>> -> memref<1x10000x64xf32, #tpu.memory_space<hbm>>
      %dma_start3A_1089 = tpu.memref_squeeze %dma_start3A_1088 : memref<1x10000x64xf32, #tpu.memory_space<hbm>> -> memref<10000x64xf32, #tpu.memory_space<hbm>>
      %dma_start3A_1090 = arith.constant 0 : i32
      %dma_start3A_1091 = tpu.memref_slice %dma_start3A_1089[%add3A_4, %dma_start3A_1090] : memref<10000x64xf32, #tpu.memory_space<hbm>> -> memref<312x64xf32, #tpu.memory_space<hbm>>
      tpu.enqueue_dma source(%dma_start3A_1091 : memref<312x64xf32, #tpu.memory_space<hbm>>) target(%dma_start3A_1085 : memref<312x64xf32, #tpu.memory_space<vmem>>) target_semaphore(%run_scoped3A_1074 : memref<!tpu.dma_semaphore, #tpu.memory_space<semaphore_mem>>)
      %dma_wait3A = arith.constant 0 : i32
      %dma_wait3A_1092 = arith.constant 0 : i32
      %dma_wait3A_1093 = tpu.memref_slice %arg5[%dma_wait3A, %dma_wait3A_1092] : memref<313x64xf32, #tpu.memory_space<vmem>> -> memref<312x64xf32, #tpu.memory_space<vmem>>
      %dma_wait3A_1094 = arith.constant 0 : i32
      %dma_wait3A_1095 = arith.constant 0 : i32
      %dma_wait3A_1096 = tpu.memref_slice %arg2[%run_scoped3A, %dma_wait3A_1094, %dma_wait3A_1095] : memref<2x10000x64xf32, #tpu.memory_space<hbm>> -> memref<1x10000x64xf32, #tpu.memory_space<hbm>>
      %dma_wait3A_1097 = tpu.memref_squeeze %dma_wait3A_1096 : memref<1x10000x64xf32, #tpu.memory_space<hbm>> -> memref<10000x64xf32, #tpu.memory_space<hbm>>
      %dma_wait3A_1098 = arith.constant 0 : i32
      %dma_wait3A_1099 = tpu.memref_slice %dma_wait3A_1097[%add3A_4, %dma_wait3A_1098] : memref<10000x64xf32, #tpu.memory_space<hbm>> -> memref<312x64xf32, #tpu.memory_space<hbm>>
      %dma_wait3A_1100 = arith.constant 0 : i32
      %dma_wait3A_1101 = arith.constant 0 : i32
      %dma_wait3A_1102 = tpu.memref_slice %arg5[%dma_wait3A_1100, %dma_wait3A_1101] : memref<313x64xf32, #tpu.memory_space<vmem>> -> memref<312x64xf32, #tpu.memory_space<vmem>>
      %dma_wait3A_1103 = arith.constant 0 : i32
      %dma_wait3A_1104 = arith.constant 0 : i32
      %dma_wait3A_1105 = tpu.memref_slice %arg2[%run_scoped3A, %dma_wait3A_1103, %dma_wait3A_1104] : memref<2x10000x64xf32, #tpu.memory_space<hbm>> -> memref<1x10000x64xf32, #tpu.memory_space<hbm>>
      %dma_wait3A_1106 = tpu.memref_squeeze %dma_wait3A_1105 : memref<1x10000x64xf32, #tpu.memory_space<hbm>> -> memref<10000x64xf32, #tpu.memory_space<hbm>>
      %dma_wait3A_1107 = arith.constant 0 : i32
      %dma_wait3A_1108 = tpu.memref_slice %dma_wait3A_1106[%add3A_4, %dma_wait3A_1107] : memref<10000x64xf32, #tpu.memory_space<hbm>> -> memref<312x64xf32, #tpu.memory_space<hbm>>
      tpu.wait_dma2 semaphore(%run_scoped3A_1074 : memref<!tpu.dma_semaphore, #tpu.memory_space<semaphore_mem>>) src(%dma_wait3A_1108 : memref<312x64xf32, #tpu.memory_space<hbm>>) dst(%dma_wait3A_1102 : memref<312x64xf32, #tpu.memory_space<vmem>>)
      tpu.yield
    }) : () -> ()
    %run_scoped3A_30 = arith.constant 1 : i32
    "tpu.region"() ({
      %run_scoped3A_1074 = tpu.sem_alloc : memref<!tpu.dma_semaphore, #tpu.memory_space<semaphore_mem>>
      %dma_start3A = arith.constant 0 : i32
      %dma_start3A_1075 = arith.constant 0 : i32
      %dma_start3A_1076 = tpu.memref_slice %arg6[%dma_start3A, %dma_start3A_1075] : memref<313x64xf32, #tpu.memory_space<vmem>> -> memref<312x64xf32, #tpu.memory_space<vmem>>
      %dma_start3A_1077 = arith.constant 0 : i32
      %dma_start3A_1078 = arith.constant 0 : i32
      %dma_start3A_1079 = tpu.memref_slice %arg2[%run_scoped3A_30, %dma_start3A_1077, %dma_start3A_1078] : memref<2x10000x64xf32, #tpu.memory_space<hbm>> -> memref<1x10000x64xf32, #tpu.memory_space<hbm>>
      %dma_start3A_1080 = tpu.memref_squeeze %dma_start3A_1079 : memref<1x10000x64xf32, #tpu.memory_space<hbm>> -> memref<10000x64xf32, #tpu.memory_space<hbm>>
      %dma_start3A_1081 = arith.constant 0 : i32
      %dma_start3A_1082 = tpu.memref_slice %dma_start3A_1080[%add3A_4, %dma_start3A_1081] : memref<10000x64xf32, #tpu.memory_space<hbm>> -> memref<312x64xf32, #tpu.memory_space<hbm>>
      %dma_start3A_1083 = arith.constant 0 : i32
      %dma_start3A_1084 = arith.constant 0 : i32
      %dma_start3A_1085 = tpu.memref_slice %arg6[%dma_start3A_1083, %dma_start3A_1084] : memref<313x64xf32, #tpu.memory_space<vmem>> -> memref<312x64xf32, #tpu.memory_space<vmem>>
      %dma_start3A_1086 = arith.constant 0 : i32
      %dma_start3A_1087 = arith.constant 0 : i32
      %dma_start3A_1088 = tpu.memref_slice %arg2[%run_scoped3A_30, %dma_start3A_1086, %dma_start3A_1087] : memref<2x10000x64xf32, #tpu.memory_space<hbm>> -> memref<1x10000x64xf32, #tpu.memory_space<hbm>>
      %dma_start3A_1089 = tpu.memref_squeeze %dma_start3A_1088 : memref<1x10000x64xf32, #tpu.memory_space<hbm>> -> memref<10000x64xf32, #tpu.memory_space<hbm>>
      %dma_start3A_1090 = arith.constant 0 : i32
      %dma_start3A_1091 = tpu.memref_slice %dma_start3A_1089[%add3A_4, %dma_start3A_1090] : memref<10000x64xf32, #tpu.memory_space<hbm>> -> memref<312x64xf32, #tpu.memory_space<hbm>>
      tpu.enqueue_dma source(%dma_start3A_1091 : memref<312x64xf32, #tpu.memory_space<hbm>>) target(%dma_start3A_1085 : memref<312x64xf32, #tpu.memory_space<vmem>>) target_semaphore(%run_scoped3A_1074 : memref<!tpu.dma_semaphore, #tpu.memory_space<semaphore_mem>>)
      %dma_wait3A = arith.constant 0 : i32
      %dma_wait3A_1092 = arith.constant 0 : i32
      %dma_wait3A_1093 = tpu.memref_slice %arg6[%dma_wait3A, %dma_wait3A_1092] : memref<313x64xf32, #tpu.memory_space<vmem>> -> memref<312x64xf32, #tpu.memory_space<vmem>>
      %dma_wait3A_1094 = arith.constant 0 : i32
      %dma_wait3A_1095 = arith.constant 0 : i32
      %dma_wait3A_1096 = tpu.memref_slice %arg2[%run_scoped3A_30, %dma_wait3A_1094, %dma_wait3A_1095] : memref<2x10000x64xf32, #tpu.memory_space<hbm>> -> memref<1x10000x64xf32, #tpu.memory_space<hbm>>
      %dma_wait3A_1097 = tpu.memref_squeeze %dma_wait3A_1096 : memref<1x10000x64xf32, #tpu.memory_space<hbm>> -> memref<10000x64xf32, #tpu.memory_space<hbm>>
      %dma_wait3A_1098 = arith.constant 0 : i32
      %dma_wait3A_1099 = tpu.memref_slice %dma_wait3A_1097[%add3A_4, %dma_wait3A_1098] : memref<10000x64xf32, #tpu.memory_space<hbm>> -> memref<312x64xf32, #tpu.memory_space<hbm>>
      %dma_wait3A_1100 = arith.constant 0 : i32
      %dma_wait3A_1101 = arith.constant 0 : i32
      %dma_wait3A_1102 = tpu.memref_slice %arg6[%dma_wait3A_1100, %dma_wait3A_1101] : memref<313x64xf32, #tpu.memory_space<vmem>> -> memref<312x64xf32, #tpu.memory_space<vmem>>
      %dma_wait3A_1103 = arith.constant 0 : i32
      %dma_wait3A_1104 = arith.constant 0 : i32
      %dma_wait3A_1105 = tpu.memref_slice %arg2[%run_scoped3A_30, %dma_wait3A_1103, %dma_wait3A_1104] : memref<2x10000x64xf32, #tpu.memory_space<hbm>> -> memref<1x10000x64xf32, #tpu.memory_space<hbm>>
      %dma_wait3A_1106 = tpu.memref_squeeze %dma_wait3A_1105 : memref<1x10000x64xf32, #tpu.memory_space<hbm>> -> memref<10000x64xf32, #tpu.memory_space<hbm>>
      %dma_wait3A_1107 = arith.constant 0 : i32
      %dma_wait3A_1108 = tpu.memref_slice %dma_wait3A_1106[%add3A_4, %dma_wait3A_1107] : memref<10000x64xf32, #tpu.memory_space<hbm>> -> memref<312x64xf32, #tpu.memory_space<hbm>>
      tpu.wait_dma2 semaphore(%run_scoped3A_1074 : memref<!tpu.dma_semaphore, #tpu.memory_space<semaphore_mem>>) src(%dma_wait3A_1108 : memref<312x64xf32, #tpu.memory_space<hbm>>) dst(%dma_wait3A_1102 : memref<312x64xf32, #tpu.memory_space<vmem>>)
      tpu.yield
    }) : () -> ()
    %lt3A_31 = arith.constant 16 : i32
    %lt3A_32 = arith.cmpi slt, %add3A, %lt3A_31 : i32
    %convert_element_type3A = arith.extui %lt3A_32 : i1 to i32
    %cond3A = arith.constant 0 : i32
    %cond3A_33 = arith.cmpi ne, %convert_element_type3A, %cond3A : i32
    scf.if %cond3A_33 {
      %add3A_1074 = arith.constant 312 : i32
      %add3A_1075 = arith.addi %add3A_4, %add3A_1074 : i32
      %run_scoped3A_1076 = arith.constant 0 : i32
      "tpu.region"() ({
        %run_scoped3A_1080 = tpu.sem_alloc : memref<!tpu.dma_semaphore, #tpu.memory_space<semaphore_mem>>
        %dma_start3A = arith.constant 312 : i32
        %dma_start3A_1081 = arith.constant 0 : i32
        %dma_start3A_1082 = tpu.memref_slice %arg5[%dma_start3A, %dma_start3A_1081] : memref<313x64xf32, #tpu.memory_space<vmem>> -> memref<1x64xf32, #tpu.memory_space<vmem>>
        %dma_start3A_1083 = arith.constant 0 : i32
        %dma_start3A_1084 = arith.constant 0 : i32
        %dma_start3A_1085 = tpu.memref_slice %arg2[%run_scoped3A_1076, %dma_start3A_1083, %dma_start3A_1084] : memref<2x10000x64xf32, #tpu.memory_space<hbm>> -> memref<1x10000x64xf32, #tpu.memory_space<hbm>>
        %dma_start3A_1086 = tpu.memref_squeeze %dma_start3A_1085 : memref<1x10000x64xf32, #tpu.memory_space<hbm>> -> memref<10000x64xf32, #tpu.memory_space<hbm>>
        %dma_start3A_1087 = arith.constant 0 : i32
        %dma_start3A_1088 = tpu.memref_slice %dma_start3A_1086[%add3A_1075, %dma_start3A_1087] : memref<10000x64xf32, #tpu.memory_space<hbm>> -> memref<1x64xf32, #tpu.memory_space<hbm>>
        %dma_start3A_1089 = arith.constant 312 : i32
        %dma_start3A_1090 = arith.constant 0 : i32
        %dma_start3A_1091 = tpu.memref_slice %arg5[%dma_start3A_1089, %dma_start3A_1090] : memref<313x64xf32, #tpu.memory_space<vmem>> -> memref<1x64xf32, #tpu.memory_space<vmem>>
        %dma_start3A_1092 = arith.constant 0 : i32
        %dma_start3A_1093 = arith.constant 0 : i32
        %dma_start3A_1094 = tpu.memref_slice %arg2[%run_scoped3A_1076, %dma_start3A_1092, %dma_start3A_1093] : memref<2x10000x64xf32, #tpu.memory_space<hbm>> -> memref<1x10000x64xf32, #tpu.memory_space<hbm>>
        %dma_start3A_1095 = tpu.memref_squeeze %dma_start3A_1094 : memref<1x10000x64xf32, #tpu.memory_space<hbm>> -> memref<10000x64xf32, #tpu.memory_space<hbm>>
        %dma_start3A_1096 = arith.constant 0 : i32
        %dma_start3A_1097 = tpu.memref_slice %dma_start3A_1095[%add3A_1075, %dma_start3A_1096] : memref<10000x64xf32, #tpu.memory_space<hbm>> -> memref<1x64xf32, #tpu.memory_space<hbm>>
        tpu.enqueue_dma source(%dma_start3A_1097 : memref<1x64xf32, #tpu.memory_space<hbm>>) target(%dma_start3A_1091 : memref<1x64xf32, #tpu.memory_space<vmem>>) target_semaphore(%run_scoped3A_1080 : memref<!tpu.dma_semaphore, #tpu.memory_space<semaphore_mem>>)
        %dma_wait3A = arith.constant 312 : i32
        %dma_wait3A_1098 = arith.constant 0 : i32
        %dma_wait3A_1099 = tpu.memref_slice %arg5[%dma_wait3A, %dma_wait3A_1098] : memref<313x64xf32, #tpu.memory_space<vmem>> -> memref<1x64xf32, #tpu.memory_space<vmem>>
        %dma_wait3A_1100 = arith.constant 0 : i32
        %dma_wait3A_1101 = arith.constant 0 : i32
        %dma_wait3A_1102 = tpu.memref_slice %arg2[%run_scoped3A_1076, %dma_wait3A_1100, %dma_wait3A_1101] : memref<2x10000x64xf32, #tpu.memory_space<hbm>> -> memref<1x10000x64xf32, #tpu.memory_space<hbm>>
        %dma_wait3A_1103 = tpu.memref_squeeze %dma_wait3A_1102 : memref<1x10000x64xf32, #tpu.memory_space<hbm>> -> memref<10000x64xf32, #tpu.memory_space<hbm>>
        %dma_wait3A_1104 = arith.constant 0 : i32
        %dma_wait3A_1105 = tpu.memref_slice %dma_wait3A_1103[%add3A_1075, %dma_wait3A_1104] : memref<10000x64xf32, #tpu.memory_space<hbm>> -> memref<1x64xf32, #tpu.memory_space<hbm>>
        %dma_wait3A_1106 = arith.constant 312 : i32
        %dma_wait3A_1107 = arith.constant 0 : i32
        %dma_wait3A_1108 = tpu.memref_slice %arg5[%dma_wait3A_1106, %dma_wait3A_1107] : memref<313x64xf32, #tpu.memory_space<vmem>> -> memref<1x64xf32, #tpu.memory_space<vmem>>
        %dma_wait3A_1109 = arith.constant 0 : i32
        %dma_wait3A_1110 = arith.constant 0 : i32
        %dma_wait3A_1111 = tpu.memref_slice %arg2[%run_scoped3A_1076, %dma_wait3A_1109, %dma_wait3A_1110] : memref<2x10000x64xf32, #tpu.memory_space<hbm>> -> memref<1x10000x64xf32, #tpu.memory_space<hbm>>
        %dma_wait3A_1112 = tpu.memref_squeeze %dma_wait3A_1111 : memref<1x10000x64xf32, #tpu.memory_space<hbm>> -> memref<10000x64xf32, #tpu.memory_space<hbm>>
        %dma_wait3A_1113 = arith.constant 0 : i32
        %dma_wait3A_1114 = tpu.memref_slice %dma_wait3A_1112[%add3A_1075, %dma_wait3A_1113] : memref<10000x64xf32, #tpu.memory_space<hbm>> -> memref<1x64xf32, #tpu.memory_space<hbm>>
        tpu.wait_dma2 semaphore(%run_scoped3A_1080 : memref<!tpu.dma_semaphore, #tpu.memory_space<semaphore_mem>>) src(%dma_wait3A_1114 : memref<1x64xf32, #tpu.memory_space<hbm>>) dst(%dma_wait3A_1108 : memref<1x64xf32, #tpu.memory_space<vmem>>)
        tpu.yield
      }) : () -> ()
      %add3A_1077 = arith.constant 312 : i32
      %add3A_1078 = arith.addi %add3A_4, %add3A_1077 : i32
      %run_scoped3A_1079 = arith.constant 1 : i32
      "tpu.region"() ({
        %run_scoped3A_1080 = tpu.sem_alloc : memref<!tpu.dma_semaphore, #tpu.memory_space<semaphore_mem>>
        %dma_start3A = arith.constant 312 : i32
        %dma_start3A_1081 = arith.constant 0 : i32
        %dma_start3A_1082 = tpu.memref_slice %arg6[%dma_start3A, %dma_start3A_1081] : memref<313x64xf32, #tpu.memory_space<vmem>> -> memref<1x64xf32, #tpu.memory_space<vmem>>
        %dma_start3A_1083 = arith.constant 0 : i32
        %dma_start3A_1084 = arith.constant 0 : i32
        %dma_start3A_1085 = tpu.memref_slice %arg2[%run_scoped3A_1079, %dma_start3A_1083, %dma_start3A_1084] : memref<2x10000x64xf32, #tpu.memory_space<hbm>> -> memref<1x10000x64xf32, #tpu.memory_space<hbm>>
        %dma_start3A_1086 = tpu.memref_squeeze %dma_start3A_1085 : memref<1x10000x64xf32, #tpu.memory_space<hbm>> -> memref<10000x64xf32, #tpu.memory_space<hbm>>
        %dma_start3A_1087 = arith.constant 0 : i32
        %dma_start3A_1088 = tpu.memref_slice %dma_start3A_1086[%add3A_1078, %dma_start3A_1087] : memref<10000x64xf32, #tpu.memory_space<hbm>> -> memref<1x64xf32, #tpu.memory_space<hbm>>
        %dma_start3A_1089 = arith.constant 312 : i32
        %dma_start3A_1090 = arith.constant 0 : i32
        %dma_start3A_1091 = tpu.memref_slice %arg6[%dma_start3A_1089, %dma_start3A_1090] : memref<313x64xf32, #tpu.memory_space<vmem>> -> memref<1x64xf32, #tpu.memory_space<vmem>>
        %dma_start3A_1092 = arith.constant 0 : i32
        %dma_start3A_1093 = arith.constant 0 : i32
        %dma_start3A_1094 = tpu.memref_slice %arg2[%run_scoped3A_1079, %dma_start3A_1092, %dma_start3A_1093] : memref<2x10000x64xf32, #tpu.memory_space<hbm>> -> memref<1x10000x64xf32, #tpu.memory_space<hbm>>
        %dma_start3A_1095 = tpu.memref_squeeze %dma_start3A_1094 : memref<1x10000x64xf32, #tpu.memory_space<hbm>> -> memref<10000x64xf32, #tpu.memory_space<hbm>>
        %dma_start3A_1096 = arith.constant 0 : i32
        %dma_start3A_1097 = tpu.memref_slice %dma_start3A_1095[%add3A_1078, %dma_start3A_1096] : memref<10000x64xf32, #tpu.memory_space<hbm>> -> memref<1x64xf32, #tpu.memory_space<hbm>>
        tpu.enqueue_dma source(%dma_start3A_1097 : memref<1x64xf32, #tpu.memory_space<hbm>>) target(%dma_start3A_1091 : memref<1x64xf32, #tpu.memory_space<vmem>>) target_semaphore(%run_scoped3A_1080 : memref<!tpu.dma_semaphore, #tpu.memory_space<semaphore_mem>>)
        %dma_wait3A = arith.constant 312 : i32
        %dma_wait3A_1098 = arith.constant 0 : i32
        %dma_wait3A_1099 = tpu.memref_slice %arg6[%dma_wait3A, %dma_wait3A_1098] : memref<313x64xf32, #tpu.memory_space<vmem>> -> memref<1x64xf32, #tpu.memory_space<vmem>>
        %dma_wait3A_1100 = arith.constant 0 : i32
        %dma_wait3A_1101 = arith.constant 0 : i32
        %dma_wait3A_1102 = tpu.memref_slice %arg2[%run_scoped3A_1079, %dma_wait3A_1100, %dma_wait3A_1101] : memref<2x10000x64xf32, #tpu.memory_space<hbm>> -> memref<1x10000x64xf32, #tpu.memory_space<hbm>>
        %dma_wait3A_1103 = tpu.memref_squeeze %dma_wait3A_1102 : memref<1x10000x64xf32, #tpu.memory_space<hbm>> -> memref<10000x64xf32, #tpu.memory_space<hbm>>
        %dma_wait3A_1104 = arith.constant 0 : i32
        %dma_wait3A_1105 = tpu.memref_slice %dma_wait3A_1103[%add3A_1078, %dma_wait3A_1104] : memref<10000x64xf32, #tpu.memory_space<hbm>> -> memref<1x64xf32, #tpu.memory_space<hbm>>
        %dma_wait3A_1106 = arith.constant 312 : i32
        %dma_wait3A_1107 = arith.constant 0 : i32
        %dma_wait3A_1108 = tpu.memref_slice %arg6[%dma_wait3A_1106, %dma_wait3A_1107] : memref<313x64xf32, #tpu.memory_space<vmem>> -> memref<1x64xf32, #tpu.memory_space<vmem>>
        %dma_wait3A_1109 = arith.constant 0 : i32
        %dma_wait3A_1110 = arith.constant 0 : i32
        %dma_wait3A_1111 = tpu.memref_slice %arg2[%run_scoped3A_1079, %dma_wait3A_1109, %dma_wait3A_1110] : memref<2x10000x64xf32, #tpu.memory_space<hbm>> -> memref<1x10000x64xf32, #tpu.memory_space<hbm>>
        %dma_wait3A_1112 = tpu.memref_squeeze %dma_wait3A_1111 : memref<1x10000x64xf32, #tpu.memory_space<hbm>> -> memref<10000x64xf32, #tpu.memory_space<hbm>>
        %dma_wait3A_1113 = arith.constant 0 : i32
        %dma_wait3A_1114 = tpu.memref_slice %dma_wait3A_1112[%add3A_1078, %dma_wait3A_1113] : memref<10000x64xf32, #tpu.memory_space<hbm>> -> memref<1x64xf32, #tpu.memory_space<hbm>>
        tpu.wait_dma2 semaphore(%run_scoped3A_1080 : memref<!tpu.dma_semaphore, #tpu.memory_space<semaphore_mem>>) src(%dma_wait3A_1114 : memref<1x64xf32, #tpu.memory_space<hbm>>) dst(%dma_wait3A_1108 : memref<1x64xf32, #tpu.memory_space<vmem>>)
        tpu.yield
      }) : () -> ()
    } else {
    }
    %run_scoped3A_34 = arith.constant 0 : i32
    "tpu.region"() ({
      %run_scoped3A_1074 = tpu.sem_alloc : memref<!tpu.dma_semaphore, #tpu.memory_space<semaphore_mem>>
      %dma_start3A = arith.constant 0 : i32
      %dma_start3A_1075 = tpu.memref_slice %arg3[%run_scoped3A_34, %dma_start3A] : memref<2x10240xf32, #tpu.memory_space<hbm>> -> memref<1x10240xf32, #tpu.memory_space<hbm>>
      %dma_start3A_1076 = tpu.memref_squeeze %dma_start3A_1075 : memref<1x10240xf32, #tpu.memory_space<hbm>> -> memref<10240xf32, #tpu.memory_space<hbm>>
      %dma_start3A_1077 = tpu.memref_slice %dma_start3A_1076[%mul3A_28] : memref<10240xf32, #tpu.memory_space<hbm>> -> memref<336xf32, #tpu.memory_space<hbm>>
      %dma_start3A_1078 = arith.constant 0 : i32
      %dma_start3A_1079 = tpu.memref_slice %arg3[%run_scoped3A_34, %dma_start3A_1078] : memref<2x10240xf32, #tpu.memory_space<hbm>> -> memref<1x10240xf32, #tpu.memory_space<hbm>>
      %dma_start3A_1080 = tpu.memref_squeeze %dma_start3A_1079 : memref<1x10240xf32, #tpu.memory_space<hbm>> -> memref<10240xf32, #tpu.memory_space<hbm>>
      %dma_start3A_1081 = tpu.memref_slice %dma_start3A_1080[%mul3A_28] : memref<10240xf32, #tpu.memory_space<hbm>> -> memref<336xf32, #tpu.memory_space<hbm>>
      tpu.enqueue_dma source(%dma_start3A_1081 : memref<336xf32, #tpu.memory_space<hbm>>) target(%arg7 : memref<336xf32, #tpu.memory_space<vmem>>) target_semaphore(%run_scoped3A_1074 : memref<!tpu.dma_semaphore, #tpu.memory_space<semaphore_mem>>)
      %dma_wait3A = arith.constant 0 : i32
      %dma_wait3A_1082 = tpu.memref_slice %arg3[%run_scoped3A_34, %dma_wait3A] : memref<2x10240xf32, #tpu.memory_space<hbm>> -> memref<1x10240xf32, #tpu.memory_space<hbm>>
      %dma_wait3A_1083 = tpu.memref_squeeze %dma_wait3A_1082 : memref<1x10240xf32, #tpu.memory_space<hbm>> -> memref<10240xf32, #tpu.memory_space<hbm>>
      %dma_wait3A_1084 = tpu.memref_slice %dma_wait3A_1083[%mul3A_28] : memref<10240xf32, #tpu.memory_space<hbm>> -> memref<336xf32, #tpu.memory_space<hbm>>
      %dma_wait3A_1085 = arith.constant 0 : i32
      %dma_wait3A_1086 = tpu.memref_slice %arg3[%run_scoped3A_34, %dma_wait3A_1085] : memref<2x10240xf32, #tpu.memory_space<hbm>> -> memref<1x10240xf32, #tpu.memory_space<hbm>>
      %dma_wait3A_1087 = tpu.memref_squeeze %dma_wait3A_1086 : memref<1x10240xf32, #tpu.memory_space<hbm>> -> memref<10240xf32, #tpu.memory_space<hbm>>
      %dma_wait3A_1088 = tpu.memref_slice %dma_wait3A_1087[%mul3A_28] : memref<10240xf32, #tpu.memory_space<hbm>> -> memref<336xf32, #tpu.memory_space<hbm>>
      tpu.wait_dma2 semaphore(%run_scoped3A_1074 : memref<!tpu.dma_semaphore, #tpu.memory_space<semaphore_mem>>) src(%dma_wait3A_1088 : memref<336xf32, #tpu.memory_space<hbm>>) dst(%arg7 : memref<336xf32, #tpu.memory_space<vmem>>)
      tpu.yield
    }) : () -> ()
    %run_scoped3A_35 = arith.constant 1 : i32
    "tpu.region"() ({
      %run_scoped3A_1074 = tpu.sem_alloc : memref<!tpu.dma_semaphore, #tpu.memory_space<semaphore_mem>>
      %dma_start3A = arith.constant 0 : i32
      %dma_start3A_1075 = tpu.memref_slice %arg3[%run_scoped3A_35, %dma_start3A] : memref<2x10240xf32, #tpu.memory_space<hbm>> -> memref<1x10240xf32, #tpu.memory_space<hbm>>
      %dma_start3A_1076 = tpu.memref_squeeze %dma_start3A_1075 : memref<1x10240xf32, #tpu.memory_space<hbm>> -> memref<10240xf32, #tpu.memory_space<hbm>>
      %dma_start3A_1077 = tpu.memref_slice %dma_start3A_1076[%mul3A_28] : memref<10240xf32, #tpu.memory_space<hbm>> -> memref<336xf32, #tpu.memory_space<hbm>>
      %dma_start3A_1078 = arith.constant 0 : i32
      %dma_start3A_1079 = tpu.memref_slice %arg3[%run_scoped3A_35, %dma_start3A_1078] : memref<2x10240xf32, #tpu.memory_space<hbm>> -> memref<1x10240xf32, #tpu.memory_space<hbm>>
      %dma_start3A_1080 = tpu.memref_squeeze %dma_start3A_1079 : memref<1x10240xf32, #tpu.memory_space<hbm>> -> memref<10240xf32, #tpu.memory_space<hbm>>
      %dma_start3A_1081 = tpu.memref_slice %dma_start3A_1080[%mul3A_28] : memref<10240xf32, #tpu.memory_space<hbm>> -> memref<336xf32, #tpu.memory_space<hbm>>
      tpu.enqueue_dma source(%dma_start3A_1081 : memref<336xf32, #tpu.memory_space<hbm>>) target(%arg8 : memref<336xf32, #tpu.memory_space<vmem>>) target_semaphore(%run_scoped3A_1074 : memref<!tpu.dma_semaphore, #tpu.memory_space<semaphore_mem>>)
      %dma_wait3A = arith.constant 0 : i32
      %dma_wait3A_1082 = tpu.memref_slice %arg3[%run_scoped3A_35, %dma_wait3A] : memref<2x10240xf32, #tpu.memory_space<hbm>> -> memref<1x10240xf32, #tpu.memory_space<hbm>>
      %dma_wait3A_1083 = tpu.memref_squeeze %dma_wait3A_1082 : memref<1x10240xf32, #tpu.memory_space<hbm>> -> memref<10240xf32, #tpu.memory_space<hbm>>
      %dma_wait3A_1084 = tpu.memref_slice %dma_wait3A_1083[%mul3A_28] : memref<10240xf32, #tpu.memory_space<hbm>> -> memref<336xf32, #tpu.memory_space<hbm>>
      %dma_wait3A_1085 = arith.constant 0 : i32
      %dma_wait3A_1086 = tpu.memref_slice %arg3[%run_scoped3A_35, %dma_wait3A_1085] : memref<2x10240xf32, #tpu.memory_space<hbm>> -> memref<1x10240xf32, #tpu.memory_space<hbm>>
      %dma_wait3A_1087 = tpu.memref_squeeze %dma_wait3A_1086 : memref<1x10240xf32, #tpu.memory_space<hbm>> -> memref<10240xf32, #tpu.memory_space<hbm>>
      %dma_wait3A_1088 = tpu.memref_slice %dma_wait3A_1087[%mul3A_28] : memref<10240xf32, #tpu.memory_space<hbm>> -> memref<336xf32, #tpu.memory_space<hbm>>
      tpu.wait_dma2 semaphore(%run_scoped3A_1074 : memref<!tpu.dma_semaphore, #tpu.memory_space<semaphore_mem>>) src(%dma_wait3A_1088 : memref<336xf32, #tpu.memory_space<hbm>>) dst(%arg8 : memref<336xf32, #tpu.memory_space<vmem>>)
      tpu.yield
    }) : () -> ()
    %get3A = arith.constant 0 : index
    %get3A_36 = tpu.vector_load %arg7[%get3A] {strides = array<i32>} : memref<336xf32, #tpu.memory_space<vmem>>, vector<16xf32>,
    %get3A_37 = vector.shape_cast %get3A_36 : vector<16xf32> to vector<16xf32>
    %get3A_38 = arith.constant 0 : index
    %get3A_39 = tpu.vector_load %arg8[%get3A_38] {strides = array<i32>} : memref<336xf32, #tpu.memory_space<vmem>>, vector<16xf32>,
    %get3A_40 = vector.shape_cast %get3A_39 : vector<16xf32> to vector<16xf32>
    %add3A_41 = arith.addf %get3A_37, %get3A_40 : vector<16xf32>
    %max3A = arith.constant 1.000000e+00 : f32
    %max3A_42 = vector.broadcast %max3A : f32 to vector<16xf32>
    %max3A_43 = arith.maximumf %add3A_41, %max3A_42 : vector<16xf32>
    %bitcast_convert_type3A = tpu.bitcast %max3A_43 : vector<16xf32> -> vector<16xi32>
    %shift_right_arithmetic3A = arith.constant 1 : i32
    %shift_right_arithmetic3A_44 = vector.broadcast %shift_right_arithmetic3A : i32 to vector<16xi32>
    %shift_right_arithmetic3A_45 = arith.shrsi %bitcast_convert_type3A, %shift_right_arithmetic3A_44 : vector<16xi32>
    %sub3A_46 = arith.constant 1597463007 : i32
    %sub3A_47 = vector.broadcast %sub3A_46 : i32 to vector<16xi32>
    %sub3A_48 = arith.subi %sub3A_47, %shift_right_arithmetic3A_45 : vector<16xi32>
    %bitcast_convert_type3A_49 = tpu.bitcast %sub3A_48 : vector<16xi32> -> vector<16xf32>
    %mul3A_50 = arith.constant 5.000000e-01 : f32
    %mul3A_51 = vector.broadcast %mul3A_50 : f32 to vector<16xf32>
    %mul3A_52 = arith.mulf %mul3A_51, %max3A_43 : vector<16xf32>
    %mul3A_53 = arith.mulf %mul3A_52, %bitcast_convert_type3A_49 : vector<16xf32>
    %mul3A_54 = arith.mulf %mul3A_53, %bitcast_convert_type3A_49 : vector<16xf32>
    %sub3A_55 = arith.constant 1.500000e+00 : f32
    %sub3A_56 = vector.broadcast %sub3A_55 : f32 to vector<16xf32>
    %sub3A_57 = arith.subf %sub3A_56, %mul3A_54 : vector<16xf32>
    %mul3A_58 = arith.mulf %bitcast_convert_type3A_49, %sub3A_57 : vector<16xf32>
    %mul3A_59 = arith.constant 5.000000e-01 : f32
    %mul3A_60 = vector.broadcast %mul3A_59 : f32 to vector<16xf32>
    %mul3A_61 = arith.mulf %mul3A_60, %max3A_43 : vector<16xf32>
    %mul3A_62 = arith.mulf %mul3A_61, %mul3A_58 : vector<16xf32>
    %mul3A_63 = arith.mulf %mul3A_62, %mul3A_58 : vector<16xf32>
    %sub3A_64 = arith.constant 1.500000e+00 : f32
    %sub3A_65 = vector.broadcast %sub3A_64 : f32 to vector<16xf32>
    %sub3A_66 = arith.subf %sub3A_65, %mul3A_63 : vector<16xf32>
    %mul3A_67 = arith.mulf %mul3A_58, %sub3A_66 : vector<16xf32>
    %mul3A_68 = arith.constant 5.000000e-01 : f32
    %mul3A_69 = vector.broadcast %mul3A_68 : f32 to vector<16xf32>
    %mul3A_70 = arith.mulf %mul3A_69, %max3A_43 : vector<16xf32>
    %mul3A_71 = arith.mulf %mul3A_70, %mul3A_67 : vector<16xf32>
    %mul3A_72 = arith.mulf %mul3A_71, %mul3A_67 : vector<16xf32>
    %sub3A_73 = arith.constant 1.500000e+00 : f32
    %sub3A_74 = vector.broadcast %sub3A_73 : f32 to vector<16xf32>
    %sub3A_75 = arith.subf %sub3A_74, %mul3A_72 : vector<16xf32>
    %mul3A_76 = arith.mulf %mul3A_67, %sub3A_75 : vector<16xf32>
    %swap3A = arith.constant 0 : index
    %swap3A_77 = tpu.vector_load %arg9[%swap3A] {strides = array<i32>} : memref<336xf32, #tpu.memory_space<vmem>>, vector<16xf32>,
    %swap3A_78 = vector.shape_cast %swap3A_77 : vector<16xf32> to vector<16xf32>
    %swap3A_79 = vector.shape_cast %mul3A_76 : vector<16xf32> to vector<16xf32>
    tpu.vector_store %arg9[%swap3A], %swap3A_79 {strides = array<i32>} : memref<336xf32, #tpu.memory_space<vmem>>, vector<16xf32>,
    %get3A_80 = arith.constant 16 : index
    %get3A_81 = tpu.vector_load %arg7[%get3A_80] {strides = array<i32>} : memref<336xf32, #tpu.memory_space<vmem>>, vector<16xf32>,
    %get3A_82 = vector.shape_cast %get3A_81 : vector<16xf32> to vector<16xf32>
    %get3A_83 = arith.constant 16 : index
    %get3A_84 = tpu.vector_load %arg8[%get3A_83] {strides = array<i32>} : memref<336xf32, #tpu.memory_space<vmem>>, vector<16xf32>,
    %get3A_85 = vector.shape_cast %get3A_84 : vector<16xf32> to vector<16xf32>
    %add3A_86 = arith.addf %get3A_82, %get3A_85 : vector<16xf32>
    %max3A_87 = arith.constant 1.000000e+00 : f32
    %max3A_88 = vector.broadcast %max3A_87 : f32 to vector<16xf32>
    %max3A_89 = arith.maximumf %add3A_86, %max3A_88 : vector<16xf32>
    %bitcast_convert_type3A_90 = tpu.bitcast %max3A_89 : vector<16xf32> -> vector<16xi32>
    %shift_right_arithmetic3A_91 = arith.constant 1 : i32
    %shift_right_arithmetic3A_92 = vector.broadcast %shift_right_arithmetic3A_91 : i32 to vector<16xi32>
    %shift_right_arithmetic3A_93 = arith.shrsi %bitcast_convert_type3A_90, %shift_right_arithmetic3A_92 : vector<16xi32>
    %sub3A_94 = arith.constant 1597463007 : i32
    %sub3A_95 = vector.broadcast %sub3A_94 : i32 to vector<16xi32>
    %sub3A_96 = arith.subi %sub3A_95, %shift_right_arithmetic3A_93 : vector<16xi32>
    %bitcast_convert_type3A_97 = tpu.bitcast %sub3A_96 : vector<16xi32> -> vector<16xf32>
    %mul3A_98 = arith.constant 5.000000e-01 : f32
    %mul3A_99 = vector.broadcast %mul3A_98 : f32 to vector<16xf32>
    %mul3A_100 = arith.mulf %mul3A_99, %max3A_89 : vector<16xf32>
    %mul3A_101 = arith.mulf %mul3A_100, %bitcast_convert_type3A_97 : vector<16xf32>
    %mul3A_102 = arith.mulf %mul3A_101, %bitcast_convert_type3A_97 : vector<16xf32>
    %sub3A_103 = arith.constant 1.500000e+00 : f32
    %sub3A_104 = vector.broadcast %sub3A_103 : f32 to vector<16xf32>
    %sub3A_105 = arith.subf %sub3A_104, %mul3A_102 : vector<16xf32>
    %mul3A_106 = arith.mulf %bitcast_convert_type3A_97, %sub3A_105 : vector<16xf32>
    %mul3A_107 = arith.constant 5.000000e-01 : f32
    %mul3A_108 = vector.broadcast %mul3A_107 : f32 to vector<16xf32>
    %mul3A_109 = arith.mulf %mul3A_108, %max3A_89 : vector<16xf32>
    %mul3A_110 = arith.mulf %mul3A_109, %mul3A_106 : vector<16xf32>
    %mul3A_111 = arith.mulf %mul3A_110, %mul3A_106 : vector<16xf32>
    %sub3A_112 = arith.constant 1.500000e+00 : f32
    %sub3A_113 = vector.broadcast %sub3A_112 : f32 to vector<16xf32>
    %sub3A_114 = arith.subf %sub3A_113, %mul3A_111 : vector<16xf32>
    %mul3A_115 = arith.mulf %mul3A_106, %sub3A_114 : vector<16xf32>
    %mul3A_116 = arith.constant 5.000000e-01 : f32
    %mul3A_117 = vector.broadcast %mul3A_116 : f32 to vector<16xf32>
    %mul3A_118 = arith.mulf %mul3A_117, %max3A_89 : vector<16xf32>
    %mul3A_119 = arith.mulf %mul3A_118, %mul3A_115 : vector<16xf32>
    %mul3A_120 = arith.mulf %mul3A_119, %mul3A_115 : vector<16xf32>
    %sub3A_121 = arith.constant 1.500000e+00 : f32
    %sub3A_122 = vector.broadcast %sub3A_121 : f32 to vector<16xf32>
    %sub3A_123 = arith.subf %sub3A_122, %mul3A_120 : vector<16xf32>
    %mul3A_124 = arith.mulf %mul3A_115, %sub3A_123 : vector<16xf32>
    %swap3A_125 = arith.constant 16 : index
    %swap3A_126 = tpu.vector_load %arg9[%swap3A_125] {strides = array<i32>} : memref<336xf32, #tpu.memory_space<vmem>>, vector<16xf32>,
    %swap3A_127 = vector.shape_cast %swap3A_126 : vector<16xf32> to vector<16xf32>
    %swap3A_128 = vector.shape_cast %mul3A_124 : vector<16xf32> to vector<16xf32>
    tpu.vector_store %arg9[%swap3A_125], %swap3A_128 {strides = array<i32>} : memref<336xf32, #tpu.memory_space<vmem>>, vector<16xf32>,
    %get3A_129 = arith.constant 32 : index
    %get3A_130 = tpu.vector_load %arg7[%get3A_129] {strides = array<i32>} : memref<336xf32, #tpu.memory_space<vmem>>, vector<16xf32>,
    %get3A_131 = vector.shape_cast %get3A_130 : vector<16xf32> to vector<16xf32>
    %get3A_132 = arith.constant 32 : index
    %get3A_133 = tpu.vector_load %arg8[%get3A_132] {strides = array<i32>} : memref<336xf32, #tpu.memory_space<vmem>>, vector<16xf32>,
    %get3A_134 = vector.shape_cast %get3A_133 : vector<16xf32> to vector<16xf32>
    %add3A_135 = arith.addf %get3A_131, %get3A_134 : vector<16xf32>
    %max3A_136 = arith.constant 1.000000e+00 : f32
    %max3A_137 = vector.broadcast %max3A_136 : f32 to vector<16xf32>
    %max3A_138 = arith.maximumf %add3A_135, %max3A_137 : vector<16xf32>
    %bitcast_convert_type3A_139 = tpu.bitcast %max3A_138 : vector<16xf32> -> vector<16xi32>
    %shift_right_arithmetic3A_140 = arith.constant 1 : i32
    %shift_right_arithmetic3A_141 = vector.broadcast %shift_right_arithmetic3A_140 : i32 to vector<16xi32>
    %shift_right_arithmetic3A_142 = arith.shrsi %bitcast_convert_type3A_139, %shift_right_arithmetic3A_141 : vector<16xi32>
    %sub3A_143 = arith.constant 1597463007 : i32
    %sub3A_144 = vector.broadcast %sub3A_143 : i32 to vector<16xi32>
    %sub3A_145 = arith.subi %sub3A_144, %shift_right_arithmetic3A_142 : vector<16xi32>
    %bitcast_convert_type3A_146 = tpu.bitcast %sub3A_145 : vector<16xi32> -> vector<16xf32>
    %mul3A_147 = arith.constant 5.000000e-01 : f32
    %mul3A_148 = vector.broadcast %mul3A_147 : f32 to vector<16xf32>
    %mul3A_149 = arith.mulf %mul3A_148, %max3A_138 : vector<16xf32>
    %mul3A_150 = arith.mulf %mul3A_149, %bitcast_convert_type3A_146 : vector<16xf32>
    %mul3A_151 = arith.mulf %mul3A_150, %bitcast_convert_type3A_146 : vector<16xf32>
    %sub3A_152 = arith.constant 1.500000e+00 : f32
    %sub3A_153 = vector.broadcast %sub3A_152 : f32 to vector<16xf32>
    %sub3A_154 = arith.subf %sub3A_153, %mul3A_151 : vector<16xf32>
    %mul3A_155 = arith.mulf %bitcast_convert_type3A_146, %sub3A_154 : vector<16xf32>
    %mul3A_156 = arith.constant 5.000000e-01 : f32
    %mul3A_157 = vector.broadcast %mul3A_156 : f32 to vector<16xf32>
    %mul3A_158 = arith.mulf %mul3A_157, %max3A_138 : vector<16xf32>
    %mul3A_159 = arith.mulf %mul3A_158, %mul3A_155 : vector<16xf32>
    %mul3A_160 = arith.mulf %mul3A_159, %mul3A_155 : vector<16xf32>
    %sub3A_161 = arith.constant 1.500000e+00 : f32
    %sub3A_162 = vector.broadcast %sub3A_161 : f32 to vector<16xf32>
    %sub3A_163 = arith.subf %sub3A_162, %mul3A_160 : vector<16xf32>
    %mul3A_164 = arith.mulf %mul3A_155, %sub3A_163 : vector<16xf32>
    %mul3A_165 = arith.constant 5.000000e-01 : f32
    %mul3A_166 = vector.broadcast %mul3A_165 : f32 to vector<16xf32>
    %mul3A_167 = arith.mulf %mul3A_166, %max3A_138 : vector<16xf32>
    %mul3A_168 = arith.mulf %mul3A_167, %mul3A_164 : vector<16xf32>
    %mul3A_169 = arith.mulf %mul3A_168, %mul3A_164 : vector<16xf32>
    %sub3A_170 = arith.constant 1.500000e+00 : f32
    %sub3A_171 = vector.broadcast %sub3A_170 : f32 to vector<16xf32>
    %sub3A_172 = arith.subf %sub3A_171, %mul3A_169 : vector<16xf32>
    %mul3A_173 = arith.mulf %mul3A_164, %sub3A_172 : vector<16xf32>
    %swap3A_174 = arith.constant 32 : index
    %swap3A_175 = tpu.vector_load %arg9[%swap3A_174] {strides = array<i32>} : memref<336xf32, #tpu.memory_space<vmem>>, vector<16xf32>,
    %swap3A_176 = vector.shape_cast %swap3A_175 : vector<16xf32> to vector<16xf32>
    %swap3A_177 = vector.shape_cast %mul3A_173 : vector<16xf32> to vector<16xf32>
    tpu.vector_store %arg9[%swap3A_174], %swap3A_177 {strides = array<i32>} : memref<336xf32, #tpu.memory_space<vmem>>, vector<16xf32>,
    %get3A_178 = arith.constant 48 : index
    %get3A_179 = tpu.vector_load %arg7[%get3A_178] {strides = array<i32>} : memref<336xf32, #tpu.memory_space<vmem>>, vector<16xf32>,
    %get3A_180 = vector.shape_cast %get3A_179 : vector<16xf32> to vector<16xf32>
    %get3A_181 = arith.constant 48 : index
    %get3A_182 = tpu.vector_load %arg8[%get3A_181] {strides = array<i32>} : memref<336xf32, #tpu.memory_space<vmem>>, vector<16xf32>,
    %get3A_183 = vector.shape_cast %get3A_182 : vector<16xf32> to vector<16xf32>
    %add3A_184 = arith.addf %get3A_180, %get3A_183 : vector<16xf32>
    %max3A_185 = arith.constant 1.000000e+00 : f32
    %max3A_186 = vector.broadcast %max3A_185 : f32 to vector<16xf32>
    %max3A_187 = arith.maximumf %add3A_184, %max3A_186 : vector<16xf32>
    %bitcast_convert_type3A_188 = tpu.bitcast %max3A_187 : vector<16xf32> -> vector<16xi32>
    %shift_right_arithmetic3A_189 = arith.constant 1 : i32
    %shift_right_arithmetic3A_190 = vector.broadcast %shift_right_arithmetic3A_189 : i32 to vector<16xi32>
    %shift_right_arithmetic3A_191 = arith.shrsi %bitcast_convert_type3A_188, %shift_right_arithmetic3A_190 : vector<16xi32>
    %sub3A_192 = arith.constant 1597463007 : i32
    %sub3A_193 = vector.broadcast %sub3A_192 : i32 to vector<16xi32>
    %sub3A_194 = arith.subi %sub3A_193, %shift_right_arithmetic3A_191 : vector<16xi32>
    %bitcast_convert_type3A_195 = tpu.bitcast %sub3A_194 : vector<16xi32> -> vector<16xf32>
    %mul3A_196 = arith.constant 5.000000e-01 : f32
    %mul3A_197 = vector.broadcast %mul3A_196 : f32 to vector<16xf32>
    %mul3A_198 = arith.mulf %mul3A_197, %max3A_187 : vector<16xf32>
    %mul3A_199 = arith.mulf %mul3A_198, %bitcast_convert_type3A_195 : vector<16xf32>
    %mul3A_200 = arith.mulf %mul3A_199, %bitcast_convert_type3A_195 : vector<16xf32>
    %sub3A_201 = arith.constant 1.500000e+00 : f32
    %sub3A_202 = vector.broadcast %sub3A_201 : f32 to vector<16xf32>
    %sub3A_203 = arith.subf %sub3A_202, %mul3A_200 : vector<16xf32>
    %mul3A_204 = arith.mulf %bitcast_convert_type3A_195, %sub3A_203 : vector<16xf32>
    %mul3A_205 = arith.constant 5.000000e-01 : f32
    %mul3A_206 = vector.broadcast %mul3A_205 : f32 to vector<16xf32>
    %mul3A_207 = arith.mulf %mul3A_206, %max3A_187 : vector<16xf32>
    %mul3A_208 = arith.mulf %mul3A_207, %mul3A_204 : vector<16xf32>
    %mul3A_209 = arith.mulf %mul3A_208, %mul3A_204 : vector<16xf32>
    %sub3A_210 = arith.constant 1.500000e+00 : f32
    %sub3A_211 = vector.broadcast %sub3A_210 : f32 to vector<16xf32>
    %sub3A_212 = arith.subf %sub3A_211, %mul3A_209 : vector<16xf32>
    %mul3A_213 = arith.mulf %mul3A_204, %sub3A_212 : vector<16xf32>
    %mul3A_214 = arith.constant 5.000000e-01 : f32
    %mul3A_215 = vector.broadcast %mul3A_214 : f32 to vector<16xf32>
    %mul3A_216 = arith.mulf %mul3A_215, %max3A_187 : vector<16xf32>
    %mul3A_217 = arith.mulf %mul3A_216, %mul3A_213 : vector<16xf32>
    %mul3A_218 = arith.mulf %mul3A_217, %mul3A_213 : vector<16xf32>
    %sub3A_219 = arith.constant 1.500000e+00 : f32
    %sub3A_220 = vector.broadcast %sub3A_219 : f32 to vector<16xf32>
    %sub3A_221 = arith.subf %sub3A_220, %mul3A_218 : vector<16xf32>
    %mul3A_222 = arith.mulf %mul3A_213, %sub3A_221 : vector<16xf32>
    %swap3A_223 = arith.constant 48 : index
    %swap3A_224 = tpu.vector_load %arg9[%swap3A_223] {strides = array<i32>} : memref<336xf32, #tpu.memory_space<vmem>>, vector<16xf32>,
    %swap3A_225 = vector.shape_cast %swap3A_224 : vector<16xf32> to vector<16xf32>
    %swap3A_226 = vector.shape_cast %mul3A_222 : vector<16xf32> to vector<16xf32>
    tpu.vector_store %arg9[%swap3A_223], %swap3A_226 {strides = array<i32>} : memref<336xf32, #tpu.memory_space<vmem>>, vector<16xf32>,
    %get3A_227 = arith.constant 64 : index
    %get3A_228 = tpu.vector_load %arg7[%get3A_227] {strides = array<i32>} : memref<336xf32, #tpu.memory_space<vmem>>, vector<16xf32>,
    %get3A_229 = vector.shape_cast %get3A_228 : vector<16xf32> to vector<16xf32>
    %get3A_230 = arith.constant 64 : index
    %get3A_231 = tpu.vector_load %arg8[%get3A_230] {strides = array<i32>} : memref<336xf32, #tpu.memory_space<vmem>>, vector<16xf32>,
    %get3A_232 = vector.shape_cast %get3A_231 : vector<16xf32> to vector<16xf32>
    %add3A_233 = arith.addf %get3A_229, %get3A_232 : vector<16xf32>
    %max3A_234 = arith.constant 1.000000e+00 : f32
    %max3A_235 = vector.broadcast %max3A_234 : f32 to vector<16xf32>
    %max3A_236 = arith.maximumf %add3A_233, %max3A_235 : vector<16xf32>
    %bitcast_convert_type3A_237 = tpu.bitcast %max3A_236 : vector<16xf32> -> vector<16xi32>
    %shift_right_arithmetic3A_238 = arith.constant 1 : i32
    %shift_right_arithmetic3A_239 = vector.broadcast %shift_right_arithmetic3A_238 : i32 to vector<16xi32>
    %shift_right_arithmetic3A_240 = arith.shrsi %bitcast_convert_type3A_237, %shift_right_arithmetic3A_239 : vector<16xi32>
    %sub3A_241 = arith.constant 1597463007 : i32
    %sub3A_242 = vector.broadcast %sub3A_241 : i32 to vector<16xi32>
    %sub3A_243 = arith.subi %sub3A_242, %shift_right_arithmetic3A_240 : vector<16xi32>
    %bitcast_convert_type3A_244 = tpu.bitcast %sub3A_243 : vector<16xi32> -> vector<16xf32>
    %mul3A_245 = arith.constant 5.000000e-01 : f32
    %mul3A_246 = vector.broadcast %mul3A_245 : f32 to vector<16xf32>
    %mul3A_247 = arith.mulf %mul3A_246, %max3A_236 : vector<16xf32>
    %mul3A_248 = arith.mulf %mul3A_247, %bitcast_convert_type3A_244 : vector<16xf32>
    %mul3A_249 = arith.mulf %mul3A_248, %bitcast_convert_type3A_244 : vector<16xf32>
    %sub3A_250 = arith.constant 1.500000e+00 : f32
    %sub3A_251 = vector.broadcast %sub3A_250 : f32 to vector<16xf32>
    %sub3A_252 = arith.subf %sub3A_251, %mul3A_249 : vector<16xf32>
    %mul3A_253 = arith.mulf %bitcast_convert_type3A_244, %sub3A_252 : vector<16xf32>
    %mul3A_254 = arith.constant 5.000000e-01 : f32
    %mul3A_255 = vector.broadcast %mul3A_254 : f32 to vector<16xf32>
    %mul3A_256 = arith.mulf %mul3A_255, %max3A_236 : vector<16xf32>
    %mul3A_257 = arith.mulf %mul3A_256, %mul3A_253 : vector<16xf32>
    %mul3A_258 = arith.mulf %mul3A_257, %mul3A_253 : vector<16xf32>
    %sub3A_259 = arith.constant 1.500000e+00 : f32
    %sub3A_260 = vector.broadcast %sub3A_259 : f32 to vector<16xf32>
    %sub3A_261 = arith.subf %sub3A_260, %mul3A_258 : vector<16xf32>
    %mul3A_262 = arith.mulf %mul3A_253, %sub3A_261 : vector<16xf32>
    %mul3A_263 = arith.constant 5.000000e-01 : f32
    %mul3A_264 = vector.broadcast %mul3A_263 : f32 to vector<16xf32>
    %mul3A_265 = arith.mulf %mul3A_264, %max3A_236 : vector<16xf32>
    %mul3A_266 = arith.mulf %mul3A_265, %mul3A_262 : vector<16xf32>
    %mul3A_267 = arith.mulf %mul3A_266, %mul3A_262 : vector<16xf32>
    %sub3A_268 = arith.constant 1.500000e+00 : f32
    %sub3A_269 = vector.broadcast %sub3A_268 : f32 to vector<16xf32>
    %sub3A_270 = arith.subf %sub3A_269, %mul3A_267 : vector<16xf32>
    %mul3A_271 = arith.mulf %mul3A_262, %sub3A_270 : vector<16xf32>
    %swap3A_272 = arith.constant 64 : index
    %swap3A_273 = tpu.vector_load %arg9[%swap3A_272] {strides = array<i32>} : memref<336xf32, #tpu.memory_space<vmem>>, vector<16xf32>,
    %swap3A_274 = vector.shape_cast %swap3A_273 : vector<16xf32> to vector<16xf32>
    %swap3A_275 = vector.shape_cast %mul3A_271 : vector<16xf32> to vector<16xf32>
    tpu.vector_store %arg9[%swap3A_272], %swap3A_275 {strides = array<i32>} : memref<336xf32, #tpu.memory_space<vmem>>, vector<16xf32>,
    %get3A_276 = arith.constant 80 : index
    %get3A_277 = tpu.vector_load %arg7[%get3A_276] {strides = array<i32>} : memref<336xf32, #tpu.memory_space<vmem>>, vector<16xf32>,
    %get3A_278 = vector.shape_cast %get3A_277 : vector<16xf32> to vector<16xf32>
    %get3A_279 = arith.constant 80 : index
    %get3A_280 = tpu.vector_load %arg8[%get3A_279] {strides = array<i32>} : memref<336xf32, #tpu.memory_space<vmem>>, vector<16xf32>,
    %get3A_281 = vector.shape_cast %get3A_280 : vector<16xf32> to vector<16xf32>
    %add3A_282 = arith.addf %get3A_278, %get3A_281 : vector<16xf32>
    %max3A_283 = arith.constant 1.000000e+00 : f32
    %max3A_284 = vector.broadcast %max3A_283 : f32 to vector<16xf32>
    %max3A_285 = arith.maximumf %add3A_282, %max3A_284 : vector<16xf32>
    %bitcast_convert_type3A_286 = tpu.bitcast %max3A_285 : vector<16xf32> -> vector<16xi32>
    %shift_right_arithmetic3A_287 = arith.constant 1 : i32
    %shift_right_arithmetic3A_288 = vector.broadcast %shift_right_arithmetic3A_287 : i32 to vector<16xi32>
    %shift_right_arithmetic3A_289 = arith.shrsi %bitcast_convert_type3A_286, %shift_right_arithmetic3A_288 : vector<16xi32>
    %sub3A_290 = arith.constant 1597463007 : i32
    %sub3A_291 = vector.broadcast %sub3A_290 : i32 to vector<16xi32>
    %sub3A_292 = arith.subi %sub3A_291, %shift_right_arithmetic3A_289 : vector<16xi32>
    %bitcast_convert_type3A_293 = tpu.bitcast %sub3A_292 : vector<16xi32> -> vector<16xf32>
    %mul3A_294 = arith.constant 5.000000e-01 : f32
    %mul3A_295 = vector.broadcast %mul3A_294 : f32 to vector<16xf32>
    %mul3A_296 = arith.mulf %mul3A_295, %max3A_285 : vector<16xf32>
    %mul3A_297 = arith.mulf %mul3A_296, %bitcast_convert_type3A_293 : vector<16xf32>
    %mul3A_298 = arith.mulf %mul3A_297, %bitcast_convert_type3A_293 : vector<16xf32>
    %sub3A_299 = arith.constant 1.500000e+00 : f32
    %sub3A_300 = vector.broadcast %sub3A_299 : f32 to vector<16xf32>
    %sub3A_301 = arith.subf %sub3A_300, %mul3A_298 : vector<16xf32>
    %mul3A_302 = arith.mulf %bitcast_convert_type3A_293, %sub3A_301 : vector<16xf32>
    %mul3A_303 = arith.constant 5.000000e-01 : f32
    %mul3A_304 = vector.broadcast %mul3A_303 : f32 to vector<16xf32>
    %mul3A_305 = arith.mulf %mul3A_304, %max3A_285 : vector<16xf32>
    %mul3A_306 = arith.mulf %mul3A_305, %mul3A_302 : vector<16xf32>
    %mul3A_307 = arith.mulf %mul3A_306, %mul3A_302 : vector<16xf32>
    %sub3A_308 = arith.constant 1.500000e+00 : f32
    %sub3A_309 = vector.broadcast %sub3A_308 : f32 to vector<16xf32>
    %sub3A_310 = arith.subf %sub3A_309, %mul3A_307 : vector<16xf32>
    %mul3A_311 = arith.mulf %mul3A_302, %sub3A_310 : vector<16xf32>
    %mul3A_312 = arith.constant 5.000000e-01 : f32
    %mul3A_313 = vector.broadcast %mul3A_312 : f32 to vector<16xf32>
    %mul3A_314 = arith.mulf %mul3A_313, %max3A_285 : vector<16xf32>
    %mul3A_315 = arith.mulf %mul3A_314, %mul3A_311 : vector<16xf32>
    %mul3A_316 = arith.mulf %mul3A_315, %mul3A_311 : vector<16xf32>
    %sub3A_317 = arith.constant 1.500000e+00 : f32
    %sub3A_318 = vector.broadcast %sub3A_317 : f32 to vector<16xf32>
    %sub3A_319 = arith.subf %sub3A_318, %mul3A_316 : vector<16xf32>
    %mul3A_320 = arith.mulf %mul3A_311, %sub3A_319 : vector<16xf32>
    %swap3A_321 = arith.constant 80 : index
    %swap3A_322 = tpu.vector_load %arg9[%swap3A_321] {strides = array<i32>} : memref<336xf32, #tpu.memory_space<vmem>>, vector<16xf32>,
    %swap3A_323 = vector.shape_cast %swap3A_322 : vector<16xf32> to vector<16xf32>
    %swap3A_324 = vector.shape_cast %mul3A_320 : vector<16xf32> to vector<16xf32>
    tpu.vector_store %arg9[%swap3A_321], %swap3A_324 {strides = array<i32>} : memref<336xf32, #tpu.memory_space<vmem>>, vector<16xf32>,
    %get3A_325 = arith.constant 96 : index
    %get3A_326 = tpu.vector_load %arg7[%get3A_325] {strides = array<i32>} : memref<336xf32, #tpu.memory_space<vmem>>, vector<16xf32>,
    %get3A_327 = vector.shape_cast %get3A_326 : vector<16xf32> to vector<16xf32>
    %get3A_328 = arith.constant 96 : index
    %get3A_329 = tpu.vector_load %arg8[%get3A_328] {strides = array<i32>} : memref<336xf32, #tpu.memory_space<vmem>>, vector<16xf32>,
    %get3A_330 = vector.shape_cast %get3A_329 : vector<16xf32> to vector<16xf32>
    %add3A_331 = arith.addf %get3A_327, %get3A_330 : vector<16xf32>
    %max3A_332 = arith.constant 1.000000e+00 : f32
    %max3A_333 = vector.broadcast %max3A_332 : f32 to vector<16xf32>
    %max3A_334 = arith.maximumf %add3A_331, %max3A_333 : vector<16xf32>
    %bitcast_convert_type3A_335 = tpu.bitcast %max3A_334 : vector<16xf32> -> vector<16xi32>
    %shift_right_arithmetic3A_336 = arith.constant 1 : i32
    %shift_right_arithmetic3A_337 = vector.broadcast %shift_right_arithmetic3A_336 : i32 to vector<16xi32>
    %shift_right_arithmetic3A_338 = arith.shrsi %bitcast_convert_type3A_335, %shift_right_arithmetic3A_337 : vector<16xi32>
    %sub3A_339 = arith.constant 1597463007 : i32
    %sub3A_340 = vector.broadcast %sub3A_339 : i32 to vector<16xi32>
    %sub3A_341 = arith.subi %sub3A_340, %shift_right_arithmetic3A_338 : vector<16xi32>
    %bitcast_convert_type3A_342 = tpu.bitcast %sub3A_341 : vector<16xi32> -> vector<16xf32>
    %mul3A_343 = arith.constant 5.000000e-01 : f32
    %mul3A_344 = vector.broadcast %mul3A_343 : f32 to vector<16xf32>
    %mul3A_345 = arith.mulf %mul3A_344, %max3A_334 : vector<16xf32>
    %mul3A_346 = arith.mulf %mul3A_345, %bitcast_convert_type3A_342 : vector<16xf32>
    %mul3A_347 = arith.mulf %mul3A_346, %bitcast_convert_type3A_342 : vector<16xf32>
    %sub3A_348 = arith.constant 1.500000e+00 : f32
    %sub3A_349 = vector.broadcast %sub3A_348 : f32 to vector<16xf32>
    %sub3A_350 = arith.subf %sub3A_349, %mul3A_347 : vector<16xf32>
    %mul3A_351 = arith.mulf %bitcast_convert_type3A_342, %sub3A_350 : vector<16xf32>
    %mul3A_352 = arith.constant 5.000000e-01 : f32
    %mul3A_353 = vector.broadcast %mul3A_352 : f32 to vector<16xf32>
    %mul3A_354 = arith.mulf %mul3A_353, %max3A_334 : vector<16xf32>
    %mul3A_355 = arith.mulf %mul3A_354, %mul3A_351 : vector<16xf32>
    %mul3A_356 = arith.mulf %mul3A_355, %mul3A_351 : vector<16xf32>
    %sub3A_357 = arith.constant 1.500000e+00 : f32
    %sub3A_358 = vector.broadcast %sub3A_357 : f32 to vector<16xf32>
    %sub3A_359 = arith.subf %sub3A_358, %mul3A_356 : vector<16xf32>
    %mul3A_360 = arith.mulf %mul3A_351, %sub3A_359 : vector<16xf32>
    %mul3A_361 = arith.constant 5.000000e-01 : f32
    %mul3A_362 = vector.broadcast %mul3A_361 : f32 to vector<16xf32>
    %mul3A_363 = arith.mulf %mul3A_362, %max3A_334 : vector<16xf32>
    %mul3A_364 = arith.mulf %mul3A_363, %mul3A_360 : vector<16xf32>
    %mul3A_365 = arith.mulf %mul3A_364, %mul3A_360 : vector<16xf32>
    %sub3A_366 = arith.constant 1.500000e+00 : f32
    %sub3A_367 = vector.broadcast %sub3A_366 : f32 to vector<16xf32>
    %sub3A_368 = arith.subf %sub3A_367, %mul3A_365 : vector<16xf32>
    %mul3A_369 = arith.mulf %mul3A_360, %sub3A_368 : vector<16xf32>
    %swap3A_370 = arith.constant 96 : index
    %swap3A_371 = tpu.vector_load %arg9[%swap3A_370] {strides = array<i32>} : memref<336xf32, #tpu.memory_space<vmem>>, vector<16xf32>,
    %swap3A_372 = vector.shape_cast %swap3A_371 : vector<16xf32> to vector<16xf32>
    %swap3A_373 = vector.shape_cast %mul3A_369 : vector<16xf32> to vector<16xf32>
    tpu.vector_store %arg9[%swap3A_370], %swap3A_373 {strides = array<i32>} : memref<336xf32, #tpu.memory_space<vmem>>, vector<16xf32>,
    %get3A_374 = arith.constant 112 : index
    %get3A_375 = tpu.vector_load %arg7[%get3A_374] {strides = array<i32>} : memref<336xf32, #tpu.memory_space<vmem>>, vector<16xf32>,
    %get3A_376 = vector.shape_cast %get3A_375 : vector<16xf32> to vector<16xf32>
    %get3A_377 = arith.constant 112 : index
    %get3A_378 = tpu.vector_load %arg8[%get3A_377] {strides = array<i32>} : memref<336xf32, #tpu.memory_space<vmem>>, vector<16xf32>,
    %get3A_379 = vector.shape_cast %get3A_378 : vector<16xf32> to vector<16xf32>
    %add3A_380 = arith.addf %get3A_376, %get3A_379 : vector<16xf32>
    %max3A_381 = arith.constant 1.000000e+00 : f32
    %max3A_382 = vector.broadcast %max3A_381 : f32 to vector<16xf32>
    %max3A_383 = arith.maximumf %add3A_380, %max3A_382 : vector<16xf32>
    %bitcast_convert_type3A_384 = tpu.bitcast %max3A_383 : vector<16xf32> -> vector<16xi32>
    %shift_right_arithmetic3A_385 = arith.constant 1 : i32
    %shift_right_arithmetic3A_386 = vector.broadcast %shift_right_arithmetic3A_385 : i32 to vector<16xi32>
    %shift_right_arithmetic3A_387 = arith.shrsi %bitcast_convert_type3A_384, %shift_right_arithmetic3A_386 : vector<16xi32>
    %sub3A_388 = arith.constant 1597463007 : i32
    %sub3A_389 = vector.broadcast %sub3A_388 : i32 to vector<16xi32>
    %sub3A_390 = arith.subi %sub3A_389, %shift_right_arithmetic3A_387 : vector<16xi32>
    %bitcast_convert_type3A_391 = tpu.bitcast %sub3A_390 : vector<16xi32> -> vector<16xf32>
    %mul3A_392 = arith.constant 5.000000e-01 : f32
    %mul3A_393 = vector.broadcast %mul3A_392 : f32 to vector<16xf32>
    %mul3A_394 = arith.mulf %mul3A_393, %max3A_383 : vector<16xf32>
    %mul3A_395 = arith.mulf %mul3A_394, %bitcast_convert_type3A_391 : vector<16xf32>
    %mul3A_396 = arith.mulf %mul3A_395, %bitcast_convert_type3A_391 : vector<16xf32>
    %sub3A_397 = arith.constant 1.500000e+00 : f32
    %sub3A_398 = vector.broadcast %sub3A_397 : f32 to vector<16xf32>
    %sub3A_399 = arith.subf %sub3A_398, %mul3A_396 : vector<16xf32>
    %mul3A_400 = arith.mulf %bitcast_convert_type3A_391, %sub3A_399 : vector<16xf32>
    %mul3A_401 = arith.constant 5.000000e-01 : f32
    %mul3A_402 = vector.broadcast %mul3A_401 : f32 to vector<16xf32>
    %mul3A_403 = arith.mulf %mul3A_402, %max3A_383 : vector<16xf32>
    %mul3A_404 = arith.mulf %mul3A_403, %mul3A_400 : vector<16xf32>
    %mul3A_405 = arith.mulf %mul3A_404, %mul3A_400 : vector<16xf32>
    %sub3A_406 = arith.constant 1.500000e+00 : f32
    %sub3A_407 = vector.broadcast %sub3A_406 : f32 to vector<16xf32>
    %sub3A_408 = arith.subf %sub3A_407, %mul3A_405 : vector<16xf32>
    %mul3A_409 = arith.mulf %mul3A_400, %sub3A_408 : vector<16xf32>
    %mul3A_410 = arith.constant 5.000000e-01 : f32
    %mul3A_411 = vector.broadcast %mul3A_410 : f32 to vector<16xf32>
    %mul3A_412 = arith.mulf %mul3A_411, %max3A_383 : vector<16xf32>
    %mul3A_413 = arith.mulf %mul3A_412, %mul3A_409 : vector<16xf32>
    %mul3A_414 = arith.mulf %mul3A_413, %mul3A_409 : vector<16xf32>
    %sub3A_415 = arith.constant 1.500000e+00 : f32
    %sub3A_416 = vector.broadcast %sub3A_415 : f32 to vector<16xf32>
    %sub3A_417 = arith.subf %sub3A_416, %mul3A_414 : vector<16xf32>
    %mul3A_418 = arith.mulf %mul3A_409, %sub3A_417 : vector<16xf32>
    %swap3A_419 = arith.constant 112 : index
    %swap3A_420 = tpu.vector_load %arg9[%swap3A_419] {strides = array<i32>} : memref<336xf32, #tpu.memory_space<vmem>>, vector<16xf32>,
    %swap3A_421 = vector.shape_cast %swap3A_420 : vector<16xf32> to vector<16xf32>
    %swap3A_422 = vector.shape_cast %mul3A_418 : vector<16xf32> to vector<16xf32>
    tpu.vector_store %arg9[%swap3A_419], %swap3A_422 {strides = array<i32>} : memref<336xf32, #tpu.memory_space<vmem>>, vector<16xf32>,
    %get3A_423 = arith.constant 128 : index
    %get3A_424 = tpu.vector_load %arg7[%get3A_423] {strides = array<i32>} : memref<336xf32, #tpu.memory_space<vmem>>, vector<16xf32>,
    %get3A_425 = vector.shape_cast %get3A_424 : vector<16xf32> to vector<16xf32>
    %get3A_426 = arith.constant 128 : index
    %get3A_427 = tpu.vector_load %arg8[%get3A_426] {strides = array<i32>} : memref<336xf32, #tpu.memory_space<vmem>>, vector<16xf32>,
    %get3A_428 = vector.shape_cast %get3A_427 : vector<16xf32> to vector<16xf32>
    %add3A_429 = arith.addf %get3A_425, %get3A_428 : vector<16xf32>
    %max3A_430 = arith.constant 1.000000e+00 : f32
    %max3A_431 = vector.broadcast %max3A_430 : f32 to vector<16xf32>
    %max3A_432 = arith.maximumf %add3A_429, %max3A_431 : vector<16xf32>
    %bitcast_convert_type3A_433 = tpu.bitcast %max3A_432 : vector<16xf32> -> vector<16xi32>
    %shift_right_arithmetic3A_434 = arith.constant 1 : i32
    %shift_right_arithmetic3A_435 = vector.broadcast %shift_right_arithmetic3A_434 : i32 to vector<16xi32>
    %shift_right_arithmetic3A_436 = arith.shrsi %bitcast_convert_type3A_433, %shift_right_arithmetic3A_435 : vector<16xi32>
    %sub3A_437 = arith.constant 1597463007 : i32
    %sub3A_438 = vector.broadcast %sub3A_437 : i32 to vector<16xi32>
    %sub3A_439 = arith.subi %sub3A_438, %shift_right_arithmetic3A_436 : vector<16xi32>
    %bitcast_convert_type3A_440 = tpu.bitcast %sub3A_439 : vector<16xi32> -> vector<16xf32>
    %mul3A_441 = arith.constant 5.000000e-01 : f32
    %mul3A_442 = vector.broadcast %mul3A_441 : f32 to vector<16xf32>
    %mul3A_443 = arith.mulf %mul3A_442, %max3A_432 : vector<16xf32>
    %mul3A_444 = arith.mulf %mul3A_443, %bitcast_convert_type3A_440 : vector<16xf32>
    %mul3A_445 = arith.mulf %mul3A_444, %bitcast_convert_type3A_440 : vector<16xf32>
    %sub3A_446 = arith.constant 1.500000e+00 : f32
    %sub3A_447 = vector.broadcast %sub3A_446 : f32 to vector<16xf32>
    %sub3A_448 = arith.subf %sub3A_447, %mul3A_445 : vector<16xf32>
    %mul3A_449 = arith.mulf %bitcast_convert_type3A_440, %sub3A_448 : vector<16xf32>
    %mul3A_450 = arith.constant 5.000000e-01 : f32
    %mul3A_451 = vector.broadcast %mul3A_450 : f32 to vector<16xf32>
    %mul3A_452 = arith.mulf %mul3A_451, %max3A_432 : vector<16xf32>
    %mul3A_453 = arith.mulf %mul3A_452, %mul3A_449 : vector<16xf32>
    %mul3A_454 = arith.mulf %mul3A_453, %mul3A_449 : vector<16xf32>
    %sub3A_455 = arith.constant 1.500000e+00 : f32
    %sub3A_456 = vector.broadcast %sub3A_455 : f32 to vector<16xf32>
    %sub3A_457 = arith.subf %sub3A_456, %mul3A_454 : vector<16xf32>
    %mul3A_458 = arith.mulf %mul3A_449, %sub3A_457 : vector<16xf32>
    %mul3A_459 = arith.constant 5.000000e-01 : f32
    %mul3A_460 = vector.broadcast %mul3A_459 : f32 to vector<16xf32>
    %mul3A_461 = arith.mulf %mul3A_460, %max3A_432 : vector<16xf32>
    %mul3A_462 = arith.mulf %mul3A_461, %mul3A_458 : vector<16xf32>
    %mul3A_463 = arith.mulf %mul3A_462, %mul3A_458 : vector<16xf32>
    %sub3A_464 = arith.constant 1.500000e+00 : f32
    %sub3A_465 = vector.broadcast %sub3A_464 : f32 to vector<16xf32>
    %sub3A_466 = arith.subf %sub3A_465, %mul3A_463 : vector<16xf32>
    %mul3A_467 = arith.mulf %mul3A_458, %sub3A_466 : vector<16xf32>
    %swap3A_468 = arith.constant 128 : index
    %swap3A_469 = tpu.vector_load %arg9[%swap3A_468] {strides = array<i32>} : memref<336xf32, #tpu.memory_space<vmem>>, vector<16xf32>,
    %swap3A_470 = vector.shape_cast %swap3A_469 : vector<16xf32> to vector<16xf32>
    %swap3A_471 = vector.shape_cast %mul3A_467 : vector<16xf32> to vector<16xf32>
    tpu.vector_store %arg9[%swap3A_468], %swap3A_471 {strides = array<i32>} : memref<336xf32, #tpu.memory_space<vmem>>, vector<16xf32>,
    %get3A_472 = arith.constant 144 : index
    %get3A_473 = tpu.vector_load %arg7[%get3A_472] {strides = array<i32>} : memref<336xf32, #tpu.memory_space<vmem>>, vector<16xf32>,
    %get3A_474 = vector.shape_cast %get3A_473 : vector<16xf32> to vector<16xf32>
    %get3A_475 = arith.constant 144 : index
    %get3A_476 = tpu.vector_load %arg8[%get3A_475] {strides = array<i32>} : memref<336xf32, #tpu.memory_space<vmem>>, vector<16xf32>,
    %get3A_477 = vector.shape_cast %get3A_476 : vector<16xf32> to vector<16xf32>
    %add3A_478 = arith.addf %get3A_474, %get3A_477 : vector<16xf32>
    %max3A_479 = arith.constant 1.000000e+00 : f32
    %max3A_480 = vector.broadcast %max3A_479 : f32 to vector<16xf32>
    %max3A_481 = arith.maximumf %add3A_478, %max3A_480 : vector<16xf32>
    %bitcast_convert_type3A_482 = tpu.bitcast %max3A_481 : vector<16xf32> -> vector<16xi32>
    %shift_right_arithmetic3A_483 = arith.constant 1 : i32
    %shift_right_arithmetic3A_484 = vector.broadcast %shift_right_arithmetic3A_483 : i32 to vector<16xi32>
    %shift_right_arithmetic3A_485 = arith.shrsi %bitcast_convert_type3A_482, %shift_right_arithmetic3A_484 : vector<16xi32>
    %sub3A_486 = arith.constant 1597463007 : i32
    %sub3A_487 = vector.broadcast %sub3A_486 : i32 to vector<16xi32>
    %sub3A_488 = arith.subi %sub3A_487, %shift_right_arithmetic3A_485 : vector<16xi32>
    %bitcast_convert_type3A_489 = tpu.bitcast %sub3A_488 : vector<16xi32> -> vector<16xf32>
    %mul3A_490 = arith.constant 5.000000e-01 : f32
    %mul3A_491 = vector.broadcast %mul3A_490 : f32 to vector<16xf32>
    %mul3A_492 = arith.mulf %mul3A_491, %max3A_481 : vector<16xf32>
    %mul3A_493 = arith.mulf %mul3A_492, %bitcast_convert_type3A_489 : vector<16xf32>
    %mul3A_494 = arith.mulf %mul3A_493, %bitcast_convert_type3A_489 : vector<16xf32>
    %sub3A_495 = arith.constant 1.500000e+00 : f32
    %sub3A_496 = vector.broadcast %sub3A_495 : f32 to vector<16xf32>
    %sub3A_497 = arith.subf %sub3A_496, %mul3A_494 : vector<16xf32>
    %mul3A_498 = arith.mulf %bitcast_convert_type3A_489, %sub3A_497 : vector<16xf32>
    %mul3A_499 = arith.constant 5.000000e-01 : f32
    %mul3A_500 = vector.broadcast %mul3A_499 : f32 to vector<16xf32>
    %mul3A_501 = arith.mulf %mul3A_500, %max3A_481 : vector<16xf32>
    %mul3A_502 = arith.mulf %mul3A_501, %mul3A_498 : vector<16xf32>
    %mul3A_503 = arith.mulf %mul3A_502, %mul3A_498 : vector<16xf32>
    %sub3A_504 = arith.constant 1.500000e+00 : f32
    %sub3A_505 = vector.broadcast %sub3A_504 : f32 to vector<16xf32>
    %sub3A_506 = arith.subf %sub3A_505, %mul3A_503 : vector<16xf32>
    %mul3A_507 = arith.mulf %mul3A_498, %sub3A_506 : vector<16xf32>
    %mul3A_508 = arith.constant 5.000000e-01 : f32
    %mul3A_509 = vector.broadcast %mul3A_508 : f32 to vector<16xf32>
    %mul3A_510 = arith.mulf %mul3A_509, %max3A_481 : vector<16xf32>
    %mul3A_511 = arith.mulf %mul3A_510, %mul3A_507 : vector<16xf32>
    %mul3A_512 = arith.mulf %mul3A_511, %mul3A_507 : vector<16xf32>
    %sub3A_513 = arith.constant 1.500000e+00 : f32
    %sub3A_514 = vector.broadcast %sub3A_513 : f32 to vector<16xf32>
    %sub3A_515 = arith.subf %sub3A_514, %mul3A_512 : vector<16xf32>
    %mul3A_516 = arith.mulf %mul3A_507, %sub3A_515 : vector<16xf32>
    %swap3A_517 = arith.constant 144 : index
    %swap3A_518 = tpu.vector_load %arg9[%swap3A_517] {strides = array<i32>} : memref<336xf32, #tpu.memory_space<vmem>>, vector<16xf32>,
    %swap3A_519 = vector.shape_cast %swap3A_518 : vector<16xf32> to vector<16xf32>
    %swap3A_520 = vector.shape_cast %mul3A_516 : vector<16xf32> to vector<16xf32>
    tpu.vector_store %arg9[%swap3A_517], %swap3A_520 {strides = array<i32>} : memref<336xf32, #tpu.memory_space<vmem>>, vector<16xf32>,
    %get3A_521 = arith.constant 160 : index
    %get3A_522 = tpu.vector_load %arg7[%get3A_521] {strides = array<i32>} : memref<336xf32, #tpu.memory_space<vmem>>, vector<16xf32>,
    %get3A_523 = vector.shape_cast %get3A_522 : vector<16xf32> to vector<16xf32>
    %get3A_524 = arith.constant 160 : index
    %get3A_525 = tpu.vector_load %arg8[%get3A_524] {strides = array<i32>} : memref<336xf32, #tpu.memory_space<vmem>>, vector<16xf32>,
    %get3A_526 = vector.shape_cast %get3A_525 : vector<16xf32> to vector<16xf32>
    %add3A_527 = arith.addf %get3A_523, %get3A_526 : vector<16xf32>
    %max3A_528 = arith.constant 1.000000e+00 : f32
    %max3A_529 = vector.broadcast %max3A_528 : f32 to vector<16xf32>
    %max3A_530 = arith.maximumf %add3A_527, %max3A_529 : vector<16xf32>
    %bitcast_convert_type3A_531 = tpu.bitcast %max3A_530 : vector<16xf32> -> vector<16xi32>
    %shift_right_arithmetic3A_532 = arith.constant 1 : i32
    %shift_right_arithmetic3A_533 = vector.broadcast %shift_right_arithmetic3A_532 : i32 to vector<16xi32>
    %shift_right_arithmetic3A_534 = arith.shrsi %bitcast_convert_type3A_531, %shift_right_arithmetic3A_533 : vector<16xi32>
    %sub3A_535 = arith.constant 1597463007 : i32
    %sub3A_536 = vector.broadcast %sub3A_535 : i32 to vector<16xi32>
    %sub3A_537 = arith.subi %sub3A_536, %shift_right_arithmetic3A_534 : vector<16xi32>
    %bitcast_convert_type3A_538 = tpu.bitcast %sub3A_537 : vector<16xi32> -> vector<16xf32>
    %mul3A_539 = arith.constant 5.000000e-01 : f32
    %mul3A_540 = vector.broadcast %mul3A_539 : f32 to vector<16xf32>
    %mul3A_541 = arith.mulf %mul3A_540, %max3A_530 : vector<16xf32>
    %mul3A_542 = arith.mulf %mul3A_541, %bitcast_convert_type3A_538 : vector<16xf32>
    %mul3A_543 = arith.mulf %mul3A_542, %bitcast_convert_type3A_538 : vector<16xf32>
    %sub3A_544 = arith.constant 1.500000e+00 : f32
    %sub3A_545 = vector.broadcast %sub3A_544 : f32 to vector<16xf32>
    %sub3A_546 = arith.subf %sub3A_545, %mul3A_543 : vector<16xf32>
    %mul3A_547 = arith.mulf %bitcast_convert_type3A_538, %sub3A_546 : vector<16xf32>
    %mul3A_548 = arith.constant 5.000000e-01 : f32
    %mul3A_549 = vector.broadcast %mul3A_548 : f32 to vector<16xf32>
    %mul3A_550 = arith.mulf %mul3A_549, %max3A_530 : vector<16xf32>
    %mul3A_551 = arith.mulf %mul3A_550, %mul3A_547 : vector<16xf32>
    %mul3A_552 = arith.mulf %mul3A_551, %mul3A_547 : vector<16xf32>
    %sub3A_553 = arith.constant 1.500000e+00 : f32
    %sub3A_554 = vector.broadcast %sub3A_553 : f32 to vector<16xf32>
    %sub3A_555 = arith.subf %sub3A_554, %mul3A_552 : vector<16xf32>
    %mul3A_556 = arith.mulf %mul3A_547, %sub3A_555 : vector<16xf32>
    %mul3A_557 = arith.constant 5.000000e-01 : f32
    %mul3A_558 = vector.broadcast %mul3A_557 : f32 to vector<16xf32>
    %mul3A_559 = arith.mulf %mul3A_558, %max3A_530 : vector<16xf32>
    %mul3A_560 = arith.mulf %mul3A_559, %mul3A_556 : vector<16xf32>
    %mul3A_561 = arith.mulf %mul3A_560, %mul3A_556 : vector<16xf32>
    %sub3A_562 = arith.constant 1.500000e+00 : f32
    %sub3A_563 = vector.broadcast %sub3A_562 : f32 to vector<16xf32>
    %sub3A_564 = arith.subf %sub3A_563, %mul3A_561 : vector<16xf32>
    %mul3A_565 = arith.mulf %mul3A_556, %sub3A_564 : vector<16xf32>
    %swap3A_566 = arith.constant 160 : index
    %swap3A_567 = tpu.vector_load %arg9[%swap3A_566] {strides = array<i32>} : memref<336xf32, #tpu.memory_space<vmem>>, vector<16xf32>,
    %swap3A_568 = vector.shape_cast %swap3A_567 : vector<16xf32> to vector<16xf32>
    %swap3A_569 = vector.shape_cast %mul3A_565 : vector<16xf32> to vector<16xf32>
    tpu.vector_store %arg9[%swap3A_566], %swap3A_569 {strides = array<i32>} : memref<336xf32, #tpu.memory_space<vmem>>, vector<16xf32>,
    %get3A_570 = arith.constant 176 : index
    %get3A_571 = tpu.vector_load %arg7[%get3A_570] {strides = array<i32>} : memref<336xf32, #tpu.memory_space<vmem>>, vector<16xf32>,
    %get3A_572 = vector.shape_cast %get3A_571 : vector<16xf32> to vector<16xf32>
    %get3A_573 = arith.constant 176 : index
    %get3A_574 = tpu.vector_load %arg8[%get3A_573] {strides = array<i32>} : memref<336xf32, #tpu.memory_space<vmem>>, vector<16xf32>,
    %get3A_575 = vector.shape_cast %get3A_574 : vector<16xf32> to vector<16xf32>
    %add3A_576 = arith.addf %get3A_572, %get3A_575 : vector<16xf32>
    %max3A_577 = arith.constant 1.000000e+00 : f32
    %max3A_578 = vector.broadcast %max3A_577 : f32 to vector<16xf32>
    %max3A_579 = arith.maximumf %add3A_576, %max3A_578 : vector<16xf32>
    %bitcast_convert_type3A_580 = tpu.bitcast %max3A_579 : vector<16xf32> -> vector<16xi32>
    %shift_right_arithmetic3A_581 = arith.constant 1 : i32
    %shift_right_arithmetic3A_582 = vector.broadcast %shift_right_arithmetic3A_581 : i32 to vector<16xi32>
    %shift_right_arithmetic3A_583 = arith.shrsi %bitcast_convert_type3A_580, %shift_right_arithmetic3A_582 : vector<16xi32>
    %sub3A_584 = arith.constant 1597463007 : i32
    %sub3A_585 = vector.broadcast %sub3A_584 : i32 to vector<16xi32>
    %sub3A_586 = arith.subi %sub3A_585, %shift_right_arithmetic3A_583 : vector<16xi32>
    %bitcast_convert_type3A_587 = tpu.bitcast %sub3A_586 : vector<16xi32> -> vector<16xf32>
    %mul3A_588 = arith.constant 5.000000e-01 : f32
    %mul3A_589 = vector.broadcast %mul3A_588 : f32 to vector<16xf32>
    %mul3A_590 = arith.mulf %mul3A_589, %max3A_579 : vector<16xf32>
    %mul3A_591 = arith.mulf %mul3A_590, %bitcast_convert_type3A_587 : vector<16xf32>
    %mul3A_592 = arith.mulf %mul3A_591, %bitcast_convert_type3A_587 : vector<16xf32>
    %sub3A_593 = arith.constant 1.500000e+00 : f32
    %sub3A_594 = vector.broadcast %sub3A_593 : f32 to vector<16xf32>
    %sub3A_595 = arith.subf %sub3A_594, %mul3A_592 : vector<16xf32>
    %mul3A_596 = arith.mulf %bitcast_convert_type3A_587, %sub3A_595 : vector<16xf32>
    %mul3A_597 = arith.constant 5.000000e-01 : f32
    %mul3A_598 = vector.broadcast %mul3A_597 : f32 to vector<16xf32>
    %mul3A_599 = arith.mulf %mul3A_598, %max3A_579 : vector<16xf32>
    %mul3A_600 = arith.mulf %mul3A_599, %mul3A_596 : vector<16xf32>
    %mul3A_601 = arith.mulf %mul3A_600, %mul3A_596 : vector<16xf32>
    %sub3A_602 = arith.constant 1.500000e+00 : f32
    %sub3A_603 = vector.broadcast %sub3A_602 : f32 to vector<16xf32>
    %sub3A_604 = arith.subf %sub3A_603, %mul3A_601 : vector<16xf32>
    %mul3A_605 = arith.mulf %mul3A_596, %sub3A_604 : vector<16xf32>
    %mul3A_606 = arith.constant 5.000000e-01 : f32
    %mul3A_607 = vector.broadcast %mul3A_606 : f32 to vector<16xf32>
    %mul3A_608 = arith.mulf %mul3A_607, %max3A_579 : vector<16xf32>
    %mul3A_609 = arith.mulf %mul3A_608, %mul3A_605 : vector<16xf32>
    %mul3A_610 = arith.mulf %mul3A_609, %mul3A_605 : vector<16xf32>
    %sub3A_611 = arith.constant 1.500000e+00 : f32
    %sub3A_612 = vector.broadcast %sub3A_611 : f32 to vector<16xf32>
    %sub3A_613 = arith.subf %sub3A_612, %mul3A_610 : vector<16xf32>
    %mul3A_614 = arith.mulf %mul3A_605, %sub3A_613 : vector<16xf32>
    %swap3A_615 = arith.constant 176 : index
    %swap3A_616 = tpu.vector_load %arg9[%swap3A_615] {strides = array<i32>} : memref<336xf32, #tpu.memory_space<vmem>>, vector<16xf32>,
    %swap3A_617 = vector.shape_cast %swap3A_616 : vector<16xf32> to vector<16xf32>
    %swap3A_618 = vector.shape_cast %mul3A_614 : vector<16xf32> to vector<16xf32>
    tpu.vector_store %arg9[%swap3A_615], %swap3A_618 {strides = array<i32>} : memref<336xf32, #tpu.memory_space<vmem>>, vector<16xf32>,
    %get3A_619 = arith.constant 192 : index
    %get3A_620 = tpu.vector_load %arg7[%get3A_619] {strides = array<i32>} : memref<336xf32, #tpu.memory_space<vmem>>, vector<16xf32>,
    %get3A_621 = vector.shape_cast %get3A_620 : vector<16xf32> to vector<16xf32>
    %get3A_622 = arith.constant 192 : index
    %get3A_623 = tpu.vector_load %arg8[%get3A_622] {strides = array<i32>} : memref<336xf32, #tpu.memory_space<vmem>>, vector<16xf32>,
    %get3A_624 = vector.shape_cast %get3A_623 : vector<16xf32> to vector<16xf32>
    %add3A_625 = arith.addf %get3A_621, %get3A_624 : vector<16xf32>
    %max3A_626 = arith.constant 1.000000e+00 : f32
    %max3A_627 = vector.broadcast %max3A_626 : f32 to vector<16xf32>
    %max3A_628 = arith.maximumf %add3A_625, %max3A_627 : vector<16xf32>
    %bitcast_convert_type3A_629 = tpu.bitcast %max3A_628 : vector<16xf32> -> vector<16xi32>
    %shift_right_arithmetic3A_630 = arith.constant 1 : i32
    %shift_right_arithmetic3A_631 = vector.broadcast %shift_right_arithmetic3A_630 : i32 to vector<16xi32>
    %shift_right_arithmetic3A_632 = arith.shrsi %bitcast_convert_type3A_629, %shift_right_arithmetic3A_631 : vector<16xi32>
    %sub3A_633 = arith.constant 1597463007 : i32
    %sub3A_634 = vector.broadcast %sub3A_633 : i32 to vector<16xi32>
    %sub3A_635 = arith.subi %sub3A_634, %shift_right_arithmetic3A_632 : vector<16xi32>
    %bitcast_convert_type3A_636 = tpu.bitcast %sub3A_635 : vector<16xi32> -> vector<16xf32>
    %mul3A_637 = arith.constant 5.000000e-01 : f32
    %mul3A_638 = vector.broadcast %mul3A_637 : f32 to vector<16xf32>
    %mul3A_639 = arith.mulf %mul3A_638, %max3A_628 : vector<16xf32>
    %mul3A_640 = arith.mulf %mul3A_639, %bitcast_convert_type3A_636 : vector<16xf32>
    %mul3A_641 = arith.mulf %mul3A_640, %bitcast_convert_type3A_636 : vector<16xf32>
    %sub3A_642 = arith.constant 1.500000e+00 : f32
    %sub3A_643 = vector.broadcast %sub3A_642 : f32 to vector<16xf32>
    %sub3A_644 = arith.subf %sub3A_643, %mul3A_641 : vector<16xf32>
    %mul3A_645 = arith.mulf %bitcast_convert_type3A_636, %sub3A_644 : vector<16xf32>
    %mul3A_646 = arith.constant 5.000000e-01 : f32
    %mul3A_647 = vector.broadcast %mul3A_646 : f32 to vector<16xf32>
    %mul3A_648 = arith.mulf %mul3A_647, %max3A_628 : vector<16xf32>
    %mul3A_649 = arith.mulf %mul3A_648, %mul3A_645 : vector<16xf32>
    %mul3A_650 = arith.mulf %mul3A_649, %mul3A_645 : vector<16xf32>
    %sub3A_651 = arith.constant 1.500000e+00 : f32
    %sub3A_652 = vector.broadcast %sub3A_651 : f32 to vector<16xf32>
    %sub3A_653 = arith.subf %sub3A_652, %mul3A_650 : vector<16xf32>
    %mul3A_654 = arith.mulf %mul3A_645, %sub3A_653 : vector<16xf32>
    %mul3A_655 = arith.constant 5.000000e-01 : f32
    %mul3A_656 = vector.broadcast %mul3A_655 : f32 to vector<16xf32>
    %mul3A_657 = arith.mulf %mul3A_656, %max3A_628 : vector<16xf32>
    %mul3A_658 = arith.mulf %mul3A_657, %mul3A_654 : vector<16xf32>
    %mul3A_659 = arith.mulf %mul3A_658, %mul3A_654 : vector<16xf32>
    %sub3A_660 = arith.constant 1.500000e+00 : f32
    %sub3A_661 = vector.broadcast %sub3A_660 : f32 to vector<16xf32>
    %sub3A_662 = arith.subf %sub3A_661, %mul3A_659 : vector<16xf32>
    %mul3A_663 = arith.mulf %mul3A_654, %sub3A_662 : vector<16xf32>
    %swap3A_664 = arith.constant 192 : index
    %swap3A_665 = tpu.vector_load %arg9[%swap3A_664] {strides = array<i32>} : memref<336xf32, #tpu.memory_space<vmem>>, vector<16xf32>,
    %swap3A_666 = vector.shape_cast %swap3A_665 : vector<16xf32> to vector<16xf32>
    %swap3A_667 = vector.shape_cast %mul3A_663 : vector<16xf32> to vector<16xf32>
    tpu.vector_store %arg9[%swap3A_664], %swap3A_667 {strides = array<i32>} : memref<336xf32, #tpu.memory_space<vmem>>, vector<16xf32>,
    %get3A_668 = arith.constant 208 : index
    %get3A_669 = tpu.vector_load %arg7[%get3A_668] {strides = array<i32>} : memref<336xf32, #tpu.memory_space<vmem>>, vector<16xf32>,
    %get3A_670 = vector.shape_cast %get3A_669 : vector<16xf32> to vector<16xf32>
    %get3A_671 = arith.constant 208 : index
    %get3A_672 = tpu.vector_load %arg8[%get3A_671] {strides = array<i32>} : memref<336xf32, #tpu.memory_space<vmem>>, vector<16xf32>,
    %get3A_673 = vector.shape_cast %get3A_672 : vector<16xf32> to vector<16xf32>
    %add3A_674 = arith.addf %get3A_670, %get3A_673 : vector<16xf32>
    %max3A_675 = arith.constant 1.000000e+00 : f32
    %max3A_676 = vector.broadcast %max3A_675 : f32 to vector<16xf32>
    %max3A_677 = arith.maximumf %add3A_674, %max3A_676 : vector<16xf32>
    %bitcast_convert_type3A_678 = tpu.bitcast %max3A_677 : vector<16xf32> -> vector<16xi32>
    %shift_right_arithmetic3A_679 = arith.constant 1 : i32
    %shift_right_arithmetic3A_680 = vector.broadcast %shift_right_arithmetic3A_679 : i32 to vector<16xi32>
    %shift_right_arithmetic3A_681 = arith.shrsi %bitcast_convert_type3A_678, %shift_right_arithmetic3A_680 : vector<16xi32>
    %sub3A_682 = arith.constant 1597463007 : i32
    %sub3A_683 = vector.broadcast %sub3A_682 : i32 to vector<16xi32>
    %sub3A_684 = arith.subi %sub3A_683, %shift_right_arithmetic3A_681 : vector<16xi32>
    %bitcast_convert_type3A_685 = tpu.bitcast %sub3A_684 : vector<16xi32> -> vector<16xf32>
    %mul3A_686 = arith.constant 5.000000e-01 : f32
    %mul3A_687 = vector.broadcast %mul3A_686 : f32 to vector<16xf32>
    %mul3A_688 = arith.mulf %mul3A_687, %max3A_677 : vector<16xf32>
    %mul3A_689 = arith.mulf %mul3A_688, %bitcast_convert_type3A_685 : vector<16xf32>
    %mul3A_690 = arith.mulf %mul3A_689, %bitcast_convert_type3A_685 : vector<16xf32>
    %sub3A_691 = arith.constant 1.500000e+00 : f32
    %sub3A_692 = vector.broadcast %sub3A_691 : f32 to vector<16xf32>
    %sub3A_693 = arith.subf %sub3A_692, %mul3A_690 : vector<16xf32>
    %mul3A_694 = arith.mulf %bitcast_convert_type3A_685, %sub3A_693 : vector<16xf32>
    %mul3A_695 = arith.constant 5.000000e-01 : f32
    %mul3A_696 = vector.broadcast %mul3A_695 : f32 to vector<16xf32>
    %mul3A_697 = arith.mulf %mul3A_696, %max3A_677 : vector<16xf32>
    %mul3A_698 = arith.mulf %mul3A_697, %mul3A_694 : vector<16xf32>
    %mul3A_699 = arith.mulf %mul3A_698, %mul3A_694 : vector<16xf32>
    %sub3A_700 = arith.constant 1.500000e+00 : f32
    %sub3A_701 = vector.broadcast %sub3A_700 : f32 to vector<16xf32>
    %sub3A_702 = arith.subf %sub3A_701, %mul3A_699 : vector<16xf32>
    %mul3A_703 = arith.mulf %mul3A_694, %sub3A_702 : vector<16xf32>
    %mul3A_704 = arith.constant 5.000000e-01 : f32
    %mul3A_705 = vector.broadcast %mul3A_704 : f32 to vector<16xf32>
    %mul3A_706 = arith.mulf %mul3A_705, %max3A_677 : vector<16xf32>
    %mul3A_707 = arith.mulf %mul3A_706, %mul3A_703 : vector<16xf32>
    %mul3A_708 = arith.mulf %mul3A_707, %mul3A_703 : vector<16xf32>
    %sub3A_709 = arith.constant 1.500000e+00 : f32
    %sub3A_710 = vector.broadcast %sub3A_709 : f32 to vector<16xf32>
    %sub3A_711 = arith.subf %sub3A_710, %mul3A_708 : vector<16xf32>
    %mul3A_712 = arith.mulf %mul3A_703, %sub3A_711 : vector<16xf32>
    %swap3A_713 = arith.constant 208 : index
    %swap3A_714 = tpu.vector_load %arg9[%swap3A_713] {strides = array<i32>} : memref<336xf32, #tpu.memory_space<vmem>>, vector<16xf32>,
    %swap3A_715 = vector.shape_cast %swap3A_714 : vector<16xf32> to vector<16xf32>
    %swap3A_716 = vector.shape_cast %mul3A_712 : vector<16xf32> to vector<16xf32>
    tpu.vector_store %arg9[%swap3A_713], %swap3A_716 {strides = array<i32>} : memref<336xf32, #tpu.memory_space<vmem>>, vector<16xf32>,
    %get3A_717 = arith.constant 224 : index
    %get3A_718 = tpu.vector_load %arg7[%get3A_717] {strides = array<i32>} : memref<336xf32, #tpu.memory_space<vmem>>, vector<16xf32>,
    %get3A_719 = vector.shape_cast %get3A_718 : vector<16xf32> to vector<16xf32>
    %get3A_720 = arith.constant 224 : index
    %get3A_721 = tpu.vector_load %arg8[%get3A_720] {strides = array<i32>} : memref<336xf32, #tpu.memory_space<vmem>>, vector<16xf32>,
    %get3A_722 = vector.shape_cast %get3A_721 : vector<16xf32> to vector<16xf32>
    %add3A_723 = arith.addf %get3A_719, %get3A_722 : vector<16xf32>
    %max3A_724 = arith.constant 1.000000e+00 : f32
    %max3A_725 = vector.broadcast %max3A_724 : f32 to vector<16xf32>
    %max3A_726 = arith.maximumf %add3A_723, %max3A_725 : vector<16xf32>
    %bitcast_convert_type3A_727 = tpu.bitcast %max3A_726 : vector<16xf32> -> vector<16xi32>
    %shift_right_arithmetic3A_728 = arith.constant 1 : i32
    %shift_right_arithmetic3A_729 = vector.broadcast %shift_right_arithmetic3A_728 : i32 to vector<16xi32>
    %shift_right_arithmetic3A_730 = arith.shrsi %bitcast_convert_type3A_727, %shift_right_arithmetic3A_729 : vector<16xi32>
    %sub3A_731 = arith.constant 1597463007 : i32
    %sub3A_732 = vector.broadcast %sub3A_731 : i32 to vector<16xi32>
    %sub3A_733 = arith.subi %sub3A_732, %shift_right_arithmetic3A_730 : vector<16xi32>
    %bitcast_convert_type3A_734 = tpu.bitcast %sub3A_733 : vector<16xi32> -> vector<16xf32>
    %mul3A_735 = arith.constant 5.000000e-01 : f32
    %mul3A_736 = vector.broadcast %mul3A_735 : f32 to vector<16xf32>
    %mul3A_737 = arith.mulf %mul3A_736, %max3A_726 : vector<16xf32>
    %mul3A_738 = arith.mulf %mul3A_737, %bitcast_convert_type3A_734 : vector<16xf32>
    %mul3A_739 = arith.mulf %mul3A_738, %bitcast_convert_type3A_734 : vector<16xf32>
    %sub3A_740 = arith.constant 1.500000e+00 : f32
    %sub3A_741 = vector.broadcast %sub3A_740 : f32 to vector<16xf32>
    %sub3A_742 = arith.subf %sub3A_741, %mul3A_739 : vector<16xf32>
    %mul3A_743 = arith.mulf %bitcast_convert_type3A_734, %sub3A_742 : vector<16xf32>
    %mul3A_744 = arith.constant 5.000000e-01 : f32
    %mul3A_745 = vector.broadcast %mul3A_744 : f32 to vector<16xf32>
    %mul3A_746 = arith.mulf %mul3A_745, %max3A_726 : vector<16xf32>
    %mul3A_747 = arith.mulf %mul3A_746, %mul3A_743 : vector<16xf32>
    %mul3A_748 = arith.mulf %mul3A_747, %mul3A_743 : vector<16xf32>
    %sub3A_749 = arith.constant 1.500000e+00 : f32
    %sub3A_750 = vector.broadcast %sub3A_749 : f32 to vector<16xf32>
    %sub3A_751 = arith.subf %sub3A_750, %mul3A_748 : vector<16xf32>
    %mul3A_752 = arith.mulf %mul3A_743, %sub3A_751 : vector<16xf32>
    %mul3A_753 = arith.constant 5.000000e-01 : f32
    %mul3A_754 = vector.broadcast %mul3A_753 : f32 to vector<16xf32>
    %mul3A_755 = arith.mulf %mul3A_754, %max3A_726 : vector<16xf32>
    %mul3A_756 = arith.mulf %mul3A_755, %mul3A_752 : vector<16xf32>
    %mul3A_757 = arith.mulf %mul3A_756, %mul3A_752 : vector<16xf32>
    %sub3A_758 = arith.constant 1.500000e+00 : f32
    %sub3A_759 = vector.broadcast %sub3A_758 : f32 to vector<16xf32>
    %sub3A_760 = arith.subf %sub3A_759, %mul3A_757 : vector<16xf32>
    %mul3A_761 = arith.mulf %mul3A_752, %sub3A_760 : vector<16xf32>
    %swap3A_762 = arith.constant 224 : index
    %swap3A_763 = tpu.vector_load %arg9[%swap3A_762] {strides = array<i32>} : memref<336xf32, #tpu.memory_space<vmem>>, vector<16xf32>,
    %swap3A_764 = vector.shape_cast %swap3A_763 : vector<16xf32> to vector<16xf32>
    %swap3A_765 = vector.shape_cast %mul3A_761 : vector<16xf32> to vector<16xf32>
    tpu.vector_store %arg9[%swap3A_762], %swap3A_765 {strides = array<i32>} : memref<336xf32, #tpu.memory_space<vmem>>, vector<16xf32>,
    %get3A_766 = arith.constant 240 : index
    %get3A_767 = tpu.vector_load %arg7[%get3A_766] {strides = array<i32>} : memref<336xf32, #tpu.memory_space<vmem>>, vector<16xf32>,
    %get3A_768 = vector.shape_cast %get3A_767 : vector<16xf32> to vector<16xf32>
    %get3A_769 = arith.constant 240 : index
    %get3A_770 = tpu.vector_load %arg8[%get3A_769] {strides = array<i32>} : memref<336xf32, #tpu.memory_space<vmem>>, vector<16xf32>,
    %get3A_771 = vector.shape_cast %get3A_770 : vector<16xf32> to vector<16xf32>
    %add3A_772 = arith.addf %get3A_768, %get3A_771 : vector<16xf32>
    %max3A_773 = arith.constant 1.000000e+00 : f32
    %max3A_774 = vector.broadcast %max3A_773 : f32 to vector<16xf32>
    %max3A_775 = arith.maximumf %add3A_772, %max3A_774 : vector<16xf32>
    %bitcast_convert_type3A_776 = tpu.bitcast %max3A_775 : vector<16xf32> -> vector<16xi32>
    %shift_right_arithmetic3A_777 = arith.constant 1 : i32
    %shift_right_arithmetic3A_778 = vector.broadcast %shift_right_arithmetic3A_777 : i32 to vector<16xi32>
    %shift_right_arithmetic3A_779 = arith.shrsi %bitcast_convert_type3A_776, %shift_right_arithmetic3A_778 : vector<16xi32>
    %sub3A_780 = arith.constant 1597463007 : i32
    %sub3A_781 = vector.broadcast %sub3A_780 : i32 to vector<16xi32>
    %sub3A_782 = arith.subi %sub3A_781, %shift_right_arithmetic3A_779 : vector<16xi32>
    %bitcast_convert_type3A_783 = tpu.bitcast %sub3A_782 : vector<16xi32> -> vector<16xf32>
    %mul3A_784 = arith.constant 5.000000e-01 : f32
    %mul3A_785 = vector.broadcast %mul3A_784 : f32 to vector<16xf32>
    %mul3A_786 = arith.mulf %mul3A_785, %max3A_775 : vector<16xf32>
    %mul3A_787 = arith.mulf %mul3A_786, %bitcast_convert_type3A_783 : vector<16xf32>
    %mul3A_788 = arith.mulf %mul3A_787, %bitcast_convert_type3A_783 : vector<16xf32>
    %sub3A_789 = arith.constant 1.500000e+00 : f32
    %sub3A_790 = vector.broadcast %sub3A_789 : f32 to vector<16xf32>
    %sub3A_791 = arith.subf %sub3A_790, %mul3A_788 : vector<16xf32>
    %mul3A_792 = arith.mulf %bitcast_convert_type3A_783, %sub3A_791 : vector<16xf32>
    %mul3A_793 = arith.constant 5.000000e-01 : f32
    %mul3A_794 = vector.broadcast %mul3A_793 : f32 to vector<16xf32>
    %mul3A_795 = arith.mulf %mul3A_794, %max3A_775 : vector<16xf32>
    %mul3A_796 = arith.mulf %mul3A_795, %mul3A_792 : vector<16xf32>
    %mul3A_797 = arith.mulf %mul3A_796, %mul3A_792 : vector<16xf32>
    %sub3A_798 = arith.constant 1.500000e+00 : f32
    %sub3A_799 = vector.broadcast %sub3A_798 : f32 to vector<16xf32>
    %sub3A_800 = arith.subf %sub3A_799, %mul3A_797 : vector<16xf32>
    %mul3A_801 = arith.mulf %mul3A_792, %sub3A_800 : vector<16xf32>
    %mul3A_802 = arith.constant 5.000000e-01 : f32
    %mul3A_803 = vector.broadcast %mul3A_802 : f32 to vector<16xf32>
    %mul3A_804 = arith.mulf %mul3A_803, %max3A_775 : vector<16xf32>
    %mul3A_805 = arith.mulf %mul3A_804, %mul3A_801 : vector<16xf32>
    %mul3A_806 = arith.mulf %mul3A_805, %mul3A_801 : vector<16xf32>
    %sub3A_807 = arith.constant 1.500000e+00 : f32
    %sub3A_808 = vector.broadcast %sub3A_807 : f32 to vector<16xf32>
    %sub3A_809 = arith.subf %sub3A_808, %mul3A_806 : vector<16xf32>
    %mul3A_810 = arith.mulf %mul3A_801, %sub3A_809 : vector<16xf32>
    %swap3A_811 = arith.constant 240 : index
    %swap3A_812 = tpu.vector_load %arg9[%swap3A_811] {strides = array<i32>} : memref<336xf32, #tpu.memory_space<vmem>>, vector<16xf32>,
    %swap3A_813 = vector.shape_cast %swap3A_812 : vector<16xf32> to vector<16xf32>
    %swap3A_814 = vector.shape_cast %mul3A_810 : vector<16xf32> to vector<16xf32>
    tpu.vector_store %arg9[%swap3A_811], %swap3A_814 {strides = array<i32>} : memref<336xf32, #tpu.memory_space<vmem>>, vector<16xf32>,
    %get3A_815 = arith.constant 256 : index
    %get3A_816 = tpu.vector_load %arg7[%get3A_815] {strides = array<i32>} : memref<336xf32, #tpu.memory_space<vmem>>, vector<16xf32>,
    %get3A_817 = vector.shape_cast %get3A_816 : vector<16xf32> to vector<16xf32>
    %get3A_818 = arith.constant 256 : index
    %get3A_819 = tpu.vector_load %arg8[%get3A_818] {strides = array<i32>} : memref<336xf32, #tpu.memory_space<vmem>>, vector<16xf32>,
    %get3A_820 = vector.shape_cast %get3A_819 : vector<16xf32> to vector<16xf32>
    %add3A_821 = arith.addf %get3A_817, %get3A_820 : vector<16xf32>
    %max3A_822 = arith.constant 1.000000e+00 : f32
    %max3A_823 = vector.broadcast %max3A_822 : f32 to vector<16xf32>
    %max3A_824 = arith.maximumf %add3A_821, %max3A_823 : vector<16xf32>
    %bitcast_convert_type3A_825 = tpu.bitcast %max3A_824 : vector<16xf32> -> vector<16xi32>
    %shift_right_arithmetic3A_826 = arith.constant 1 : i32
    %shift_right_arithmetic3A_827 = vector.broadcast %shift_right_arithmetic3A_826 : i32 to vector<16xi32>
    %shift_right_arithmetic3A_828 = arith.shrsi %bitcast_convert_type3A_825, %shift_right_arithmetic3A_827 : vector<16xi32>
    %sub3A_829 = arith.constant 1597463007 : i32
    %sub3A_830 = vector.broadcast %sub3A_829 : i32 to vector<16xi32>
    %sub3A_831 = arith.subi %sub3A_830, %shift_right_arithmetic3A_828 : vector<16xi32>
    %bitcast_convert_type3A_832 = tpu.bitcast %sub3A_831 : vector<16xi32> -> vector<16xf32>
    %mul3A_833 = arith.constant 5.000000e-01 : f32
    %mul3A_834 = vector.broadcast %mul3A_833 : f32 to vector<16xf32>
    %mul3A_835 = arith.mulf %mul3A_834, %max3A_824 : vector<16xf32>
    %mul3A_836 = arith.mulf %mul3A_835, %bitcast_convert_type3A_832 : vector<16xf32>
    %mul3A_837 = arith.mulf %mul3A_836, %bitcast_convert_type3A_832 : vector<16xf32>
    %sub3A_838 = arith.constant 1.500000e+00 : f32
    %sub3A_839 = vector.broadcast %sub3A_838 : f32 to vector<16xf32>
    %sub3A_840 = arith.subf %sub3A_839, %mul3A_837 : vector<16xf32>
    %mul3A_841 = arith.mulf %bitcast_convert_type3A_832, %sub3A_840 : vector<16xf32>
    %mul3A_842 = arith.constant 5.000000e-01 : f32
    %mul3A_843 = vector.broadcast %mul3A_842 : f32 to vector<16xf32>
    %mul3A_844 = arith.mulf %mul3A_843, %max3A_824 : vector<16xf32>
    %mul3A_845 = arith.mulf %mul3A_844, %mul3A_841 : vector<16xf32>
    %mul3A_846 = arith.mulf %mul3A_845, %mul3A_841 : vector<16xf32>
    %sub3A_847 = arith.constant 1.500000e+00 : f32
    %sub3A_848 = vector.broadcast %sub3A_847 : f32 to vector<16xf32>
    %sub3A_849 = arith.subf %sub3A_848, %mul3A_846 : vector<16xf32>
    %mul3A_850 = arith.mulf %mul3A_841, %sub3A_849 : vector<16xf32>
    %mul3A_851 = arith.constant 5.000000e-01 : f32
    %mul3A_852 = vector.broadcast %mul3A_851 : f32 to vector<16xf32>
    %mul3A_853 = arith.mulf %mul3A_852, %max3A_824 : vector<16xf32>
    %mul3A_854 = arith.mulf %mul3A_853, %mul3A_850 : vector<16xf32>
    %mul3A_855 = arith.mulf %mul3A_854, %mul3A_850 : vector<16xf32>
    %sub3A_856 = arith.constant 1.500000e+00 : f32
    %sub3A_857 = vector.broadcast %sub3A_856 : f32 to vector<16xf32>
    %sub3A_858 = arith.subf %sub3A_857, %mul3A_855 : vector<16xf32>
    %mul3A_859 = arith.mulf %mul3A_850, %sub3A_858 : vector<16xf32>
    %swap3A_860 = arith.constant 256 : index
    %swap3A_861 = tpu.vector_load %arg9[%swap3A_860] {strides = array<i32>} : memref<336xf32, #tpu.memory_space<vmem>>, vector<16xf32>,
    %swap3A_862 = vector.shape_cast %swap3A_861 : vector<16xf32> to vector<16xf32>
    %swap3A_863 = vector.shape_cast %mul3A_859 : vector<16xf32> to vector<16xf32>
    tpu.vector_store %arg9[%swap3A_860], %swap3A_863 {strides = array<i32>} : memref<336xf32, #tpu.memory_space<vmem>>, vector<16xf32>,
    %get3A_864 = arith.constant 272 : index
    %get3A_865 = tpu.vector_load %arg7[%get3A_864] {strides = array<i32>} : memref<336xf32, #tpu.memory_space<vmem>>, vector<16xf32>,
    %get3A_866 = vector.shape_cast %get3A_865 : vector<16xf32> to vector<16xf32>
    %get3A_867 = arith.constant 272 : index
    %get3A_868 = tpu.vector_load %arg8[%get3A_867] {strides = array<i32>} : memref<336xf32, #tpu.memory_space<vmem>>, vector<16xf32>,
    %get3A_869 = vector.shape_cast %get3A_868 : vector<16xf32> to vector<16xf32>
    %add3A_870 = arith.addf %get3A_866, %get3A_869 : vector<16xf32>
    %max3A_871 = arith.constant 1.000000e+00 : f32
    %max3A_872 = vector.broadcast %max3A_871 : f32 to vector<16xf32>
    %max3A_873 = arith.maximumf %add3A_870, %max3A_872 : vector<16xf32>
    %bitcast_convert_type3A_874 = tpu.bitcast %max3A_873 : vector<16xf32> -> vector<16xi32>
    %shift_right_arithmetic3A_875 = arith.constant 1 : i32
    %shift_right_arithmetic3A_876 = vector.broadcast %shift_right_arithmetic3A_875 : i32 to vector<16xi32>
    %shift_right_arithmetic3A_877 = arith.shrsi %bitcast_convert_type3A_874, %shift_right_arithmetic3A_876 : vector<16xi32>
    %sub3A_878 = arith.constant 1597463007 : i32
    %sub3A_879 = vector.broadcast %sub3A_878 : i32 to vector<16xi32>
    %sub3A_880 = arith.subi %sub3A_879, %shift_right_arithmetic3A_877 : vector<16xi32>
    %bitcast_convert_type3A_881 = tpu.bitcast %sub3A_880 : vector<16xi32> -> vector<16xf32>
    %mul3A_882 = arith.constant 5.000000e-01 : f32
    %mul3A_883 = vector.broadcast %mul3A_882 : f32 to vector<16xf32>
    %mul3A_884 = arith.mulf %mul3A_883, %max3A_873 : vector<16xf32>
    %mul3A_885 = arith.mulf %mul3A_884, %bitcast_convert_type3A_881 : vector<16xf32>
    %mul3A_886 = arith.mulf %mul3A_885, %bitcast_convert_type3A_881 : vector<16xf32>
    %sub3A_887 = arith.constant 1.500000e+00 : f32
    %sub3A_888 = vector.broadcast %sub3A_887 : f32 to vector<16xf32>
    %sub3A_889 = arith.subf %sub3A_888, %mul3A_886 : vector<16xf32>
    %mul3A_890 = arith.mulf %bitcast_convert_type3A_881, %sub3A_889 : vector<16xf32>
    %mul3A_891 = arith.constant 5.000000e-01 : f32
    %mul3A_892 = vector.broadcast %mul3A_891 : f32 to vector<16xf32>
    %mul3A_893 = arith.mulf %mul3A_892, %max3A_873 : vector<16xf32>
    %mul3A_894 = arith.mulf %mul3A_893, %mul3A_890 : vector<16xf32>
    %mul3A_895 = arith.mulf %mul3A_894, %mul3A_890 : vector<16xf32>
    %sub3A_896 = arith.constant 1.500000e+00 : f32
    %sub3A_897 = vector.broadcast %sub3A_896 : f32 to vector<16xf32>
    %sub3A_898 = arith.subf %sub3A_897, %mul3A_895 : vector<16xf32>
    %mul3A_899 = arith.mulf %mul3A_890, %sub3A_898 : vector<16xf32>
    %mul3A_900 = arith.constant 5.000000e-01 : f32
    %mul3A_901 = vector.broadcast %mul3A_900 : f32 to vector<16xf32>
    %mul3A_902 = arith.mulf %mul3A_901, %max3A_873 : vector<16xf32>
    %mul3A_903 = arith.mulf %mul3A_902, %mul3A_899 : vector<16xf32>
    %mul3A_904 = arith.mulf %mul3A_903, %mul3A_899 : vector<16xf32>
    %sub3A_905 = arith.constant 1.500000e+00 : f32
    %sub3A_906 = vector.broadcast %sub3A_905 : f32 to vector<16xf32>
    %sub3A_907 = arith.subf %sub3A_906, %mul3A_904 : vector<16xf32>
    %mul3A_908 = arith.mulf %mul3A_899, %sub3A_907 : vector<16xf32>
    %swap3A_909 = arith.constant 272 : index
    %swap3A_910 = tpu.vector_load %arg9[%swap3A_909] {strides = array<i32>} : memref<336xf32, #tpu.memory_space<vmem>>, vector<16xf32>,
    %swap3A_911 = vector.shape_cast %swap3A_910 : vector<16xf32> to vector<16xf32>
    %swap3A_912 = vector.shape_cast %mul3A_908 : vector<16xf32> to vector<16xf32>
    tpu.vector_store %arg9[%swap3A_909], %swap3A_912 {strides = array<i32>} : memref<336xf32, #tpu.memory_space<vmem>>, vector<16xf32>,
    %get3A_913 = arith.constant 288 : index
    %get3A_914 = tpu.vector_load %arg7[%get3A_913] {strides = array<i32>} : memref<336xf32, #tpu.memory_space<vmem>>, vector<16xf32>,
    %get3A_915 = vector.shape_cast %get3A_914 : vector<16xf32> to vector<16xf32>
    %get3A_916 = arith.constant 288 : index
    %get3A_917 = tpu.vector_load %arg8[%get3A_916] {strides = array<i32>} : memref<336xf32, #tpu.memory_space<vmem>>, vector<16xf32>,
    %get3A_918 = vector.shape_cast %get3A_917 : vector<16xf32> to vector<16xf32>
    %add3A_919 = arith.addf %get3A_915, %get3A_918 : vector<16xf32>
    %max3A_920 = arith.constant 1.000000e+00 : f32
    %max3A_921 = vector.broadcast %max3A_920 : f32 to vector<16xf32>
    %max3A_922 = arith.maximumf %add3A_919, %max3A_921 : vector<16xf32>
    %bitcast_convert_type3A_923 = tpu.bitcast %max3A_922 : vector<16xf32> -> vector<16xi32>
    %shift_right_arithmetic3A_924 = arith.constant 1 : i32
    %shift_right_arithmetic3A_925 = vector.broadcast %shift_right_arithmetic3A_924 : i32 to vector<16xi32>
    %shift_right_arithmetic3A_926 = arith.shrsi %bitcast_convert_type3A_923, %shift_right_arithmetic3A_925 : vector<16xi32>
    %sub3A_927 = arith.constant 1597463007 : i32
    %sub3A_928 = vector.broadcast %sub3A_927 : i32 to vector<16xi32>
    %sub3A_929 = arith.subi %sub3A_928, %shift_right_arithmetic3A_926 : vector<16xi32>
    %bitcast_convert_type3A_930 = tpu.bitcast %sub3A_929 : vector<16xi32> -> vector<16xf32>
    %mul3A_931 = arith.constant 5.000000e-01 : f32
    %mul3A_932 = vector.broadcast %mul3A_931 : f32 to vector<16xf32>
    %mul3A_933 = arith.mulf %mul3A_932, %max3A_922 : vector<16xf32>
    %mul3A_934 = arith.mulf %mul3A_933, %bitcast_convert_type3A_930 : vector<16xf32>
    %mul3A_935 = arith.mulf %mul3A_934, %bitcast_convert_type3A_930 : vector<16xf32>
    %sub3A_936 = arith.constant 1.500000e+00 : f32
    %sub3A_937 = vector.broadcast %sub3A_936 : f32 to vector<16xf32>
    %sub3A_938 = arith.subf %sub3A_937, %mul3A_935 : vector<16xf32>
    %mul3A_939 = arith.mulf %bitcast_convert_type3A_930, %sub3A_938 : vector<16xf32>
    %mul3A_940 = arith.constant 5.000000e-01 : f32
    %mul3A_941 = vector.broadcast %mul3A_940 : f32 to vector<16xf32>
    %mul3A_942 = arith.mulf %mul3A_941, %max3A_922 : vector<16xf32>
    %mul3A_943 = arith.mulf %mul3A_942, %mul3A_939 : vector<16xf32>
    %mul3A_944 = arith.mulf %mul3A_943, %mul3A_939 : vector<16xf32>
    %sub3A_945 = arith.constant 1.500000e+00 : f32
    %sub3A_946 = vector.broadcast %sub3A_945 : f32 to vector<16xf32>
    %sub3A_947 = arith.subf %sub3A_946, %mul3A_944 : vector<16xf32>
    %mul3A_948 = arith.mulf %mul3A_939, %sub3A_947 : vector<16xf32>
    %mul3A_949 = arith.constant 5.000000e-01 : f32
    %mul3A_950 = vector.broadcast %mul3A_949 : f32 to vector<16xf32>
    %mul3A_951 = arith.mulf %mul3A_950, %max3A_922 : vector<16xf32>
    %mul3A_952 = arith.mulf %mul3A_951, %mul3A_948 : vector<16xf32>
    %mul3A_953 = arith.mulf %mul3A_952, %mul3A_948 : vector<16xf32>
    %sub3A_954 = arith.constant 1.500000e+00 : f32
    %sub3A_955 = vector.broadcast %sub3A_954 : f32 to vector<16xf32>
    %sub3A_956 = arith.subf %sub3A_955, %mul3A_953 : vector<16xf32>
    %mul3A_957 = arith.mulf %mul3A_948, %sub3A_956 : vector<16xf32>
    %swap3A_958 = arith.constant 288 : index
    %swap3A_959 = tpu.vector_load %arg9[%swap3A_958] {strides = array<i32>} : memref<336xf32, #tpu.memory_space<vmem>>, vector<16xf32>,
    %swap3A_960 = vector.shape_cast %swap3A_959 : vector<16xf32> to vector<16xf32>
    %swap3A_961 = vector.shape_cast %mul3A_957 : vector<16xf32> to vector<16xf32>
    tpu.vector_store %arg9[%swap3A_958], %swap3A_961 {strides = array<i32>} : memref<336xf32, #tpu.memory_space<vmem>>, vector<16xf32>,
    %get3A_962 = arith.constant 304 : index
    %get3A_963 = tpu.vector_load %arg7[%get3A_962] {strides = array<i32>} : memref<336xf32, #tpu.memory_space<vmem>>, vector<16xf32>,
    %get3A_964 = vector.shape_cast %get3A_963 : vector<16xf32> to vector<16xf32>
    %get3A_965 = arith.constant 304 : index
    %get3A_966 = tpu.vector_load %arg8[%get3A_965] {strides = array<i32>} : memref<336xf32, #tpu.memory_space<vmem>>, vector<16xf32>,
    %get3A_967 = vector.shape_cast %get3A_966 : vector<16xf32> to vector<16xf32>
    %add3A_968 = arith.addf %get3A_964, %get3A_967 : vector<16xf32>
    %max3A_969 = arith.constant 1.000000e+00 : f32
    %max3A_970 = vector.broadcast %max3A_969 : f32 to vector<16xf32>
    %max3A_971 = arith.maximumf %add3A_968, %max3A_970 : vector<16xf32>
    %bitcast_convert_type3A_972 = tpu.bitcast %max3A_971 : vector<16xf32> -> vector<16xi32>
    %shift_right_arithmetic3A_973 = arith.constant 1 : i32
    %shift_right_arithmetic3A_974 = vector.broadcast %shift_right_arithmetic3A_973 : i32 to vector<16xi32>
    %shift_right_arithmetic3A_975 = arith.shrsi %bitcast_convert_type3A_972, %shift_right_arithmetic3A_974 : vector<16xi32>
    %sub3A_976 = arith.constant 1597463007 : i32
    %sub3A_977 = vector.broadcast %sub3A_976 : i32 to vector<16xi32>
    %sub3A_978 = arith.subi %sub3A_977, %shift_right_arithmetic3A_975 : vector<16xi32>
    %bitcast_convert_type3A_979 = tpu.bitcast %sub3A_978 : vector<16xi32> -> vector<16xf32>
    %mul3A_980 = arith.constant 5.000000e-01 : f32
    %mul3A_981 = vector.broadcast %mul3A_980 : f32 to vector<16xf32>
    %mul3A_982 = arith.mulf %mul3A_981, %max3A_971 : vector<16xf32>
    %mul3A_983 = arith.mulf %mul3A_982, %bitcast_convert_type3A_979 : vector<16xf32>
    %mul3A_984 = arith.mulf %mul3A_983, %bitcast_convert_type3A_979 : vector<16xf32>
    %sub3A_985 = arith.constant 1.500000e+00 : f32
    %sub3A_986 = vector.broadcast %sub3A_985 : f32 to vector<16xf32>
    %sub3A_987 = arith.subf %sub3A_986, %mul3A_984 : vector<16xf32>
    %mul3A_988 = arith.mulf %bitcast_convert_type3A_979, %sub3A_987 : vector<16xf32>
    %mul3A_989 = arith.constant 5.000000e-01 : f32
    %mul3A_990 = vector.broadcast %mul3A_989 : f32 to vector<16xf32>
    %mul3A_991 = arith.mulf %mul3A_990, %max3A_971 : vector<16xf32>
    %mul3A_992 = arith.mulf %mul3A_991, %mul3A_988 : vector<16xf32>
    %mul3A_993 = arith.mulf %mul3A_992, %mul3A_988 : vector<16xf32>
    %sub3A_994 = arith.constant 1.500000e+00 : f32
    %sub3A_995 = vector.broadcast %sub3A_994 : f32 to vector<16xf32>
    %sub3A_996 = arith.subf %sub3A_995, %mul3A_993 : vector<16xf32>
    %mul3A_997 = arith.mulf %mul3A_988, %sub3A_996 : vector<16xf32>
    %mul3A_998 = arith.constant 5.000000e-01 : f32
    %mul3A_999 = vector.broadcast %mul3A_998 : f32 to vector<16xf32>
    %mul3A_1000 = arith.mulf %mul3A_999, %max3A_971 : vector<16xf32>
    %mul3A_1001 = arith.mulf %mul3A_1000, %mul3A_997 : vector<16xf32>
    %mul3A_1002 = arith.mulf %mul3A_1001, %mul3A_997 : vector<16xf32>
    %sub3A_1003 = arith.constant 1.500000e+00 : f32
    %sub3A_1004 = vector.broadcast %sub3A_1003 : f32 to vector<16xf32>
    %sub3A_1005 = arith.subf %sub3A_1004, %mul3A_1002 : vector<16xf32>
    %mul3A_1006 = arith.mulf %mul3A_997, %sub3A_1005 : vector<16xf32>
    %swap3A_1007 = arith.constant 304 : index
    %swap3A_1008 = tpu.vector_load %arg9[%swap3A_1007] {strides = array<i32>} : memref<336xf32, #tpu.memory_space<vmem>>, vector<16xf32>,
    %swap3A_1009 = vector.shape_cast %swap3A_1008 : vector<16xf32> to vector<16xf32>
    %swap3A_1010 = vector.shape_cast %mul3A_1006 : vector<16xf32> to vector<16xf32>
    tpu.vector_store %arg9[%swap3A_1007], %swap3A_1010 {strides = array<i32>} : memref<336xf32, #tpu.memory_space<vmem>>, vector<16xf32>,
    %get3A_1011 = arith.constant 320 : index
    %get3A_1012 = tpu.vector_load %arg7[%get3A_1011] {strides = array<i32>} : memref<336xf32, #tpu.memory_space<vmem>>, vector<16xf32>,
    %get3A_1013 = vector.shape_cast %get3A_1012 : vector<16xf32> to vector<16xf32>
    %get3A_1014 = arith.constant 320 : index
    %get3A_1015 = tpu.vector_load %arg8[%get3A_1014] {strides = array<i32>} : memref<336xf32, #tpu.memory_space<vmem>>, vector<16xf32>,
    %get3A_1016 = vector.shape_cast %get3A_1015 : vector<16xf32> to vector<16xf32>
    %add3A_1017 = arith.addf %get3A_1013, %get3A_1016 : vector<16xf32>
    %max3A_1018 = arith.constant 1.000000e+00 : f32
    %max3A_1019 = vector.broadcast %max3A_1018 : f32 to vector<16xf32>
    %max3A_1020 = arith.maximumf %add3A_1017, %max3A_1019 : vector<16xf32>
    %bitcast_convert_type3A_1021 = tpu.bitcast %max3A_1020 : vector<16xf32> -> vector<16xi32>
    %shift_right_arithmetic3A_1022 = arith.constant 1 : i32
    %shift_right_arithmetic3A_1023 = vector.broadcast %shift_right_arithmetic3A_1022 : i32 to vector<16xi32>
    %shift_right_arithmetic3A_1024 = arith.shrsi %bitcast_convert_type3A_1021, %shift_right_arithmetic3A_1023 : vector<16xi32>
    %sub3A_1025 = arith.constant 1597463007 : i32
    %sub3A_1026 = vector.broadcast %sub3A_1025 : i32 to vector<16xi32>
    %sub3A_1027 = arith.subi %sub3A_1026, %shift_right_arithmetic3A_1024 : vector<16xi32>
    %bitcast_convert_type3A_1028 = tpu.bitcast %sub3A_1027 : vector<16xi32> -> vector<16xf32>
    %mul3A_1029 = arith.constant 5.000000e-01 : f32
    %mul3A_1030 = vector.broadcast %mul3A_1029 : f32 to vector<16xf32>
    %mul3A_1031 = arith.mulf %mul3A_1030, %max3A_1020 : vector<16xf32>
    %mul3A_1032 = arith.mulf %mul3A_1031, %bitcast_convert_type3A_1028 : vector<16xf32>
    %mul3A_1033 = arith.mulf %mul3A_1032, %bitcast_convert_type3A_1028 : vector<16xf32>
    %sub3A_1034 = arith.constant 1.500000e+00 : f32
    %sub3A_1035 = vector.broadcast %sub3A_1034 : f32 to vector<16xf32>
    %sub3A_1036 = arith.subf %sub3A_1035, %mul3A_1033 : vector<16xf32>
    %mul3A_1037 = arith.mulf %bitcast_convert_type3A_1028, %sub3A_1036 : vector<16xf32>
    %mul3A_1038 = arith.constant 5.000000e-01 : f32
    %mul3A_1039 = vector.broadcast %mul3A_1038 : f32 to vector<16xf32>
    %mul3A_1040 = arith.mulf %mul3A_1039, %max3A_1020 : vector<16xf32>
    %mul3A_1041 = arith.mulf %mul3A_1040, %mul3A_1037 : vector<16xf32>
    %mul3A_1042 = arith.mulf %mul3A_1041, %mul3A_1037 : vector<16xf32>
    %sub3A_1043 = arith.constant 1.500000e+00 : f32
    %sub3A_1044 = vector.broadcast %sub3A_1043 : f32 to vector<16xf32>
    %sub3A_1045 = arith.subf %sub3A_1044, %mul3A_1042 : vector<16xf32>
    %mul3A_1046 = arith.mulf %mul3A_1037, %sub3A_1045 : vector<16xf32>
    %mul3A_1047 = arith.constant 5.000000e-01 : f32
    %mul3A_1048 = vector.broadcast %mul3A_1047 : f32 to vector<16xf32>
    %mul3A_1049 = arith.mulf %mul3A_1048, %max3A_1020 : vector<16xf32>
    %mul3A_1050 = arith.mulf %mul3A_1049, %mul3A_1046 : vector<16xf32>
    %mul3A_1051 = arith.mulf %mul3A_1050, %mul3A_1046 : vector<16xf32>
    %sub3A_1052 = arith.constant 1.500000e+00 : f32
    %sub3A_1053 = vector.broadcast %sub3A_1052 : f32 to vector<16xf32>
    %sub3A_1054 = arith.subf %sub3A_1053, %mul3A_1051 : vector<16xf32>
    %mul3A_1055 = arith.mulf %mul3A_1046, %sub3A_1054 : vector<16xf32>
    %swap3A_1056 = arith.constant 320 : index
    %swap3A_1057 = tpu.vector_load %arg9[%swap3A_1056] {strides = array<i32>} : memref<336xf32, #tpu.memory_space<vmem>>, vector<16xf32>,
    %swap3A_1058 = vector.shape_cast %swap3A_1057 : vector<16xf32> to vector<16xf32>
    %swap3A_1059 = vector.shape_cast %mul3A_1055 : vector<16xf32> to vector<16xf32>
    tpu.vector_store %arg9[%swap3A_1056], %swap3A_1059 {strides = array<i32>} : memref<336xf32, #tpu.memory_space<vmem>>, vector<16xf32>,
    %while3A = arith.constant 0 : i32
    %while3A_1060 = arith.constant 0 : i32
    %while3A_1061 = arith.subi %add3A_8, %while3A_1060 : i32
    %while3A_1062 = arith.addi %while3A_1060, %while3A_1061 : i32
    %while3A_1063 = arith.constant 1 : i32
    %while3A_1064 = arith.divsi %while3A_1061, %while3A_1063 : i32
    %while3A_1065 = arith.muli %while3A_1064, %while3A_1063 : i32
    %while3A_1066 = arith.addi %while3A_1060, %while3A_1065 : i32
    %while3A_1067 = arith.constant 1 : i32
    scf.for %while3A_1074 = %while3A_1060 to %while3A_1066 step %while3A_1067  : i32 {
      %add3A_1075 = arith.addi %sub3A_29, %while3A_1074 : i32
      %get3A_1076 = arith.index_cast %add3A_1075 : i32 to index
      %get3A_1077 = tpu.vector_load %arg9[%get3A_1076] {strides = array<i32>} : memref<336xf32, #tpu.memory_space<vmem>>, vector<16xf32>,
      %get3A_1078 = vector.shape_cast %get3A_1077 : vector<16xf32> to vector<16xf32>
      %slice3A = vector.extract_strided_slice %get3A_1078 {offsets = [0], sizes = [1], strides = [1]} : vector<16xf32> to vector<1xf32>
      %squeeze3A = vector.extract %slice3A[0] : f32 from vector<1xf32>
      %broadcast_in_dim3A = vector.broadcast %squeeze3A : f32 to vector<16xf32>
      %get3A_1079 = arith.index_cast %while3A_1074 : i32 to index
      %get3A_1080 = arith.constant 0 : index
      %get3A_1081 = tpu.vector_load %arg5[%get3A_1079, %get3A_1080] {strides = array<i32>} : memref<313x64xf32, #tpu.memory_space<vmem>>, vector<1x16xf32>,
      %get3A_1082 = vector.shape_cast %get3A_1081 : vector<1x16xf32> to vector<16xf32>
      %get3A_1083 = arith.index_cast %while3A_1074 : i32 to index
      %get3A_1084 = arith.constant 0 : index
      %get3A_1085 = tpu.vector_load %arg6[%get3A_1083, %get3A_1084] {strides = array<i32>} : memref<313x64xf32, #tpu.memory_space<vmem>>, vector<1x16xf32>,
      %get3A_1086 = vector.shape_cast %get3A_1085 : vector<1x16xf32> to vector<16xf32>
      %add3A_1087 = arith.addf %get3A_1082, %get3A_1086 : vector<16xf32>
      %mul3A_1088 = arith.mulf %add3A_1087, %broadcast_in_dim3A : vector<16xf32>
      %swap3A_1089 = arith.index_cast %while3A_1074 : i32 to index
      %swap3A_1090 = arith.constant 0 : index
      %swap3A_1091 = tpu.vector_load %arg5[%swap3A_1089, %swap3A_1090] {strides = array<i32>} : memref<313x64xf32, #tpu.memory_space<vmem>>, vector<1x16xf32>,
      %swap3A_1092 = vector.shape_cast %swap3A_1091 : vector<1x16xf32> to vector<16xf32>
      %swap3A_1093 = vector.shape_cast %mul3A_1088 : vector<16xf32> to vector<1x16xf32>
      tpu.vector_store %arg5[%swap3A_1089, %swap3A_1090], %swap3A_1093 {strides = array<i32>} : memref<313x64xf32, #tpu.memory_space<vmem>>, vector<1x16xf32>,
      %get3A_1094 = arith.index_cast %while3A_1074 : i32 to index
      %get3A_1095 = arith.constant 16 : index
      %get3A_1096 = tpu.vector_load %arg5[%get3A_1094, %get3A_1095] {strides = array<i32>} : memref<313x64xf32, #tpu.memory_space<vmem>>, vector<1x16xf32>,
      %get3A_1097 = vector.shape_cast %get3A_1096 : vector<1x16xf32> to vector<16xf32>
      %get3A_1098 = arith.index_cast %while3A_1074 : i32 to index
      %get3A_1099 = arith.constant 16 : index
      %get3A_1100 = tpu.vector_load %arg6[%get3A_1098, %get3A_1099] {strides = array<i32>} : memref<313x64xf32, #tpu.memory_space<vmem>>, vector<1x16xf32>,
      %get3A_1101 = vector.shape_cast %get3A_1100 : vector<1x16xf32> to vector<16xf32>
      %add3A_1102 = arith.addf %get3A_1097, %get3A_1101 : vector<16xf32>
      %mul3A_1103 = arith.mulf %add3A_1102, %broadcast_in_dim3A : vector<16xf32>
      %swap3A_1104 = arith.index_cast %while3A_1074 : i32 to index
      %swap3A_1105 = arith.constant 16 : index
      %swap3A_1106 = tpu.vector_load %arg5[%swap3A_1104, %swap3A_1105] {strides = array<i32>} : memref<313x64xf32, #tpu.memory_space<vmem>>, vector<1x16xf32>,
      %swap3A_1107 = vector.shape_cast %swap3A_1106 : vector<1x16xf32> to vector<16xf32>
      %swap3A_1108 = vector.shape_cast %mul3A_1103 : vector<16xf32> to vector<1x16xf32>
      tpu.vector_store %arg5[%swap3A_1104, %swap3A_1105], %swap3A_1108 {strides = array<i32>} : memref<313x64xf32, #tpu.memory_space<vmem>>, vector<1x16xf32>,
      %get3A_1109 = arith.index_cast %while3A_1074 : i32 to index
      %get3A_1110 = arith.constant 32 : index
      %get3A_1111 = tpu.vector_load %arg5[%get3A_1109, %get3A_1110] {strides = array<i32>} : memref<313x64xf32, #tpu.memory_space<vmem>>, vector<1x16xf32>,
      %get3A_1112 = vector.shape_cast %get3A_1111 : vector<1x16xf32> to vector<16xf32>
      %get3A_1113 = arith.index_cast %while3A_1074 : i32 to index
      %get3A_1114 = arith.constant 32 : index
      %get3A_1115 = tpu.vector_load %arg6[%get3A_1113, %get3A_1114] {strides = array<i32>} : memref<313x64xf32, #tpu.memory_space<vmem>>, vector<1x16xf32>,
      %get3A_1116 = vector.shape_cast %get3A_1115 : vector<1x16xf32> to vector<16xf32>
      %add3A_1117 = arith.addf %get3A_1112, %get3A_1116 : vector<16xf32>
      %mul3A_1118 = arith.mulf %add3A_1117, %broadcast_in_dim3A : vector<16xf32>
      %swap3A_1119 = arith.index_cast %while3A_1074 : i32 to index
      %swap3A_1120 = arith.constant 32 : index
      %swap3A_1121 = tpu.vector_load %arg5[%swap3A_1119, %swap3A_1120] {strides = array<i32>} : memref<313x64xf32, #tpu.memory_space<vmem>>, vector<1x16xf32>,
      %swap3A_1122 = vector.shape_cast %swap3A_1121 : vector<1x16xf32> to vector<16xf32>
      %swap3A_1123 = vector.shape_cast %mul3A_1118 : vector<16xf32> to vector<1x16xf32>
      tpu.vector_store %arg5[%swap3A_1119, %swap3A_1120], %swap3A_1123 {strides = array<i32>} : memref<313x64xf32, #tpu.memory_space<vmem>>, vector<1x16xf32>,
      %get3A_1124 = arith.index_cast %while3A_1074 : i32 to index
      %get3A_1125 = arith.constant 48 : index
      %get3A_1126 = tpu.vector_load %arg5[%get3A_1124, %get3A_1125] {strides = array<i32>} : memref<313x64xf32, #tpu.memory_space<vmem>>, vector<1x16xf32>,
      %get3A_1127 = vector.shape_cast %get3A_1126 : vector<1x16xf32> to vector<16xf32>
      %get3A_1128 = arith.index_cast %while3A_1074 : i32 to index
      %get3A_1129 = arith.constant 48 : index
      %get3A_1130 = tpu.vector_load %arg6[%get3A_1128, %get3A_1129] {strides = array<i32>} : memref<313x64xf32, #tpu.memory_space<vmem>>, vector<1x16xf32>,
      %get3A_1131 = vector.shape_cast %get3A_1130 : vector<1x16xf32> to vector<16xf32>
      %add3A_1132 = arith.addf %get3A_1127, %get3A_1131 : vector<16xf32>
      %mul3A_1133 = arith.mulf %add3A_1132, %broadcast_in_dim3A : vector<16xf32>
      %swap3A_1134 = arith.index_cast %while3A_1074 : i32 to index
      %swap3A_1135 = arith.constant 48 : index
      %swap3A_1136 = tpu.vector_load %arg5[%swap3A_1134, %swap3A_1135] {strides = array<i32>} : memref<313x64xf32, #tpu.memory_space<vmem>>, vector<1x16xf32>,
      %swap3A_1137 = vector.shape_cast %swap3A_1136 : vector<1x16xf32> to vector<16xf32>
      %swap3A_1138 = vector.shape_cast %mul3A_1133 : vector<16xf32> to vector<1x16xf32>
      tpu.vector_store %arg5[%swap3A_1134, %swap3A_1135], %swap3A_1138 {strides = array<i32>} : memref<313x64xf32, #tpu.memory_space<vmem>>, vector<1x16xf32>,
    }
    %while3A_1068 = arith.constant 1 : i32
    scf.for %while3A_1074 = %while3A_1066 to %while3A_1062 step %while3A_1068  : i32 {
      %add3A_1075 = arith.addi %sub3A_29, %while3A_1074 : i32
      %get3A_1076 = arith.index_cast %add3A_1075 : i32 to index
      %get3A_1077 = tpu.vector_load %arg9[%get3A_1076] {strides = array<i32>} : memref<336xf32, #tpu.memory_space<vmem>>, vector<16xf32>,
      %get3A_1078 = vector.shape_cast %get3A_1077 : vector<16xf32> to vector<16xf32>
      %slice3A = vector.extract_strided_slice %get3A_1078 {offsets = [0], sizes = [1], strides = [1]} : vector<16xf32> to vector<1xf32>
      %squeeze3A = vector.extract %slice3A[0] : f32 from vector<1xf32>
      %broadcast_in_dim3A = vector.broadcast %squeeze3A : f32 to vector<16xf32>
      %get3A_1079 = arith.index_cast %while3A_1074 : i32 to index
      %get3A_1080 = arith.constant 0 : index
      %get3A_1081 = tpu.vector_load %arg5[%get3A_1079, %get3A_1080] {strides = array<i32>} : memref<313x64xf32, #tpu.memory_space<vmem>>, vector<1x16xf32>,
      %get3A_1082 = vector.shape_cast %get3A_1081 : vector<1x16xf32> to vector<16xf32>
      %get3A_1083 = arith.index_cast %while3A_1074 : i32 to index
      %get3A_1084 = arith.constant 0 : index
      %get3A_1085 = tpu.vector_load %arg6[%get3A_1083, %get3A_1084] {strides = array<i32>} : memref<313x64xf32, #tpu.memory_space<vmem>>, vector<1x16xf32>,
      %get3A_1086 = vector.shape_cast %get3A_1085 : vector<1x16xf32> to vector<16xf32>
      %add3A_1087 = arith.addf %get3A_1082, %get3A_1086 : vector<16xf32>
      %mul3A_1088 = arith.mulf %add3A_1087, %broadcast_in_dim3A : vector<16xf32>
      %swap3A_1089 = arith.index_cast %while3A_1074 : i32 to index
      %swap3A_1090 = arith.constant 0 : index
      %swap3A_1091 = tpu.vector_load %arg5[%swap3A_1089, %swap3A_1090] {strides = array<i32>} : memref<313x64xf32, #tpu.memory_space<vmem>>, vector<1x16xf32>,
      %swap3A_1092 = vector.shape_cast %swap3A_1091 : vector<1x16xf32> to vector<16xf32>
      %swap3A_1093 = vector.shape_cast %mul3A_1088 : vector<16xf32> to vector<1x16xf32>
      tpu.vector_store %arg5[%swap3A_1089, %swap3A_1090], %swap3A_1093 {strides = array<i32>} : memref<313x64xf32, #tpu.memory_space<vmem>>, vector<1x16xf32>,
      %get3A_1094 = arith.index_cast %while3A_1074 : i32 to index
      %get3A_1095 = arith.constant 16 : index
      %get3A_1096 = tpu.vector_load %arg5[%get3A_1094, %get3A_1095] {strides = array<i32>} : memref<313x64xf32, #tpu.memory_space<vmem>>, vector<1x16xf32>,
      %get3A_1097 = vector.shape_cast %get3A_1096 : vector<1x16xf32> to vector<16xf32>
      %get3A_1098 = arith.index_cast %while3A_1074 : i32 to index
      %get3A_1099 = arith.constant 16 : index
      %get3A_1100 = tpu.vector_load %arg6[%get3A_1098, %get3A_1099] {strides = array<i32>} : memref<313x64xf32, #tpu.memory_space<vmem>>, vector<1x16xf32>,
      %get3A_1101 = vector.shape_cast %get3A_1100 : vector<1x16xf32> to vector<16xf32>
      %add3A_1102 = arith.addf %get3A_1097, %get3A_1101 : vector<16xf32>
      %mul3A_1103 = arith.mulf %add3A_1102, %broadcast_in_dim3A : vector<16xf32>
      %swap3A_1104 = arith.index_cast %while3A_1074 : i32 to index
      %swap3A_1105 = arith.constant 16 : index
      %swap3A_1106 = tpu.vector_load %arg5[%swap3A_1104, %swap3A_1105] {strides = array<i32>} : memref<313x64xf32, #tpu.memory_space<vmem>>, vector<1x16xf32>,
      %swap3A_1107 = vector.shape_cast %swap3A_1106 : vector<1x16xf32> to vector<16xf32>
      %swap3A_1108 = vector.shape_cast %mul3A_1103 : vector<16xf32> to vector<1x16xf32>
      tpu.vector_store %arg5[%swap3A_1104, %swap3A_1105], %swap3A_1108 {strides = array<i32>} : memref<313x64xf32, #tpu.memory_space<vmem>>, vector<1x16xf32>,
      %get3A_1109 = arith.index_cast %while3A_1074 : i32 to index
      %get3A_1110 = arith.constant 32 : index
      %get3A_1111 = tpu.vector_load %arg5[%get3A_1109, %get3A_1110] {strides = array<i32>} : memref<313x64xf32, #tpu.memory_space<vmem>>, vector<1x16xf32>,
      %get3A_1112 = vector.shape_cast %get3A_1111 : vector<1x16xf32> to vector<16xf32>
      %get3A_1113 = arith.index_cast %while3A_1074 : i32 to index
      %get3A_1114 = arith.constant 32 : index
      %get3A_1115 = tpu.vector_load %arg6[%get3A_1113, %get3A_1114] {strides = array<i32>} : memref<313x64xf32, #tpu.memory_space<vmem>>, vector<1x16xf32>,
      %get3A_1116 = vector.shape_cast %get3A_1115 : vector<1x16xf32> to vector<16xf32>
      %add3A_1117 = arith.addf %get3A_1112, %get3A_1116 : vector<16xf32>
      %mul3A_1118 = arith.mulf %add3A_1117, %broadcast_in_dim3A : vector<16xf32>
      %swap3A_1119 = arith.index_cast %while3A_1074 : i32 to index
      %swap3A_1120 = arith.constant 32 : index
      %swap3A_1121 = tpu.vector_load %arg5[%swap3A_1119, %swap3A_1120] {strides = array<i32>} : memref<313x64xf32, #tpu.memory_space<vmem>>, vector<1x16xf32>,
      %swap3A_1122 = vector.shape_cast %swap3A_1121 : vector<1x16xf32> to vector<16xf32>
      %swap3A_1123 = vector.shape_cast %mul3A_1118 : vector<16xf32> to vector<1x16xf32>
      tpu.vector_store %arg5[%swap3A_1119, %swap3A_1120], %swap3A_1123 {strides = array<i32>} : memref<313x64xf32, #tpu.memory_space<vmem>>, vector<1x16xf32>,
      %get3A_1124 = arith.index_cast %while3A_1074 : i32 to index
      %get3A_1125 = arith.constant 48 : index
      %get3A_1126 = tpu.vector_load %arg5[%get3A_1124, %get3A_1125] {strides = array<i32>} : memref<313x64xf32, #tpu.memory_space<vmem>>, vector<1x16xf32>,
      %get3A_1127 = vector.shape_cast %get3A_1126 : vector<1x16xf32> to vector<16xf32>
      %get3A_1128 = arith.index_cast %while3A_1074 : i32 to index
      %get3A_1129 = arith.constant 48 : index
      %get3A_1130 = tpu.vector_load %arg6[%get3A_1128, %get3A_1129] {strides = array<i32>} : memref<313x64xf32, #tpu.memory_space<vmem>>, vector<1x16xf32>,
      %get3A_1131 = vector.shape_cast %get3A_1130 : vector<1x16xf32> to vector<16xf32>
      %add3A_1132 = arith.addf %get3A_1127, %get3A_1131 : vector<16xf32>
      %mul3A_1133 = arith.mulf %add3A_1132, %broadcast_in_dim3A : vector<16xf32>
      %swap3A_1134 = arith.index_cast %while3A_1074 : i32 to index
      %swap3A_1135 = arith.constant 48 : index
      %swap3A_1136 = tpu.vector_load %arg5[%swap3A_1134, %swap3A_1135] {strides = array<i32>} : memref<313x64xf32, #tpu.memory_space<vmem>>, vector<1x16xf32>,
      %swap3A_1137 = vector.shape_cast %swap3A_1136 : vector<1x16xf32> to vector<16xf32>
      %swap3A_1138 = vector.shape_cast %mul3A_1133 : vector<16xf32> to vector<1x16xf32>
      tpu.vector_store %arg5[%swap3A_1134, %swap3A_1135], %swap3A_1138 {strides = array<i32>} : memref<313x64xf32, #tpu.memory_space<vmem>>, vector<1x16xf32>,
    }
    "tpu.region"() ({
      %run_scoped3A_1074 = tpu.sem_alloc : memref<!tpu.dma_semaphore, #tpu.memory_space<semaphore_mem>>
      %dma_start3A = arith.constant 0 : i32
      %dma_start3A_1075 = arith.constant 0 : i32
      %dma_start3A_1076 = tpu.memref_slice %arg5[%dma_start3A, %dma_start3A_1075] : memref<313x64xf32, #tpu.memory_space<vmem>> -> memref<312x64xf32, #tpu.memory_space<vmem>>
      %dma_start3A_1077 = arith.constant 0 : i32
      %dma_start3A_1078 = tpu.memref_slice %arg4[%add3A_4, %dma_start3A_1077] : memref<10000x64xf32, #tpu.memory_space<hbm>> -> memref<312x64xf32, #tpu.memory_space<hbm>>
      %dma_start3A_1079 = arith.constant 0 : i32
      %dma_start3A_1080 = tpu.memref_slice %arg4[%add3A_4, %dma_start3A_1079] : memref<10000x64xf32, #tpu.memory_space<hbm>> -> memref<312x64xf32, #tpu.memory_space<hbm>>
      %dma_start3A_1081 = arith.constant 0 : i32
      %dma_start3A_1082 = arith.constant 0 : i32
      %dma_start3A_1083 = tpu.memref_slice %arg5[%dma_start3A_1081, %dma_start3A_1082] : memref<313x64xf32, #tpu.memory_space<vmem>> -> memref<312x64xf32, #tpu.memory_space<vmem>>
      tpu.enqueue_dma source(%dma_start3A_1083 : memref<312x64xf32, #tpu.memory_space<vmem>>) target(%dma_start3A_1080 : memref<312x64xf32, #tpu.memory_space<hbm>>) target_semaphore(%run_scoped3A_1074 : memref<!tpu.dma_semaphore, #tpu.memory_space<semaphore_mem>>)
      %dma_wait3A = arith.constant 0 : i32
      %dma_wait3A_1084 = arith.constant 0 : i32
      %dma_wait3A_1085 = tpu.memref_slice %arg5[%dma_wait3A, %dma_wait3A_1084] : memref<313x64xf32, #tpu.memory_space<vmem>> -> memref<312x64xf32, #tpu.memory_space<vmem>>
      %dma_wait3A_1086 = arith.constant 0 : i32
      %dma_wait3A_1087 = tpu.memref_slice %arg4[%add3A_4, %dma_wait3A_1086] : memref<10000x64xf32, #tpu.memory_space<hbm>> -> memref<312x64xf32, #tpu.memory_space<hbm>>
      %dma_wait3A_1088 = arith.constant 0 : i32
      %dma_wait3A_1089 = tpu.memref_slice %arg4[%add3A_4, %dma_wait3A_1088] : memref<10000x64xf32, #tpu.memory_space<hbm>> -> memref<312x64xf32, #tpu.memory_space<hbm>>
      %dma_wait3A_1090 = arith.constant 0 : i32
      %dma_wait3A_1091 = arith.constant 0 : i32
      %dma_wait3A_1092 = tpu.memref_slice %arg5[%dma_wait3A_1090, %dma_wait3A_1091] : memref<313x64xf32, #tpu.memory_space<vmem>> -> memref<312x64xf32, #tpu.memory_space<vmem>>
      tpu.wait_dma2 semaphore(%run_scoped3A_1074 : memref<!tpu.dma_semaphore, #tpu.memory_space<semaphore_mem>>) src(%dma_wait3A_1092 : memref<312x64xf32, #tpu.memory_space<vmem>>) dst(%dma_wait3A_1089 : memref<312x64xf32, #tpu.memory_space<hbm>>)
      tpu.yield
    }) : () -> ()
    %lt3A_1069 = arith.constant 16 : i32
    %lt3A_1070 = arith.cmpi slt, %add3A, %lt3A_1069 : i32
    %convert_element_type3A_1071 = arith.extui %lt3A_1070 : i1 to i32
    %cond3A_1072 = arith.constant 0 : i32
    %cond3A_1073 = arith.cmpi ne, %convert_element_type3A_1071, %cond3A_1072 : i32
    scf.if %cond3A_1073 {
      %add3A_1074 = arith.constant 312 : i32
      %add3A_1075 = arith.addi %add3A_4, %add3A_1074 : i32
      "tpu.region"() ({
        %run_scoped3A_1076 = tpu.sem_alloc : memref<!tpu.dma_semaphore, #tpu.memory_space<semaphore_mem>>
        %dma_start3A = arith.constant 312 : i32
        %dma_start3A_1077 = arith.constant 0 : i32
        %dma_start3A_1078 = tpu.memref_slice %arg5[%dma_start3A, %dma_start3A_1077] : memref<313x64xf32, #tpu.memory_space<vmem>> -> memref<1x64xf32, #tpu.memory_space<vmem>>
        %dma_start3A_1079 = arith.constant 0 : i32
        %dma_start3A_1080 = tpu.memref_slice %arg4[%add3A_1075, %dma_start3A_1079] : memref<10000x64xf32, #tpu.memory_space<hbm>> -> memref<1x64xf32, #tpu.memory_space<hbm>>
        %dma_start3A_1081 = arith.constant 0 : i32
        %dma_start3A_1082 = tpu.memref_slice %arg4[%add3A_1075, %dma_start3A_1081] : memref<10000x64xf32, #tpu.memory_space<hbm>> -> memref<1x64xf32, #tpu.memory_space<hbm>>
        %dma_start3A_1083 = arith.constant 312 : i32
        %dma_start3A_1084 = arith.constant 0 : i32
        %dma_start3A_1085 = tpu.memref_slice %arg5[%dma_start3A_1083, %dma_start3A_1084] : memref<313x64xf32, #tpu.memory_space<vmem>> -> memref<1x64xf32, #tpu.memory_space<vmem>>
        tpu.enqueue_dma source(%dma_start3A_1085 : memref<1x64xf32, #tpu.memory_space<vmem>>) target(%dma_start3A_1082 : memref<1x64xf32, #tpu.memory_space<hbm>>) target_semaphore(%run_scoped3A_1076 : memref<!tpu.dma_semaphore, #tpu.memory_space<semaphore_mem>>)
        %dma_wait3A = arith.constant 312 : i32
        %dma_wait3A_1086 = arith.constant 0 : i32
        %dma_wait3A_1087 = tpu.memref_slice %arg5[%dma_wait3A, %dma_wait3A_1086] : memref<313x64xf32, #tpu.memory_space<vmem>> -> memref<1x64xf32, #tpu.memory_space<vmem>>
        %dma_wait3A_1088 = arith.constant 0 : i32
        %dma_wait3A_1089 = tpu.memref_slice %arg4[%add3A_1075, %dma_wait3A_1088] : memref<10000x64xf32, #tpu.memory_space<hbm>> -> memref<1x64xf32, #tpu.memory_space<hbm>>
        %dma_wait3A_1090 = arith.constant 0 : i32
        %dma_wait3A_1091 = tpu.memref_slice %arg4[%add3A_1075, %dma_wait3A_1090] : memref<10000x64xf32, #tpu.memory_space<hbm>> -> memref<1x64xf32, #tpu.memory_space<hbm>>
        %dma_wait3A_1092 = arith.constant 312 : i32
        %dma_wait3A_1093 = arith.constant 0 : i32
        %dma_wait3A_1094 = tpu.memref_slice %arg5[%dma_wait3A_1092, %dma_wait3A_1093] : memref<313x64xf32, #tpu.memory_space<vmem>> -> memref<1x64xf32, #tpu.memory_space<vmem>>
        tpu.wait_dma2 semaphore(%run_scoped3A_1076 : memref<!tpu.dma_semaphore, #tpu.memory_space<semaphore_mem>>) src(%dma_wait3A_1094 : memref<1x64xf32, #tpu.memory_space<vmem>>) dst(%dma_wait3A_1091 : memref<1x64xf32, #tpu.memory_space<hbm>>)
        tpu.yield
      }) : () -> ()
    } else {
    }
    return
  }
}

module attributes {stable_mosaic.version = 14 : i64} {
  func.func @_matmul_body(%arg0: i32, %arg1: memref<2x2048xf32, #tpu.memory_space<vmem>>, %arg2: memref<2048x128xf32, #tpu.memory_space<vmem>>, %arg3: memref<128x64xf32, #tpu.memory_space<vmem>>, %arg4: memref<2048x64xf32, #tpu.memory_space<vmem>>) attributes {dimension_semantics = [#tpu.dimension_semantics<arbitrary>], iteration_bounds = array<i64: 5>, scalar_prefetch = 0 : i64, scratch_operands = 0 : i64, tpu.core_type = #tpu.core_type<tc>, window_params = [{transform_indices = @transform_0, window_bounds = array<i64: 2, 2048>}, {transform_indices = @transform_1, window_bounds = array<i64: 2048, 128>}, {pipeline_mode = #tpu.pipeline_mode<synchronous>, transform_indices = @transform_2, window_bounds = array<i64: 128, 64>}, {transform_indices = @transform_3, window_bounds = array<i64: 2048, 64>}]} {
    %get3A = arith.constant 0 : index
    %get3A_0 = arith.constant 0 : index
    %get3A_1 = vector.load %arg1[%get3A, %get3A_0] : memref<2x2048xf32, #tpu.memory_space<vmem>>, vector<1x2048xf32>
    %get3A_2 = vector.shape_cast %get3A_1 : vector<1x2048xf32> to vector<2048xf32>
    %get3A_3 = arith.constant 1 : index
    %get3A_4 = arith.constant 0 : index
    %get3A_5 = vector.load %arg1[%get3A_3, %get3A_4] : memref<2x2048xf32, #tpu.memory_space<vmem>>, vector<1x2048xf32>
    %get3A_6 = vector.shape_cast %get3A_5 : vector<1x2048xf32> to vector<2048xf32>
    %add3A = arith.addf %get3A_2, %get3A_6 : vector<2048xf32>
    %max3A = arith.constant 1.000000e+00 : f32
    %max3A_7 = vector.broadcast %max3A : f32 to vector<2048xf32>
    %max3A_8 = arith.maximumf %add3A, %max3A_7 : vector<2048xf32>
    %rsqrt3A = math.rsqrt %max3A_8 : vector<2048xf32>
    %get3A_9 = arith.constant 0 : index
    %get3A_10 = arith.constant 0 : index
    %get3A_11 = vector.load %arg2[%get3A_9, %get3A_10] : memref<2048x128xf32, #tpu.memory_space<vmem>>, vector<2048x128xf32>
    %broadcast_in_dim3A = vector.shape_cast %rsqrt3A : vector<2048xf32> to vector<2048x1xf32>
    %mul3A = vector.broadcast %broadcast_in_dim3A : vector<2048x1xf32> to vector<2048x128xf32>
    %mul3A_12 = arith.mulf %get3A_11, %mul3A : vector<2048x128xf32>
    %get3A_13 = arith.constant 0 : index
    %get3A_14 = arith.constant 0 : index
    %get3A_15 = vector.load %arg3[%get3A_13, %get3A_14] : memref<128x64xf32, #tpu.memory_space<vmem>>, vector<128x64xf32>
    %dot_general3A = arith.constant dense<0.000000e+00> : vector<2048x64xf32>
    %dot_general3A_16 = tpu.matmul %mul3A_12, %get3A_15, %dot_general3A {dimension_numbers = #tpu.dot_dimension_numbers<[1], [0], [0], [1], [0, 0, 1, 1], [], []>, transpose_lhs_hint = false} : vector<2048x128xf32>, vector<128x64xf32>, vector<2048x64xf32> -> vector<2048x64xf32>
    %swap3A = arith.constant 0 : index
    %swap3A_17 = arith.constant 0 : index
    %swap3A_18 = vector.load %arg4[%swap3A, %swap3A_17] : memref<2048x64xf32, #tpu.memory_space<vmem>>, vector<2048x64xf32>
    tpu.vector_store %arg4[%swap3A, %swap3A_17], %dot_general3A_16 {strides = array<i32>} : memref<2048x64xf32, #tpu.memory_space<vmem>>, vector<2048x64xf32>,
    return
  }
  func.func @transform_0(%arg0: i32) -> (i32, i32) {
    %c0_i32 = arith.constant 0 : i32
    %c0_i32_0 = arith.constant 0 : i32
    return %c0_i32, %arg0 : i32, i32
  }
  func.func @transform_1(%arg0: i32) -> (i32, i32) {
    %c0_i32 = arith.constant 0 : i32
    %c0_i32_0 = arith.constant 0 : i32
    return %arg0, %c0_i32 : i32, i32
  }
  func.func @transform_2(%arg0: i32) -> (i32, i32) {
    %c0_i32 = arith.constant 0 : i32
    %c0_i32_0 = arith.constant 0 : i32
    %c0_i32_1 = arith.constant 0 : i32
    return %c0_i32, %c0_i32_0 : i32, i32
  }
  func.func @transform_3(%arg0: i32) -> (i32, i32) {
    %c0_i32 = arith.constant 0 : i32
    %c0_i32_0 = arith.constant 0 : i32
    return %arg0, %c0_i32 : i32, i32
  }
}

</mosaic_0001>

<sc_bundles>
// kernel: kernel.12.cloned.1.call-start
scs
__scs_entry_jumppad:
0x0: {  	(pc) =	sbr.rel $0x88, $3  }
0x1: {  	(tag) =	ssettag $0x0;
	lr =	simm.s32 $0x1  }
0x2: {  	[smem:$0x3F9E] =	sst lr;
	_ =	strace $0xD0000000  }
0x3: {  	_ = 	snop  }
0x4: {  	_ = 	snop  }
0x5: {  	_ = 	snop  }
0x6: {  	_ = 	snop  }
0x7: {  	_ = 	snop  }
__scs_overlays_trampoline_lowered:
0x8: {  	[smem:$0x3FAD] =	sst s0  }
0x9: {  	[smem:$0x3FAE] =	sst s1  }
0xa: {  	[smem:$0x3FAF] =	sst s2  }
0xb: {  	[smem:$0x3FB0] =	sst s3  }
0xc: {  	[smem:$0x3FB1] =	sst s4  }
0xd: {  	[smem:$0x3FB2] =	sst s5  }
0xe: {  	[smem:$0x3FB3] =	sst s6  }
0xf: {  	[smem:$0x3FB4] =	sst s7  }
0x10: {  	[smem:$0x3FB5] =	sst s8  }
0x11: {  	[smem:$0x3FB6] =	sst s9;
	s0 =	simm.s32 @!p0 $0x0  }
0x12: {  	s1 =	sld [smem:$0x3F9C];
	s0 =	simm.s32 @p0 $0x1  }
0x13: {  	[smem:$0x3FB7] =	sst s0;
	s0 =	simm.s32 @!p1 $0x0  }
0x14: {  	s2 =	sld [smem:$0x3F9B];
	s0 =	simm.s32 @p1 $0x1  }
0x15: {  	[smem:$0x3FB8] =	sst s0;
	s0 =	simm.s32 @!p2 $0x0  }
0x16: {  	s3 =	sld [smem:$0x3FDB];
	s0 =	simm.s32 @p2 $0x1  }
0x17: {  	s4 =	simm.s32 $0x1BF5;
	[smem:$0x3FBA] =	sst s0  }
0x18: {  	s0 =	sld [smem:$0x3F9D];
	_ =	swait.ge [sflag:s4], $0x0  }
0x19: {  	s7 =	sld [smem:$0x3F9E]  }
0x1a: {  	s8 =	sadd.s32 $0xFFFFE003, lr  }
0x1b: {  	s9 =	sadd.s32 $0xFFFFFEF7, lr;
	s5 =	simm.s32 $0xFFFFFFFF;
	p2 =	slt.u32 s8, $0xFFFFF086  }
0x1c: {  	p1 =	slt.u32 s9, $0xF7A;
	s5 =	simm.s32 @!p2 $0x0  }
0x1d: {  	s5 =	simm.s32 @p1 $0x1;
	p0 =	seq.s32 s7, s2  }
0x1e: {  	s7 =	smul.u32 @!p0 $0xF7A, s2;
	p2 =	seq.s32 @!p0 s5, $0x0  }
0x1f: {  	s9 =	smul.u32 $0xF7A, s1;
	s8 =	simm.s32 @!p0 $0x1BF5;
	p2 =	por !p2, p0  }
0x20: {  	[sflag:s8] =	ssyncset.s32 @!p0 $0xFFFFF086;
	s6 =	sadd.s32 @!p0 s3, s7;
	s7 =	simm.s32 @!p0 $0x108  }
0x21: {  	s3 =	sadd.s32 s3, s9;
	s6 =	sadd.s32 @!p0 $0x88, s6;
	s7 =	simm.s32 @p2 $0x1082  }
0x22: {  	[simem:s7], [sflag:s8] =	dma.local @!p0 [hbm:s6], $0xF7A  }
0x23: {  	s9 =	sor.u32 $0xD0000000, s2;
	s6 =	simm.s32 $0x108;
	_ =	swait.ge @!p0 [sflag:s8], $0x0  }
0x24: {  	s3 =	sadd.s32 $0x88, s3;
	s6 =	simm.s32 @!p1 $0x1082;
	[sflag:s4] =	ssyncset.s32 $0xFFFFF086  }
0x25: {  	[simem:s6], [sflag:s4] =	dma.local [hbm:s3], $0xF7A  }
0x26: {  	[smem:$0x3F9E] =	sst s1;
	(tag) =	ssettag s2;
	_ =	strace s9  }
0x27: {  	s1 =	sld [smem:$0x3FAE]  }
0x28: {  	s2 =	sld [smem:$0x3FAF]  }
0x29: {  	s4 =	sld [smem:$0x3FB1]  }
0x2a: {  	p0 =	seq.s32 s5, $0x0;
	s5 =	sld [smem:$0x3FB2]  }
0x2b: {  	s6 =	sld [smem:$0x3FB3]  }
0x2c: {  	s7 =	sld [smem:$0x3FB4]  }
0x2d: {  	s3 =	simm.s32 $0x108;
	s8 =	sld [smem:$0x3FB5]  }
0x2e: {  	s3 =	simm.s32 @!p0 $0x1082;
	s9 =	sld [smem:$0x3FB6]  }
0x2f: {  	lr =	sadd.s32 s0, s3;
	s0 =	sld [smem:$0x3FAD]  }
0x30: {  	s3 =	sld [smem:$0x3FB0]  }
0x31: {  	[smem:$0x3FB9] =	sst s10  }
0x32: {  	s10 =	sld [smem:$0x3FB7];
	_ =	sdelay $0x3  }
0x33: {  	p0 =	seq.s32 s10, $0x1;
	s10 =	sld [smem:$0x3FB9];
	_ =	sdelay $0x3  }
0x34: {  	[smem:$0x3FB9] =	sst s10  }
0x35: {  	s10 =	sld [smem:$0x3FB8];
	_ =	sdelay $0x3  }
0x36: {  	p1 =	seq.s32 s10, $0x1;
	s10 =	sld [smem:$0x3FB9];
	_ =	sdelay $0x3  }
0x37: {  	[smem:$0x3FB9] =	sst s10  }
0x38: {  	s10 =	sld [smem:$0x3FBA]  }
0x39: {  	_ = 	snop;
	(pc) =	sbr.ind lr, $3  }
0x3a: {  	_ = 	snop  }
0x3b: {  	_ = 	snop  }
0x3c: {  	p2 =	seq.s32 s10, $0x1;
	s10 =	sld [smem:$0x3FB9]  }
0x3d: {  	_ =	shalt  }
0x3e: {  	_ =	shalt  }
0x3f: {  	_ =	shalt  }
0x40: {  	_ =	shalt  }
0x41: {  	_ =	shalt  }
0x42: {  	_ =	shalt  }
0x43: {  	_ =	shalt  }
0x44: {  	_ =	shalt  }
0x45: {  	_ =	shalt  }
0x46: {  	_ =	shalt  }
0x47: {  	_ =	shalt  }
0x48: {  	_ =	shalt  }
0x49: {  	_ =	shalt  }
0x4a: {  	_ =	shalt  }
0x4b: {  	_ =	shalt  }
0x4c: {  	_ =	shalt  }
0x4d: {  	_ =	shalt  }
0x4e: {  	_ =	shalt  }
0x4f: {  	_ =	shalt  }
0x50: {  	_ =	shalt  }
0x51: {  	_ =	shalt  }
0x52: {  	_ =	shalt  }
0x53: {  	_ =	shalt  }
0x54: {  	_ =	shalt  }
0x55: {  	_ =	shalt  }
0x56: {  	_ =	shalt  }
0x57: {  	_ =	shalt  }
0x58: {  	_ =	shalt  }
0x59: {  	_ =	shalt  }
0x5a: {  	_ =	shalt  }
0x5b: {  	_ =	shalt  }
0x5c: {  	_ =	shalt  }
0x5d: {  	_ =	shalt  }
0x5e: {  	_ =	shalt  }
0x5f: {  	_ =	shalt  }
0x60: {  	_ =	shalt  }
0x61: {  	_ =	shalt  }
0x62: {  	_ =	shalt  }
0x63: {  	_ =	shalt  }
0x64: {  	_ =	shalt  }
0x65: {  	_ =	shalt  }
0x66: {  	_ =	shalt  }
0x67: {  	_ =	shalt  }
0x68: {  	_ =	shalt  }
0x69: {  	_ =	shalt  }
0x6a: {  	_ =	shalt  }
0x6b: {  	_ =	shalt  }
0x6c: {  	_ =	shalt  }
0x6d: {  	_ =	shalt  }
0x6e: {  	_ =	shalt  }
0x6f: {  	_ =	shalt  }
0x70: {  	_ =	shalt  }
0x71: {  	_ =	shalt  }
0x72: {  	_ =	shalt  }
0x73: {  	_ =	shalt  }
0x74: {  	_ =	shalt  }
0x75: {  	_ =	shalt  }
0x76: {  	_ =	shalt  }
0x77: {  	_ =	shalt  }
0x78: {  	_ =	shalt  }
0x79: {  	_ =	shalt  }
0x7a: {  	_ =	shalt  }
0x7b: {  	_ =	shalt  }
0x7c: {  	_ =	shalt  }
0x7d: {  	_ =	shalt  }
0x7e: {  	_ =	shalt  }
0x7f: {  	_ =	shalt  }
0x80: {  	_ =	shalt  }
0x81: {  	_ =	shalt  }
0x82: {  	_ =	shalt  }
0x83: {  	_ =	shalt  }
0x84: {  	_ =	shalt  }
0x85: {  	_ =	shalt  }
0x86: {  	_ =	shalt  }
0x87: {  	_ =	shalt  }
.Lfunc_end0:
.L_simem_size_0:
called_computation.2_lowered:
.L_overlay_start_0:
0x88: {  	s2 =	sld [smem:$0x3FD9]  }
0x89: {  	s3 =	sld [smem:$0x3FFE];
	_ =	sdelay $0x1  }
0x8a: {  	s1 =	srdreg.scid  }
0x8b: {  	s0 =	sand.u32 $0x1, s1  }
0x8c: {  	s17 =	sshll.u32 s0, $0xA;
	s2 =	sadd.s32 s3, s2  }
0x8d: {  	s2 =	sadd.s32 s2, s17  }
0x8e: {  	[smem:$0x3FC5] =	sst s2  }
0x8f: {  	_ = 	snop  }
0x90: {  	s2 =	sld [smem:$0x3FD0];
	(tm) =	ssettm $0x1  }
0x91: {  	s18 =	sld [smem:$0x3FFB];
	_ =	sdelay $0x3  }
0x92: {  	_ =	strace s18  }
0x93: {  	s3 =	sld [smem:$0x3FFC];
	_ =	sdelay $0x3  }
0x94: {  	_ =	strace s3  }
0x95: {  	s3 =	sld [smem:$0x3FFD];
	_ =	sdelay $0x3  }
0x96: {  	_ =	strace s3  }
0x97: {  	_ =	strace $0x8FFFFFFF  }
0x98: {  	s19 =	sld [smem:$0x3FDB];
	_ =	sdelay $0x1  }
0x99: {  	s4 =	simm.s32 $_scs_section_size  }
0x9a: {  	s5 =	simm.s32 $_size__tile_overlayer_lowered;
	s6 =	simm.s32 $_tile_overlayer_lowered  }
0x9b: {  	s22 =	simm.s32 $0x1BFF;
	s21 =	sshll.u32 s6, $0x1;
	s3 =	sadd.s32 s4, s19  }
0x9c: {  	s7 =	simm.s32 $0x0;
	s20 =	sshll.u32 s5, $0x1;
	s5 =	sadd.s32 s21, s3  }
0x9d: {  	[timem:s7], [sflag:s22] =	dma.local [hbm:s5], s20  }
0x9e: {  	_ =	swait.ge [sflag:s22], s20  }
0x9f: {  	s4 =	ssub.s32 $0x0, s20;
	[sflag:s22] =	ssyncset.done $0x0  }
0xa0: {  	[sflag:s22] =	ssyncadd.s32 s4;
	_ =	sdelay $0x1  }
0xa1: {  	s23 =	simm.s32 $0x1B8B  }
0xa2: {  	_ =	swait.ge [sflag:s23], $0x1  }
0xa3: {  	[sflag:s23] =	ssyncset.done $0x0  }
0xa4: {  	s25 =	simm.s32 $0x1B8E;
	s24 =	sld [smem:$0x3FFE];
	[sflag:s23] =	ssyncadd.s32 $0xFFFFFFFF  }
0xa5: {  	s26 =	simm.s32 $execute0_lowered;
	[smem:$0x3FD2] =	sst s25  }
0xa6: {  	s5 =	sshll.u32 s26, $0x1;
	_ =	strace $0x8000004C;
	[dreg:$0x1] =	wrdreg $0xFFFFFFFF  }
0xa7: {  	s28 =	simm.s32 $_size_execute0_lowered;
	s3 =	sadd.s32 s3, s5;
	[dreg:$0x0] =	wrdreg $0x0  }
0xa8: {  	s5 =	sshll.u32 s28, $0x1;
	[dreg:$0x2] =	wrdreg s3  }
0xa9: {  	[dreg:$0x3] =	wrdreg s5  }
0xaa: {  	[dreg:$0x4] =	wrdreg $0xC0  }
0xab: {  	_ =	task [dreg:s7], $0x5FFFF  }
0xac: {  	[dreg:$0x1] =	wrdreg $0xFFFFFFFF  }
0xad: {  	[dreg:$0x0] =	wrdreg $0x60  }
0xae: {  	[dreg:$0x2] =	wrdreg s2  }
0xaf: {  	[dreg:$0x3] =	wrdreg s24  }
0xb0: {  	[dreg:$0x4] =	wrdreg $0x9  }
0xb1: {  	_ =	task.clear_ibuf [dreg:s7], $0x5FFFF;
	_ =	strace $0x9000004C  }
0xb2: {  	s29 =	simm.s32 $0x9;
	_ =	strace $0x8000004E  }
0xb3: {  	_ =	swait.ge [sflag:s29], $0x1  }
0xb4: {  	[sflag:s29] =	ssyncadd.s32 $0xFFFFFFFF  }
0xb5: {  	_ =	strace $0x9000004E  }
0xb6: {  	_ =	sfence  }
0xb7: {  	s30 =	sld [smem:$0x0];
	_ =	sdelay $0x2  }
0xb8: {  	s31 =	sshll.u32 s1, $0xD;
	s1 =	sshrl.u32 s1, $0x2  }
0xb9: {  	s3 =	sand.u32 $0x4000, s31;
	s1 =	sadd.s32 s1, s30  }
0xba: {  	s0 =	sor.u32 s3, s0;
	s1 =	sshll.u32 s1, $0x11  }
0xbb: {  	s0 =	sor.u32 s1, s0  }
0xbc: {  	s0 =	sadd.s32 $0x8F2B, s0  }
0xbd: {  	[sflag:s0] =	ssyncadd.remote.s32 $0x1  }
0xbe: {  	_ =	sfence.sel $0xFFFF  }
0xbf: {  	[dreg:$0x0] =	wrdreg $0xFFFFFFFF;
	(pc) =	sbr.abs _section_cstart, $3  }
0xc0: {  	[dreg:$0x1] =	wrdreg $0xFFFFFFFF  }
0xc1: {  	_ =	task.clear_ibuf [dreg:s7], $0x2FFFF;
	_ =	strace $0x9FFFFFFF  }
0xc2: {  	(tm) =	ssettm $0x7FFFFFFF  }
0xc3: {  	_ =	shalt  }
tec
execute0_lowered:
.L_overlay_start_1:
0x0: {  	(tag) =	ssettag $0x1  }
0x1: {  	s1 =	srdreg.scid;
	s6 =	rddreg [dreg:$0x0]  }
0x2: {  	s0 =	stileid.u32;
	s8 =	rddreg [dreg:$0x1];
	s9 =	simm.s32 $0x1  }
0x3: {  	s4 =	sand.u32 $0x1, s1;
	s24 =	sshll.u32 s0, $0x1;
	s25 =	smul.u32 $0x270, s0  }
0x4: {  	s13 =	sadd.s32 $0x1A00, s8;
	s15 =	sadd.s32 $0x13880, s6;
	s1 =	sor.u32 s4, s24  }
0x5: {  	s18 =	sadd.s32 $0x2A900, s8;
	s12 =	ssub.s32 $0x2, s4;
	s2 =	smul.u32 $0x138, s1  }
0x6: {  	s4 =	smul.u32 $0x138, s4;
	s5 =	smin.u32 s1, $0x10;
	s14 =	sshrl.u32 s12, $0x1  }
0x7: {  	s1 =	sand.u32 $0x7, s5;
	s26 =	ssub.s32 s12, s14;
	s7 =	sadd.s32 s5, s2  }
0x8: {  	p1 =	sne.s32 s1, $0x0;
	s1 =	rddreg [dreg:$0x2];
	s2 =	simm.s32 $0x0  }
0x9: {  	s5 =	sadd.s32 s25, s5;
	p0 =	seq.s32 s7, $0x0;
	[smem:$0x7FF] =	sst s2  }
0xa: {  	s3 =	sshrl.u32 s7, $0x3;
	s28 =	sadd.s32 s4, s5;
	s4 =	simm.s32 $0x139  }
0xb: {  	s29 =	sshll.u32 s7, $0x3;
	p0 =	por !p0, !p1;
	_ =	strace $0x8000004D  }
0xc: {  	s30 =	sshrl.u32 s28, $0x3;
	s5 =	sadd.s32 s6, s29;
	p0 =	por !p0, !p0  }
0xd: {  	s17 =	sadd.s32 $0x9C0, s29;
	s12 =	sadd.s32 s29, s15;
	s9 =	simm.s32 @!p0 $0x0  }
0xe: {  	s6 =	sadd.s32 s6, s17;
	p0 =	slt.u32 s0, $0x8;
	s10 =	ssub.s32 s3, s9  }
0xf: {  	s3 =	simm.s32 $0x1;
	s4 =	simm.s32 @!p0 $0x138;
	s7 =	ssub.s32 s30, s9  }
0x10: {  	p0 =	sgt.u32 s0, $0x7;
	s16 =	sand.u32 $0x1FFFFFFF, s10;
	s9 =	sshll.u32 s7, $0x3  }
0x11: {  	s10 =	smax.u32 s26, $0x1;
	s14 =	sadd.s32 @!p0 s17, s15;
	s15 =	simm.s32 $0x9C80  }
0x12: {  	s11 =	sadd.s32 s16, s8;
	s9 =	ssub.s32 s28, s9;
	s8 =	sadd.s32 s13, s29  }
0x13: {  	s16 =	sadd.s32 s16, s18;
	s18 =	simm.s32 $0x0;
	s31 =	sshll.u32 s9, $0x2  }
0x14: {  	s7 =	sadd.s32 $0x2A400, s11;
	s9 =	sadd.s32 s13, s17;
	s11 =	sshra.s32 s31, $0x2  }
0x15: {  	s13 =	simm.s32 $0x4E40;
	s17 =	simm.s32 $0x9DD0;
	s11 =	sadd.s32 $0x9F20, s11  }
.LBB2_1:
0x16: {  	[tilespmem:s2], [sflag:$0x1] =	stream.linear.gather [hbm4b:s5+s2], $0x4E00, $0x38;
	[tilespmem:$0xA070] =	vst v63  }
0x17: {  	_ =	swait.ge [sflag:s3], $0x4E00  }
0x18: {  	[sflag:s3] =	ssyncset.done $0x0  }
0x19: {  	[sflag:s3] =	ssyncadd.s32 $0xFFFFB200  }
0x1a: {  	[tilespmem:s13], [sflag:$0x1] =	stream.linear.gather [hbm4b:s12+s2], $0x4E00, $0x38;
	[tilespmem:$0xA070] =	vst v63  }
0x1b: {  	_ =	swait.ge [sflag:s3], $0x4E00  }
0x1c: {  	s20 =	simm.s32 @!p0 $0x0;
	[sflag:s3] =	ssyncset.done $0x0  }
0x1d: {  	s21 =	simm.s32 @!p0 $0x4E00;
	s19 =	simm.s32 @!p0 $0x1;
	[sflag:s3] =	ssyncadd.s32 $0xFFFFB200  }
0x1e: {  	[tilespmem:s21], [sflag:$0x1] =	stream.linear.gather @!p0 [hbm4b:s6+s20], $0x40, $0x38;
	[tilespmem:$0xA070] =	vst v63  }
0x1f: {  	_ =	swait.ge @!p0 [sflag:s19], $0x40  }
0x20: {  	[sflag:s19] =	ssyncset.done @!p0 $0x0  }
0x21: {  	s22 =	simm.s32 @!p0 $0x9C40;
	[sflag:s19] =	ssyncadd.s32 @!p0 $0xFFFFFFC0  }
0x22: {  	[tilespmem:s22], [sflag:$0x1] =	stream.linear.gather @!p0 [hbm4b:s14+s20], $0x40, $0x38;
	[tilespmem:$0xA070] =	vst v63  }
0x23: {  	_ =	swait.ge @!p0 [sflag:s19], $0x40  }
0x24: {  	[sflag:s19] =	ssyncset.done @!p0 $0x0  }
0x25: {  	[sflag:s19] =	ssyncadd.s32 @!p0 $0xFFFFFFC0  }
0x26: {  	[tilespmem:s15], [sflag:$0x1] =	stream.linear.gather [hbm4b:s7+s2], $0x150, $0x38;
	[tilespmem:$0xA070] =	vst v63  }
0x27: {  	_ =	swait.ge [sflag:s3], $0x150  }
0x28: {  	[sflag:s3] =	ssyncset.done $0x0  }
0x29: {  	[sflag:s3] =	ssyncadd.s32 $0xFFFFFEB0  }
0x2a: {  	[tilespmem:s17], [sflag:$0x1] =	stream.linear.gather [hbm4b:s16+s2], $0x150, $0x38;
	[tilespmem:$0xA070] =	vst v63  }
0x2b: {  	_ =	swait.ge [sflag:s3], $0x150  }
0x2c: {  	[sflag:s3] =	ssyncset.done $0x0  }
0x2d: {  	[sflag:s3] =	ssyncadd.s32 $0xFFFFFEB0  }
0x2e: {  	v0 =	vld [tilespmem:$0x9C80]  }
0x2f: {  	v1 =	vld [tilespmem:$0x9DD0];
	_ =	sdelay $0x4  }
0x30: {  	v0 =	vadd.f32 v1, v0  }
0x31: {  	v2 =	vld [tilespmem:$0x9C90]  }
0x32: {  	v3 =	vld [tilespmem:$0x9DE0];
	v0 =	vmax.f32 v0, $1.000000000e+00  }
0x33: {  	v1 =	vshra.s32 v0, $0x1;
	v0 =	vmul.f32 $5.000000000e-01, v0  }
0x34: {  	v5 =	vld [tilespmem:$0x9CA0];
	v1 =	vsub.s32 $0x5F3759DF, v1  }
0x35: {  	v7 =	vld [tilespmem:$0x9CB0];
	v4 =	vmul.f32 v1, v0  }
0x36: {  	v10 =	vld [tilespmem:$0x9CC0]  }
0x37: {  	v2 =	vadd.f32 v3, v2;
	v3 =	vld [tilespmem:$0x9DF0];
	v4 =	vmul.f32 v1, v4  }
0x38: {  	v11 =	vld [tilespmem:$0x9E10]  }
0x39: {  	v36 =	vld [tilespmem:$0x9E00];
	v2 =	vmax.f32 v2, $1.000000000e+00;
	v4 =	vsub.f32 $1.500000000e+00, v4  }
0x3a: {  	v12 =	vld [tilespmem:$0x9CD0];
	v35 =	vshra.s32 v2, $0x1;
	v2 =	vmul.f32 $5.000000000e-01, v2  }
0x3b: {  	v14 =	vld [tilespmem:$0x9E20];
	v1 =	vmul.f32 v1, v4;
	v4 =	vsub.s32 $0x5F3759DF, v35  }
0x3c: {  	v3 =	vadd.f32 v3, v5;
	v8 =	vmul.f32 v4, v2  }
0x3d: {  	v10 =	vadd.f32 v11, v10;
	v6 =	vmul.f32 v1, v0  }
0x3e: {  	v5 =	vadd.f32 v36, v7;
	v3 =	vmax.f32 v3, $1.000000000e+00;
	v8 =	vmul.f32 v4, v8  }
0x3f: {  	v9 =	vshra.s32 v3, $0x1;
	v3 =	vmul.f32 $5.000000000e-01, v3;
	v6 =	vmul.f32 v6, v1  }
0x40: {  	v12 =	vadd.f32 v14, v12;
	v9 =	vsub.s32 $0x5F3759DF, v9;
	v8 =	vsub.f32 $1.500000000e+00, v8  }
0x41: {  	v5 =	vmax.f32 v5, $1.000000000e+00;
	v37 =	vmul.f32 v9, v3;
	v6 =	vsub.f32 $1.500000000e+00, v6  }
0x42: {  	v39 =	vshra.s32 v5, $0x1;
	v5 =	vmul.f32 $5.000000000e-01, v5;
	v4 =	vmul.f32 v4, v8  }
0x43: {  	v54 =	vld [tilespmem:$0x9CF0];
	v8 =	vsub.s32 $0x5F3759DF, v39;
	v1 =	vmul.f32 v6, v1;
	v6 =	vmul.f32 v9, v37  }
0x44: {  	v55 =	vld [tilespmem:$0x9E40];
	v41 =	vmax.f32 v10, $1.000000000e+00;
	v40 =	vmul.f32 v8, v5;
	v38 =	vmul.f32 v4, v2  }
0x45: {  	v59 =	vld [tilespmem:$0x9D00];
	v48 =	vmax.f32 v12, $1.000000000e+00;
	v0 =	vmul.f32 v1, v0;
	v6 =	vsub.f32 $1.500000000e+00, v6  }
0x46: {  	v61 =	vld [tilespmem:$0x9E50];
	v43 =	vshra.s32 v41, $0x1;
	v42 =	vmul.f32 v8, v40;
	v7 =	vmul.f32 v38, v4  }
0x47: {  	v25 =	vld [tilespmem:$0x9D10];
	v11 =	vsub.s32 $0x5F3759DF, v43;
	v6 =	vmul.f32 v9, v6;
	v9 =	vmul.f32 $5.000000000e-01, v41  }
0x48: {  	v27 =	vld [tilespmem:$0x9E60];
	v0 =	vmul.f32 v0, v1;
	v10 =	vsub.f32 $1.500000000e+00, v42;
	v7 =	vsub.f32 $1.500000000e+00, v7  }
0x49: {  	v12 =	vshra.s32 v48, $0x1;
	v13 =	vmul.f32 v6, v3;
	v15 =	vmul.f32 v11, v9  }
0x4a: {  	v0 =	vsub.f32 $1.500000000e+00, v0;
	v8 =	vmul.f32 v8, v10;
	v4 =	vmul.f32 v7, v4  }
0x4b: {  	v12 =	vsub.s32 $0x5F3759DF, v12;
	v44 =	vmul.f32 v13, v6;
	v45 =	vmul.f32 v11, v15  }
0x4c: {  	v7 =	vadd.f32 v61, v59;
	v0 =	vmul.f32 v0, v1;
	v46 =	vmul.f32 v8, v5  }
0x4d: {  	v13 =	vadd.f32 v55, v54;
	v15 =	vadd.f32 v27, v25;
	v1 =	vmul.f32 v4, v2  }
0x4e: {  	v7 =	vmax.f32 v7, $1.000000000e+00;
	v2 =	vsub.f32 $1.500000000e+00, v44;
	v10 =	vsub.f32 $1.500000000e+00, v45  }
0x4f: {  	v49 =	vld [tilespmem:$0x9CE0];
	v13 =	vmax.f32 v13, $1.000000000e+00;
	v28 =	vshra.s32 v7, $0x1;
	v7 =	vmul.f32 $5.000000000e-01, v7  }
0x50: {  	v50 =	vld [tilespmem:$0x9E30];
	v15 =	vmax.f32 v15, $1.000000000e+00;
	v1 =	vmul.f32 v1, v4;
	v23 =	vshra.s32 v13, $0x1  }
0x51: {  	v19 =	vld [tilespmem:$0x9D20];
	v13 =	vmul.f32 $5.000000000e-01, v13;
	v37 =	vshra.s32 v15, $0x1;
	v15 =	vmul.f32 $5.000000000e-01, v15  }
0x52: {  	v33 =	vld [tilespmem:$0x9E70];
	v14 =	vsub.s32 $0x5F3759DF, v28;
	v6 =	vmul.f32 v2, v6;
	v2 =	vmul.f32 v46, v8  }
0x53: {  	v47 =	vmul.f32 v11, v10;
	v10 =	vmul.f32 $5.000000000e-01, v48;
	v24 =	vsub.s32 $0x5F3759DF, v23  }
0x54: {  	v18 =	vmul.f32 v14, v7;
	v38 =	vsub.s32 $0x5F3759DF, v37;
	v26 =	vmul.f32 v24, v13  }
0x55: {  	v11 =	vadd.f32 v50, v49;
	v39 =	vmul.f32 v38, v15;
	v3 =	vmul.f32 v6, v3  }
0x56: {  	v2 =	vsub.f32 $1.500000000e+00, v2;
	v51 =	vmul.f32 v47, v9;
	v52 =	vmul.f32 v12, v10  }
0x57: {  	v58 =	vmax.f32 v11, $1.000000000e+00;
	v18 =	vmul.f32 v14, v18;
	v11 =	vadd.f32 v33, v19  }
0x58: {  	v1 =	vsub.f32 $1.500000000e+00, v1;
	v3 =	vmul.f32 v3, v6;
	v8 =	vmul.f32 v2, v8  }
0x59: {  	v2 =	vmul.f32 v51, v47;
	v53 =	vmul.f32 v12, v52;
	v11 =	vmax.f32 v11, $1.000000000e+00  }
0x5a: {  	v35 =	vsub.f32 $1.500000000e+00, v18;
	v41 =	vshra.s32 v11, $0x1;
	v11 =	vmul.f32 $5.000000000e-01, v11  }
0x5b: {  	v3 =	vsub.f32 $1.500000000e+00, v3;
	v5 =	vmul.f32 v8, v5;
	v16 =	vsub.f32 $1.500000000e+00, v2  }
0x5c: {  	v2 =	vmul.f32 v1, v4;
	v14 =	vmul.f32 v14, v35;
	v19 =	vsub.s32 $0x5F3759DF, v41  }
0x5d: {  	v43 =	vmul.f32 v19, v11;
	v1 =	vmul.f32 v3, v6  }
0x5e: {  	v3 =	vsub.f32 $1.500000000e+00, v53;
	v56 =	vmul.f32 v5, v8;
	v57 =	vmul.f32 v16, v47  }
0x5f: {  	v6 =	vmul.f32 $5.000000000e-01, v58;
	v40 =	vmul.f32 v14, v7  }
0x60: {  	v60 =	vmul.f32 v12, v3;
	v3 =	vshra.s32 v58, $0x1;
	v4 =	vsub.f32 $1.500000000e+00, v56  }
0x61: {  	v9 =	vmul.f32 v57, v9;
	v12 =	vmul.f32 v38, v39;
	v62 =	vsub.s32 $0x5F3759DF, v3  }
0x62: {  	v18 =	vmul.f32 v40, v14;
	v17 =	vmul.f32 v62, v6  }
0x63: {  	v63 =	vmul.f32 v60, v10;
	v3 =	vmul.f32 v4, v8  }
0x64: {  	v20 =	vmul.f32 v9, v57;
	v22 =	vmul.f32 v62, v17  }
0x65: {  	v42 =	vsub.f32 $1.500000000e+00, v12;
	v44 =	vsub.f32 $1.500000000e+00, v18;
	v21 =	vmul.f32 v63, v60  }
0x66: {  	v12 =	vmul.f32 v19, v43;
	v4 =	vsub.f32 $1.500000000e+00, v20;
	v9 =	vsub.f32 $1.500000000e+00, v22  }
0x67: {  	v48 =	vld [tilespmem:$0x9E90];
	v29 =	vmul.f32 v24, v26;
	v14 =	vmul.f32 v44, v14;
	v8 =	vsub.f32 $1.500000000e+00, v21  }
0x68: {  	v12 =	vsub.f32 $1.500000000e+00, v12;
	v20 =	vld [tilespmem:$0x9D40];
	v4 =	vmul.f32 v4, v57;
	v9 =	vmul.f32 v62, v9  }
0x69: {  	v32 =	vsub.f32 $1.500000000e+00, v29;
	v7 =	vmul.f32 v14, v7;
	v8 =	vmul.f32 v8, v60  }
0x6a: {  	v45 =	vld [tilespmem:$0x9D30];
	v12 =	vmul.f32 v19, v12;
	v30 =	vmul.f32 v9, v6  }
0x6b: {  	v46 =	vld [tilespmem:$0x9E80];
	v31 =	vmul.f32 v8, v10;
	v10 =	vmul.f32 v24, v32  }
0x6c: {  	v21 =	vmul.f32 v7, v14;
	v22 =	vmul.f32 v12, v11  }
0x6d: {  	v19 =	vadd.f32 v48, v20;
	v16 =	vmul.f32 v30, v9;
	v36 =	vmul.f32 v10, v13  }
0x6e: {  	v53 =	vmul.f32 v22, v12;
	v5 =	vmul.f32 v31, v8  }
0x6f: {  	v19 =	vmax.f32 v19, $1.000000000e+00;
	v34 =	vsub.f32 $1.500000000e+00, v16;
	v17 =	vmul.f32 v36, v10  }
0x70: {  	v62 =	vshra.s32 v19, $0x1;
	v5 =	vsub.f32 $1.500000000e+00, v5;
	v16 =	vadd.f32 v46, v45  }
0x71: {  	v19 =	vmul.f32 $5.000000000e-01, v19;
	v9 =	vmul.f32 v34, v9;
	v17 =	vsub.f32 $1.500000000e+00, v17  }
0x72: {  	v5 =	vmul.f32 v5, v8;
	v8 =	vmul.f32 v38, v42;
	v54 =	vmax.f32 v16, $1.000000000e+00  }
0x73: {  	v16 =	vshra.s32 v54, $0x1;
	v55 =	vmul.f32 $5.000000000e-01, v54;
	v10 =	vmul.f32 v17, v10  }
0x74: {  	v6 =	vmul.f32 v9, v6;
	v47 =	vmul.f32 v8, v15;
	v58 =	vsub.s32 $0x5F3759DF, v16  }
0x75: {  	v59 =	vld [tilespmem:$0x9EB0];
	v60 =	vsub.f32 $1.500000000e+00, v53;
	v61 =	vmul.f32 v58, v55;
	v13 =	vmul.f32 v10, v13  }
0x76: {  	v49 =	vld [tilespmem:$0x9D50];
	v50 =	vsub.f32 $1.500000000e+00, v21;
	v6 =	vmul.f32 v6, v9;
	v18 =	vmul.f32 v47, v8  }
0x77: {  	v51 =	vld [tilespmem:$0x9EA0];
	v63 =	vsub.s32 $0x5F3759DF, v62;
	v12 =	vmul.f32 v60, v12;
	v28 =	vmul.f32 v58, v61  }
0x78: {  	v56 =	vld [tilespmem:$0x9D60];
	v13 =	vmul.f32 v13, v10;
	v6 =	vsub.f32 $1.500000000e+00, v6;
	v18 =	vsub.f32 $1.500000000e+00, v18  }
0x79: {  	v29 =	vmul.f32 v63, v19;
	v11 =	vmul.f32 v12, v11;
	v17 =	vsub.f32 $1.500000000e+00, v28  }
0x7a: {  	v13 =	vsub.f32 $1.500000000e+00, v13;
	v7 =	vmul.f32 v6, v9;
	v52 =	vmul.f32 v18, v8  }
0x7b: {  	v8 =	vmul.f32 v50, v14;
	v18 =	vmul.f32 v63, v29  }
0x7c: {  	v14 =	vmul.f32 v58, v17;
	v6 =	vmul.f32 v13, v10  }
0x7d: {  	v37 =	vld [tilespmem:$0x9D70];
	v57 =	vmul.f32 v52, v15;
	v10 =	vadd.f32 v51, v49;
	v15 =	vadd.f32 v59, v56  }
0x7e: {  	v40 =	vld [tilespmem:$0x9EC0];
	v11 =	vmul.f32 v11, v12;
	v18 =	vsub.f32 $1.500000000e+00, v18;
	v23 =	vmul.f32 v14, v55  }
0x7f: {  	v9 =	vmul.f32 v57, v52;
	v10 =	vmax.f32 v10, $1.000000000e+00;
	v15 =	vmax.f32 v15, $1.000000000e+00  }
0x80: {  	v16 =	vmul.f32 v63, v18;
	v30 =	vshra.s32 v10, $0x1;
	v10 =	vmul.f32 $5.000000000e-01, v10  }
0x81: {  	v32 =	vshra.s32 v15, $0x1;
	v15 =	vmul.f32 $5.000000000e-01, v15;
	v31 =	vsub.s32 $0x5F3759DF, v30  }
0x82: {  	v53 =	vld [tilespmem:$0x9EE0];
	v34 =	vmul.f32 v23, v14;
	v17 =	vsub.s32 $0x5F3759DF, v32;
	v22 =	vmul.f32 v31, v10  }
0x83: {  	v45 =	vadd.f32 v40, v37;
	v51 =	vld [tilespmem:$0x9D90];
	v36 =	vmul.f32 v16, v19;
	v24 =	vmul.f32 v17, v15  }
0x84: {  	v11 =	vsub.f32 $1.500000000e+00, v11;
	v38 =	vsub.f32 $1.500000000e+00, v34;
	v22 =	vmul.f32 v31, v22  }
0x85: {  	v9 =	vsub.f32 $1.500000000e+00, v9;
	v35 =	vmul.f32 v17, v24;
	v24 =	vmul.f32 v36, v16  }
0x86: {  	v11 =	vmul.f32 v11, v12;
	v13 =	vmul.f32 v38, v14;
	v33 =	vsub.f32 $1.500000000e+00, v22  }
0x87: {  	v9 =	vmul.f32 v9, v52;
	v39 =	vsub.f32 $1.500000000e+00, v35;
	v42 =	vsub.f32 $1.500000000e+00, v24  }
0x88: {  	v21 =	vmul.f32 v13, v55;
	v24 =	vadd.f32 v53, v51;
	v18 =	vmul.f32 v31, v33  }
0x89: {  	v41 =	vmul.f32 v17, v39;
	v12 =	vmul.f32 v42, v16  }
0x8a: {  	v46 =	vmul.f32 v21, v13;
	v17 =	vmax.f32 v45, $1.000000000e+00;
	v24 =	vmax.f32 v24, $1.000000000e+00  }
0x8b: {  	v48 =	vld [tilespmem:$0x9D80];
	v50 =	vshra.s32 v17, $0x1;
	v17 =	vmul.f32 $5.000000000e-01, v17;
	v25 =	vmul.f32 v18, v10  }
0x8c: {  	v54 =	vld [tilespmem:$0x9DA0];
	v28 =	vshra.s32 v24, $0x1;
	v24 =	vmul.f32 $5.000000000e-01, v24;
	v22 =	vmul.f32 v41, v15  }
0x8d: {  	v49 =	vld [tilespmem:$0x9ED0];
	v19 =	vmul.f32 v12, v19;
	v23 =	vsub.s32 $0x5F3759DF, v50;
	v43 =	vmul.f32 v25, v18  }
0x8e: {  	v55 =	vld [tilespmem:$0x9EF0];
	v20 =	vsub.f32 $1.500000000e+00, v46;
	v63 =	vsub.s32 $0x5F3759DF, v28;
	v47 =	vmul.f32 v22, v41  }
0x8f: {  	v28 =	vmul.f32 v63, v24;
	v19 =	vmul.f32 v19, v12;
	v44 =	vsub.f32 $1.500000000e+00, v43  }
0x90: {  	v58 =	vld [tilespmem:$0x9F00];
	v52 =	vmul.f32 v23, v17;
	v13 =	vmul.f32 v20, v13;
	v21 =	vsub.f32 $1.500000000e+00, v47  }
0x91: {  	v57 =	vld [tilespmem:$0x9DB0];
	v37 =	vmul.f32 v63, v28;
	v19 =	vsub.f32 $1.500000000e+00, v19;
	v16 =	vmul.f32 v44, v18  }
0x92: {  	v14 =	vmul.f32 v21, v41;
	v21 =	vmul.f32 v23, v52  }
0x93: {  	v27 =	vld [tilespmem:$0x9F10];
	v18 =	vadd.f32 v49, v48;
	v12 =	vmul.f32 v19, v12;
	v19 =	vadd.f32 v55, v54  }
0x94: {  	v60 =	vld [tilespmem:$0x9DC0];
	v10 =	vmul.f32 v16, v10;
	v15 =	vmul.f32 v14, v15  }
0x95: {  	v56 =	vsub.f32 $1.500000000e+00, v21;
	v18 =	vmax.f32 v18, $1.000000000e+00;
	v19 =	vmax.f32 v19, $1.000000000e+00  }
0x96: {  	v21 =	vadd.f32 v58, v57;
	v26 =	vshra.s32 v18, $0x1;
	v18 =	vmul.f32 $5.000000000e-01, v18  }
0x97: {  	v29 =	vshra.s32 v19, $0x1;
	v19 =	vmul.f32 $5.000000000e-01, v19;
	v10 =	vmul.f32 v10, v16  }
0x98: {  	v15 =	vmul.f32 v15, v14;
	v59 =	vsub.s32 $0x5F3759DF, v26;
	v20 =	vmul.f32 v23, v56  }
0x99: {  	v36 =	vsub.s32 $0x5F3759DF, v29;
	v26 =	vadd.f32 v27, v60;
	v21 =	vmax.f32 v21, $1.000000000e+00  }
0x9a: {  	v27 =	vsub.f32 $1.500000000e+00, v37;
	v61 =	vmul.f32 v59, v18;
	v38 =	vmul.f32 v36, v19  }
0x9b: {  	v39 =	vshra.s32 v21, $0x1;
	v21 =	vmul.f32 $5.000000000e-01, v21;
	v10 =	vsub.f32 $1.500000000e+00, v10  }
0x9c: {  	v15 =	vsub.f32 $1.500000000e+00, v15;
	v62 =	vmul.f32 v20, v17;
	v26 =	vmax.f32 v26, $1.000000000e+00  }
0x9d: {  	v29 =	vsub.s32 $0x5F3759DF, v39;
	v22 =	vmul.f32 v63, v27;
	v23 =	vmul.f32 v59, v61  }
0x9e: {  	v30 =	vshra.s32 v26, $0x1;
	v26 =	vmul.f32 $5.000000000e-01, v26;
	v28 =	vmul.f32 v36, v38  }
0x9f: {  	v31 =	vmul.f32 v29, v21;
	v10 =	vmul.f32 v10, v16  }
0xa0: {  	v14 =	vmul.f32 v15, v14;
	v30 =	vsub.s32 $0x5F3759DF, v30;
	v43 =	vmul.f32 v22, v24  }
0xa1: {  	v15 =	vmul.f32 v62, v20;
	v23 =	vsub.f32 $1.500000000e+00, v23;
	v40 =	vmul.f32 v30, v26  }
0xa2: {  	[tilespmem:$0x9F30] =	vst v2;
	v28 =	vsub.f32 $1.500000000e+00, v28;
	v31 =	vmul.f32 v29, v31;
	v2 =	vmul.f32 v43, v22  }
0xa3: {  	[tilespmem:$0x9F50] =	vst v3;
	v3 =	vsub.f32 $1.500000000e+00, v15;
	v16 =	vmul.f32 v59, v23;
	v23 =	vmul.f32 v30, v40  }
0xa4: {  	v25 =	vmul.f32 v36, v28;
	v41 =	vsub.f32 $1.500000000e+00, v31;
	v2 =	vsub.f32 $1.500000000e+00, v2  }
0xa5: {  	v3 =	vmul.f32 v3, v20;
	v32 =	vmul.f32 v16, v18;
	v23 =	vsub.f32 $1.500000000e+00, v23  }
0xa6: {  	v27 =	vmul.f32 v29, v41;
	v44 =	vmul.f32 v25, v19  }
0xa7: {  	[tilespmem:$0x9F20] =	vst v0;
	v2 =	vmul.f32 v2, v22;
	v0 =	vmul.f32 v30, v23  }
0xa8: {  	[tilespmem:$0x9F40] =	vst v1;
	v42 =	vmul.f32 v32, v16;
	v45 =	vmul.f32 v27, v21  }
0xa9: {  	[tilespmem:$0x9F60] =	vst v4;
	v1 =	vmul.f32 v44, v25;
	v46 =	vmul.f32 v0, v26  }
0xaa: {  	[tilespmem:$0x9F70] =	vst v5;
	v53 =	vmul.f32 v3, v17;
	v47 =	vsub.f32 $1.500000000e+00, v42;
	v48 =	vmul.f32 v45, v27  }
0xab: {  	[tilespmem:$0x9FC0] =	vst v11;
	v55 =	vmul.f32 v2, v24;
	v1 =	vsub.f32 $1.500000000e+00, v1;
	v49 =	vmul.f32 v46, v0  }
0xac: {  	[tilespmem:$0x9F80] =	vst v7;
	v7 =	vmul.f32 v53, v3;
	v50 =	vmul.f32 v47, v16;
	v51 =	vsub.f32 $1.500000000e+00, v48  }
0xad: {  	[tilespmem:$0x9FA0] =	vst v8;
	v8 =	vmul.f32 v55, v2;
	v1 =	vmul.f32 v1, v25;
	v4 =	vsub.f32 $1.500000000e+00, v49  }
0xae: {  	[tilespmem:$0x9F90] =	vst v6;
	v52 =	vmul.f32 v51, v27;
	v54 =	vmul.f32 v50, v18  }
0xaf: {  	[tilespmem:$0x9FB0] =	vst v9;
	v56 =	vmul.f32 v1, v19;
	v0 =	vmul.f32 v4, v0  }
0xb0: {  	[tilespmem:$0x9FD0] =	vst v13;
	v7 =	vsub.f32 $1.500000000e+00, v7;
	v4 =	vmul.f32 v54, v50;
	v57 =	vmul.f32 v52, v21  }
0xb1: {  	[tilespmem:$0x9FE0] =	vst v12;
	v59 =	vsub.f32 $1.500000000e+00, v8;
	v9 =	vmul.f32 v56, v1;
	v58 =	vmul.f32 v0, v26  }
0xb2: {  	[tilespmem:$0x9FF0] =	vst v10;
	v3 =	vmul.f32 v7, v3;
	v4 =	vsub.f32 $1.500000000e+00, v4;
	v60 =	vmul.f32 v57, v52  }
0xb3: {  	[tilespmem:$0xA000] =	vst v14;
	v2 =	vmul.f32 v59, v2;
	v61 =	vsub.f32 $1.500000000e+00, v9;
	v62 =	vmul.f32 v58, v0  }
0xb4: {  	[tilespmem:$0xA010] =	vst v3;
	v4 =	vmul.f32 v4, v50;
	v3 =	vsub.f32 $1.500000000e+00, v60  }
0xb5: {  	[tilespmem:$0xA030] =	vst v2;
	v1 =	vmul.f32 v61, v1;
	v63 =	vsub.f32 $1.500000000e+00, v62  }
0xb6: {  	p1 =	sne.s32 s4, $0x1;
	[tilespmem:$0xA020] =	vst v4;
	v2 =	vmul.f32 v3, v52  }
.Ltmp0:
0xb7: {  	[tilespmem:$0xA040] =	vst v1;
	v0 =	vmul.f32 v63, v0;
	(pc) =	sbr.rel @!p1 .LBB2_3-.Ltmp0, $4  }
0xb8: {  	[tilespmem:$0xA050] =	vst v2  }
0xb9: {  	s22 =	simm.s32 $0x20;
	[tilespmem:$0xA060] =	vst v0  }
0xba: {  	s23 =	simm.s32 $0x4E60;
	v0 =	vld [tilespmem:s22+$0xFFFFFFE0]  }
0xbb: {  	s26 =	sadd.s32 $0xFFFFFFFF, s4;
	s25 =	smov.u32 s11;
	s24 =	simm.s32 $0x20;
	v1 =	vld [tilespmem:s23+$0xFFFFFFE0]  }
.LBB2_2:
0xbc: {  	p1 =	sne.s32 s26, $0x1;
	v2 =	vld.msk [tilespmem:s25+$0x0 ss:$0x0], $0xffff;
	_ =	sdelay $0x3  }
0xbd: {  	v0 =	vadd.f32 v1, v0;
	_ =	sdelay $0x1  }
0xbe: {  	v0 =	vmul.f32 v0, v2;
	_ =	sdelay $0x1  }
0xbf: {  	[tilespmem:s22+$0xFFFFFFE0] =	vst v0;
	v0 =	vld [tilespmem:s22+$0xFFFFFFF0]  }
0xc0: {  	v1 =	vld [tilespmem:s23+$0xFFFFFFF0];
	_ =	sdelay $0x4  }
0xc1: {  	v0 =	vadd.f32 v1, v0;
	_ =	sdelay $0x1  }
0xc2: {  	v0 =	vmul.f32 v0, v2;
	_ =	sdelay $0x1  }
0xc3: {  	[tilespmem:s22+$0xFFFFFFF0] =	vst v0;
	v0 =	vld [tilespmem:s22+$0x0]  }
0xc4: {  	v1 =	vld [tilespmem:s23+$0x0];
	_ =	sdelay $0x4  }
0xc5: {  	v0 =	vadd.f32 v1, v0;
	_ =	sdelay $0x1  }
0xc6: {  	v0 =	vmul.f32 v0, v2;
	_ =	sdelay $0x1  }
0xc7: {  	[tilespmem:s22+$0x0] =	vst v0;
	v0 =	vld [tilespmem:s22+$0x10]  }
0xc8: {  	v1 =	vld [tilespmem:s23+$0x10];
	_ =	sdelay $0x4  }
0xc9: {  	v0 =	vadd.f32 v1, v0  }
.Ltmp1:
0xca: {  	(pc) =	sbr.rel @p1 .LBB2_2-.Ltmp1, $4  }
0xcb: {  	v1 =	vmul.f32 v0, v2  }
0xcc: {  	s22 =	sadd.s32 $0x40, s22  }
0xcd: {  	s23 =	sadd.s32 $0x40, s23;
	v0 =	vld [tilespmem:s22+$0xFFFFFFE0];
	[tilespmem:s24+$0x10] =	vst v1;
	s24 =	smov.u32 s22  }
0xce: {  	s26 =	sadd.s32 $0xFFFFFFFF, s26;
	s25 =	sadd.s32 $0x1, s25;
	v1 =	vld [tilespmem:s23+$0xFFFFFFE0]  }
.LBB2_3:
0xcf: {  	_ = 	snop  }
0xd0: {  	v2 =	vld.msk [tilespmem:s25+$0x0 ss:$0x0], $0xffff;
	_ =	sdelay $0x2  }
0xd1: {  	v0 =	vadd.f32 v1, v0;
	_ =	sdelay $0x1  }
0xd2: {  	v0 =	vmul.f32 v0, v2;
	_ =	sdelay $0x1  }
0xd3: {  	v58 =	vld [tilespmem:s22+$0xFFFFFFF0];
	[tilespmem:s22+$0xFFFFFFE0] =	vst v0  }
0xd4: {  	v59 =	vld [tilespmem:s23+$0xFFFFFFF0];
	_ =	sdelay $0x4  }
0xd5: {  	v0 =	vadd.f32 v59, v58;
	_ =	sdelay $0x1  }
0xd6: {  	v0 =	vmul.f32 v0, v2;
	_ =	sdelay $0x1  }
0xd7: {  	v60 =	vld [tilespmem:s22+$0x0];
	[tilespmem:s22+$0xFFFFFFF0] =	vst v0  }
0xd8: {  	v61 =	vld [tilespmem:s23+$0x0];
	_ =	sdelay $0x4  }
0xd9: {  	v0 =	vadd.f32 v61, v60;
	_ =	sdelay $0x1  }
0xda: {  	v0 =	vmul.f32 v0, v2;
	_ =	sdelay $0x1  }
0xdb: {  	v62 =	vld [tilespmem:s22+$0x10];
	[tilespmem:s22+$0x0] =	vst v0  }
0xdc: {  	v63 =	vld [tilespmem:s23+$0x10];
	_ =	sdelay $0x4  }
0xdd: {  	v0 =	vadd.f32 v63, v62;
	_ =	sdelay $0x1  }
0xde: {  	v0 =	vmul.f32 v0, v2;
	_ =	sdelay $0x1  }
0xdf: {  	[tilespmem:s24+$0x10] =	vst v0  }
0xe0: {  	[hbm4b:s8+s2] =	stream.linear.scatter [tilespmem:s2], [sflag:$0x1], $0x4E00, $0x38;
	[tilespmem:$0xA070] =	vst v63  }
0xe1: {  	s18 =	sadd.s32 $0x1, s18;
	_ =	swait.ge [sflag:s3], $0x4E00  }
0xe2: {  	p1 =	sne.s32 s18, s10;
	[sflag:s3] =	ssyncset.done $0x0  }
.Ltmp2:
0xe3: {  	[sflag:s3] =	ssyncadd.s32 $0xFFFFB200;
	(pc) =	sbr.rel @p1 .LBB2_1-.Ltmp2, $4  }
0xe4: {  	[hbm4b:s9+s20] =	stream.linear.scatter @!p0 [tilespmem:s21], [sflag:$0x1], $0x40, $0x38;
	[tilespmem:$0xA070] =	vst v63  }
0xe5: {  	_ =	swait.ge @!p0 [sflag:s19], $0x40  }
0xe6: {  	[sflag:s19] =	ssyncset.done @!p0 $0x0  }
0xe7: {  	[sflag:s19] =	ssyncadd.s32 @!p0 $0xFFFFFFC0  }
0xe8: {  	_ =	sfence.sel $0x180000  }
0xe9: {  	[bflag:$0x0] =	sbarrier.arrive $0xFFFF  }
0xea: {  	p0 =	sne.s32 s0, $0x0;
	_ =	strace $0x9000004D  }
0xeb: {  	s0 =	sadd.s32 @!p0 $0x100000, s1;
	[bflag:$0x2] =	sbarrier.arrive $0xFFFF  }
0xec: {  	[sflag:s0] =	ssyncadd.tile.s32 @!p0 $0x1;
	_ =	shalt  }
.Lfunc_end2:
_tile_overlayer_lowered:
.L_overlay_start_2:
0xed: {  	(tag) =	ssettag $0x2  }
0xee: {  	s0 =	rddreg [dreg:$0x0];
	s2 =	stileid.u32  }
0xef: {  	s1 =	rddreg [dreg:$0x1];
	p0 =	sne.s32 s2, $0x0  }
0xf0: {  	s3 =	rddreg [dreg:$0x2];
	[bflag:$0x3] =	sbarrier.arrive $0xFFFF;
	s2 =	simm.s32 @!p0 $0x1C01  }
0xf1: {  	[timem:s3], [sflag:s2] =	dma.local @!p0 [hbm:s0], s1  }
0xf2: {  	s0 =	simm.s32 @!p0 $0x1  }
0xf3: {  	_ =	swait.ge @!p0 [sflag:s0], s1  }
0xf4: {  	s1 =	ssub.s32 @!p0 $0x0, s1;
	[sflag:s0] =	ssyncset.done @!p0 $0x0  }
0xf5: {  	[sflag:s0] =	ssyncadd.s32 @!p0 s1  }
0xf6: {  	[bflag:$0x3] =	sbarrier.arrive $0xFFFF  }
0xf7: {  	_ =	shalt  }

// kernel: kernel.6.cloned.1.call-start
scs
__scs_entry_jumppad:
0x0: {  	(pc) =	sbr.rel $0x88, $3  }
0x1: {  	(tag) =	ssettag $0x0;
	lr =	simm.s32 $0x1  }
0x2: {  	[smem:$0x3F9E] =	sst lr;
	_ =	strace $0xD0000000  }
0x3: {  	_ = 	snop  }
0x4: {  	_ = 	snop  }
0x5: {  	_ = 	snop  }
0x6: {  	_ = 	snop  }
0x7: {  	_ = 	snop  }
__scs_overlays_trampoline_lowered:
0x8: {  	[smem:$0x3FAD] =	sst s0  }
0x9: {  	[smem:$0x3FAE] =	sst s1  }
0xa: {  	[smem:$0x3FAF] =	sst s2  }
0xb: {  	[smem:$0x3FB0] =	sst s3  }
0xc: {  	[smem:$0x3FB1] =	sst s4  }
0xd: {  	[smem:$0x3FB2] =	sst s5  }
0xe: {  	[smem:$0x3FB3] =	sst s6  }
0xf: {  	[smem:$0x3FB4] =	sst s7  }
0x10: {  	[smem:$0x3FB5] =	sst s8  }
0x11: {  	[smem:$0x3FB6] =	sst s9;
	s0 =	simm.s32 @!p0 $0x0  }
0x12: {  	s1 =	sld [smem:$0x3F9C];
	s0 =	simm.s32 @p0 $0x1  }
0x13: {  	[smem:$0x3FB7] =	sst s0;
	s0 =	simm.s32 @!p1 $0x0  }
0x14: {  	s2 =	sld [smem:$0x3F9B];
	s0 =	simm.s32 @p1 $0x1  }
0x15: {  	[smem:$0x3FB8] =	sst s0;
	s0 =	simm.s32 @!p2 $0x0  }
0x16: {  	s3 =	sld [smem:$0x3FDB];
	s0 =	simm.s32 @p2 $0x1  }
0x17: {  	s4 =	simm.s32 $0x1BF5;
	[smem:$0x3FBA] =	sst s0  }
0x18: {  	s0 =	sld [smem:$0x3F9D];
	_ =	swait.ge [sflag:s4], $0x0  }
0x19: {  	s7 =	sld [smem:$0x3F9E]  }
0x1a: {  	s8 =	sadd.s32 $0xFFFFE003, lr  }
0x1b: {  	s9 =	sadd.s32 $0xFFFFFEF7, lr;
	s5 =	simm.s32 $0xFFFFFFFF;
	p2 =	slt.u32 s8, $0xFFFFF086  }
0x1c: {  	p1 =	slt.u32 s9, $0xF7A;
	s5 =	simm.s32 @!p2 $0x0  }
0x1d: {  	s5 =	simm.s32 @p1 $0x1;
	p0 =	seq.s32 s7, s2  }
0x1e: {  	s7 =	smul.u32 @!p0 $0xF7A, s2;
	p2 =	seq.s32 @!p0 s5, $0x0  }
0x1f: {  	s9 =	smul.u32 $0xF7A, s1;
	s8 =	simm.s32 @!p0 $0x1BF5;
	p2 =	por !p2, p0  }
0x20: {  	[sflag:s8] =	ssyncset.s32 @!p0 $0xFFFFF086;
	s6 =	sadd.s32 @!p0 s3, s7;
	s7 =	simm.s32 @!p0 $0x108  }
0x21: {  	s3 =	sadd.s32 s3, s9;
	s6 =	sadd.s32 @!p0 $0x88, s6;
	s7 =	simm.s32 @p2 $0x1082  }
0x22: {  	[simem:s7], [sflag:s8] =	dma.local @!p0 [hbm:s6], $0xF7A  }
0x23: {  	s9 =	sor.u32 $0xD0000000, s2;
	s6 =	simm.s32 $0x108;
	_ =	swait.ge @!p0 [sflag:s8], $0x0  }
0x24: {  	s3 =	sadd.s32 $0x88, s3;
	s6 =	simm.s32 @!p1 $0x1082;
	[sflag:s4] =	ssyncset.s32 $0xFFFFF086  }
0x25: {  	[simem:s6], [sflag:s4] =	dma.local [hbm:s3], $0xF7A  }
0x26: {  	[smem:$0x3F9E] =	sst s1;
	(tag) =	ssettag s2;
	_ =	strace s9  }
0x27: {  	s1 =	sld [smem:$0x3FAE]  }
0x28: {  	s2 =	sld [smem:$0x3FAF]  }
0x29: {  	s4 =	sld [smem:$0x3FB1]  }
0x2a: {  	p0 =	seq.s32 s5, $0x0;
	s5 =	sld [smem:$0x3FB2]  }
0x2b: {  	s6 =	sld [smem:$0x3FB3]  }
0x2c: {  	s7 =	sld [smem:$0x3FB4]  }
0x2d: {  	s3 =	simm.s32 $0x108;
	s8 =	sld [smem:$0x3FB5]  }
0x2e: {  	s3 =	simm.s32 @!p0 $0x1082;
	s9 =	sld [smem:$0x3FB6]  }
0x2f: {  	lr =	sadd.s32 s0, s3;
	s0 =	sld [smem:$0x3FAD]  }
0x30: {  	s3 =	sld [smem:$0x3FB0]  }
0x31: {  	[smem:$0x3FB9] =	sst s10  }
0x32: {  	s10 =	sld [smem:$0x3FB7];
	_ =	sdelay $0x3  }
0x33: {  	p0 =	seq.s32 s10, $0x1;
	s10 =	sld [smem:$0x3FB9];
	_ =	sdelay $0x3  }
0x34: {  	[smem:$0x3FB9] =	sst s10  }
0x35: {  	s10 =	sld [smem:$0x3FB8];
	_ =	sdelay $0x3  }
0x36: {  	p1 =	seq.s32 s10, $0x1;
	s10 =	sld [smem:$0x3FB9];
	_ =	sdelay $0x3  }
0x37: {  	[smem:$0x3FB9] =	sst s10  }
0x38: {  	s10 =	sld [smem:$0x3FBA]  }
0x39: {  	_ = 	snop;
	(pc) =	sbr.ind lr, $3  }
0x3a: {  	_ = 	snop  }
0x3b: {  	_ = 	snop  }
0x3c: {  	p2 =	seq.s32 s10, $0x1;
	s10 =	sld [smem:$0x3FB9]  }
0x3d: {  	_ =	shalt  }
0x3e: {  	_ =	shalt  }
0x3f: {  	_ =	shalt  }
0x40: {  	_ =	shalt  }
0x41: {  	_ =	shalt  }
0x42: {  	_ =	shalt  }
0x43: {  	_ =	shalt  }
0x44: {  	_ =	shalt  }
0x45: {  	_ =	shalt  }
0x46: {  	_ =	shalt  }
0x47: {  	_ =	shalt  }
0x48: {  	_ =	shalt  }
0x49: {  	_ =	shalt  }
0x4a: {  	_ =	shalt  }
0x4b: {  	_ =	shalt  }
0x4c: {  	_ =	shalt  }
0x4d: {  	_ =	shalt  }
0x4e: {  	_ =	shalt  }
0x4f: {  	_ =	shalt  }
0x50: {  	_ =	shalt  }
0x51: {  	_ =	shalt  }
0x52: {  	_ =	shalt  }
0x53: {  	_ =	shalt  }
0x54: {  	_ =	shalt  }
0x55: {  	_ =	shalt  }
0x56: {  	_ =	shalt  }
0x57: {  	_ =	shalt  }
0x58: {  	_ =	shalt  }
0x59: {  	_ =	shalt  }
0x5a: {  	_ =	shalt  }
0x5b: {  	_ =	shalt  }
0x5c: {  	_ =	shalt  }
0x5d: {  	_ =	shalt  }
0x5e: {  	_ =	shalt  }
0x5f: {  	_ =	shalt  }
0x60: {  	_ =	shalt  }
0x61: {  	_ =	shalt  }
0x62: {  	_ =	shalt  }
0x63: {  	_ =	shalt  }
0x64: {  	_ =	shalt  }
0x65: {  	_ =	shalt  }
0x66: {  	_ =	shalt  }
0x67: {  	_ =	shalt  }
0x68: {  	_ =	shalt  }
0x69: {  	_ =	shalt  }
0x6a: {  	_ =	shalt  }
0x6b: {  	_ =	shalt  }
0x6c: {  	_ =	shalt  }
0x6d: {  	_ =	shalt  }
0x6e: {  	_ =	shalt  }
0x6f: {  	_ =	shalt  }
0x70: {  	_ =	shalt  }
0x71: {  	_ =	shalt  }
0x72: {  	_ =	shalt  }
0x73: {  	_ =	shalt  }
0x74: {  	_ =	shalt  }
0x75: {  	_ =	shalt  }
0x76: {  	_ =	shalt  }
0x77: {  	_ =	shalt  }
0x78: {  	_ =	shalt  }
0x79: {  	_ =	shalt  }
0x7a: {  	_ =	shalt  }
0x7b: {  	_ =	shalt  }
0x7c: {  	_ =	shalt  }
0x7d: {  	_ =	shalt  }
0x7e: {  	_ =	shalt  }
0x7f: {  	_ =	shalt  }
0x80: {  	_ =	shalt  }
0x81: {  	_ =	shalt  }
0x82: {  	_ =	shalt  }
0x83: {  	_ =	shalt  }
0x84: {  	_ =	shalt  }
0x85: {  	_ =	shalt  }
0x86: {  	_ =	shalt  }
0x87: {  	_ =	shalt  }
.Lfunc_end0:
.L_simem_size_0:
called_computation_lowered:
.L_overlay_start_0:
0x88: {  	s2 =	sld [smem:$0x3FD9]  }
0x89: {  	s3 =	sld [smem:$0x3FFE];
	_ =	sdelay $0x1  }
0x8a: {  	s1 =	srdreg.scid  }
0x8b: {  	s0 =	sand.u32 $0x1, s1  }
0x8c: {  	s17 =	sshll.u32 s0, $0xA;
	s2 =	sadd.s32 s3, s2  }
0x8d: {  	s2 =	sadd.s32 s2, s17  }
0x8e: {  	[smem:$0x3FC5] =	sst s2  }
0x8f: {  	_ = 	snop  }
0x90: {  	s2 =	sld [smem:$0x3FD0];
	(tm) =	ssettm $0x1  }
0x91: {  	s18 =	sld [smem:$0x3FFB];
	_ =	sdelay $0x3  }
0x92: {  	_ =	strace s18  }
0x93: {  	s3 =	sld [smem:$0x3FFC];
	_ =	sdelay $0x3  }
0x94: {  	_ =	strace s3  }
0x95: {  	s3 =	sld [smem:$0x3FFD];
	_ =	sdelay $0x3  }
0x96: {  	_ =	strace s3  }
0x97: {  	_ =	strace $0x8FFFFFFF  }
0x98: {  	s19 =	sld [smem:$0x3FDB];
	_ =	sdelay $0x1  }
0x99: {  	s4 =	simm.s32 $_scs_section_size  }
0x9a: {  	s5 =	simm.s32 $_size__tile_overlayer_lowered;
	s6 =	simm.s32 $_tile_overlayer_lowered  }
0x9b: {  	s22 =	simm.s32 $0x1BFF;
	s21 =	sshll.u32 s6, $0x1;
	s3 =	sadd.s32 s4, s19  }
0x9c: {  	s7 =	simm.s32 $0x0;
	s20 =	sshll.u32 s5, $0x1;
	s5 =	sadd.s32 s21, s3  }
0x9d: {  	[timem:s7], [sflag:s22] =	dma.local [hbm:s5], s20  }
0x9e: {  	_ =	swait.ge [sflag:s22], s20  }
0x9f: {  	s4 =	ssub.s32 $0x0, s20;
	[sflag:s22] =	ssyncset.done $0x0  }
0xa0: {  	[sflag:s22] =	ssyncadd.s32 s4;
	_ =	sdelay $0x1  }
0xa1: {  	s23 =	simm.s32 $0x1B8B  }
0xa2: {  	_ =	swait.ge [sflag:s23], $0x1  }
0xa3: {  	[sflag:s23] =	ssyncset.done $0x0  }
0xa4: {  	s25 =	simm.s32 $0x1B8E;
	s24 =	sld [smem:$0x3FFE];
	[sflag:s23] =	ssyncadd.s32 $0xFFFFFFFF  }
0xa5: {  	s26 =	simm.s32 $execute0_lowered;
	[smem:$0x3FD2] =	sst s25  }
0xa6: {  	s5 =	sshll.u32 s26, $0x1;
	_ =	strace $0x80000046;
	[dreg:$0x1] =	wrdreg $0xFFFFFFFF  }
0xa7: {  	s28 =	simm.s32 $_size_execute0_lowered;
	s3 =	sadd.s32 s3, s5;
	[dreg:$0x0] =	wrdreg $0x0  }
0xa8: {  	s5 =	sshll.u32 s28, $0x1;
	[dreg:$0x2] =	wrdreg s3  }
0xa9: {  	[dreg:$0x3] =	wrdreg s5  }
0xaa: {  	[dreg:$0x4] =	wrdreg $0xC0  }
0xab: {  	_ =	task [dreg:s7], $0x5FFFF  }
0xac: {  	[dreg:$0x1] =	wrdreg $0xFFFFFFFF  }
0xad: {  	[dreg:$0x0] =	wrdreg $0x60  }
0xae: {  	[dreg:$0x2] =	wrdreg s24  }
0xaf: {  	[dreg:$0x3] =	wrdreg s2  }
0xb0: {  	[dreg:$0x4] =	wrdreg $0x28000  }
0xb1: {  	[dreg:$0x5] =	wrdreg $0x9  }
0xb2: {  	_ =	task.clear_ibuf [dreg:s7], $0x6FFFF;
	_ =	strace $0x90000046  }
0xb3: {  	s29 =	simm.s32 $0x9;
	_ =	strace $0x80000048  }
0xb4: {  	_ =	swait.ge [sflag:s29], $0x1  }
0xb5: {  	[sflag:s29] =	ssyncadd.s32 $0xFFFFFFFF  }
0xb6: {  	_ =	strace $0x90000048  }
0xb7: {  	_ =	sfence  }
0xb8: {  	s30 =	sld [smem:$0x0];
	_ =	sdelay $0x2  }
0xb9: {  	s31 =	sshll.u32 s1, $0xD;
	s1 =	sshrl.u32 s1, $0x2  }
0xba: {  	s3 =	sand.u32 $0x4000, s31;
	s1 =	sadd.s32 s1, s30  }
0xbb: {  	s0 =	sor.u32 s3, s0;
	s1 =	sshll.u32 s1, $0x11  }
0xbc: {  	s0 =	sor.u32 s1, s0  }
0xbd: {  	s0 =	sadd.s32 $0x8F2B, s0  }
0xbe: {  	[sflag:s0] =	ssyncadd.remote.s32 $0x1  }
0xbf: {  	_ =	sfence.sel $0xFFFF  }
0xc0: {  	[dreg:$0x0] =	wrdreg $0xFFFFFFFF;
	(pc) =	sbr.abs _section_cstart, $3  }
0xc1: {  	[dreg:$0x1] =	wrdreg $0xFFFFFFFF  }
0xc2: {  	_ =	task.clear_ibuf [dreg:s7], $0x2FFFF;
	_ =	strace $0x9FFFFFFF  }
0xc3: {  	(tm) =	ssettm $0x7FFFFFFF  }
tec
execute0_lowered:
.L_overlay_start_1:
0x0: {  	(tag) =	ssettag $0x1  }
0x1: {  	s4 =	rddreg [dreg:$0x0]  }
0x2: {  	s1 =	srdreg.scid;
	s9 =	rddreg [dreg:$0x1]  }
0x3: {  	s0 =	stileid.u32;
	s2 =	rddreg [dreg:$0x2];
	s3 =	simm.s32 $0x0  }
0x4: {  	s6 =	sand.u32 $0x1, s1;
	s29 =	sshll.u32 s0, $0x1;
	s1 =	rddreg [dreg:$0x3]  }
0x5: {  	[smem:$0x7FF] =	sst s3;
	p0 =	slt.u32 s0, $0x2;
	s12 =	smul.u32 $0x280, s0  }
0x6: {  	s31 =	sshll.u32 s0, $0x6;
	s5 =	sor.u32 s6, s29;
	s30 =	ssub.s32 $0x2, s6  }
0x7: {  	_ =	strace $0x80000047;
	s13 =	smul.u32 $0x500, s6;
	s6 =	sor.u32 $0x1C02, s31  }
0x8: {  	s7 =	smul.u32 $0x4E, s5;
	s5 =	smin.u32 s5, $0x4;
	s8 =	sshrl.u32 s30, $0x1  }
0x9: {  	s14 =	sadd.s32 s12, s2;
	s16 =	sshrl.u32 s12, $0x3;
	s12 =	simm.s32 $0x80  }
0xa: {  	s11 =	ssub.s32 s30, s8;
	s15 =	sadd.s32 s9, s13;
	s13 =	simm.s32 $0x2780  }
0xb: {  	s5 =	sadd.s32 s5, s7;
	s9 =	smax.u32 s11, $0x1;
	s11 =	simm.s32 $0x2  }
0xc: {  	s15 =	sadd.s32 s16, s15;
	s16 =	simm.s32 $0x0;
	s5 =	sshll.u32 s5, $0x4  }
0xd: {  	s10 =	sadd.s32 s5, s4;
	s4 =	sadd.s32 $0x15400, s4;
	s5 =	simm.s32 $0x4F  }
0xe: {  	s5 =	simm.s32 @!p0 $0x4E;
	s7 =	sadd.s32 $0x1A00, s10;
	s8 =	sadd.s32 $0x1EE0, s10  }
0xf: {  	v0 =	vimm.f32 $1.000000000e+00;
	p0 =	sgt.u32 s0, $0x1;
	s10 =	sshrl.u32 s14, $0x3;
	s14 =	simm.s32 $0x1  }
.LBB2_1:
0x10: {  	[spmem:s10], [sflag:s6] =	dma.local [hbm:s4], $0x50  }
0x11: {  	_ =	swait.ge [sflag:s11], $0x50  }
0x12: {  	[sflag:s11] =	ssyncset.done $0x0  }
0x13: {  	[sflag:s11] =	ssyncadd.s32 $0xFFFFFFB0  }
0x14: {  	[tilespmem:$0x2780] =	vst v0  }
0x15: {  	[tilespmem:$0x2790] =	vst v0  }
0x16: {  	[tilespmem:$0x27A0] =	vst v0  }
0x17: {  	[tilespmem:$0x27B0] =	vst v0  }
0x18: {  	[tilespmem:$0x27C0] =	vst v0  }
0x19: {  	[tilespmem:$0x27D0] =	vst v0  }
0x1a: {  	[tilespmem:$0x27E0] =	vst v0  }
0x1b: {  	[tilespmem:$0x27F0] =	vst v0  }
0x1c: {  	[tilespmem:s3], [sflag:$0x2] =	stream.linear.gather [hbm4b:s7+s3], $0x2700, $0x38;
	[tilespmem:$0x2A80] =	vst v63  }
0x1d: {  	_ =	swait.ge [sflag:s11], $0x2700  }
0x1e: {  	[sflag:s11] =	ssyncset.done $0x0  }
0x1f: {  	s17 =	simm.s32 @!p0 $0x0;
	s18 =	simm.s32 @!p0 $0x2700;
	[sflag:s11] =	ssyncadd.s32 $0xFFFFD900  }
0x20: {  	[tilespmem:s18], [sflag:$0x2] =	stream.linear.gather @!p0 [hbm4b:s8+s17], $0x80, $0x38;
	[tilespmem:$0x2A80] =	vst v63  }
0x21: {  	p1 =	sne.s32 s5, $0x1;
	s17 =	simm.s32 @!p0 $0x2  }
.Ltmp0:
0x22: {  	_ =	swait.ge @!p0 [sflag:s17], $0x80;
	(pc) =	sbr.rel @!p1 .LBB2_3-.Ltmp0, $4  }
0x23: {  	[sflag:s17] =	ssyncset.done @!p0 $0x0  }
0x24: {  	[sflag:s17] =	ssyncadd.s32 @!p0 $0xFFFFFF80  }
0x25: {  	s18 =	simm.s32 $0x0;
	s17 =	sadd.s32 $0xFFFFFFFF, s5;
	[bflag:$0x0] =	sbarrier.arrive $0xFFFF  }
0x26: {  	[spmem:s2] =	stream.indirect.scatter.add.f32 [tilespmem:s13], [sflag:$0x1], $0x1, s3, s12, $0xb8;
	[tilespmem:$0x2A80] =	vst v63  }
.LBB2_2:
0x27: {  	p2 =	sne.s32 s17, $0x1  }
.Ltmp1:
0x28: {  	_ = 	snop;
	(pc) =	sbr.rel @p2 .LBB2_2-.Ltmp1, $3  }
0x29: {  	_ = 	snop  }
0x2a: {  	s17 =	sadd.s32 $0xFFFFFFFF, s17;
	s18 =	sadd.s32 $0x80, s18;
	_ =	sdelay $0x1  }
0x2b: {  	[spmem:s2] =	stream.indirect.scatter.add.f32 [tilespmem:s13], [sflag:$0x1], $0x1, s18, s12, $0xb8;
	[tilespmem:$0x2A80] =	vst v63  }
.LBB2_3:
.Ltmp2:
0x2c: {  	(pc) =	sbr.rel @!p1 .LBB2_5-.Ltmp2, $3  }
0x2d: {  	_ =	sdelay $0x1  }
0x2e: {  	_ =	swait.ge [sflag:s14], $0x80  }
0x2f: {  	s17 =	sadd.s32 $0xFFFFFFFF, s5;
	[sflag:s14] =	ssyncset.done $0x0  }
.LBB2_4:
0x30: {  	p1 =	sne.s32 s17, $0x1;
	s17 =	sadd.s32 $0xFFFFFFFF, s17;
	[sflag:s14] =	ssyncadd.s32 $0xFFFFFF80  }
.Ltmp3:
0x31: {  	(pc) =	sbr.rel @p1 .LBB2_4-.Ltmp3, $3  }
0x32: {  	_ =	sdelay $0x1  }
0x33: {  	_ =	swait.ge [sflag:s14], $0x80  }
0x34: {  	[sflag:s14] =	ssyncset.done $0x0  }
.LBB2_5:
0x35: {  	s16 =	sadd.s32 $0x1, s16  }
0x36: {  	[sflag:s14] =	ssyncadd.s32 $0xFFFFFF80;
	p1 =	sne.s32 s16, s9  }
.Ltmp4:
0x37: {  	[bflag:$0x0] =	sbarrier.arrive $0xFFFF;
	(pc) =	sbr.rel @p1 .LBB2_1-.Ltmp4, $4  }
0x38: {  	[hbm:s15], [sflag:s6] =	dma.local [spmem:s10], $0x50  }
0x39: {  	_ =	swait.ge [sflag:s11], $0x50  }
0x3a: {  	[sflag:s11] =	ssyncset.done $0x0  }
0x3b: {  	[sflag:s11] =	ssyncadd.s32 $0xFFFFFFB0  }
0x3c: {  	_ =	sfence.sel $0x180000  }
0x3d: {  	[bflag:$0x0] =	sbarrier.arrive $0xFFFF  }
0x3e: {  	p0 =	sne.s32 s0, $0x0;
	_ =	strace $0x90000047  }
0x3f: {  	s0 =	sadd.s32 @!p0 $0x100000, s1;
	[bflag:$0x2] =	sbarrier.arrive $0xFFFF  }
0x40: {  	[sflag:s0] =	ssyncadd.tile.s32 @!p0 $0x1;
	_ =	shalt  }
.Lfunc_end2:
_tile_overlayer_lowered:
.L_overlay_start_2:
0x41: {  	(tag) =	ssettag $0x2  }
0x42: {  	s0 =	rddreg [dreg:$0x0];
	s2 =	stileid.u32  }
0x43: {  	s1 =	rddreg [dreg:$0x1];
	p0 =	sne.s32 s2, $0x0  }
0x44: {  	s3 =	rddreg [dreg:$0x2];
	[bflag:$0x3] =	sbarrier.arrive $0xFFFF;
	s2 =	simm.s32 @!p0 $0x1C02  }
0x45: {  	[timem:s3], [sflag:s2] =	dma.local @!p0 [hbm:s0], s1  }
0x46: {  	s0 =	simm.s32 @!p0 $0x2  }
0x47: {  	_ =	swait.ge @!p0 [sflag:s0], s1  }
0x48: {  	s1 =	ssub.s32 @!p0 $0x0, s1;
	[sflag:s0] =	ssyncset.done @!p0 $0x0  }
0x49: {  	[sflag:s0] =	ssyncadd.s32 @!p0 s1  }
0x4a: {  	[bflag:$0x3] =	sbarrier.arrive $0xFFFF  }
0x4b: {  	_ =	shalt  }

// kernel: kernel.9.cloned.1.call-start
scs
__scs_entry_jumppad:
0x0: {  	(pc) =	sbr.rel $0x88, $3  }
0x1: {  	(tag) =	ssettag $0x0;
	lr =	simm.s32 $0x1  }
0x2: {  	[smem:$0x3F9E] =	sst lr;
	_ =	strace $0xD0000000  }
0x3: {  	_ = 	snop  }
0x4: {  	_ = 	snop  }
0x5: {  	_ = 	snop  }
0x6: {  	_ = 	snop  }
0x7: {  	_ = 	snop  }
__scs_overlays_trampoline_lowered:
0x8: {  	[smem:$0x3FAD] =	sst s0  }
0x9: {  	[smem:$0x3FAE] =	sst s1  }
0xa: {  	[smem:$0x3FAF] =	sst s2  }
0xb: {  	[smem:$0x3FB0] =	sst s3  }
0xc: {  	[smem:$0x3FB1] =	sst s4  }
0xd: {  	[smem:$0x3FB2] =	sst s5  }
0xe: {  	[smem:$0x3FB3] =	sst s6  }
0xf: {  	[smem:$0x3FB4] =	sst s7  }
0x10: {  	[smem:$0x3FB5] =	sst s8  }
0x11: {  	[smem:$0x3FB6] =	sst s9;
	s0 =	simm.s32 @!p0 $0x0  }
0x12: {  	s1 =	sld [smem:$0x3F9C];
	s0 =	simm.s32 @p0 $0x1  }
0x13: {  	[smem:$0x3FB7] =	sst s0;
	s0 =	simm.s32 @!p1 $0x0  }
0x14: {  	s2 =	sld [smem:$0x3F9B];
	s0 =	simm.s32 @p1 $0x1  }
0x15: {  	[smem:$0x3FB8] =	sst s0;
	s0 =	simm.s32 @!p2 $0x0  }
0x16: {  	s3 =	sld [smem:$0x3FDB];
	s0 =	simm.s32 @p2 $0x1  }
0x17: {  	s4 =	simm.s32 $0x1BF5;
	[smem:$0x3FBA] =	sst s0  }
0x18: {  	s0 =	sld [smem:$0x3F9D];
	_ =	swait.ge [sflag:s4], $0x0  }
0x19: {  	s7 =	sld [smem:$0x3F9E]  }
0x1a: {  	s8 =	sadd.s32 $0xFFFFE003, lr  }
0x1b: {  	s9 =	sadd.s32 $0xFFFFFEF7, lr;
	s5 =	simm.s32 $0xFFFFFFFF;
	p2 =	slt.u32 s8, $0xFFFFF086  }
0x1c: {  	p1 =	slt.u32 s9, $0xF7A;
	s5 =	simm.s32 @!p2 $0x0  }
0x1d: {  	s5 =	simm.s32 @p1 $0x1;
	p0 =	seq.s32 s7, s2  }
0x1e: {  	s7 =	smul.u32 @!p0 $0xF7A, s2;
	p2 =	seq.s32 @!p0 s5, $0x0  }
0x1f: {  	s9 =	smul.u32 $0xF7A, s1;
	s8 =	simm.s32 @!p0 $0x1BF5;
	p2 =	por !p2, p0  }
0x20: {  	[sflag:s8] =	ssyncset.s32 @!p0 $0xFFFFF086;
	s6 =	sadd.s32 @!p0 s3, s7;
	s7 =	simm.s32 @!p0 $0x108  }
0x21: {  	s3 =	sadd.s32 s3, s9;
	s6 =	sadd.s32 @!p0 $0x88, s6;
	s7 =	simm.s32 @p2 $0x1082  }
0x22: {  	[simem:s7], [sflag:s8] =	dma.local @!p0 [hbm:s6], $0xF7A  }
0x23: {  	s9 =	sor.u32 $0xD0000000, s2;
	s6 =	simm.s32 $0x108;
	_ =	swait.ge @!p0 [sflag:s8], $0x0  }
0x24: {  	s3 =	sadd.s32 $0x88, s3;
	s6 =	simm.s32 @!p1 $0x1082;
	[sflag:s4] =	ssyncset.s32 $0xFFFFF086  }
0x25: {  	[simem:s6], [sflag:s4] =	dma.local [hbm:s3], $0xF7A  }
0x26: {  	[smem:$0x3F9E] =	sst s1;
	(tag) =	ssettag s2;
	_ =	strace s9  }
0x27: {  	s1 =	sld [smem:$0x3FAE]  }
0x28: {  	s2 =	sld [smem:$0x3FAF]  }
0x29: {  	s4 =	sld [smem:$0x3FB1]  }
0x2a: {  	p0 =	seq.s32 s5, $0x0;
	s5 =	sld [smem:$0x3FB2]  }
0x2b: {  	s6 =	sld [smem:$0x3FB3]  }
0x2c: {  	s7 =	sld [smem:$0x3FB4]  }
0x2d: {  	s3 =	simm.s32 $0x108;
	s8 =	sld [smem:$0x3FB5]  }
0x2e: {  	s3 =	simm.s32 @!p0 $0x1082;
	s9 =	sld [smem:$0x3FB6]  }
0x2f: {  	lr =	sadd.s32 s0, s3;
	s0 =	sld [smem:$0x3FAD]  }
0x30: {  	s3 =	sld [smem:$0x3FB0]  }
0x31: {  	[smem:$0x3FB9] =	sst s10  }
0x32: {  	s10 =	sld [smem:$0x3FB7];
	_ =	sdelay $0x3  }
0x33: {  	p0 =	seq.s32 s10, $0x1;
	s10 =	sld [smem:$0x3FB9];
	_ =	sdelay $0x3  }
0x34: {  	[smem:$0x3FB9] =	sst s10  }
0x35: {  	s10 =	sld [smem:$0x3FB8];
	_ =	sdelay $0x3  }
0x36: {  	p1 =	seq.s32 s10, $0x1;
	s10 =	sld [smem:$0x3FB9];
	_ =	sdelay $0x3  }
0x37: {  	[smem:$0x3FB9] =	sst s10  }
0x38: {  	s10 =	sld [smem:$0x3FBA]  }
0x39: {  	_ = 	snop;
	(pc) =	sbr.ind lr, $3  }
0x3a: {  	_ = 	snop  }
0x3b: {  	_ = 	snop  }
0x3c: {  	p2 =	seq.s32 s10, $0x1;
	s10 =	sld [smem:$0x3FB9]  }
0x3d: {  	_ =	shalt  }
0x3e: {  	_ =	shalt  }
0x3f: {  	_ =	shalt  }
0x40: {  	_ =	shalt  }
0x41: {  	_ =	shalt  }
0x42: {  	_ =	shalt  }
0x43: {  	_ =	shalt  }
0x44: {  	_ =	shalt  }
0x45: {  	_ =	shalt  }
0x46: {  	_ =	shalt  }
0x47: {  	_ =	shalt  }
0x48: {  	_ =	shalt  }
0x49: {  	_ =	shalt  }
0x4a: {  	_ =	shalt  }
0x4b: {  	_ =	shalt  }
0x4c: {  	_ =	shalt  }
0x4d: {  	_ =	shalt  }
0x4e: {  	_ =	shalt  }
0x4f: {  	_ =	shalt  }
0x50: {  	_ =	shalt  }
0x51: {  	_ =	shalt  }
0x52: {  	_ =	shalt  }
0x53: {  	_ =	shalt  }
0x54: {  	_ =	shalt  }
0x55: {  	_ =	shalt  }
0x56: {  	_ =	shalt  }
0x57: {  	_ =	shalt  }
0x58: {  	_ =	shalt  }
0x59: {  	_ =	shalt  }
0x5a: {  	_ =	shalt  }
0x5b: {  	_ =	shalt  }
0x5c: {  	_ =	shalt  }
0x5d: {  	_ =	shalt  }
0x5e: {  	_ =	shalt  }
0x5f: {  	_ =	shalt  }
0x60: {  	_ =	shalt  }
0x61: {  	_ =	shalt  }
0x62: {  	_ =	shalt  }
0x63: {  	_ =	shalt  }
0x64: {  	_ =	shalt  }
0x65: {  	_ =	shalt  }
0x66: {  	_ =	shalt  }
0x67: {  	_ =	shalt  }
0x68: {  	_ =	shalt  }
0x69: {  	_ =	shalt  }
0x6a: {  	_ =	shalt  }
0x6b: {  	_ =	shalt  }
0x6c: {  	_ =	shalt  }
0x6d: {  	_ =	shalt  }
0x6e: {  	_ =	shalt  }
0x6f: {  	_ =	shalt  }
0x70: {  	_ =	shalt  }
0x71: {  	_ =	shalt  }
0x72: {  	_ =	shalt  }
0x73: {  	_ =	shalt  }
0x74: {  	_ =	shalt  }
0x75: {  	_ =	shalt  }
0x76: {  	_ =	shalt  }
0x77: {  	_ =	shalt  }
0x78: {  	_ =	shalt  }
0x79: {  	_ =	shalt  }
0x7a: {  	_ =	shalt  }
0x7b: {  	_ =	shalt  }
0x7c: {  	_ =	shalt  }
0x7d: {  	_ =	shalt  }
0x7e: {  	_ =	shalt  }
0x7f: {  	_ =	shalt  }
0x80: {  	_ =	shalt  }
0x81: {  	_ =	shalt  }
0x82: {  	_ =	shalt  }
0x83: {  	_ =	shalt  }
0x84: {  	_ =	shalt  }
0x85: {  	_ =	shalt  }
0x86: {  	_ =	shalt  }
0x87: {  	_ =	shalt  }
.Lfunc_end0:
.L_simem_size_0:
called_computation.1_lowered:
.L_overlay_start_0:
0x88: {  	s2 =	sld [smem:$0x3FD9]  }
0x89: {  	s3 =	sld [smem:$0x3FFE];
	_ =	sdelay $0x1  }
0x8a: {  	s1 =	srdreg.scid  }
0x8b: {  	s0 =	sand.u32 $0x1, s1  }
0x8c: {  	s17 =	sshll.u32 s0, $0xA;
	s2 =	sadd.s32 s3, s2  }
0x8d: {  	s2 =	sadd.s32 s2, s17  }
0x8e: {  	[smem:$0x3FC5] =	sst s2  }
0x8f: {  	_ = 	snop  }
0x90: {  	s2 =	sld [smem:$0x3FD0];
	(tm) =	ssettm $0x1  }
0x91: {  	s18 =	sld [smem:$0x3FFB];
	_ =	sdelay $0x3  }
0x92: {  	_ =	strace s18  }
0x93: {  	s3 =	sld [smem:$0x3FFC];
	_ =	sdelay $0x3  }
0x94: {  	_ =	strace s3  }
0x95: {  	s3 =	sld [smem:$0x3FFD];
	_ =	sdelay $0x3  }
0x96: {  	_ =	strace s3  }
0x97: {  	_ =	strace $0x8FFFFFFF  }
0x98: {  	s19 =	sld [smem:$0x3FDB];
	_ =	sdelay $0x1  }
0x99: {  	s4 =	simm.s32 $_scs_section_size  }
0x9a: {  	s5 =	simm.s32 $_size__tile_overlayer_lowered;
	s6 =	simm.s32 $_tile_overlayer_lowered  }
0x9b: {  	s22 =	simm.s32 $0x1BFF;
	s21 =	sshll.u32 s6, $0x1;
	s3 =	sadd.s32 s4, s19  }
0x9c: {  	s7 =	simm.s32 $0x0;
	s20 =	sshll.u32 s5, $0x1;
	s5 =	sadd.s32 s21, s3  }
0x9d: {  	[timem:s7], [sflag:s22] =	dma.local [hbm:s5], s20  }
0x9e: {  	_ =	swait.ge [sflag:s22], s20  }
0x9f: {  	s4 =	ssub.s32 $0x0, s20;
	[sflag:s22] =	ssyncset.done $0x0  }
0xa0: {  	[sflag:s22] =	ssyncadd.s32 s4;
	_ =	sdelay $0x1  }
0xa1: {  	s23 =	simm.s32 $0x1B8B  }
0xa2: {  	_ =	swait.ge [sflag:s23], $0x1  }
0xa3: {  	[sflag:s23] =	ssyncset.done $0x0  }
0xa4: {  	s25 =	simm.s32 $0x1B8E;
	s24 =	sld [smem:$0x3FFE];
	[sflag:s23] =	ssyncadd.s32 $0xFFFFFFFF  }
0xa5: {  	s26 =	simm.s32 $execute0_lowered;
	[smem:$0x3FD2] =	sst s25  }
0xa6: {  	s5 =	sshll.u32 s26, $0x1;
	_ =	strace $0x80000049;
	[dreg:$0x1] =	wrdreg $0xFFFFFFFF  }
0xa7: {  	s28 =	simm.s32 $_size_execute0_lowered;
	s3 =	sadd.s32 s3, s5;
	[dreg:$0x0] =	wrdreg $0x0  }
0xa8: {  	s5 =	sshll.u32 s28, $0x1;
	[dreg:$0x2] =	wrdreg s3  }
0xa9: {  	[dreg:$0x3] =	wrdreg s5  }
0xaa: {  	[dreg:$0x4] =	wrdreg $0xC0  }
0xab: {  	_ =	task [dreg:s7], $0x5FFFF  }
0xac: {  	[dreg:$0x1] =	wrdreg $0xFFFFFFFF  }
0xad: {  	[dreg:$0x0] =	wrdreg $0x60  }
0xae: {  	[dreg:$0x2] =	wrdreg s24  }
0xaf: {  	[dreg:$0x3] =	wrdreg s2  }
0xb0: {  	[dreg:$0x4] =	wrdreg $0x14F800  }
0xb1: {  	[dreg:$0x5] =	wrdreg $0x1EBC00  }
0xb2: {  	[dreg:$0x6] =	wrdreg $0x9  }
0xb3: {  	_ =	task.clear_ibuf [dreg:s7], $0x7FFFF;
	_ =	strace $0x90000049  }
0xb4: {  	s29 =	simm.s32 $0x9;
	_ =	strace $0x8000004B  }
0xb5: {  	_ =	swait.ge [sflag:s29], $0x1  }
0xb6: {  	[sflag:s29] =	ssyncadd.s32 $0xFFFFFFFF  }
0xb7: {  	_ =	strace $0x9000004B  }
0xb8: {  	_ =	sfence  }
0xb9: {  	s30 =	sld [smem:$0x0];
	_ =	sdelay $0x2  }
0xba: {  	s31 =	sshll.u32 s1, $0xD;
	s1 =	sshrl.u32 s1, $0x2  }
0xbb: {  	s3 =	sand.u32 $0x4000, s31;
	s1 =	sadd.s32 s1, s30  }
0xbc: {  	s0 =	sor.u32 s3, s0;
	s1 =	sshll.u32 s1, $0x11  }
0xbd: {  	s0 =	sor.u32 s1, s0  }
0xbe: {  	s0 =	sadd.s32 $0x8F2B, s0  }
0xbf: {  	[sflag:s0] =	ssyncadd.remote.s32 $0x1  }
0xc0: {  	_ =	sfence.sel $0xFFFF  }
0xc1: {  	[dreg:$0x0] =	wrdreg $0xFFFFFFFF;
	(pc) =	sbr.abs _section_cstart, $3  }
0xc2: {  	[dreg:$0x1] =	wrdreg $0xFFFFFFFF  }
0xc3: {  	_ =	task.clear_ibuf [dreg:s7], $0x2FFFF;
	_ =	strace $0x9FFFFFFF  }
0xc4: {  	(tm) =	ssettm $0x7FFFFFFF  }
0xc5: {  	_ =	shalt  }
tec
execute0_lowered:
.L_overlay_start_1:
0x0: {  	(tag) =	ssettag $0x1  }
0x1: {  	s0 =	rddreg [dreg:$0x0]  }
0x2: {  	s3 =	rddreg [dreg:$0x1]  }
0x3: {  	s1 =	rddreg [dreg:$0x2]  }
0x4: {  	s2 =	rddreg [dreg:$0x3];
	s4 =	simm.s32 $0x0;
	s20 =	srdreg.scid  }
0x5: {  	s15 =	stileid.u32;
	s18 =	simm.s32 $0x12;
	s19 =	simm.s32 $0x80  }
0x6: {  	s28 =	simm.s32 $0xAF00;
	s30 =	simm.s32 $0xCF00;
	s31 =	simm.s32 $0x1  }
0x7: {  	s29 =	simm.s32 $0x4;
	[smem:$0x7FF] =	sst s4;
	s5 =	sadd.s32 $0x15600, s0  }
0x8: {  	s4 =	sand.u32 $0x1, s20;
	s6 =	sshll.u32 s15, $0x1;
	s7 =	sadd.s32 $0x1A00, s0  }
0x9: {  	s9 =	sadd.s32 $0x29000, s0;
	s11 =	sadd.s32 $0x15400, s0;
	s23 =	smul.u32 $0x9C40, s15  }
0xa: {  	p0 =	slt.u32 s15, $0x2;
	s13 =	smul.u32 $0x280, s15;
	s24 =	sshll.u32 s15, $0x6  }
0xb: {  	s20 =	simm.s32 $0x4F00;
	_ =	strace $0x8000004A;
	s8 =	smul.u32 $0x500, s4  }
0xc: {  	s6 =	sor.u32 s4, s6;
	[dreg:$0x5] =	wrdreg s9;
	s21 =	ssub.s32 $0x2, s4  }
0xd: {  	[dreg:$0x6] =	wrdreg s11;
	s16 =	sor.u32 $0x1C12, s24;
	s4 =	smul.u32 $0x13880, s4  }
0xe: {  	s10 =	smul.u32 $0x4E, s6;
	s22 =	sshrl.u32 s21, $0x1;
	s6 =	smin.u32 s6, $0x4  }
0xf: {  	s14 =	sadd.s32 s23, s1;
	s25 =	sadd.s32 s13, s2;
	s24 =	sshrl.u32 s13, $0x3  }
0x10: {  	[dreg:$0x7] =	wrdreg s16;
	s12 =	sadd.s32 s8, s0;
	s11 =	ssub.s32 s21, s22  }
0x11: {  	s8 =	simm.s32 $0x4F;
	[dreg:$0x9] =	wrdreg s25;
	s0 =	sadd.s32 $0xB640, s0  }
0x12: {  	s17 =	sadd.s32 s3, s4;
	s22 =	sshrl.u32 s23, $0x3;
	s21 =	simm.s32 $0x6F00  }
0x13: {  	s3 =	simm.s32 $0x14F00;
	s4 =	simm.s32 $0x5;
	s6 =	sadd.s32 s6, s10  }
0x14: {  	s8 =	simm.s32 @!p0 $0x4E;
	[dreg:$0xd] =	wrdreg s0;
	s25 =	smax.u32 s11, $0x1  }
0x15: {  	s23 =	sadd.s32 $0x2A400, s12;
	s0 =	sadd.s32 s22, s17;
	[dreg:$0xe] =	wrdreg s25  }
0x16: {  	p0 =	sgt.u32 s15, $0x1;
	s10 =	sshrl.u32 s14, $0x3;
	[dreg:$0x10] =	wrdreg s0  }
0x17: {  	s11 =	simm.s32 $0x0;
	s6 =	sshll.u32 s6, $0x4;
	[dreg:$0xf] =	wrdreg s10  }
0x18: {  	s26 =	sadd.s32 $0x4E0, s6;
	[dreg:$0x8] =	wrdreg s6;
	s6 =	sadd.s32 s7, s6  }
0x19: {  	s25 =	simm.s32 $0x8F00;
	s0 =	simm.s32 $0xEF00;
	[dreg:$0xb] =	wrdreg s6  }
0x1a: {  	[dreg:$0xa] =	wrdreg s26;
	s9 =	sadd.s32 s7, s26;
	s26 =	sadd.s32 s24, s23  }
0x1b: {  	s23 =	simm.s32 $0x2;
	s6 =	simm.s32 $0x6;
	[dreg:$0xc] =	wrdreg s9  }
0x1c: {  	v0 =	vimm.f32 $1.000000000e+00;
	s7 =	simm.s32 $0x11;
	[dreg:$0x11] =	wrdreg s26;
	s26 =	simm.s32 $0x3  }
.LBB2_1:
0x1d: {  	s9 =	rddreg [dreg:$0x5]  }
0x1e: {  	[spmem:s10], [sflag:s16] =	dma.local [hbm:s9], $0x1388  }
0x1f: {  	_ =	swait.ge [sflag:s18], $0x1388  }
0x20: {  	s15 =	rddreg [dreg:$0x9]  }
0x21: {  	[sflag:s18] =	ssyncset.done $0x0;
	s22 =	rddreg [dreg:$0x6];
	s17 =	sshrl.u32 s15, $0x3  }
0x22: {  	[sflag:s18] =	ssyncadd.s32 $0xFFFFEC78;
	[dreg:$0x12] =	wrdreg s17  }
0x23: {  	[spmem:s17], [sflag:s16] =	dma.local [hbm:s22], $0x50  }
0x24: {  	_ =	swait.ge [sflag:s18], $0x50  }
0x25: {  	[sflag:s18] =	ssyncset.done $0x0  }
0x26: {  	[sflag:s18] =	ssyncadd.s32 $0xFFFFFFB0  }
0x27: {  	[tilespmem:$0x14F00] =	vst v0  }
0x28: {  	[tilespmem:$0x14F10] =	vst v0  }
0x29: {  	[tilespmem:$0x14F20] =	vst v0  }
0x2a: {  	[tilespmem:$0x14F30] =	vst v0  }
0x2b: {  	[tilespmem:$0x14F40] =	vst v0  }
0x2c: {  	[tilespmem:$0x14F50] =	vst v0  }
0x2d: {  	[tilespmem:$0x14F60] =	vst v0  }
0x2e: {  	s24 =	simm.s32 $0x0;
	s13 =	rddreg [dreg:$0xb];
	[tilespmem:$0x14F70] =	vst v0  }
0x2f: {  	[tilespmem:s24], [sflag:$0x12] =	stream.linear.gather [hbm4b:s13+s24], $0x2700, $0x38;
	[tilespmem:$0x1EE40] =	vst v63  }
0x30: {  	_ =	swait.ge [sflag:s18], $0x2700  }
0x31: {  	s13 =	rddreg [dreg:$0x8]  }
0x32: {  	s12 =	simm.s32 @p0 $0x0;
	[sflag:s18] =	ssyncset.done $0x0;
	s15 =	rddreg [dreg:$0xd]  }
0x33: {  	s14 =	simm.s32 @p0 $0x2780;
	[sflag:s18] =	ssyncadd.s32 $0xFFFFD900;
	s10 =	sadd.s32 @p0 s13, s15  }
0x34: {  	[tilespmem:s14], [sflag:$0x12] =	stream.linear.gather @p0 [hbm4b:s10+s12], $0x2700, $0x38;
	[tilespmem:$0x1EE40] =	vst v63  }
0x35: {  	s10 =	simm.s32 @p0 $0x12  }
0x36: {  	_ =	swait.ge @p0 [sflag:s10], $0x2700  }
0x37: {  	s12 =	simm.s32 @!p0 $0x2700;
	[sflag:s10] =	ssyncset.done @p0 $0x0  }
0x38: {  	s14 =	rddreg [dreg:$0xc];
	[sflag:s10] =	ssyncadd.s32 @p0 $0xFFFFD900;
	s10 =	simm.s32 @!p0 $0x0  }
0x39: {  	[tilespmem:s12], [sflag:$0x12] =	stream.linear.gather @!p0 [hbm4b:s14+s10], $0x80, $0x38;
	[tilespmem:$0x1EE40] =	vst v63  }
0x3a: {  	s12 =	simm.s32 @!p0 $0x12  }
0x3b: {  	_ =	swait.ge @!p0 [sflag:s12], $0x80  }
0x3c: {  	[sflag:s12] =	ssyncset.done @!p0 $0x0  }
0x3d: {  	s16 =	simm.s32 @!p0 $0x2780;
	s14 =	sadd.s32 @!p0 s13, s15;
	[sflag:s12] =	ssyncadd.s32 @!p0 $0xFFFFFF80  }
0x3e: {  	[tilespmem:s16], [sflag:$0x12] =	stream.linear.gather @!p0 [hbm4b:s14+s10], $0x2700, $0x38;
	[tilespmem:$0x1EE40] =	vst v63  }
0x3f: {  	_ =	swait.ge @!p0 [sflag:s12], $0x2700  }
0x40: {  	[sflag:s12] =	ssyncset.done @!p0 $0x0;
	s13 =	rddreg [dreg:$0xa]  }
0x41: {  	s16 =	simm.s32 @!p0 $0x4E80;
	[sflag:s12] =	ssyncadd.s32 @!p0 $0xFFFFD900;
	s14 =	sadd.s32 @!p0 s15, s13  }
0x42: {  	[tilespmem:s16], [sflag:$0x12] =	stream.linear.gather @!p0 [hbm4b:s14+s10], $0x80, $0x38;
	[tilespmem:$0x1EE40] =	vst v63  }
0x43: {  	_ =	swait.ge @!p0 [sflag:s12], $0x80  }
0x44: {  	[sflag:s12] =	ssyncset.done @!p0 $0x0  }
0x45: {  	[sflag:s12] =	ssyncadd.s32 @!p0 $0xFFFFFF80  }
0x46: {  	[bflag:$0x0] =	sbarrier.arrive $0xFFFF  }
0x47: {  	[tilespmem:s20], [sflag:$0x1] =	stream.indirect.gather [hbm4b:s5+s19], $0x40, s24, s19, $0xb8;
	[tilespmem:$0x1EE40] =	vst v63  }
0x48: {  	_ = 	snop  }
0x49: {  	[tilespmem:s21], [sflag:$0x2] =	stream.indirect.gather [hbm4b:s5+s19], $0x40, s19, s19, $0xb8;
	[tilespmem:$0x1EE40] =	vst v63  }
0x4a: {  	s14 =	simm.s32 $0x100  }
0x4b: {  	[tilespmem:s25], [sflag:$0x3] =	stream.indirect.gather [hbm4b:s5+s19], $0x40, s14, s19, $0xb8;
	[tilespmem:$0x1EE40] =	vst v63  }
0x4c: {  	s15 =	simm.s32 $0x180  }
0x4d: {  	[tilespmem:s28], [sflag:$0x4] =	stream.indirect.gather [hbm4b:s5+s19], $0x40, s15, s19, $0xb8;
	[tilespmem:$0x1EE40] =	vst v63  }
0x4e: {  	s16 =	simm.s32 $0x200  }
0x4f: {  	[tilespmem:s30], [sflag:$0x5] =	stream.indirect.gather [hbm4b:s5+s19], $0x40, s16, s19, $0xb8;
	[tilespmem:$0x1EE40] =	vst v63  }
0x50: {  	s17 =	simm.s32 $0x280  }
0x51: {  	[tilespmem:s0], [sflag:$0x6] =	stream.indirect.gather [hbm4b:s5+s19], $0x40, s17, s19, $0xb8;
	[tilespmem:$0x1EE40] =	vst v63  }
0x52: {  	s22 =	simm.s32 $0x300;
	s24 =	simm.s32 $0x10F00  }
0x53: {  	[tilespmem:s24], [sflag:$0x7] =	stream.indirect.gather [hbm4b:s5+s19], $0x40, s22, s19, $0xb8;
	[tilespmem:$0x1EE40] =	vst v63  }
0x54: {  	s13 =	simm.s32 $0x12F00;
	s12 =	simm.s32 $0x380  }
0x55: {  	[tilespmem:s13], [sflag:$0x8] =	stream.indirect.gather [hbm4b:s5+s19], $0x40, s12, s19, $0xb8;
	[tilespmem:$0x1EE40] =	vst v63  }
0x56: {  	_ =	swait.ge [sflag:s31], $0x2000  }
0x57: {  	[sflag:s31] =	ssyncset.done $0x0  }
0x58: {  	p1 =	por $0x1, $0x1;
	s14 =	simm.s32 $0x2780;
	[sflag:s31] =	ssyncadd.s32 $0xFFFFE000  }
0x59: {  	[spmem:s1] =	stream.indirect.scatter.add.f32 [tilespmem:s20], [sflag:$0x9], $0x40, s14, s19, $0xb8;
	[tilespmem:$0x1EE40] =	vst v63  }
0x5a: {  	s12 =	simm.s32 @!p1 $0xD  }
0x5b: {  	[spmem:s2] =	stream.indirect.scatter.add.f32 [tilespmem:s3], [sflag:$0x11], $0x1, s14, s19, $0xb8;
	[tilespmem:$0x1EE40] =	vst v63  }
0x5c: {  	_ =	swait.ge @!p1 [sflag:s12], $0x2000  }
0x5d: {  	s10 =	simm.s32 @!p1 $0x200;
	[sflag:s12] =	ssyncset.done @!p1 $0x0  }
0x5e: {  	s14 =	simm.s32 @!p1 $0xCF00;
	[sflag:s12] =	ssyncadd.s32 @!p1 $0xFFFFE000;
	s12 =	simm.s32 @!p1 $0x80  }
0x5f: {  	[tilespmem:s14], [sflag:$0x5] =	stream.indirect.gather @!p1 [hbm4b:s5+s12], $0x40, s10, s12, $0xb8;
	[tilespmem:$0x1EE40] =	vst v63  }
0x60: {  	_ =	swait.ge [sflag:s23], $0x2000  }
0x61: {  	[sflag:s23] =	ssyncset.done $0x0  }
0x62: {  	s15 =	simm.s32 $0x2800;
	[sflag:s23] =	ssyncadd.s32 $0xFFFFE000  }
0x63: {  	[spmem:s1] =	stream.indirect.scatter.add.f32 [tilespmem:s21], [sflag:$0xA], $0x40, s15, s19, $0xb8;
	[tilespmem:$0x1EE40] =	vst v63  }
0x64: {  	s14 =	simm.s32 @!p1 $0xE  }
0x65: {  	[spmem:s2] =	stream.indirect.scatter.add.f32 [tilespmem:s3], [sflag:$0x11], $0x1, s15, s19, $0xb8;
	[tilespmem:$0x1EE40] =	vst v63  }
0x66: {  	_ =	swait.ge @!p1 [sflag:s14], $0x2000  }
0x67: {  	[sflag:s14] =	ssyncset.done @!p1 $0x0  }
0x68: {  	s10 =	simm.s32 @!p1 $0x280;
	[sflag:s14] =	ssyncadd.s32 @!p1 $0xFFFFE000;
	s14 =	simm.s32 @!p1 $0xEF00  }
0x69: {  	[tilespmem:s14], [sflag:$0x6] =	stream.indirect.gather @!p1 [hbm4b:s5+s12], $0x40, s10, s12, $0xb8;
	[tilespmem:$0x1EE40] =	vst v63  }
0x6a: {  	_ =	swait.ge [sflag:s26], $0x2000  }
0x6b: {  	p2 =	sle.u32 @!p1 s8, $0x6;
	[sflag:s26] =	ssyncset.done $0x0  }
0x6c: {  	p2 =	por p2, p1;
	s16 =	simm.s32 $0x2880;
	[sflag:s26] =	ssyncadd.s32 $0xFFFFE000  }
0x6d: {  	[spmem:s1] =	stream.indirect.scatter.add.f32 [tilespmem:s25], [sflag:$0xB], $0x40, s16, s19, $0xb8;
	[tilespmem:$0x1EE40] =	vst v63  }
0x6e: {  	s12 =	simm.s32 @!p2 $0xF  }
0x6f: {  	[spmem:s2] =	stream.indirect.scatter.add.f32 [tilespmem:s3], [sflag:$0x11], $0x1, s16, s19, $0xb8;
	[tilespmem:$0x1EE40] =	vst v63  }
0x70: {  	_ =	swait.ge @!p2 [sflag:s12], $0x2000  }
0x71: {  	s10 =	simm.s32 @!p2 $0x300;
	[sflag:s12] =	ssyncset.done @!p2 $0x0  }
0x72: {  	s14 =	simm.s32 @!p2 $0x10F00;
	[sflag:s12] =	ssyncadd.s32 @!p2 $0xFFFFE000;
	s12 =	simm.s32 @!p2 $0x80  }
0x73: {  	[tilespmem:s14], [sflag:$0x7] =	stream.indirect.gather @!p2 [hbm4b:s5+s12], $0x40, s10, s12, $0xb8;
	[tilespmem:$0x1EE40] =	vst v63  }
0x74: {  	_ =	swait.ge [sflag:s29], $0x2000  }
0x75: {  	p2 =	sle.u32 @!p1 s8, $0x7;
	[sflag:s29] =	ssyncset.done $0x0  }
0x76: {  	s17 =	simm.s32 $0x2900;
	p1 =	por p2, p1;
	[sflag:s29] =	ssyncadd.s32 $0xFFFFE000  }
0x77: {  	[spmem:s1] =	stream.indirect.scatter.add.f32 [tilespmem:s28], [sflag:$0xC], $0x40, s17, s19, $0xb8;
	[tilespmem:$0x1EE40] =	vst v63  }
0x78: {  	s12 =	simm.s32 @!p1 $0x10  }
0x79: {  	[spmem:s2] =	stream.indirect.scatter.add.f32 [tilespmem:s3], [sflag:$0x11], $0x1, s17, s19, $0xb8;
	[tilespmem:$0x1EE40] =	vst v63  }
0x7a: {  	_ =	swait.ge @!p1 [sflag:s12], $0x2000  }
0x7b: {  	s10 =	simm.s32 @!p1 $0x380;
	[sflag:s12] =	ssyncset.done @!p1 $0x0  }
0x7c: {  	s14 =	simm.s32 @!p1 $0x12F00;
	[sflag:s12] =	ssyncadd.s32 @!p1 $0xFFFFE000;
	s12 =	simm.s32 @!p1 $0x80  }
0x7d: {  	[tilespmem:s14], [sflag:$0x8] =	stream.indirect.gather @!p1 [hbm4b:s5+s12], $0x40, s10, s12, $0xb8;
	[tilespmem:$0x1EE40] =	vst v63  }
0x7e: {  	_ =	swait.ge [sflag:s4], $0x2000  }
0x7f: {  	[sflag:s4] =	ssyncset.done $0x0  }
0x80: {  	s22 =	simm.s32 $0x2980;
	p1 =	sle.u32 s8, $0x8;
	[sflag:s4] =	ssyncadd.s32 $0xFFFFE000  }
0x81: {  	[spmem:s1] =	stream.indirect.scatter.add.f32 [tilespmem:s30], [sflag:$0xD], $0x40, s22, s19, $0xb8;
	[tilespmem:$0x1EE40] =	vst v63  }
0x82: {  	s12 =	simm.s32 @!p1 $0x9  }
0x83: {  	[spmem:s2] =	stream.indirect.scatter.add.f32 [tilespmem:s3], [sflag:$0x11], $0x1, s22, s19, $0xb8;
	[tilespmem:$0x1EE40] =	vst v63  }
0x84: {  	_ =	swait.ge @!p1 [sflag:s12], $0x2000  }
0x85: {  	s10 =	simm.s32 @!p1 $0x80;
	[sflag:s12] =	ssyncset.done @!p1 $0x0  }
0x86: {  	s14 =	simm.s32 @!p1 $0x4F00;
	s16 =	simm.s32 @!p1 $0x400;
	[sflag:s12] =	ssyncadd.s32 @!p1 $0xFFFFE000  }
0x87: {  	[tilespmem:s14], [sflag:$0x1] =	stream.indirect.gather @!p1 [hbm4b:s5+s10], $0x40, s16, s10, $0xb8;
	[tilespmem:$0x1EE40] =	vst v63  }
0x88: {  	_ =	swait.ge [sflag:s6], $0x2000  }
0x89: {  	[sflag:s6] =	ssyncset.done $0x0  }
0x8a: {  	s24 =	simm.s32 $0x2A00;
	p2 =	sle.u32 s8, $0x9;
	[sflag:s6] =	ssyncadd.s32 $0xFFFFE000  }
0x8b: {  	[spmem:s1] =	stream.indirect.scatter.add.f32 [tilespmem:s0], [sflag:$0xE], $0x40, s24, s19, $0xb8;
	[tilespmem:$0x1EE40] =	vst v63  }
0x8c: {  	s12 =	simm.s32 @!p2 $0xA  }
0x8d: {  	[spmem:s2] =	stream.indirect.scatter.add.f32 [tilespmem:s3], [sflag:$0x11], $0x1, s24, s19, $0xb8;
	[tilespmem:$0x1EE40] =	vst v63  }
0x8e: {  	s10 =	simm.s32 @!p2 $0x6F00;
	_ =	swait.ge @!p2 [sflag:s12], $0x2000  }
0x8f: {  	s14 =	simm.s32 @!p2 $0x480;
	p1 =	sle.u32 s8, $0x6;
	[sflag:s12] =	ssyncset.done @!p2 $0x0  }
0x90: {  	s16 =	simm.s32 @!p1 $0x7;
	[sflag:s12] =	ssyncadd.s32 @!p2 $0xFFFFE000;
	s12 =	simm.s32 @!p2 $0x80  }
0x91: {  	[tilespmem:s10], [sflag:$0x2] =	stream.indirect.gather @!p2 [hbm4b:s5+s12], $0x40, s14, s12, $0xb8;
	[tilespmem:$0x1EE40] =	vst v63  }
0x92: {  	s10 =	simm.s32 @!p1 $0x2A80;
	_ =	swait.ge @!p1 [sflag:s16], $0x2000  }
0x93: {  	s12 =	simm.s32 @!p1 $0x80;
	p2 =	sle.u32 @!p1 s8, $0xA;
	[sflag:s16] =	ssyncset.done @!p1 $0x0  }
0x94: {  	s14 =	simm.s32 @!p1 $0x10F00;
	p3 =	por p2, p1;
	[sflag:s16] =	ssyncadd.s32 @!p1 $0xFFFFE000  }
0x95: {  	[spmem:s1] =	stream.indirect.scatter.add.f32 @!p1 [tilespmem:s14], [sflag:$0xF], $0x40, s10, s12, $0xb8;
	[tilespmem:$0x1EE40] =	vst v63  }
0x96: {  	p2 =	sle.u32 s8, $0x7;
	s16 =	simm.s32 @!p3 $0xB;
	s14 =	simm.s32 @!p1 $0x14F00  }
0x97: {  	[spmem:s2] =	stream.indirect.scatter.add.f32 @!p1 [tilespmem:s14], [sflag:$0x11], $0x1, s10, s12, $0xb8;
	[tilespmem:$0x1EE40] =	vst v63  }
0x98: {  	s24 =	simm.s32 @!p2 $0x80;
	_ =	swait.ge @!p3 [sflag:s16], $0x2000  }
0x99: {  	s10 =	simm.s32 @!p3 $0x500;
	s12 =	simm.s32 @!p3 $0x8F00;
	[sflag:s16] =	ssyncset.done @!p3 $0x0  }
0x9a: {  	s14 =	simm.s32 @!p3 $0x80;
	[sflag:s16] =	ssyncadd.s32 @!p3 $0xFFFFE000;
	s16 =	simm.s32 @!p2 $0x8  }
0x9b: {  	[tilespmem:s12], [sflag:$0x3] =	stream.indirect.gather @!p3 [hbm4b:s5+s14], $0x40, s10, s14, $0xb8;
	[tilespmem:$0x1EE40] =	vst v63  }
0x9c: {  	p1 =	sle.u32 @!p2 s8, $0xB;
	s10 =	simm.s32 @!p2 $0x12F00;
	_ =	swait.ge @!p2 [sflag:s16], $0x2000  }
0x9d: {  	s12 =	simm.s32 @!p2 $0x2B00;
	p3 =	por p1, p2;
	[sflag:s16] =	ssyncset.done @!p2 $0x0  }
0x9e: {  	s14 =	simm.s32 $0x1000;
	s17 =	simm.s32 @!p3 $0xC;
	[sflag:s16] =	ssyncadd.s32 @!p2 $0xFFFFE000  }
0x9f: {  	[spmem:s1] =	stream.indirect.scatter.add.f32 @!p2 [tilespmem:s10], [sflag:$0x10], $0x40, s12, s24, $0xb8;
	[tilespmem:$0x1EE40] =	vst v63  }
0xa0: {  	s22 =	simm.s32 @!p3 $0x0;
	s16 =	simm.s32 $0x13;
	s10 =	simm.s32 @!p2 $0x14F00  }
.LBB2_2:
0xa1: {  	[spmem:s2] =	stream.indirect.scatter.add.f32 @!p2 [tilespmem:s10], [sflag:$0x11], $0x1, s12, s24, $0xb8;
	[tilespmem:$0x1EE40] =	vst v63  }
0xa2: {  	s10 =	simm.s32 @!p3 $0x80;
	s12 =	simm.s32 @!p3 $0xAF00;
	_ =	swait.ge @!p3 [sflag:s17], $0x2000  }
0xa3: {  	s24 =	sshra.s32 s14, $0x2;
	s15 =	sadd.s32 @!p3 $0x580, s22;
	[sflag:s17] =	ssyncset.done @!p3 $0x0  }
0xa4: {  	s22 =	smov.u32 s14;
	s14 =	sadd.s32 $0x1000, s14;
	[sflag:s17] =	ssyncadd.s32 @!p3 $0xFFFFE000  }
0xa5: {  	[tilespmem:s12], [sflag:$0x4] =	stream.indirect.gather @!p3 [hbm4b:s5+s10], $0x40, s15, s10, $0xb8;
	[tilespmem:$0x1EE40] =	vst v63  }
0xa6: {  	p1 =	sne.s32 s14, $0xA000;
	_ =	swait.ge [sflag:s31], $0x2000  }
0xa7: {  	p2 =	seq.s32 s22, $0x0;
	[sflag:s31] =	ssyncset.done $0x0  }
0xa8: {  	s10 =	sadd.s32 $0x2780, s24;
	[sflag:s31] =	ssyncadd.s32 $0xFFFFE000  }
0xa9: {  	[spmem:s1] =	stream.indirect.scatter.add.f32 [tilespmem:s20], [sflag:$0x9], $0x40, s10, s19, $0xb8;
	[tilespmem:$0x1EE40] =	vst v63  }
0xaa: {  	s17 =	sshra.s32 @!p2 s22, $0x2;
	s15 =	simm.s32 @!p2 $0xD;
	s12 =	sadd.s32 $0xFFFFFFFC, s16  }
0xab: {  	[spmem:s2] =	stream.indirect.scatter.add.f32 [tilespmem:s3], [sflag:$0x11], $0x1, s10, s19, $0xb8;
	[tilespmem:$0x1EE40] =	vst v63  }
0xac: {  	p3 =	sge.u32 @!p2 s12, s8;
	s10 =	sadd.s32 @!p2 $0x280, s17;
	_ =	swait.ge @!p2 [sflag:s15], $0x2000  }
0xad: {  	s17 =	sadd.s32 @!p2 $0x200, s17;
	[sflag:s15] =	ssyncset.done @!p2 $0x0  }
0xae: {  	s13 =	simm.s32 @!p2 $0xCF00;
	[sflag:s15] =	ssyncadd.s32 @!p2 $0xFFFFE000;
	s15 =	simm.s32 @!p2 $0x80  }
0xaf: {  	[tilespmem:s13], [sflag:$0x5] =	stream.indirect.gather @!p2 [hbm4b:s5+s15], $0x40, s17, s15, $0xb8;
	[tilespmem:$0x1EE40] =	vst v63  }
0xb0: {  	_ =	swait.ge [sflag:s23], $0x2000  }
0xb1: {  	[sflag:s23] =	ssyncset.done $0x0  }
0xb2: {  	s13 =	sadd.s32 $0x2800, s24;
	[sflag:s23] =	ssyncadd.s32 $0xFFFFE000  }
0xb3: {  	[spmem:s1] =	stream.indirect.scatter.add.f32 [tilespmem:s21], [sflag:$0xA], $0x40, s13, s19, $0xb8;
	[tilespmem:$0x1EE40] =	vst v63  }
0xb4: {  	s9 =	simm.s32 @!p2 $0xE  }
0xb5: {  	[spmem:s2] =	stream.indirect.scatter.add.f32 [tilespmem:s3], [sflag:$0x11], $0x1, s13, s19, $0xb8;
	[tilespmem:$0x1EE40] =	vst v63  }
0xb6: {  	_ =	swait.ge @!p2 [sflag:s9], $0x2000  }
0xb7: {  	s17 =	sadd.s32 $0xFFFFFFFB, s16;
	[sflag:s9] =	ssyncset.done @!p2 $0x0  }
0xb8: {  	p4 =	sge.u32 @!p2 s17, s8;
	[sflag:s9] =	ssyncadd.s32 @!p2 $0xFFFFE000;
	s9 =	simm.s32 @!p2 $0xEF00  }
0xb9: {  	[tilespmem:s9], [sflag:$0x6] =	stream.indirect.gather @!p2 [hbm4b:s5+s15], $0x40, s10, s15, $0xb8;
	[tilespmem:$0x1EE40] =	vst v63  }
0xba: {  	p4 =	por p4, p2;
	_ =	swait.ge [sflag:s26], $0x2000  }
0xbb: {  	s9 =	sshra.s32 @!p4 s22, $0x2;
	[sflag:s26] =	ssyncset.done $0x0  }
0xbc: {  	s10 =	sadd.s32 $0x2880, s24;
	s9 =	sadd.s32 @!p4 $0x300, s9;
	[sflag:s26] =	ssyncadd.s32 $0xFFFFE000  }
0xbd: {  	[spmem:s1] =	stream.indirect.scatter.add.f32 [tilespmem:s25], [sflag:$0xB], $0x40, s10, s19, $0xb8;
	[tilespmem:$0x1EE40] =	vst v63  }
0xbe: {  	s13 =	simm.s32 @!p4 $0xF  }
0xbf: {  	[spmem:s2] =	stream.indirect.scatter.add.f32 [tilespmem:s3], [sflag:$0x11], $0x1, s10, s19, $0xb8;
	[tilespmem:$0x1EE40] =	vst v63  }
0xc0: {  	_ =	swait.ge @!p4 [sflag:s13], $0x2000  }
0xc1: {  	[sflag:s13] =	ssyncset.done @!p4 $0x0  }
0xc2: {  	s10 =	simm.s32 @!p4 $0x80;
	[sflag:s13] =	ssyncadd.s32 @!p4 $0xFFFFE000;
	s13 =	simm.s32 @!p4 $0x10F00  }
0xc3: {  	[tilespmem:s13], [sflag:$0x7] =	stream.indirect.gather @!p4 [hbm4b:s5+s10], $0x40, s9, s10, $0xb8;
	[tilespmem:$0x1EE40] =	vst v63  }
0xc4: {  	p2 =	por p3, p2;
	_ =	swait.ge [sflag:s29], $0x2000  }
0xc5: {  	s9 =	sshra.s32 @!p2 s22, $0x2;
	[sflag:s29] =	ssyncset.done $0x0  }
0xc6: {  	s10 =	sadd.s32 $0x2900, s24;
	s9 =	sadd.s32 @!p2 $0x380, s9;
	[sflag:s29] =	ssyncadd.s32 $0xFFFFE000  }
0xc7: {  	[spmem:s1] =	stream.indirect.scatter.add.f32 [tilespmem:s28], [sflag:$0xC], $0x40, s10, s19, $0xb8;
	[tilespmem:$0x1EE40] =	vst v63  }
0xc8: {  	s13 =	simm.s32 @!p2 $0x10  }
0xc9: {  	[spmem:s2] =	stream.indirect.scatter.add.f32 [tilespmem:s3], [sflag:$0x11], $0x1, s10, s19, $0xb8;
	[tilespmem:$0x1EE40] =	vst v63  }
0xca: {  	_ =	swait.ge @!p2 [sflag:s13], $0x2000  }
0xcb: {  	[sflag:s13] =	ssyncset.done @!p2 $0x0  }
0xcc: {  	s10 =	simm.s32 @!p2 $0x80;
	[sflag:s13] =	ssyncadd.s32 @!p2 $0xFFFFE000;
	s13 =	simm.s32 @!p2 $0x12F00  }
0xcd: {  	[tilespmem:s13], [sflag:$0x8] =	stream.indirect.gather @!p2 [hbm4b:s5+s10], $0x40, s9, s10, $0xb8;
	[tilespmem:$0x1EE40] =	vst v63  }
0xce: {  	s9 =	sadd.s32 $0xFFFFFFFD, s16;
	_ =	swait.ge [sflag:s4], $0x2000  }
0xcf: {  	[sflag:s4] =	ssyncset.done $0x0  }
0xd0: {  	s10 =	sadd.s32 $0x2980, s24;
	p2 =	sge.u32 s9, s8;
	[sflag:s4] =	ssyncadd.s32 $0xFFFFE000  }
0xd1: {  	[spmem:s1] =	stream.indirect.scatter.add.f32 [tilespmem:s30], [sflag:$0xD], $0x40, s10, s19, $0xb8;
	[tilespmem:$0x1EE40] =	vst v63  }
0xd2: {  	s9 =	simm.s32 @!p2 $0x9;
	s13 =	sshra.s32 @!p2 s22, $0x2  }
0xd3: {  	[spmem:s2] =	stream.indirect.scatter.add.f32 [tilespmem:s3], [sflag:$0x11], $0x1, s10, s19, $0xb8;
	[tilespmem:$0x1EE40] =	vst v63  }
0xd4: {  	s15 =	simm.s32 @!p2 $0x4F00;
	s10 =	simm.s32 @!p2 $0x80;
	_ =	swait.ge @!p2 [sflag:s9], $0x2000  }
0xd5: {  	s13 =	sadd.s32 @!p2 $0x400, s13;
	[sflag:s9] =	ssyncset.done @!p2 $0x0  }
0xd6: {  	[sflag:s9] =	ssyncadd.s32 @!p2 $0xFFFFE000  }
0xd7: {  	[tilespmem:s15], [sflag:$0x1] =	stream.indirect.gather @!p2 [hbm4b:s5+s10], $0x40, s13, s10, $0xb8;
	[tilespmem:$0x1EE40] =	vst v63  }
0xd8: {  	_ =	swait.ge [sflag:s6], $0x2000  }
0xd9: {  	s9 =	sadd.s32 $0x2A00, s24;
	[sflag:s6] =	ssyncset.done $0x0  }
0xda: {  	s10 =	sadd.s32 $0xFFFFFFFE, s16;
	[sflag:s6] =	ssyncadd.s32 $0xFFFFE000  }
0xdb: {  	[spmem:s1] =	stream.indirect.scatter.add.f32 [tilespmem:s0], [sflag:$0xE], $0x40, s9, s19, $0xb8;
	[tilespmem:$0x1EE40] =	vst v63  }
0xdc: {  	p3 =	sge.u32 s10, s8  }
0xdd: {  	s10 =	simm.s32 @!p3 $0xA;
	s13 =	sshra.s32 @!p3 s22, $0x2;
	s15 =	simm.s32 @!p3 $0x6F00  }
0xde: {  	[spmem:s2] =	stream.indirect.scatter.add.f32 [tilespmem:s3], [sflag:$0x11], $0x1, s9, s19, $0xb8;
	[tilespmem:$0x1EE40] =	vst v63  }
0xdf: {  	p2 =	sge.u32 s17, s8;
	s9 =	sadd.s32 @!p3 $0x480, s13;
	_ =	swait.ge @!p3 [sflag:s10], $0x2000  }
0xe0: {  	s17 =	sadd.s32 @!p2 $0xFFFFFFFF, s16;
	s13 =	simm.s32 @!p2 $0x7;
	[sflag:s10] =	ssyncset.done @!p3 $0x0  }
0xe1: {  	s24 =	sshra.s32 @!p2 s22, $0x2;
	[sflag:s10] =	ssyncadd.s32 @!p3 $0xFFFFE000;
	s10 =	simm.s32 @!p3 $0x80  }
0xe2: {  	[tilespmem:s15], [sflag:$0x2] =	stream.indirect.gather @!p3 [hbm4b:s5+s10], $0x40, s9, s10, $0xb8;
	[tilespmem:$0x1EE40] =	vst v63  }
0xe3: {  	s9 =	sadd.s32 @!p2 $0x2A80, s24;
	s10 =	simm.s32 @!p2 $0x80;
	_ =	swait.ge @!p2 [sflag:s13], $0x2000  }
0xe4: {  	s15 =	simm.s32 @!p2 $0x14F00;
	p3 =	sge.u32 @!p2 s17, s8;
	[sflag:s13] =	ssyncset.done @!p2 $0x0  }
0xe5: {  	p3 =	por p3, p2;
	[sflag:s13] =	ssyncadd.s32 @!p2 $0xFFFFE000;
	s13 =	simm.s32 @!p2 $0x10F00  }
0xe6: {  	[spmem:s1] =	stream.indirect.scatter.add.f32 @!p2 [tilespmem:s13], [sflag:$0xF], $0x40, s9, s10, $0xb8;
	[tilespmem:$0x1EE40] =	vst v63  }
0xe7: {  	s17 =	sshra.s32 @!p3 s22, $0x2;
	s13 =	simm.s32 @!p3 $0xB  }
0xe8: {  	[spmem:s2] =	stream.indirect.scatter.add.f32 @!p2 [tilespmem:s15], [sflag:$0x11], $0x1, s9, s10, $0xb8;
	[tilespmem:$0x1EE40] =	vst v63  }
0xe9: {  	s9 =	sadd.s32 @!p3 $0x500, s17;
	s10 =	simm.s32 @!p3 $0x8F00;
	_ =	swait.ge @!p3 [sflag:s13], $0x2000  }
0xea: {  	s15 =	simm.s32 @!p3 $0x80;
	p2 =	sge.u32 s12, s8;
	[sflag:s13] =	ssyncset.done @!p3 $0x0  }
0xeb: {  	s12 =	sshra.s32 @!p2 s22, $0x2;
	[sflag:s13] =	ssyncadd.s32 @!p3 $0xFFFFE000;
	s13 =	simm.s32 @!p2 $0x8  }
0xec: {  	[tilespmem:s10], [sflag:$0x3] =	stream.indirect.gather @!p3 [hbm4b:s5+s15], $0x40, s9, s15, $0xb8;
	[tilespmem:$0x1EE40] =	vst v63  }
0xed: {  	s9 =	simm.s32 @!p2 $0x12F00  }
.Ltmp0:
0xee: {  	p3 =	sge.u32 @!p2 s16, s8;
	_ =	swait.ge @!p2 [sflag:s13], $0x2000;
	(pc) =	sbr.rel @p1 .LBB2_2-.Ltmp0, $4  }
0xef: {  	s24 =	simm.s32 @!p2 $0x80;
	s12 =	sadd.s32 @!p2 $0x2B00, s12;
	[sflag:s13] =	ssyncset.done @!p2 $0x0  }
0xf0: {  	s10 =	simm.s32 @!p2 $0x14F00;
	p3 =	por p3, p2;
	[sflag:s13] =	ssyncadd.s32 @!p2 $0xFFFFE000  }
0xf1: {  	[spmem:s1] =	stream.indirect.scatter.add.f32 @!p2 [tilespmem:s9], [sflag:$0x10], $0x40, s12, s24, $0xb8;
	[tilespmem:$0x1EE40] =	vst v63  }
0xf2: {  	s16 =	sadd.s32 $0x8, s16;
	s17 =	simm.s32 @!p3 $0xC;
	s22 =	sshra.s32 @!p3 s22, $0x2  }
0xf3: {  	[spmem:s2] =	stream.indirect.scatter.add.f32 @!p2 [tilespmem:s10], [sflag:$0x11], $0x1, s12, s24, $0xb8;
	[tilespmem:$0x1EE40] =	vst v63  }
0xf4: {  	_ =	swait.ge @!p3 [sflag:s17], $0x2000  }
0xf5: {  	s9 =	simm.s32 @!p3 $0x80;
	[sflag:s17] =	ssyncset.done @!p3 $0x0  }
0xf6: {  	s10 =	simm.s32 @!p3 $0xAF00;
	s12 =	sadd.s32 @!p3 $0x580, s22;
	[sflag:s17] =	ssyncadd.s32 @!p3 $0xFFFFE000  }
0xf7: {  	[tilespmem:s10], [sflag:$0x4] =	stream.indirect.gather @!p3 [hbm4b:s5+s9], $0x40, s12, s9, $0xb8;
	[tilespmem:$0x1EE40] =	vst v63  }
0xf8: {  	s12 =	simm.s32 $0x9  }
0xf9: {  	_ =	swait.ge [sflag:s12], $0x2000  }
0xfa: {  	[sflag:s12] =	ssyncset.done $0x0  }
0xfb: {  	s13 =	simm.s32 $0xA;
	[sflag:s12] =	ssyncadd.s32 $0xFFFFE000  }
0xfc: {  	_ =	swait.ge [sflag:s13], $0x2000  }
0xfd: {  	[sflag:s13] =	ssyncset.done $0x0  }
0xfe: {  	s14 =	simm.s32 $0xB;
	[sflag:s13] =	ssyncadd.s32 $0xFFFFE000  }
0xff: {  	_ =	swait.ge [sflag:s14], $0x2000  }
0x100: {  	[sflag:s14] =	ssyncset.done $0x0  }
0x101: {  	s15 =	simm.s32 $0xC;
	[sflag:s14] =	ssyncadd.s32 $0xFFFFE000  }
0x102: {  	_ =	swait.ge [sflag:s15], $0x2000  }
0x103: {  	[sflag:s15] =	ssyncset.done $0x0  }
0x104: {  	s16 =	simm.s32 $0xD;
	[sflag:s15] =	ssyncadd.s32 $0xFFFFE000  }
0x105: {  	_ =	swait.ge [sflag:s16], $0x2000  }
0x106: {  	[sflag:s16] =	ssyncset.done $0x0  }
0x107: {  	s17 =	simm.s32 $0xE;
	[sflag:s16] =	ssyncadd.s32 $0xFFFFE000  }
0x108: {  	_ =	swait.ge [sflag:s17], $0x2000  }
0x109: {  	[sflag:s17] =	ssyncset.done $0x0  }
0x10a: {  	s22 =	simm.s32 $0xF;
	[sflag:s17] =	ssyncadd.s32 $0xFFFFE000  }
0x10b: {  	_ =	swait.ge [sflag:s22], $0x2000  }
0x10c: {  	[sflag:s22] =	ssyncset.done $0x0  }
0x10d: {  	s24 =	simm.s32 $0x10;
	p1 =	sne.s32 s8, $0x1;
	[sflag:s22] =	ssyncadd.s32 $0xFFFFE000  }
.Ltmp1:
0x10e: {  	_ =	swait.ge [sflag:s24], $0x2000;
	(pc) =	sbr.rel @!p1 .LBB2_5-.Ltmp1, $4  }
0x10f: {  	[sflag:s24] =	ssyncset.done $0x0  }
0x110: {  	[sflag:s24] =	ssyncadd.s32 $0xFFFFE000  }
0x111: {  	_ =	swait.ge [sflag:s7], $0x80  }
0x112: {  	s10 =	sadd.s32 $0xFFFFFFFF, s8;
	[sflag:s7] =	ssyncset.done $0x0  }
.LBB2_4:
0x113: {  	p1 =	sne.s32 s10, $0x1;
	s10 =	sadd.s32 $0xFFFFFFFF, s10;
	[sflag:s7] =	ssyncadd.s32 $0xFFFFFF80  }
.Ltmp2:
0x114: {  	(pc) =	sbr.rel @p1 .LBB2_4-.Ltmp2, $3  }
0x115: {  	_ =	sdelay $0x1  }
0x116: {  	_ =	swait.ge [sflag:s7], $0x80  }
0x117: {  	[sflag:s7] =	ssyncset.done $0x0  }
.LBB2_5:
0x118: {  	[sflag:s7] =	ssyncadd.s32 $0xFFFFFF80  }
0x119: {  	[bflag:$0x0] =	sbarrier.arrive $0xFFFF  }
0x11a: {  	s16 =	rddreg [dreg:$0x7]  }
0x11b: {  	s10 =	rddreg [dreg:$0xf]  }
0x11c: {  	s9 =	rddreg [dreg:$0x10]  }
0x11d: {  	[hbm:s9], [sflag:s16] =	dma.local [spmem:s10], $0x1388  }
0x11e: {  	_ =	swait.ge [sflag:s18], $0x1388  }
0x11f: {  	[sflag:s18] =	ssyncset.done $0x0;
	s22 =	rddreg [dreg:$0x11]  }
0x120: {  	s12 =	rddreg [dreg:$0x12];
	[sflag:s18] =	ssyncadd.s32 $0xFFFFEC78  }
0x121: {  	[hbm:s22], [sflag:s16] =	dma.local [spmem:s12], $0x50  }
0x122: {  	_ =	swait.ge [sflag:s18], $0x50  }
0x123: {  	s11 =	sadd.s32 $0x1, s11;
	s24 =	rddreg [dreg:$0xe]  }
0x124: {  	p1 =	sne.s32 s11, s24  }
.Ltmp3:
0x125: {  	_ = 	snop;
	(pc) =	sbr.rel @p1 .LBB2_1-.Ltmp3, $3  }
0x126: {  	_ =	sdelay $0x1  }
0x127: {  	[sflag:s18] =	ssyncset.done $0x0  }
0x128: {  	[sflag:s18] =	ssyncadd.s32 $0xFFFFFFB0  }
0x129: {  	_ =	sfence.sel $0x180000  }
0x12a: {  	[bflag:$0x0] =	sbarrier.arrive $0xFFFF  }
0x12b: {  	_ =	strace $0x9000004A  }
0x12c: {  	s0 =	stileid.u32;
	[bflag:$0x2] =	sbarrier.arrive $0xFFFF  }
0x12d: {  	p0 =	sne.s32 s0, $0x0;
	s0 =	rddreg [dreg:$0x4]  }
0x12e: {  	s0 =	sadd.s32 @!p0 $0x100000, s0  }
0x12f: {  	[sflag:s0] =	ssyncadd.tile.s32 @!p0 $0x1;
	_ =	shalt  }
.Lfunc_end2:
_tile_overlayer_lowered:
.L_overlay_start_2:
0x130: {  	(tag) =	ssettag $0x2  }
0x131: {  	s0 =	rddreg [dreg:$0x0];
	s2 =	stileid.u32  }
0x132: {  	s1 =	rddreg [dreg:$0x1];
	p0 =	sne.s32 s2, $0x0  }
0x133: {  	s3 =	rddreg [dreg:$0x2];
	[bflag:$0x3] =	sbarrier.arrive $0xFFFF;
	s2 =	simm.s32 @!p0 $0x1C12  }
0x134: {  	[timem:s3], [sflag:s2] =	dma.local @!p0 [hbm:s0], s1  }
0x135: {  	s0 =	simm.s32 @!p0 $0x12  }
0x136: {  	_ =	swait.ge @!p0 [sflag:s0], s1  }
0x137: {  	s1 =	ssub.s32 @!p0 $0x0, s1;
	[sflag:s0] =	ssyncset.done @!p0 $0x0  }
0x138: {  	[sflag:s0] =	ssyncadd.s32 @!p0 s1  }
0x139: {  	[bflag:$0x3] =	sbarrier.arrive $0xFFFF  }
0x13a: {  	_ =	shalt  }

</sc_bundles>
